<compile_context>
chip_gen: v7x
topology: tpu7x:2x2x1
jax: 0.10.2.dev20260603
libtpu: 0.0.44.dev20260713+nightly
codegen_flags: <defaults>
</compile_context>

<pallas_src>
import functools

import jax
import jax.numpy as jnp
from jax import lax
from jax.experimental import pallas as pl
from jax.experimental.pallas import tpu as pltpu
from jax.experimental.pallas import tpu_sc as plsc

N_MID = 1000000
DIM = 64
SEQ = 50
BATCH = 4096
ROWS = BATCH * SEQ

NC = 2
NS = 16
NW = NC * NS
LANES = 16

PDIM = 128

IDX_MINOR = 128
IDX_ROWS = ROWS // IDX_MINOR
IDXR_PER_W = IDX_ROWS // NW
IDXR_PER_CHUNK = 2
N_CHUNKS = IDXR_PER_W // IDXR_PER_CHUNK
CHUNK = IDXR_PER_CHUNK * IDX_MINOR

TC_BLOCK_SEQS = 64


def _sc_gather(idx_hbm, table_hbm, out_hbm, idx_v, rows_v, gsem, ssem0, ssem1):
    wid = lax.axis_index("s") * NC + lax.axis_index("c")
    idxr0 = wid * IDXR_PER_W
    row0 = wid * IDXR_PER_W * IDX_MINOR

    ssems = (ssem0, ssem1)
    store_handles = [None, None]
    for k in range(N_CHUNKS):
        p = k % 2
        if store_handles[p] is not None:
            store_handles[p].wait()
        pltpu.sync_copy(
            idx_hbm.at[pl.ds(idxr0 + k * IDXR_PER_CHUNK, IDXR_PER_CHUNK)],
            idx_v.at[p],
        )
        gathers = []
        for j in range(IDXR_PER_CHUNK):
            gathers.append(
                pltpu.async_copy(
                    table_hbm.at[idx_v.at[p, j]],
                    rows_v.at[p, pl.ds(j * IDX_MINOR, IDX_MINOR)],
                    gsem,
                )
            )
        for g in gathers:
            g.wait()
        store_handles[p] = pltpu.async_copy(
            rows_v.at[p],
            out_hbm.at[pl.ds(row0 + k * CHUNK, CHUNK)],
            ssems[p],
        )
    for h in store_handles:
        if h is not None:
            h.wait()


def _tc_add(rows_ref, pos_ref, out_ref):
    for b in range(TC_BLOCK_SEQS):
        out_ref[b] = (
            rows_ref[pl.ds(b * SEQ, SEQ), pl.ds(0, DIM)]
            + pos_ref[:, pl.ds(0, DIM)]
        )


def kernel(item, nbr_mask, i_ids, item_input_lookup, position_embedding):
    del nbr_mask, i_ids

    mesh = plsc.VectorSubcoreMesh(core_axis_name="c", subcore_axis_name="s")

    dense2d = jnp.pad(item_input_lookup, ((0, 0), (0, PDIM - DIM)))

    idx2d = item.reshape(IDX_ROWS, IDX_MINOR)
    gather = functools.partial(
        pl.kernel,
        mesh=mesh,
        out_type=jax.ShapeDtypeStruct((ROWS, PDIM), jnp.float32),
        scratch_types=[
            pltpu.VMEM((2, IDXR_PER_CHUNK, IDX_MINOR), jnp.int32),
            pltpu.VMEM((2, CHUNK, PDIM), jnp.float32),
            pltpu.SemaphoreType.DMA,
            pltpu.SemaphoreType.DMA,
            pltpu.SemaphoreType.DMA,
        ],
        compiler_params=pltpu.CompilerParams(use_tc_tiling_on_sc=False),
    )(_sc_gather)
    gathered = gather(idx2d, dense2d)

    pos_pad = jnp.pad(position_embedding.reshape(SEQ, DIM), ((0, 0), (0, PDIM - DIM)))
    out = pl.pallas_call(
        _tc_add,
        grid=(BATCH // TC_BLOCK_SEQS,),
        in_specs=[
            pl.BlockSpec((TC_BLOCK_SEQS * SEQ, PDIM), lambda i: (i, 0)),
            pl.BlockSpec((SEQ, PDIM), lambda i: (0, 0)),
        ],
        out_specs=pl.BlockSpec((TC_BLOCK_SEQS, SEQ, DIM), lambda i: (i, 0, 0)),
        out_shape=jax.ShapeDtypeStruct((BATCH, SEQ, DIM), jnp.float32),
    )(gathered, pos_pad)
    return out

# --- scband reference (transcript-rebuilt; emitter-appended) ---
"""Pipeline reference for scband-model-sine-32753420599328 (READ-ONLY COPY).

The authoritative reference and input builder live on the scoring server;
editing this copy changes nothing except your own understanding.
"""

import jax, jax.numpy as jnp
import numpy as np

N_MID = 1000000
DIM = 64
SEQ = 50
BATCH = 4096


def setup_inputs(seed: int = 0) -> dict:
    key = jax.random.key(seed)
    k1, k2, k3, k4 = jax.random.split(key, 4)
    item = jax.random.randint(k1, (BATCH, SEQ), 0, N_MID, dtype=jnp.int32)
    nbr_mask = jnp.ones((BATCH, SEQ), dtype=jnp.float32)
    i_ids = jax.random.randint(k2, (BATCH,), 0, N_MID, dtype=jnp.int32)
    # learned parameters sized per init_kwargs
    item_input_lookup = jax.random.normal(k3, (N_MID, DIM), dtype=jnp.float32) * 0.02
    position_embedding = jax.random.normal(k4, (1, SEQ, DIM), dtype=jnp.float32) * 0.02
    return {
        "item": item,
        "nbr_mask": nbr_mask,
        "i_ids": i_ids,
        "item_input_lookup": item_input_lookup,
        "position_embedding": position_embedding,
    }


def reference(item, nbr_mask, i_ids, item_input_lookup, position_embedding):
    # emb = tf.nn.embedding_lookup(item_input_lookup, reshape(item, [-1]))
    emb = jnp.take(item_input_lookup, item.reshape(-1), axis=0)
    # item_emb = reshape(emb, [-1, hist_max, dim])
    item_emb = emb.reshape(-1, SEQ, DIM)
    # mask_length = cast(reduce_sum(nbr_mask, -1), int32)
    mask_length = jnp.sum(nbr_mask, axis=-1).astype(jnp.int32)
    # sequence_encode: item_list_emb + tile(position_embedding, [batch, 1, 1])
    item_list_add_pos = item_emb + jnp.tile(position_embedding, (item_emb.shape[0], 1, 1))
    # output_item2 with item_norm=0 returns the raw output table (shared emb); not returned here
    return item_list_add_pos

if __name__ == "__main__":
    import jax
    _d = setup_inputs()
    print(jax.jit(kernel)(*tuple(_d.values())))

</pallas_src>

<mosaic_0001>
#map = affine_map<(d0, d1) -> (0, 0)>
module attributes {stable_mosaic.version = 14 : i64} {
  func.func @_sc_gather(%arg0: i32, %arg1: i32, %arg2: memref<1600x128xi32, #tpu.memory_space<hbm>>, %arg3: memref<1000000x128xf32, #tpu.memory_space<hbm>>, %arg4: memref<204800x128xf32, #tpu.memory_space<hbm>>, %arg5: memref<2x2x128xi32, #tpu.memory_space<vmem>>, %arg6: memref<2x256x128xf32, #tpu.memory_space<vmem>>, %arg7: memref<!tpu.dma_semaphore, #tpu.memory_space<semaphore_mem>>, %arg8: memref<!tpu.dma_semaphore, #tpu.memory_space<semaphore_mem>>, %arg9: memref<!tpu.dma_semaphore, #tpu.memory_space<semaphore_mem>>) attributes {dimension_semantics = [#tpu.dimension_semantics<core_parallel>, #tpu.dimension_semantics<subcore_parallel>], iteration_bounds = array<i64: 2, 16>, scalar_prefetch = 0 : i64, scratch_operands = 5 : i64, tpu.core_type = #tpu.core_type<sc_vector_subcore>, window_params = [{transform_indices = #map}, {transform_indices = #map}, {transform_indices = #map}]} {
    %mul3A = arith.constant 2 : i32
    %mul3A_0 = arith.muli %arg1, %mul3A : i32
    %add3A = arith.addi %mul3A_0, %arg0 : i32
    %mul3A_1 = arith.constant 50 : i32
    %mul3A_2 = arith.muli %add3A, %mul3A_1 : i32
    %mul3A_3 = arith.constant 50 : i32
    %mul3A_4 = arith.muli %add3A, %mul3A_3 : i32
    %mul3A_5 = arith.constant 128 : i32
    %mul3A_6 = arith.muli %mul3A_4, %mul3A_5 : i32
    %add3A_7 = arith.constant 0 : i32
    %add3A_8 = arith.addi %mul3A_2, %add3A_7 : i32
    %run_scoped3A = arith.constant 0 : i32
    "tpu.region"() ({
      %run_scoped3A_2079 = tpu.sem_alloc : memref<!tpu.dma_semaphore, #tpu.memory_space<semaphore_mem>>
      %dma_start3A_2080 = arith.constant 0 : i32
      %dma_start3A_2081 = arith.constant 0 : i32
      %dma_start3A_2082 = tpu.memref_slice %arg5[%run_scoped3A, %dma_start3A_2080, %dma_start3A_2081] : memref<2x2x128xi32, #tpu.memory_space<vmem>> -> memref<1x2x128xi32, #tpu.memory_space<vmem>>
      %dma_start3A_2083 = tpu.memref_squeeze %dma_start3A_2082 : memref<1x2x128xi32, #tpu.memory_space<vmem>> -> memref<2x128xi32, #tpu.memory_space<vmem>>
      %dma_start3A_2084 = arith.constant 0 : i32
      %dma_start3A_2085 = tpu.memref_slice %arg2[%add3A_8, %dma_start3A_2084] : memref<1600x128xi32, #tpu.memory_space<hbm>> -> memref<2x128xi32, #tpu.memory_space<hbm>>
      %dma_start3A_2086 = arith.constant 0 : i32
      %dma_start3A_2087 = arith.constant 0 : i32
      %dma_start3A_2088 = tpu.memref_slice %arg5[%run_scoped3A, %dma_start3A_2086, %dma_start3A_2087] : memref<2x2x128xi32, #tpu.memory_space<vmem>> -> memref<1x2x128xi32, #tpu.memory_space<vmem>>
      %dma_start3A_2089 = tpu.memref_squeeze %dma_start3A_2088 : memref<1x2x128xi32, #tpu.memory_space<vmem>> -> memref<2x128xi32, #tpu.memory_space<vmem>>
      %dma_start3A_2090 = arith.constant 0 : i32
      %dma_start3A_2091 = tpu.memref_slice %arg2[%add3A_8, %dma_start3A_2090] : memref<1600x128xi32, #tpu.memory_space<hbm>> -> memref<2x128xi32, #tpu.memory_space<hbm>>
      tpu.enqueue_dma source(%dma_start3A_2091 : memref<2x128xi32, #tpu.memory_space<hbm>>) target(%dma_start3A_2089 : memref<2x128xi32, #tpu.memory_space<vmem>>) target_semaphore(%run_scoped3A_2079 : memref<!tpu.dma_semaphore, #tpu.memory_space<semaphore_mem>>)
      %dma_wait3A_2092 = arith.constant 0 : i32
      %dma_wait3A_2093 = arith.constant 0 : i32
      %dma_wait3A_2094 = tpu.memref_slice %arg5[%run_scoped3A, %dma_wait3A_2092, %dma_wait3A_2093] : memref<2x2x128xi32, #tpu.memory_space<vmem>> -> memref<1x2x128xi32, #tpu.memory_space<vmem>>
      %dma_wait3A_2095 = tpu.memref_squeeze %dma_wait3A_2094 : memref<1x2x128xi32, #tpu.memory_space<vmem>> -> memref<2x128xi32, #tpu.memory_space<vmem>>
      %dma_wait3A_2096 = arith.constant 0 : i32
      %dma_wait3A_2097 = tpu.memref_slice %arg2[%add3A_8, %dma_wait3A_2096] : memref<1600x128xi32, #tpu.memory_space<hbm>> -> memref<2x128xi32, #tpu.memory_space<hbm>>
      %dma_wait3A_2098 = arith.constant 0 : i32
      %dma_wait3A_2099 = arith.constant 0 : i32
      %dma_wait3A_2100 = tpu.memref_slice %arg5[%run_scoped3A, %dma_wait3A_2098, %dma_wait3A_2099] : memref<2x2x128xi32, #tpu.memory_space<vmem>> -> memref<1x2x128xi32, #tpu.memory_space<vmem>>
      %dma_wait3A_2101 = tpu.memref_squeeze %dma_wait3A_2100 : memref<1x2x128xi32, #tpu.memory_space<vmem>> -> memref<2x128xi32, #tpu.memory_space<vmem>>
      %dma_wait3A_2102 = arith.constant 0 : i32
      %dma_wait3A_2103 = tpu.memref_slice %arg2[%add3A_8, %dma_wait3A_2102] : memref<1600x128xi32, #tpu.memory_space<hbm>> -> memref<2x128xi32, #tpu.memory_space<hbm>>
      tpu.wait_dma2 semaphore(%run_scoped3A_2079 : memref<!tpu.dma_semaphore, #tpu.memory_space<semaphore_mem>>) src(%dma_wait3A_2103 : memref<2x128xi32, #tpu.memory_space<hbm>>) dst(%dma_wait3A_2101 : memref<2x128xi32, #tpu.memory_space<vmem>>)
      tpu.yield
    }) : () -> ()
    %dma_start3A = arith.constant 0 : i32
    %dma_start3A_9 = arith.constant 0 : i32
    %dma_start3A_10 = arith.constant 0 : i32
    %dma_start3A_11 = arith.constant 0 : i32
    %dma_start3A_12 = arith.constant 0 : i32
    %dma_start3A_13 = tpu.memref_slice %arg6[%dma_start3A_10, %dma_start3A_11, %dma_start3A_12] : memref<2x256x128xf32, #tpu.memory_space<vmem>> -> memref<1x128x128xf32, #tpu.memory_space<vmem>>
    %dma_start3A_14 = tpu.memref_squeeze %dma_start3A_13 : memref<1x128x128xf32, #tpu.memory_space<vmem>> -> memref<128x128xf32, #tpu.memory_space<vmem>>
    %dma_start3A_15 = arith.constant 0 : i32
    %dma_start3A_16 = tpu.memref_slice %arg5[%dma_start3A, %dma_start3A_9, %dma_start3A_15] : memref<2x2x128xi32, #tpu.memory_space<vmem>> -> memref<1x1x128xi32, #tpu.memory_space<vmem>>
    %dma_start3A_17 = tpu.memref_squeeze %dma_start3A_16 : memref<1x1x128xi32, #tpu.memory_space<vmem>> -> memref<128xi32, #tpu.memory_space<vmem>>
    %dma_start3A_18 = arith.constant 0 : i32
    %dma_start3A_19 = arith.constant 0 : i32
    %dma_start3A_20 = tpu.memref_slice %arg3[%dma_start3A_18, %dma_start3A_19] : memref<1000000x128xf32, #tpu.memory_space<hbm>> -> memref<1000000x128xf32, #tpu.memory_space<hbm>>
    tpu.enqueue_indirect_dma source(%dma_start3A_20 : memref<1000000x128xf32, #tpu.memory_space<hbm>>) target(%dma_start3A_14 : memref<128x128xf32, #tpu.memory_space<vmem>>) offsets(%dma_start3A_17 : memref<128xi32, #tpu.memory_space<vmem>>) semaphore(%arg7 : memref<!tpu.dma_semaphore, #tpu.memory_space<semaphore_mem>>)
    %dma_start3A_21 = arith.constant 0 : i32
    %dma_start3A_22 = arith.constant 1 : i32
    %dma_start3A_23 = arith.constant 0 : i32
    %dma_start3A_24 = arith.constant 128 : i32
    %dma_start3A_25 = arith.constant 0 : i32
    %dma_start3A_26 = tpu.memref_slice %arg6[%dma_start3A_23, %dma_start3A_24, %dma_start3A_25] : memref<2x256x128xf32, #tpu.memory_space<vmem>> -> memref<1x128x128xf32, #tpu.memory_space<vmem>>
    %dma_start3A_27 = tpu.memref_squeeze %dma_start3A_26 : memref<1x128x128xf32, #tpu.memory_space<vmem>> -> memref<128x128xf32, #tpu.memory_space<vmem>>
    %dma_start3A_28 = arith.constant 0 : i32
    %dma_start3A_29 = tpu.memref_slice %arg5[%dma_start3A_21, %dma_start3A_22, %dma_start3A_28] : memref<2x2x128xi32, #tpu.memory_space<vmem>> -> memref<1x1x128xi32, #tpu.memory_space<vmem>>
    %dma_start3A_30 = tpu.memref_squeeze %dma_start3A_29 : memref<1x1x128xi32, #tpu.memory_space<vmem>> -> memref<128xi32, #tpu.memory_space<vmem>>
    %dma_start3A_31 = arith.constant 0 : i32
    %dma_start3A_32 = arith.constant 0 : i32
    %dma_start3A_33 = tpu.memref_slice %arg3[%dma_start3A_31, %dma_start3A_32] : memref<1000000x128xf32, #tpu.memory_space<hbm>> -> memref<1000000x128xf32, #tpu.memory_space<hbm>>
    tpu.enqueue_indirect_dma source(%dma_start3A_33 : memref<1000000x128xf32, #tpu.memory_space<hbm>>) target(%dma_start3A_27 : memref<128x128xf32, #tpu.memory_space<vmem>>) offsets(%dma_start3A_30 : memref<128xi32, #tpu.memory_space<vmem>>) semaphore(%arg7 : memref<!tpu.dma_semaphore, #tpu.memory_space<semaphore_mem>>)
    %dma_wait3A = arith.constant 0 : i32
    %dma_wait3A_34 = arith.constant 0 : i32
    %dma_wait3A_35 = arith.constant 0 : i32
    %dma_wait3A_36 = arith.constant 0 : i32
    %dma_wait3A_37 = arith.constant 0 : i32
    %dma_wait3A_38 = tpu.memref_slice %arg6[%dma_wait3A_35, %dma_wait3A_36, %dma_wait3A_37] : memref<2x256x128xf32, #tpu.memory_space<vmem>> -> memref<1x128x128xf32, #tpu.memory_space<vmem>>
    %dma_wait3A_39 = tpu.memref_squeeze %dma_wait3A_38 : memref<1x128x128xf32, #tpu.memory_space<vmem>> -> memref<128x128xf32, #tpu.memory_space<vmem>>
    %dma_wait3A_40 = arith.constant 0 : i32
    %dma_wait3A_41 = tpu.memref_slice %arg5[%dma_wait3A, %dma_wait3A_34, %dma_wait3A_40] : memref<2x2x128xi32, #tpu.memory_space<vmem>> -> memref<1x1x128xi32, #tpu.memory_space<vmem>>
    %dma_wait3A_42 = tpu.memref_squeeze %dma_wait3A_41 : memref<1x1x128xi32, #tpu.memory_space<vmem>> -> memref<128xi32, #tpu.memory_space<vmem>>
    %dma_wait3A_43 = arith.constant 0 : i32
    %dma_wait3A_44 = arith.constant 0 : i32
    %dma_wait3A_45 = tpu.memref_slice %arg3[%dma_wait3A_43, %dma_wait3A_44] : memref<1000000x128xf32, #tpu.memory_space<hbm>> -> memref<1000000x128xf32, #tpu.memory_space<hbm>>
    tpu.wait_indirect_dma semaphore(%arg7 : memref<!tpu.dma_semaphore, #tpu.memory_space<semaphore_mem>>) src(%dma_wait3A_45 : memref<1000000x128xf32, #tpu.memory_space<hbm>>) dst(%dma_wait3A_39 : memref<128x128xf32, #tpu.memory_space<vmem>>)
    %dma_wait3A_46 = arith.constant 0 : i32
    %dma_wait3A_47 = arith.constant 1 : i32
    %dma_wait3A_48 = arith.constant 0 : i32
    %dma_wait3A_49 = arith.constant 128 : i32
    %dma_wait3A_50 = arith.constant 0 : i32
    %dma_wait3A_51 = tpu.memref_slice %arg6[%dma_wait3A_48, %dma_wait3A_49, %dma_wait3A_50] : memref<2x256x128xf32, #tpu.memory_space<vmem>> -> memref<1x128x128xf32, #tpu.memory_space<vmem>>
    %dma_wait3A_52 = tpu.memref_squeeze %dma_wait3A_51 : memref<1x128x128xf32, #tpu.memory_space<vmem>> -> memref<128x128xf32, #tpu.memory_space<vmem>>
    %dma_wait3A_53 = arith.constant 0 : i32
    %dma_wait3A_54 = tpu.memref_slice %arg5[%dma_wait3A_46, %dma_wait3A_47, %dma_wait3A_53] : memref<2x2x128xi32, #tpu.memory_space<vmem>> -> memref<1x1x128xi32, #tpu.memory_space<vmem>>
    %dma_wait3A_55 = tpu.memref_squeeze %dma_wait3A_54 : memref<1x1x128xi32, #tpu.memory_space<vmem>> -> memref<128xi32, #tpu.memory_space<vmem>>
    %dma_wait3A_56 = arith.constant 0 : i32
    %dma_wait3A_57 = arith.constant 0 : i32
    %dma_wait3A_58 = tpu.memref_slice %arg3[%dma_wait3A_56, %dma_wait3A_57] : memref<1000000x128xf32, #tpu.memory_space<hbm>> -> memref<1000000x128xf32, #tpu.memory_space<hbm>>
    tpu.wait_indirect_dma semaphore(%arg7 : memref<!tpu.dma_semaphore, #tpu.memory_space<semaphore_mem>>) src(%dma_wait3A_58 : memref<1000000x128xf32, #tpu.memory_space<hbm>>) dst(%dma_wait3A_52 : memref<128x128xf32, #tpu.memory_space<vmem>>)
    %add3A_59 = arith.constant 0 : i32
    %add3A_60 = arith.addi %mul3A_6, %add3A_59 : i32
    %dma_start3A_61 = arith.constant 0 : i32
    %dma_start3A_62 = arith.constant 0 : i32
    %dma_start3A_63 = arith.constant 0 : i32
    %dma_start3A_64 = tpu.memref_slice %arg6[%dma_start3A_61, %dma_start3A_62, %dma_start3A_63] : memref<2x256x128xf32, #tpu.memory_space<vmem>> -> memref<1x256x128xf32, #tpu.memory_space<vmem>>
    %dma_start3A_65 = tpu.memref_squeeze %dma_start3A_64 : memref<1x256x128xf32, #tpu.memory_space<vmem>> -> memref<256x128xf32, #tpu.memory_space<vmem>>
    %dma_start3A_66 = arith.constant 0 : i32
    %dma_start3A_67 = tpu.memref_slice %arg4[%add3A_60, %dma_start3A_66] : memref<204800x128xf32, #tpu.memory_space<hbm>> -> memref<256x128xf32, #tpu.memory_space<hbm>>
    %dma_start3A_68 = arith.constant 0 : i32
    %dma_start3A_69 = tpu.memref_slice %arg4[%add3A_60, %dma_start3A_68] : memref<204800x128xf32, #tpu.memory_space<hbm>> -> memref<256x128xf32, #tpu.memory_space<hbm>>
    %dma_start3A_70 = arith.constant 0 : i32
    %dma_start3A_71 = arith.constant 0 : i32
    %dma_start3A_72 = tpu.memref_slice %arg6[%dma_start3A_61, %dma_start3A_70, %dma_start3A_71] : memref<2x256x128xf32, #tpu.memory_space<vmem>> -> memref<1x256x128xf32, #tpu.memory_space<vmem>>
    %dma_start3A_73 = tpu.memref_squeeze %dma_start3A_72 : memref<1x256x128xf32, #tpu.memory_space<vmem>> -> memref<256x128xf32, #tpu.memory_space<vmem>>
    tpu.enqueue_dma source(%dma_start3A_73 : memref<256x128xf32, #tpu.memory_space<vmem>>) target(%dma_start3A_69 : memref<256x128xf32, #tpu.memory_space<hbm>>) target_semaphore(%arg8 : memref<!tpu.dma_semaphore, #tpu.memory_space<semaphore_mem>>)
    %add3A_74 = arith.constant 2 : i32
    %add3A_75 = arith.addi %mul3A_2, %add3A_74 : i32
    %run_scoped3A_76 = arith.constant 1 : i32
    "tpu.region"() ({
      %run_scoped3A_2079 = tpu.sem_alloc : memref<!tpu.dma_semaphore, #tpu.memory_space<semaphore_mem>>
      %dma_start3A_2080 = arith.constant 0 : i32
      %dma_start3A_2081 = arith.constant 0 : i32
      %dma_start3A_2082 = tpu.memref_slice %arg5[%run_scoped3A_76, %dma_start3A_2080, %dma_start3A_2081] : memref<2x2x128xi32, #tpu.memory_space<vmem>> -> memref<1x2x128xi32, #tpu.memory_space<vmem>>
      %dma_start3A_2083 = tpu.memref_squeeze %dma_start3A_2082 : memref<1x2x128xi32, #tpu.memory_space<vmem>> -> memref<2x128xi32, #tpu.memory_space<vmem>>
      %dma_start3A_2084 = arith.constant 0 : i32
      %dma_start3A_2085 = tpu.memref_slice %arg2[%add3A_75, %dma_start3A_2084] : memref<1600x128xi32, #tpu.memory_space<hbm>> -> memref<2x128xi32, #tpu.memory_space<hbm>>
      %dma_start3A_2086 = arith.constant 0 : i32
      %dma_start3A_2087 = arith.constant 0 : i32
      %dma_start3A_2088 = tpu.memref_slice %arg5[%run_scoped3A_76, %dma_start3A_2086, %dma_start3A_2087] : memref<2x2x128xi32, #tpu.memory_space<vmem>> -> memref<1x2x128xi32, #tpu.memory_space<vmem>>
      %dma_start3A_2089 = tpu.memref_squeeze %dma_start3A_2088 : memref<1x2x128xi32, #tpu.memory_space<vmem>> -> memref<2x128xi32, #tpu.memory_space<vmem>>
      %dma_start3A_2090 = arith.constant 0 : i32
      %dma_start3A_2091 = tpu.memref_slice %arg2[%add3A_75, %dma_start3A_2090] : memref<1600x128xi32, #tpu.memory_space<hbm>> -> memref<2x128xi32, #tpu.memory_space<hbm>>
      tpu.enqueue_dma source(%dma_start3A_2091 : memref<2x128xi32, #tpu.memory_space<hbm>>) target(%dma_start3A_2089 : memref<2x128xi32, #tpu.memory_space<vmem>>) target_semaphore(%run_scoped3A_2079 : memref<!tpu.dma_semaphore, #tpu.memory_space<semaphore_mem>>)
      %dma_wait3A_2092 = arith.constant 0 : i32
      %dma_wait3A_2093 = arith.constant 0 : i32
      %dma_wait3A_2094 = tpu.memref_slice %arg5[%run_scoped3A_76, %dma_wait3A_2092, %dma_wait3A_2093] : memref<2x2x128xi32, #tpu.memory_space<vmem>> -> memref<1x2x128xi32, #tpu.memory_space<vmem>>
      %dma_wait3A_2095 = tpu.memref_squeeze %dma_wait3A_2094 : memref<1x2x128xi32, #tpu.memory_space<vmem>> -> memref<2x128xi32, #tpu.memory_space<vmem>>
      %dma_wait3A_2096 = arith.constant 0 : i32
      %dma_wait3A_2097 = tpu.memref_slice %arg2[%add3A_75, %dma_wait3A_2096] : memref<1600x128xi32, #tpu.memory_space<hbm>> -> memref<2x128xi32, #tpu.memory_space<hbm>>
      %dma_wait3A_2098 = arith.constant 0 : i32
      %dma_wait3A_2099 = arith.constant 0 : i32
      %dma_wait3A_2100 = tpu.memref_slice %arg5[%run_scoped3A_76, %dma_wait3A_2098, %dma_wait3A_2099] : memref<2x2x128xi32, #tpu.memory_space<vmem>> -> memref<1x2x128xi32, #tpu.memory_space<vmem>>
      %dma_wait3A_2101 = tpu.memref_squeeze %dma_wait3A_2100 : memref<1x2x128xi32, #tpu.memory_space<vmem>> -> memref<2x128xi32, #tpu.memory_space<vmem>>
      %dma_wait3A_2102 = arith.constant 0 : i32
      %dma_wait3A_2103 = tpu.memref_slice %arg2[%add3A_75, %dma_wait3A_2102] : memref<1600x128xi32, #tpu.memory_space<hbm>> -> memref<2x128xi32, #tpu.memory_space<hbm>>
      tpu.wait_dma2 semaphore(%run_scoped3A_2079 : memref<!tpu.dma_semaphore, #tpu.memory_space<semaphore_mem>>) src(%dma_wait3A_2103 : memref<2x128xi32, #tpu.memory_space<hbm>>) dst(%dma_wait3A_2101 : memref<2x128xi32, #tpu.memory_space<vmem>>)
      tpu.yield
    }) : () -> ()
    %dma_start3A_77 = arith.constant 1 : i32
    %dma_start3A_78 = arith.constant 0 : i32
    %dma_start3A_79 = arith.constant 1 : i32
    %dma_start3A_80 = arith.constant 0 : i32
    %dma_start3A_81 = arith.constant 0 : i32
    %dma_start3A_82 = tpu.memref_slice %arg6[%dma_start3A_79, %dma_start3A_80, %dma_start3A_81] : memref<2x256x128xf32, #tpu.memory_space<vmem>> -> memref<1x128x128xf32, #tpu.memory_space<vmem>>
    %dma_start3A_83 = tpu.memref_squeeze %dma_start3A_82 : memref<1x128x128xf32, #tpu.memory_space<vmem>> -> memref<128x128xf32, #tpu.memory_space<vmem>>
    %dma_start3A_84 = arith.constant 0 : i32
    %dma_start3A_85 = tpu.memref_slice %arg5[%dma_start3A_77, %dma_start3A_78, %dma_start3A_84] : memref<2x2x128xi32, #tpu.memory_space<vmem>> -> memref<1x1x128xi32, #tpu.memory_space<vmem>>
    %dma_start3A_86 = tpu.memref_squeeze %dma_start3A_85 : memref<1x1x128xi32, #tpu.memory_space<vmem>> -> memref<128xi32, #tpu.memory_space<vmem>>
    %dma_start3A_87 = arith.constant 0 : i32
    %dma_start3A_88 = arith.constant 0 : i32
    %dma_start3A_89 = tpu.memref_slice %arg3[%dma_start3A_87, %dma_start3A_88] : memref<1000000x128xf32, #tpu.memory_space<hbm>> -> memref<1000000x128xf32, #tpu.memory_space<hbm>>
    tpu.enqueue_indirect_dma source(%dma_start3A_89 : memref<1000000x128xf32, #tpu.memory_space<hbm>>) target(%dma_start3A_83 : memref<128x128xf32, #tpu.memory_space<vmem>>) offsets(%dma_start3A_86 : memref<128xi32, #tpu.memory_space<vmem>>) semaphore(%arg7 : memref<!tpu.dma_semaphore, #tpu.memory_space<semaphore_mem>>)
    %dma_start3A_90 = arith.constant 1 : i32
    %dma_start3A_91 = arith.constant 1 : i32
    %dma_start3A_92 = arith.constant 1 : i32
    %dma_start3A_93 = arith.constant 128 : i32
    %dma_start3A_94 = arith.constant 0 : i32
    %dma_start3A_95 = tpu.memref_slice %arg6[%dma_start3A_92, %dma_start3A_93, %dma_start3A_94] : memref<2x256x128xf32, #tpu.memory_space<vmem>> -> memref<1x128x128xf32, #tpu.memory_space<vmem>>
    %dma_start3A_96 = tpu.memref_squeeze %dma_start3A_95 : memref<1x128x128xf32, #tpu.memory_space<vmem>> -> memref<128x128xf32, #tpu.memory_space<vmem>>
    %dma_start3A_97 = arith.constant 0 : i32
    %dma_start3A_98 = tpu.memref_slice %arg5[%dma_start3A_90, %dma_start3A_91, %dma_start3A_97] : memref<2x2x128xi32, #tpu.memory_space<vmem>> -> memref<1x1x128xi32, #tpu.memory_space<vmem>>
    %dma_start3A_99 = tpu.memref_squeeze %dma_start3A_98 : memref<1x1x128xi32, #tpu.memory_space<vmem>> -> memref<128xi32, #tpu.memory_space<vmem>>
    %dma_start3A_100 = arith.constant 0 : i32
    %dma_start3A_101 = arith.constant 0 : i32
    %dma_start3A_102 = tpu.memref_slice %arg3[%dma_start3A_100, %dma_start3A_101] : memref<1000000x128xf32, #tpu.memory_space<hbm>> -> memref<1000000x128xf32, #tpu.memory_space<hbm>>
    tpu.enqueue_indirect_dma source(%dma_start3A_102 : memref<1000000x128xf32, #tpu.memory_space<hbm>>) target(%dma_start3A_96 : memref<128x128xf32, #tpu.memory_space<vmem>>) offsets(%dma_start3A_99 : memref<128xi32, #tpu.memory_space<vmem>>) semaphore(%arg7 : memref<!tpu.dma_semaphore, #tpu.memory_space<semaphore_mem>>)
    %dma_wait3A_103 = arith.constant 1 : i32
    %dma_wait3A_104 = arith.constant 0 : i32
    %dma_wait3A_105 = arith.constant 1 : i32
    %dma_wait3A_106 = arith.constant 0 : i32
    %dma_wait3A_107 = arith.constant 0 : i32
    %dma_wait3A_108 = tpu.memref_slice %arg6[%dma_wait3A_105, %dma_wait3A_106, %dma_wait3A_107] : memref<2x256x128xf32, #tpu.memory_space<vmem>> -> memref<1x128x128xf32, #tpu.memory_space<vmem>>
    %dma_wait3A_109 = tpu.memref_squeeze %dma_wait3A_108 : memref<1x128x128xf32, #tpu.memory_space<vmem>> -> memref<128x128xf32, #tpu.memory_space<vmem>>
    %dma_wait3A_110 = arith.constant 0 : i32
    %dma_wait3A_111 = tpu.memref_slice %arg5[%dma_wait3A_103, %dma_wait3A_104, %dma_wait3A_110] : memref<2x2x128xi32, #tpu.memory_space<vmem>> -> memref<1x1x128xi32, #tpu.memory_space<vmem>>
    %dma_wait3A_112 = tpu.memref_squeeze %dma_wait3A_111 : memref<1x1x128xi32, #tpu.memory_space<vmem>> -> memref<128xi32, #tpu.memory_space<vmem>>
    %dma_wait3A_113 = arith.constant 0 : i32
    %dma_wait3A_114 = arith.constant 0 : i32
    %dma_wait3A_115 = tpu.memref_slice %arg3[%dma_wait3A_113, %dma_wait3A_114] : memref<1000000x128xf32, #tpu.memory_space<hbm>> -> memref<1000000x128xf32, #tpu.memory_space<hbm>>
    tpu.wait_indirect_dma semaphore(%arg7 : memref<!tpu.dma_semaphore, #tpu.memory_space<semaphore_mem>>) src(%dma_wait3A_115 : memref<1000000x128xf32, #tpu.memory_space<hbm>>) dst(%dma_wait3A_109 : memref<128x128xf32, #tpu.memory_space<vmem>>)
    %dma_wait3A_116 = arith.constant 1 : i32
    %dma_wait3A_117 = arith.constant 1 : i32
    %dma_wait3A_118 = arith.constant 1 : i32
    %dma_wait3A_119 = arith.constant 128 : i32
    %dma_wait3A_120 = arith.constant 0 : i32
    %dma_wait3A_121 = tpu.memref_slice %arg6[%dma_wait3A_118, %dma_wait3A_119, %dma_wait3A_120] : memref<2x256x128xf32, #tpu.memory_space<vmem>> -> memref<1x128x128xf32, #tpu.memory_space<vmem>>
    %dma_wait3A_122 = tpu.memref_squeeze %dma_wait3A_121 : memref<1x128x128xf32, #tpu.memory_space<vmem>> -> memref<128x128xf32, #tpu.memory_space<vmem>>
    %dma_wait3A_123 = arith.constant 0 : i32
    %dma_wait3A_124 = tpu.memref_slice %arg5[%dma_wait3A_116, %dma_wait3A_117, %dma_wait3A_123] : memref<2x2x128xi32, #tpu.memory_space<vmem>> -> memref<1x1x128xi32, #tpu.memory_space<vmem>>
    %dma_wait3A_125 = tpu.memref_squeeze %dma_wait3A_124 : memref<1x1x128xi32, #tpu.memory_space<vmem>> -> memref<128xi32, #tpu.memory_space<vmem>>
    %dma_wait3A_126 = arith.constant 0 : i32
    %dma_wait3A_127 = arith.constant 0 : i32
    %dma_wait3A_128 = tpu.memref_slice %arg3[%dma_wait3A_126, %dma_wait3A_127] : memref<1000000x128xf32, #tpu.memory_space<hbm>> -> memref<1000000x128xf32, #tpu.memory_space<hbm>>
    tpu.wait_indirect_dma semaphore(%arg7 : memref<!tpu.dma_semaphore, #tpu.memory_space<semaphore_mem>>) src(%dma_wait3A_128 : memref<1000000x128xf32, #tpu.memory_space<hbm>>) dst(%dma_wait3A_122 : memref<128x128xf32, #tpu.memory_space<vmem>>)
    %add3A_129 = arith.constant 256 : i32
    %add3A_130 = arith.addi %mul3A_6, %add3A_129 : i32
    %dma_start3A_131 = arith.constant 1 : i32
    %dma_start3A_132 = arith.constant 0 : i32
    %dma_start3A_133 = arith.constant 0 : i32
    %dma_start3A_134 = tpu.memref_slice %arg6[%dma_start3A_131, %dma_start3A_132, %dma_start3A_133] : memref<2x256x128xf32, #tpu.memory_space<vmem>> -> memref<1x256x128xf32, #tpu.memory_space<vmem>>
    %dma_start3A_135 = tpu.memref_squeeze %dma_start3A_134 : memref<1x256x128xf32, #tpu.memory_space<vmem>> -> memref<256x128xf32, #tpu.memory_space<vmem>>
    %dma_start3A_136 = arith.constant 0 : i32
    %dma_start3A_137 = tpu.memref_slice %arg4[%add3A_130, %dma_start3A_136] : memref<204800x128xf32, #tpu.memory_space<hbm>> -> memref<256x128xf32, #tpu.memory_space<hbm>>
    %dma_start3A_138 = arith.constant 0 : i32
    %dma_start3A_139 = tpu.memref_slice %arg4[%add3A_130, %dma_start3A_138] : memref<204800x128xf32, #tpu.memory_space<hbm>> -> memref<256x128xf32, #tpu.memory_space<hbm>>
    %dma_start3A_140 = arith.constant 0 : i32
    %dma_start3A_141 = arith.constant 0 : i32
    %dma_start3A_142 = tpu.memref_slice %arg6[%dma_start3A_131, %dma_start3A_140, %dma_start3A_141] : memref<2x256x128xf32, #tpu.memory_space<vmem>> -> memref<1x256x128xf32, #tpu.memory_space<vmem>>
    %dma_start3A_143 = tpu.memref_squeeze %dma_start3A_142 : memref<1x256x128xf32, #tpu.memory_space<vmem>> -> memref<256x128xf32, #tpu.memory_space<vmem>>
    tpu.enqueue_dma source(%dma_start3A_143 : memref<256x128xf32, #tpu.memory_space<vmem>>) target(%dma_start3A_139 : memref<256x128xf32, #tpu.memory_space<hbm>>) target_semaphore(%arg9 : memref<!tpu.dma_semaphore, #tpu.memory_space<semaphore_mem>>)
    %dma_wait3A_144 = arith.constant 0 : i32
    %dma_wait3A_145 = arith.constant 0 : i32
    %dma_wait3A_146 = arith.constant 0 : i32
    %dma_wait3A_147 = tpu.memref_slice %arg6[%dma_wait3A_144, %dma_wait3A_145, %dma_wait3A_146] : memref<2x256x128xf32, #tpu.memory_space<vmem>> -> memref<1x256x128xf32, #tpu.memory_space<vmem>>
    %dma_wait3A_148 = tpu.memref_squeeze %dma_wait3A_147 : memref<1x256x128xf32, #tpu.memory_space<vmem>> -> memref<256x128xf32, #tpu.memory_space<vmem>>
    %dma_wait3A_149 = arith.constant 0 : i32
    %dma_wait3A_150 = tpu.memref_slice %arg4[%add3A_60, %dma_wait3A_149] : memref<204800x128xf32, #tpu.memory_space<hbm>> -> memref<256x128xf32, #tpu.memory_space<hbm>>
    %dma_wait3A_151 = arith.constant 0 : i32
    %dma_wait3A_152 = tpu.memref_slice %arg4[%add3A_60, %dma_wait3A_151] : memref<204800x128xf32, #tpu.memory_space<hbm>> -> memref<256x128xf32, #tpu.memory_space<hbm>>
    %dma_wait3A_153 = arith.constant 0 : i32
    %dma_wait3A_154 = arith.constant 0 : i32
    %dma_wait3A_155 = tpu.memref_slice %arg6[%dma_wait3A_144, %dma_wait3A_153, %dma_wait3A_154] : memref<2x256x128xf32, #tpu.memory_space<vmem>> -> memref<1x256x128xf32, #tpu.memory_space<vmem>>
    %dma_wait3A_156 = tpu.memref_squeeze %dma_wait3A_155 : memref<1x256x128xf32, #tpu.memory_space<vmem>> -> memref<256x128xf32, #tpu.memory_space<vmem>>
    tpu.wait_dma2 semaphore(%arg8 : memref<!tpu.dma_semaphore, #tpu.memory_space<semaphore_mem>>) src(%dma_wait3A_156 : memref<256x128xf32, #tpu.memory_space<vmem>>) dst(%dma_wait3A_152 : memref<256x128xf32, #tpu.memory_space<hbm>>)
    %add3A_157 = arith.constant 4 : i32
    %add3A_158 = arith.addi %mul3A_2, %add3A_157 : i32
    %run_scoped3A_159 = arith.constant 0 : i32
    "tpu.region"() ({
      %run_scoped3A_2079 = tpu.sem_alloc : memref<!tpu.dma_semaphore, #tpu.memory_space<semaphore_mem>>
      %dma_start3A_2080 = arith.constant 0 : i32
      %dma_start3A_2081 = arith.constant 0 : i32
      %dma_start3A_2082 = tpu.memref_slice %arg5[%run_scoped3A_159, %dma_start3A_2080, %dma_start3A_2081] : memref<2x2x128xi32, #tpu.memory_space<vmem>> -> memref<1x2x128xi32, #tpu.memory_space<vmem>>
      %dma_start3A_2083 = tpu.memref_squeeze %dma_start3A_2082 : memref<1x2x128xi32, #tpu.memory_space<vmem>> -> memref<2x128xi32, #tpu.memory_space<vmem>>
      %dma_start3A_2084 = arith.constant 0 : i32
      %dma_start3A_2085 = tpu.memref_slice %arg2[%add3A_158, %dma_start3A_2084] : memref<1600x128xi32, #tpu.memory_space<hbm>> -> memref<2x128xi32, #tpu.memory_space<hbm>>
      %dma_start3A_2086 = arith.constant 0 : i32
      %dma_start3A_2087 = arith.constant 0 : i32
      %dma_start3A_2088 = tpu.memref_slice %arg5[%run_scoped3A_159, %dma_start3A_2086, %dma_start3A_2087] : memref<2x2x128xi32, #tpu.memory_space<vmem>> -> memref<1x2x128xi32, #tpu.memory_space<vmem>>
      %dma_start3A_2089 = tpu.memref_squeeze %dma_start3A_2088 : memref<1x2x128xi32, #tpu.memory_space<vmem>> -> memref<2x128xi32, #tpu.memory_space<vmem>>
      %dma_start3A_2090 = arith.constant 0 : i32
      %dma_start3A_2091 = tpu.memref_slice %arg2[%add3A_158, %dma_start3A_2090] : memref<1600x128xi32, #tpu.memory_space<hbm>> -> memref<2x128xi32, #tpu.memory_space<hbm>>
      tpu.enqueue_dma source(%dma_start3A_2091 : memref<2x128xi32, #tpu.memory_space<hbm>>) target(%dma_start3A_2089 : memref<2x128xi32, #tpu.memory_space<vmem>>) target_semaphore(%run_scoped3A_2079 : memref<!tpu.dma_semaphore, #tpu.memory_space<semaphore_mem>>)
      %dma_wait3A_2092 = arith.constant 0 : i32
      %dma_wait3A_2093 = arith.constant 0 : i32
      %dma_wait3A_2094 = tpu.memref_slice %arg5[%run_scoped3A_159, %dma_wait3A_2092, %dma_wait3A_2093] : memref<2x2x128xi32, #tpu.memory_space<vmem>> -> memref<1x2x128xi32, #tpu.memory_space<vmem>>
      %dma_wait3A_2095 = tpu.memref_squeeze %dma_wait3A_2094 : memref<1x2x128xi32, #tpu.memory_space<vmem>> -> memref<2x128xi32, #tpu.memory_space<vmem>>
      %dma_wait3A_2096 = arith.constant 0 : i32
      %dma_wait3A_2097 = tpu.memref_slice %arg2[%add3A_158, %dma_wait3A_2096] : memref<1600x128xi32, #tpu.memory_space<hbm>> -> memref<2x128xi32, #tpu.memory_space<hbm>>
      %dma_wait3A_2098 = arith.constant 0 : i32
      %dma_wait3A_2099 = arith.constant 0 : i32
      %dma_wait3A_2100 = tpu.memref_slice %arg5[%run_scoped3A_159, %dma_wait3A_2098, %dma_wait3A_2099] : memref<2x2x128xi32, #tpu.memory_space<vmem>> -> memref<1x2x128xi32, #tpu.memory_space<vmem>>
      %dma_wait3A_2101 = tpu.memref_squeeze %dma_wait3A_2100 : memref<1x2x128xi32, #tpu.memory_space<vmem>> -> memref<2x128xi32, #tpu.memory_space<vmem>>
      %dma_wait3A_2102 = arith.constant 0 : i32
      %dma_wait3A_2103 = tpu.memref_slice %arg2[%add3A_158, %dma_wait3A_2102] : memref<1600x128xi32, #tpu.memory_space<hbm>> -> memref<2x128xi32, #tpu.memory_space<hbm>>
      tpu.wait_dma2 semaphore(%run_scoped3A_2079 : memref<!tpu.dma_semaphore, #tpu.memory_space<semaphore_mem>>) src(%dma_wait3A_2103 : memref<2x128xi32, #tpu.memory_space<hbm>>) dst(%dma_wait3A_2101 : memref<2x128xi32, #tpu.memory_space<vmem>>)
      tpu.yield
    }) : () -> ()
    %dma_start3A_160 = arith.constant 0 : i32
    %dma_start3A_161 = arith.constant 0 : i32
    %dma_start3A_162 = arith.constant 0 : i32
    %dma_start3A_163 = arith.constant 0 : i32
    %dma_start3A_164 = arith.constant 0 : i32
    %dma_start3A_165 = tpu.memref_slice %arg6[%dma_start3A_162, %dma_start3A_163, %dma_start3A_164] : memref<2x256x128xf32, #tpu.memory_space<vmem>> -> memref<1x128x128xf32, #tpu.memory_space<vmem>>
    %dma_start3A_166 = tpu.memref_squeeze %dma_start3A_165 : memref<1x128x128xf32, #tpu.memory_space<vmem>> -> memref<128x128xf32, #tpu.memory_space<vmem>>
    %dma_start3A_167 = arith.constant 0 : i32
    %dma_start3A_168 = tpu.memref_slice %arg5[%dma_start3A_160, %dma_start3A_161, %dma_start3A_167] : memref<2x2x128xi32, #tpu.memory_space<vmem>> -> memref<1x1x128xi32, #tpu.memory_space<vmem>>
    %dma_start3A_169 = tpu.memref_squeeze %dma_start3A_168 : memref<1x1x128xi32, #tpu.memory_space<vmem>> -> memref<128xi32, #tpu.memory_space<vmem>>
    %dma_start3A_170 = arith.constant 0 : i32
    %dma_start3A_171 = arith.constant 0 : i32
    %dma_start3A_172 = tpu.memref_slice %arg3[%dma_start3A_170, %dma_start3A_171] : memref<1000000x128xf32, #tpu.memory_space<hbm>> -> memref<1000000x128xf32, #tpu.memory_space<hbm>>
    tpu.enqueue_indirect_dma source(%dma_start3A_172 : memref<1000000x128xf32, #tpu.memory_space<hbm>>) target(%dma_start3A_166 : memref<128x128xf32, #tpu.memory_space<vmem>>) offsets(%dma_start3A_169 : memref<128xi32, #tpu.memory_space<vmem>>) semaphore(%arg7 : memref<!tpu.dma_semaphore, #tpu.memory_space<semaphore_mem>>)
    %dma_start3A_173 = arith.constant 0 : i32
    %dma_start3A_174 = arith.constant 1 : i32
    %dma_start3A_175 = arith.constant 0 : i32
    %dma_start3A_176 = arith.constant 128 : i32
    %dma_start3A_177 = arith.constant 0 : i32
    %dma_start3A_178 = tpu.memref_slice %arg6[%dma_start3A_175, %dma_start3A_176, %dma_start3A_177] : memref<2x256x128xf32, #tpu.memory_space<vmem>> -> memref<1x128x128xf32, #tpu.memory_space<vmem>>
    %dma_start3A_179 = tpu.memref_squeeze %dma_start3A_178 : memref<1x128x128xf32, #tpu.memory_space<vmem>> -> memref<128x128xf32, #tpu.memory_space<vmem>>
    %dma_start3A_180 = arith.constant 0 : i32
    %dma_start3A_181 = tpu.memref_slice %arg5[%dma_start3A_173, %dma_start3A_174, %dma_start3A_180] : memref<2x2x128xi32, #tpu.memory_space<vmem>> -> memref<1x1x128xi32, #tpu.memory_space<vmem>>
    %dma_start3A_182 = tpu.memref_squeeze %dma_start3A_181 : memref<1x1x128xi32, #tpu.memory_space<vmem>> -> memref<128xi32, #tpu.memory_space<vmem>>
    %dma_start3A_183 = arith.constant 0 : i32
    %dma_start3A_184 = arith.constant 0 : i32
    %dma_start3A_185 = tpu.memref_slice %arg3[%dma_start3A_183, %dma_start3A_184] : memref<1000000x128xf32, #tpu.memory_space<hbm>> -> memref<1000000x128xf32, #tpu.memory_space<hbm>>
    tpu.enqueue_indirect_dma source(%dma_start3A_185 : memref<1000000x128xf32, #tpu.memory_space<hbm>>) target(%dma_start3A_179 : memref<128x128xf32, #tpu.memory_space<vmem>>) offsets(%dma_start3A_182 : memref<128xi32, #tpu.memory_space<vmem>>) semaphore(%arg7 : memref<!tpu.dma_semaphore, #tpu.memory_space<semaphore_mem>>)
    %dma_wait3A_186 = arith.constant 0 : i32
    %dma_wait3A_187 = arith.constant 0 : i32
    %dma_wait3A_188 = arith.constant 0 : i32
    %dma_wait3A_189 = arith.constant 0 : i32
    %dma_wait3A_190 = arith.constant 0 : i32
    %dma_wait3A_191 = tpu.memref_slice %arg6[%dma_wait3A_188, %dma_wait3A_189, %dma_wait3A_190] : memref<2x256x128xf32, #tpu.memory_space<vmem>> -> memref<1x128x128xf32, #tpu.memory_space<vmem>>
    %dma_wait3A_192 = tpu.memref_squeeze %dma_wait3A_191 : memref<1x128x128xf32, #tpu.memory_space<vmem>> -> memref<128x128xf32, #tpu.memory_space<vmem>>
    %dma_wait3A_193 = arith.constant 0 : i32
    %dma_wait3A_194 = tpu.memref_slice %arg5[%dma_wait3A_186, %dma_wait3A_187, %dma_wait3A_193] : memref<2x2x128xi32, #tpu.memory_space<vmem>> -> memref<1x1x128xi32, #tpu.memory_space<vmem>>
    %dma_wait3A_195 = tpu.memref_squeeze %dma_wait3A_194 : memref<1x1x128xi32, #tpu.memory_space<vmem>> -> memref<128xi32, #tpu.memory_space<vmem>>
    %dma_wait3A_196 = arith.constant 0 : i32
    %dma_wait3A_197 = arith.constant 0 : i32
    %dma_wait3A_198 = tpu.memref_slice %arg3[%dma_wait3A_196, %dma_wait3A_197] : memref<1000000x128xf32, #tpu.memory_space<hbm>> -> memref<1000000x128xf32, #tpu.memory_space<hbm>>
    tpu.wait_indirect_dma semaphore(%arg7 : memref<!tpu.dma_semaphore, #tpu.memory_space<semaphore_mem>>) src(%dma_wait3A_198 : memref<1000000x128xf32, #tpu.memory_space<hbm>>) dst(%dma_wait3A_192 : memref<128x128xf32, #tpu.memory_space<vmem>>)
    %dma_wait3A_199 = arith.constant 0 : i32
    %dma_wait3A_200 = arith.constant 1 : i32
    %dma_wait3A_201 = arith.constant 0 : i32
    %dma_wait3A_202 = arith.constant 128 : i32
    %dma_wait3A_203 = arith.constant 0 : i32
    %dma_wait3A_204 = tpu.memref_slice %arg6[%dma_wait3A_201, %dma_wait3A_202, %dma_wait3A_203] : memref<2x256x128xf32, #tpu.memory_space<vmem>> -> memref<1x128x128xf32, #tpu.memory_space<vmem>>
    %dma_wait3A_205 = tpu.memref_squeeze %dma_wait3A_204 : memref<1x128x128xf32, #tpu.memory_space<vmem>> -> memref<128x128xf32, #tpu.memory_space<vmem>>
    %dma_wait3A_206 = arith.constant 0 : i32
    %dma_wait3A_207 = tpu.memref_slice %arg5[%dma_wait3A_199, %dma_wait3A_200, %dma_wait3A_206] : memref<2x2x128xi32, #tpu.memory_space<vmem>> -> memref<1x1x128xi32, #tpu.memory_space<vmem>>
    %dma_wait3A_208 = tpu.memref_squeeze %dma_wait3A_207 : memref<1x1x128xi32, #tpu.memory_space<vmem>> -> memref<128xi32, #tpu.memory_space<vmem>>
    %dma_wait3A_209 = arith.constant 0 : i32
    %dma_wait3A_210 = arith.constant 0 : i32
    %dma_wait3A_211 = tpu.memref_slice %arg3[%dma_wait3A_209, %dma_wait3A_210] : memref<1000000x128xf32, #tpu.memory_space<hbm>> -> memref<1000000x128xf32, #tpu.memory_space<hbm>>
    tpu.wait_indirect_dma semaphore(%arg7 : memref<!tpu.dma_semaphore, #tpu.memory_space<semaphore_mem>>) src(%dma_wait3A_211 : memref<1000000x128xf32, #tpu.memory_space<hbm>>) dst(%dma_wait3A_205 : memref<128x128xf32, #tpu.memory_space<vmem>>)
    %add3A_212 = arith.constant 512 : i32
    %add3A_213 = arith.addi %mul3A_6, %add3A_212 : i32
    %dma_start3A_214 = arith.constant 0 : i32
    %dma_start3A_215 = arith.constant 0 : i32
    %dma_start3A_216 = arith.constant 0 : i32
    %dma_start3A_217 = tpu.memref_slice %arg6[%dma_start3A_214, %dma_start3A_215, %dma_start3A_216] : memref<2x256x128xf32, #tpu.memory_space<vmem>> -> memref<1x256x128xf32, #tpu.memory_space<vmem>>
    %dma_start3A_218 = tpu.memref_squeeze %dma_start3A_217 : memref<1x256x128xf32, #tpu.memory_space<vmem>> -> memref<256x128xf32, #tpu.memory_space<vmem>>
    %dma_start3A_219 = arith.constant 0 : i32
    %dma_start3A_220 = tpu.memref_slice %arg4[%add3A_213, %dma_start3A_219] : memref<204800x128xf32, #tpu.memory_space<hbm>> -> memref<256x128xf32, #tpu.memory_space<hbm>>
    %dma_start3A_221 = arith.constant 0 : i32
    %dma_start3A_222 = tpu.memref_slice %arg4[%add3A_213, %dma_start3A_221] : memref<204800x128xf32, #tpu.memory_space<hbm>> -> memref<256x128xf32, #tpu.memory_space<hbm>>
    %dma_start3A_223 = arith.constant 0 : i32
    %dma_start3A_224 = arith.constant 0 : i32
    %dma_start3A_225 = tpu.memref_slice %arg6[%dma_start3A_214, %dma_start3A_223, %dma_start3A_224] : memref<2x256x128xf32, #tpu.memory_space<vmem>> -> memref<1x256x128xf32, #tpu.memory_space<vmem>>
    %dma_start3A_226 = tpu.memref_squeeze %dma_start3A_225 : memref<1x256x128xf32, #tpu.memory_space<vmem>> -> memref<256x128xf32, #tpu.memory_space<vmem>>
    tpu.enqueue_dma source(%dma_start3A_226 : memref<256x128xf32, #tpu.memory_space<vmem>>) target(%dma_start3A_222 : memref<256x128xf32, #tpu.memory_space<hbm>>) target_semaphore(%arg8 : memref<!tpu.dma_semaphore, #tpu.memory_space<semaphore_mem>>)
    %dma_wait3A_227 = arith.constant 1 : i32
    %dma_wait3A_228 = arith.constant 0 : i32
    %dma_wait3A_229 = arith.constant 0 : i32
    %dma_wait3A_230 = tpu.memref_slice %arg6[%dma_wait3A_227, %dma_wait3A_228, %dma_wait3A_229] : memref<2x256x128xf32, #tpu.memory_space<vmem>> -> memref<1x256x128xf32, #tpu.memory_space<vmem>>
    %dma_wait3A_231 = tpu.memref_squeeze %dma_wait3A_230 : memref<1x256x128xf32, #tpu.memory_space<vmem>> -> memref<256x128xf32, #tpu.memory_space<vmem>>
    %dma_wait3A_232 = arith.constant 0 : i32
    %dma_wait3A_233 = tpu.memref_slice %arg4[%add3A_130, %dma_wait3A_232] : memref<204800x128xf32, #tpu.memory_space<hbm>> -> memref<256x128xf32, #tpu.memory_space<hbm>>
    %dma_wait3A_234 = arith.constant 0 : i32
    %dma_wait3A_235 = tpu.memref_slice %arg4[%add3A_130, %dma_wait3A_234] : memref<204800x128xf32, #tpu.memory_space<hbm>> -> memref<256x128xf32, #tpu.memory_space<hbm>>
    %dma_wait3A_236 = arith.constant 0 : i32
    %dma_wait3A_237 = arith.constant 0 : i32
    %dma_wait3A_238 = tpu.memref_slice %arg6[%dma_wait3A_227, %dma_wait3A_236, %dma_wait3A_237] : memref<2x256x128xf32, #tpu.memory_space<vmem>> -> memref<1x256x128xf32, #tpu.memory_space<vmem>>
    %dma_wait3A_239 = tpu.memref_squeeze %dma_wait3A_238 : memref<1x256x128xf32, #tpu.memory_space<vmem>> -> memref<256x128xf32, #tpu.memory_space<vmem>>
    tpu.wait_dma2 semaphore(%arg9 : memref<!tpu.dma_semaphore, #tpu.memory_space<semaphore_mem>>) src(%dma_wait3A_239 : memref<256x128xf32, #tpu.memory_space<vmem>>) dst(%dma_wait3A_235 : memref<256x128xf32, #tpu.memory_space<hbm>>)
    %add3A_240 = arith.constant 6 : i32
    %add3A_241 = arith.addi %mul3A_2, %add3A_240 : i32
    %run_scoped3A_242 = arith.constant 1 : i32
    "tpu.region"() ({
      %run_scoped3A_2079 = tpu.sem_alloc : memref<!tpu.dma_semaphore, #tpu.memory_space<semaphore_mem>>
      %dma_start3A_2080 = arith.constant 0 : i32
      %dma_start3A_2081 = arith.constant 0 : i32
      %dma_start3A_2082 = tpu.memref_slice %arg5[%run_scoped3A_242, %dma_start3A_2080, %dma_start3A_2081] : memref<2x2x128xi32, #tpu.memory_space<vmem>> -> memref<1x2x128xi32, #tpu.memory_space<vmem>>
      %dma_start3A_2083 = tpu.memref_squeeze %dma_start3A_2082 : memref<1x2x128xi32, #tpu.memory_space<vmem>> -> memref<2x128xi32, #tpu.memory_space<vmem>>
      %dma_start3A_2084 = arith.constant 0 : i32
      %dma_start3A_2085 = tpu.memref_slice %arg2[%add3A_241, %dma_start3A_2084] : memref<1600x128xi32, #tpu.memory_space<hbm>> -> memref<2x128xi32, #tpu.memory_space<hbm>>
      %dma_start3A_2086 = arith.constant 0 : i32
      %dma_start3A_2087 = arith.constant 0 : i32
      %dma_start3A_2088 = tpu.memref_slice %arg5[%run_scoped3A_242, %dma_start3A_2086, %dma_start3A_2087] : memref<2x2x128xi32, #tpu.memory_space<vmem>> -> memref<1x2x128xi32, #tpu.memory_space<vmem>>
      %dma_start3A_2089 = tpu.memref_squeeze %dma_start3A_2088 : memref<1x2x128xi32, #tpu.memory_space<vmem>> -> memref<2x128xi32, #tpu.memory_space<vmem>>
      %dma_start3A_2090 = arith.constant 0 : i32
      %dma_start3A_2091 = tpu.memref_slice %arg2[%add3A_241, %dma_start3A_2090] : memref<1600x128xi32, #tpu.memory_space<hbm>> -> memref<2x128xi32, #tpu.memory_space<hbm>>
      tpu.enqueue_dma source(%dma_start3A_2091 : memref<2x128xi32, #tpu.memory_space<hbm>>) target(%dma_start3A_2089 : memref<2x128xi32, #tpu.memory_space<vmem>>) target_semaphore(%run_scoped3A_2079 : memref<!tpu.dma_semaphore, #tpu.memory_space<semaphore_mem>>)
      %dma_wait3A_2092 = arith.constant 0 : i32
      %dma_wait3A_2093 = arith.constant 0 : i32
      %dma_wait3A_2094 = tpu.memref_slice %arg5[%run_scoped3A_242, %dma_wait3A_2092, %dma_wait3A_2093] : memref<2x2x128xi32, #tpu.memory_space<vmem>> -> memref<1x2x128xi32, #tpu.memory_space<vmem>>
      %dma_wait3A_2095 = tpu.memref_squeeze %dma_wait3A_2094 : memref<1x2x128xi32, #tpu.memory_space<vmem>> -> memref<2x128xi32, #tpu.memory_space<vmem>>
      %dma_wait3A_2096 = arith.constant 0 : i32
      %dma_wait3A_2097 = tpu.memref_slice %arg2[%add3A_241, %dma_wait3A_2096] : memref<1600x128xi32, #tpu.memory_space<hbm>> -> memref<2x128xi32, #tpu.memory_space<hbm>>
      %dma_wait3A_2098 = arith.constant 0 : i32
      %dma_wait3A_2099 = arith.constant 0 : i32
      %dma_wait3A_2100 = tpu.memref_slice %arg5[%run_scoped3A_242, %dma_wait3A_2098, %dma_wait3A_2099] : memref<2x2x128xi32, #tpu.memory_space<vmem>> -> memref<1x2x128xi32, #tpu.memory_space<vmem>>
      %dma_wait3A_2101 = tpu.memref_squeeze %dma_wait3A_2100 : memref<1x2x128xi32, #tpu.memory_space<vmem>> -> memref<2x128xi32, #tpu.memory_space<vmem>>
      %dma_wait3A_2102 = arith.constant 0 : i32
      %dma_wait3A_2103 = tpu.memref_slice %arg2[%add3A_241, %dma_wait3A_2102] : memref<1600x128xi32, #tpu.memory_space<hbm>> -> memref<2x128xi32, #tpu.memory_space<hbm>>
      tpu.wait_dma2 semaphore(%run_scoped3A_2079 : memref<!tpu.dma_semaphore, #tpu.memory_space<semaphore_mem>>) src(%dma_wait3A_2103 : memref<2x128xi32, #tpu.memory_space<hbm>>) dst(%dma_wait3A_2101 : memref<2x128xi32, #tpu.memory_space<vmem>>)
      tpu.yield
    }) : () -> ()
    %dma_start3A_243 = arith.constant 1 : i32
    %dma_start3A_244 = arith.constant 0 : i32
    %dma_start3A_245 = arith.constant 1 : i32
    %dma_start3A_246 = arith.constant 0 : i32
    %dma_start3A_247 = arith.constant 0 : i32
    %dma_start3A_248 = tpu.memref_slice %arg6[%dma_start3A_245, %dma_start3A_246, %dma_start3A_247] : memref<2x256x128xf32, #tpu.memory_space<vmem>> -> memref<1x128x128xf32, #tpu.memory_space<vmem>>
    %dma_start3A_249 = tpu.memref_squeeze %dma_start3A_248 : memref<1x128x128xf32, #tpu.memory_space<vmem>> -> memref<128x128xf32, #tpu.memory_space<vmem>>
    %dma_start3A_250 = arith.constant 0 : i32
    %dma_start3A_251 = tpu.memref_slice %arg5[%dma_start3A_243, %dma_start3A_244, %dma_start3A_250] : memref<2x2x128xi32, #tpu.memory_space<vmem>> -> memref<1x1x128xi32, #tpu.memory_space<vmem>>
    %dma_start3A_252 = tpu.memref_squeeze %dma_start3A_251 : memref<1x1x128xi32, #tpu.memory_space<vmem>> -> memref<128xi32, #tpu.memory_space<vmem>>
    %dma_start3A_253 = arith.constant 0 : i32
    %dma_start3A_254 = arith.constant 0 : i32
    %dma_start3A_255 = tpu.memref_slice %arg3[%dma_start3A_253, %dma_start3A_254] : memref<1000000x128xf32, #tpu.memory_space<hbm>> -> memref<1000000x128xf32, #tpu.memory_space<hbm>>
    tpu.enqueue_indirect_dma source(%dma_start3A_255 : memref<1000000x128xf32, #tpu.memory_space<hbm>>) target(%dma_start3A_249 : memref<128x128xf32, #tpu.memory_space<vmem>>) offsets(%dma_start3A_252 : memref<128xi32, #tpu.memory_space<vmem>>) semaphore(%arg7 : memref<!tpu.dma_semaphore, #tpu.memory_space<semaphore_mem>>)
    %dma_start3A_256 = arith.constant 1 : i32
    %dma_start3A_257 = arith.constant 1 : i32
    %dma_start3A_258 = arith.constant 1 : i32
    %dma_start3A_259 = arith.constant 128 : i32
    %dma_start3A_260 = arith.constant 0 : i32
    %dma_start3A_261 = tpu.memref_slice %arg6[%dma_start3A_258, %dma_start3A_259, %dma_start3A_260] : memref<2x256x128xf32, #tpu.memory_space<vmem>> -> memref<1x128x128xf32, #tpu.memory_space<vmem>>
    %dma_start3A_262 = tpu.memref_squeeze %dma_start3A_261 : memref<1x128x128xf32, #tpu.memory_space<vmem>> -> memref<128x128xf32, #tpu.memory_space<vmem>>
    %dma_start3A_263 = arith.constant 0 : i32
    %dma_start3A_264 = tpu.memref_slice %arg5[%dma_start3A_256, %dma_start3A_257, %dma_start3A_263] : memref<2x2x128xi32, #tpu.memory_space<vmem>> -> memref<1x1x128xi32, #tpu.memory_space<vmem>>
    %dma_start3A_265 = tpu.memref_squeeze %dma_start3A_264 : memref<1x1x128xi32, #tpu.memory_space<vmem>> -> memref<128xi32, #tpu.memory_space<vmem>>
    %dma_start3A_266 = arith.constant 0 : i32
    %dma_start3A_267 = arith.constant 0 : i32
    %dma_start3A_268 = tpu.memref_slice %arg3[%dma_start3A_266, %dma_start3A_267] : memref<1000000x128xf32, #tpu.memory_space<hbm>> -> memref<1000000x128xf32, #tpu.memory_space<hbm>>
    tpu.enqueue_indirect_dma source(%dma_start3A_268 : memref<1000000x128xf32, #tpu.memory_space<hbm>>) target(%dma_start3A_262 : memref<128x128xf32, #tpu.memory_space<vmem>>) offsets(%dma_start3A_265 : memref<128xi32, #tpu.memory_space<vmem>>) semaphore(%arg7 : memref<!tpu.dma_semaphore, #tpu.memory_space<semaphore_mem>>)
    %dma_wait3A_269 = arith.constant 1 : i32
    %dma_wait3A_270 = arith.constant 0 : i32
    %dma_wait3A_271 = arith.constant 1 : i32
    %dma_wait3A_272 = arith.constant 0 : i32
    %dma_wait3A_273 = arith.constant 0 : i32
    %dma_wait3A_274 = tpu.memref_slice %arg6[%dma_wait3A_271, %dma_wait3A_272, %dma_wait3A_273] : memref<2x256x128xf32, #tpu.memory_space<vmem>> -> memref<1x128x128xf32, #tpu.memory_space<vmem>>
    %dma_wait3A_275 = tpu.memref_squeeze %dma_wait3A_274 : memref<1x128x128xf32, #tpu.memory_space<vmem>> -> memref<128x128xf32, #tpu.memory_space<vmem>>
    %dma_wait3A_276 = arith.constant 0 : i32
    %dma_wait3A_277 = tpu.memref_slice %arg5[%dma_wait3A_269, %dma_wait3A_270, %dma_wait3A_276] : memref<2x2x128xi32, #tpu.memory_space<vmem>> -> memref<1x1x128xi32, #tpu.memory_space<vmem>>
    %dma_wait3A_278 = tpu.memref_squeeze %dma_wait3A_277 : memref<1x1x128xi32, #tpu.memory_space<vmem>> -> memref<128xi32, #tpu.memory_space<vmem>>
    %dma_wait3A_279 = arith.constant 0 : i32
    %dma_wait3A_280 = arith.constant 0 : i32
    %dma_wait3A_281 = tpu.memref_slice %arg3[%dma_wait3A_279, %dma_wait3A_280] : memref<1000000x128xf32, #tpu.memory_space<hbm>> -> memref<1000000x128xf32, #tpu.memory_space<hbm>>
    tpu.wait_indirect_dma semaphore(%arg7 : memref<!tpu.dma_semaphore, #tpu.memory_space<semaphore_mem>>) src(%dma_wait3A_281 : memref<1000000x128xf32, #tpu.memory_space<hbm>>) dst(%dma_wait3A_275 : memref<128x128xf32, #tpu.memory_space<vmem>>)
    %dma_wait3A_282 = arith.constant 1 : i32
    %dma_wait3A_283 = arith.constant 1 : i32
    %dma_wait3A_284 = arith.constant 1 : i32
    %dma_wait3A_285 = arith.constant 128 : i32
    %dma_wait3A_286 = arith.constant 0 : i32
    %dma_wait3A_287 = tpu.memref_slice %arg6[%dma_wait3A_284, %dma_wait3A_285, %dma_wait3A_286] : memref<2x256x128xf32, #tpu.memory_space<vmem>> -> memref<1x128x128xf32, #tpu.memory_space<vmem>>
    %dma_wait3A_288 = tpu.memref_squeeze %dma_wait3A_287 : memref<1x128x128xf32, #tpu.memory_space<vmem>> -> memref<128x128xf32, #tpu.memory_space<vmem>>
    %dma_wait3A_289 = arith.constant 0 : i32
    %dma_wait3A_290 = tpu.memref_slice %arg5[%dma_wait3A_282, %dma_wait3A_283, %dma_wait3A_289] : memref<2x2x128xi32, #tpu.memory_space<vmem>> -> memref<1x1x128xi32, #tpu.memory_space<vmem>>
    %dma_wait3A_291 = tpu.memref_squeeze %dma_wait3A_290 : memref<1x1x128xi32, #tpu.memory_space<vmem>> -> memref<128xi32, #tpu.memory_space<vmem>>
    %dma_wait3A_292 = arith.constant 0 : i32
    %dma_wait3A_293 = arith.constant 0 : i32
    %dma_wait3A_294 = tpu.memref_slice %arg3[%dma_wait3A_292, %dma_wait3A_293] : memref<1000000x128xf32, #tpu.memory_space<hbm>> -> memref<1000000x128xf32, #tpu.memory_space<hbm>>
    tpu.wait_indirect_dma semaphore(%arg7 : memref<!tpu.dma_semaphore, #tpu.memory_space<semaphore_mem>>) src(%dma_wait3A_294 : memref<1000000x128xf32, #tpu.memory_space<hbm>>) dst(%dma_wait3A_288 : memref<128x128xf32, #tpu.memory_space<vmem>>)
    %add3A_295 = arith.constant 768 : i32
    %add3A_296 = arith.addi %mul3A_6, %add3A_295 : i32
    %dma_start3A_297 = arith.constant 1 : i32
    %dma_start3A_298 = arith.constant 0 : i32
    %dma_start3A_299 = arith.constant 0 : i32
    %dma_start3A_300 = tpu.memref_slice %arg6[%dma_start3A_297, %dma_start3A_298, %dma_start3A_299] : memref<2x256x128xf32, #tpu.memory_space<vmem>> -> memref<1x256x128xf32, #tpu.memory_space<vmem>>
    %dma_start3A_301 = tpu.memref_squeeze %dma_start3A_300 : memref<1x256x128xf32, #tpu.memory_space<vmem>> -> memref<256x128xf32, #tpu.memory_space<vmem>>
    %dma_start3A_302 = arith.constant 0 : i32
    %dma_start3A_303 = tpu.memref_slice %arg4[%add3A_296, %dma_start3A_302] : memref<204800x128xf32, #tpu.memory_space<hbm>> -> memref<256x128xf32, #tpu.memory_space<hbm>>
    %dma_start3A_304 = arith.constant 0 : i32
    %dma_start3A_305 = tpu.memref_slice %arg4[%add3A_296, %dma_start3A_304] : memref<204800x128xf32, #tpu.memory_space<hbm>> -> memref<256x128xf32, #tpu.memory_space<hbm>>
    %dma_start3A_306 = arith.constant 0 : i32
    %dma_start3A_307 = arith.constant 0 : i32
    %dma_start3A_308 = tpu.memref_slice %arg6[%dma_start3A_297, %dma_start3A_306, %dma_start3A_307] : memref<2x256x128xf32, #tpu.memory_space<vmem>> -> memref<1x256x128xf32, #tpu.memory_space<vmem>>
    %dma_start3A_309 = tpu.memref_squeeze %dma_start3A_308 : memref<1x256x128xf32, #tpu.memory_space<vmem>> -> memref<256x128xf32, #tpu.memory_space<vmem>>
    tpu.enqueue_dma source(%dma_start3A_309 : memref<256x128xf32, #tpu.memory_space<vmem>>) target(%dma_start3A_305 : memref<256x128xf32, #tpu.memory_space<hbm>>) target_semaphore(%arg9 : memref<!tpu.dma_semaphore, #tpu.memory_space<semaphore_mem>>)
    %dma_wait3A_310 = arith.constant 0 : i32
    %dma_wait3A_311 = arith.constant 0 : i32
    %dma_wait3A_312 = arith.constant 0 : i32
    %dma_wait3A_313 = tpu.memref_slice %arg6[%dma_wait3A_310, %dma_wait3A_311, %dma_wait3A_312] : memref<2x256x128xf32, #tpu.memory_space<vmem>> -> memref<1x256x128xf32, #tpu.memory_space<vmem>>
    %dma_wait3A_314 = tpu.memref_squeeze %dma_wait3A_313 : memref<1x256x128xf32, #tpu.memory_space<vmem>> -> memref<256x128xf32, #tpu.memory_space<vmem>>
    %dma_wait3A_315 = arith.constant 0 : i32
    %dma_wait3A_316 = tpu.memref_slice %arg4[%add3A_213, %dma_wait3A_315] : memref<204800x128xf32, #tpu.memory_space<hbm>> -> memref<256x128xf32, #tpu.memory_space<hbm>>
    %dma_wait3A_317 = arith.constant 0 : i32
    %dma_wait3A_318 = tpu.memref_slice %arg4[%add3A_213, %dma_wait3A_317] : memref<204800x128xf32, #tpu.memory_space<hbm>> -> memref<256x128xf32, #tpu.memory_space<hbm>>
    %dma_wait3A_319 = arith.constant 0 : i32
    %dma_wait3A_320 = arith.constant 0 : i32
    %dma_wait3A_321 = tpu.memref_slice %arg6[%dma_wait3A_310, %dma_wait3A_319, %dma_wait3A_320] : memref<2x256x128xf32, #tpu.memory_space<vmem>> -> memref<1x256x128xf32, #tpu.memory_space<vmem>>
    %dma_wait3A_322 = tpu.memref_squeeze %dma_wait3A_321 : memref<1x256x128xf32, #tpu.memory_space<vmem>> -> memref<256x128xf32, #tpu.memory_space<vmem>>
    tpu.wait_dma2 semaphore(%arg8 : memref<!tpu.dma_semaphore, #tpu.memory_space<semaphore_mem>>) src(%dma_wait3A_322 : memref<256x128xf32, #tpu.memory_space<vmem>>) dst(%dma_wait3A_318 : memref<256x128xf32, #tpu.memory_space<hbm>>)
    %add3A_323 = arith.constant 8 : i32
    %add3A_324 = arith.addi %mul3A_2, %add3A_323 : i32
    %run_scoped3A_325 = arith.constant 0 : i32
    "tpu.region"() ({
      %run_scoped3A_2079 = tpu.sem_alloc : memref<!tpu.dma_semaphore, #tpu.memory_space<semaphore_mem>>
      %dma_start3A_2080 = arith.constant 0 : i32
      %dma_start3A_2081 = arith.constant 0 : i32
      %dma_start3A_2082 = tpu.memref_slice %arg5[%run_scoped3A_325, %dma_start3A_2080, %dma_start3A_2081] : memref<2x2x128xi32, #tpu.memory_space<vmem>> -> memref<1x2x128xi32, #tpu.memory_space<vmem>>
      %dma_start3A_2083 = tpu.memref_squeeze %dma_start3A_2082 : memref<1x2x128xi32, #tpu.memory_space<vmem>> -> memref<2x128xi32, #tpu.memory_space<vmem>>
      %dma_start3A_2084 = arith.constant 0 : i32
      %dma_start3A_2085 = tpu.memref_slice %arg2[%add3A_324, %dma_start3A_2084] : memref<1600x128xi32, #tpu.memory_space<hbm>> -> memref<2x128xi32, #tpu.memory_space<hbm>>
      %dma_start3A_2086 = arith.constant 0 : i32
      %dma_start3A_2087 = arith.constant 0 : i32
      %dma_start3A_2088 = tpu.memref_slice %arg5[%run_scoped3A_325, %dma_start3A_2086, %dma_start3A_2087] : memref<2x2x128xi32, #tpu.memory_space<vmem>> -> memref<1x2x128xi32, #tpu.memory_space<vmem>>
      %dma_start3A_2089 = tpu.memref_squeeze %dma_start3A_2088 : memref<1x2x128xi32, #tpu.memory_space<vmem>> -> memref<2x128xi32, #tpu.memory_space<vmem>>
      %dma_start3A_2090 = arith.constant 0 : i32
      %dma_start3A_2091 = tpu.memref_slice %arg2[%add3A_324, %dma_start3A_2090] : memref<1600x128xi32, #tpu.memory_space<hbm>> -> memref<2x128xi32, #tpu.memory_space<hbm>>
      tpu.enqueue_dma source(%dma_start3A_2091 : memref<2x128xi32, #tpu.memory_space<hbm>>) target(%dma_start3A_2089 : memref<2x128xi32, #tpu.memory_space<vmem>>) target_semaphore(%run_scoped3A_2079 : memref<!tpu.dma_semaphore, #tpu.memory_space<semaphore_mem>>)
      %dma_wait3A_2092 = arith.constant 0 : i32
      %dma_wait3A_2093 = arith.constant 0 : i32
      %dma_wait3A_2094 = tpu.memref_slice %arg5[%run_scoped3A_325, %dma_wait3A_2092, %dma_wait3A_2093] : memref<2x2x128xi32, #tpu.memory_space<vmem>> -> memref<1x2x128xi32, #tpu.memory_space<vmem>>
      %dma_wait3A_2095 = tpu.memref_squeeze %dma_wait3A_2094 : memref<1x2x128xi32, #tpu.memory_space<vmem>> -> memref<2x128xi32, #tpu.memory_space<vmem>>
      %dma_wait3A_2096 = arith.constant 0 : i32
      %dma_wait3A_2097 = tpu.memref_slice %arg2[%add3A_324, %dma_wait3A_2096] : memref<1600x128xi32, #tpu.memory_space<hbm>> -> memref<2x128xi32, #tpu.memory_space<hbm>>
      %dma_wait3A_2098 = arith.constant 0 : i32
      %dma_wait3A_2099 = arith.constant 0 : i32
      %dma_wait3A_2100 = tpu.memref_slice %arg5[%run_scoped3A_325, %dma_wait3A_2098, %dma_wait3A_2099] : memref<2x2x128xi32, #tpu.memory_space<vmem>> -> memref<1x2x128xi32, #tpu.memory_space<vmem>>
      %dma_wait3A_2101 = tpu.memref_squeeze %dma_wait3A_2100 : memref<1x2x128xi32, #tpu.memory_space<vmem>> -> memref<2x128xi32, #tpu.memory_space<vmem>>
      %dma_wait3A_2102 = arith.constant 0 : i32
      %dma_wait3A_2103 = tpu.memref_slice %arg2[%add3A_324, %dma_wait3A_2102] : memref<1600x128xi32, #tpu.memory_space<hbm>> -> memref<2x128xi32, #tpu.memory_space<hbm>>
      tpu.wait_dma2 semaphore(%run_scoped3A_2079 : memref<!tpu.dma_semaphore, #tpu.memory_space<semaphore_mem>>) src(%dma_wait3A_2103 : memref<2x128xi32, #tpu.memory_space<hbm>>) dst(%dma_wait3A_2101 : memref<2x128xi32, #tpu.memory_space<vmem>>)
      tpu.yield
    }) : () -> ()
    %dma_start3A_326 = arith.constant 0 : i32
    %dma_start3A_327 = arith.constant 0 : i32
    %dma_start3A_328 = arith.constant 0 : i32
    %dma_start3A_329 = arith.constant 0 : i32
    %dma_start3A_330 = arith.constant 0 : i32
    %dma_start3A_331 = tpu.memref_slice %arg6[%dma_start3A_328, %dma_start3A_329, %dma_start3A_330] : memref<2x256x128xf32, #tpu.memory_space<vmem>> -> memref<1x128x128xf32, #tpu.memory_space<vmem>>
    %dma_start3A_332 = tpu.memref_squeeze %dma_start3A_331 : memref<1x128x128xf32, #tpu.memory_space<vmem>> -> memref<128x128xf32, #tpu.memory_space<vmem>>
    %dma_start3A_333 = arith.constant 0 : i32
    %dma_start3A_334 = tpu.memref_slice %arg5[%dma_start3A_326, %dma_start3A_327, %dma_start3A_333] : memref<2x2x128xi32, #tpu.memory_space<vmem>> -> memref<1x1x128xi32, #tpu.memory_space<vmem>>
    %dma_start3A_335 = tpu.memref_squeeze %dma_start3A_334 : memref<1x1x128xi32, #tpu.memory_space<vmem>> -> memref<128xi32, #tpu.memory_space<vmem>>
    %dma_start3A_336 = arith.constant 0 : i32
    %dma_start3A_337 = arith.constant 0 : i32
    %dma_start3A_338 = tpu.memref_slice %arg3[%dma_start3A_336, %dma_start3A_337] : memref<1000000x128xf32, #tpu.memory_space<hbm>> -> memref<1000000x128xf32, #tpu.memory_space<hbm>>
    tpu.enqueue_indirect_dma source(%dma_start3A_338 : memref<1000000x128xf32, #tpu.memory_space<hbm>>) target(%dma_start3A_332 : memref<128x128xf32, #tpu.memory_space<vmem>>) offsets(%dma_start3A_335 : memref<128xi32, #tpu.memory_space<vmem>>) semaphore(%arg7 : memref<!tpu.dma_semaphore, #tpu.memory_space<semaphore_mem>>)
    %dma_start3A_339 = arith.constant 0 : i32
    %dma_start3A_340 = arith.constant 1 : i32
    %dma_start3A_341 = arith.constant 0 : i32
    %dma_start3A_342 = arith.constant 128 : i32
    %dma_start3A_343 = arith.constant 0 : i32
    %dma_start3A_344 = tpu.memref_slice %arg6[%dma_start3A_341, %dma_start3A_342, %dma_start3A_343] : memref<2x256x128xf32, #tpu.memory_space<vmem>> -> memref<1x128x128xf32, #tpu.memory_space<vmem>>
    %dma_start3A_345 = tpu.memref_squeeze %dma_start3A_344 : memref<1x128x128xf32, #tpu.memory_space<vmem>> -> memref<128x128xf32, #tpu.memory_space<vmem>>
    %dma_start3A_346 = arith.constant 0 : i32
    %dma_start3A_347 = tpu.memref_slice %arg5[%dma_start3A_339, %dma_start3A_340, %dma_start3A_346] : memref<2x2x128xi32, #tpu.memory_space<vmem>> -> memref<1x1x128xi32, #tpu.memory_space<vmem>>
    %dma_start3A_348 = tpu.memref_squeeze %dma_start3A_347 : memref<1x1x128xi32, #tpu.memory_space<vmem>> -> memref<128xi32, #tpu.memory_space<vmem>>
    %dma_start3A_349 = arith.constant 0 : i32
    %dma_start3A_350 = arith.constant 0 : i32
    %dma_start3A_351 = tpu.memref_slice %arg3[%dma_start3A_349, %dma_start3A_350] : memref<1000000x128xf32, #tpu.memory_space<hbm>> -> memref<1000000x128xf32, #tpu.memory_space<hbm>>
    tpu.enqueue_indirect_dma source(%dma_start3A_351 : memref<1000000x128xf32, #tpu.memory_space<hbm>>) target(%dma_start3A_345 : memref<128x128xf32, #tpu.memory_space<vmem>>) offsets(%dma_start3A_348 : memref<128xi32, #tpu.memory_space<vmem>>) semaphore(%arg7 : memref<!tpu.dma_semaphore, #tpu.memory_space<semaphore_mem>>)
    %dma_wait3A_352 = arith.constant 0 : i32
    %dma_wait3A_353 = arith.constant 0 : i32
    %dma_wait3A_354 = arith.constant 0 : i32
    %dma_wait3A_355 = arith.constant 0 : i32
    %dma_wait3A_356 = arith.constant 0 : i32
    %dma_wait3A_357 = tpu.memref_slice %arg6[%dma_wait3A_354, %dma_wait3A_355, %dma_wait3A_356] : memref<2x256x128xf32, #tpu.memory_space<vmem>> -> memref<1x128x128xf32, #tpu.memory_space<vmem>>
    %dma_wait3A_358 = tpu.memref_squeeze %dma_wait3A_357 : memref<1x128x128xf32, #tpu.memory_space<vmem>> -> memref<128x128xf32, #tpu.memory_space<vmem>>
    %dma_wait3A_359 = arith.constant 0 : i32
    %dma_wait3A_360 = tpu.memref_slice %arg5[%dma_wait3A_352, %dma_wait3A_353, %dma_wait3A_359] : memref<2x2x128xi32, #tpu.memory_space<vmem>> -> memref<1x1x128xi32, #tpu.memory_space<vmem>>
    %dma_wait3A_361 = tpu.memref_squeeze %dma_wait3A_360 : memref<1x1x128xi32, #tpu.memory_space<vmem>> -> memref<128xi32, #tpu.memory_space<vmem>>
    %dma_wait3A_362 = arith.constant 0 : i32
    %dma_wait3A_363 = arith.constant 0 : i32
    %dma_wait3A_364 = tpu.memref_slice %arg3[%dma_wait3A_362, %dma_wait3A_363] : memref<1000000x128xf32, #tpu.memory_space<hbm>> -> memref<1000000x128xf32, #tpu.memory_space<hbm>>
    tpu.wait_indirect_dma semaphore(%arg7 : memref<!tpu.dma_semaphore, #tpu.memory_space<semaphore_mem>>) src(%dma_wait3A_364 : memref<1000000x128xf32, #tpu.memory_space<hbm>>) dst(%dma_wait3A_358 : memref<128x128xf32, #tpu.memory_space<vmem>>)
    %dma_wait3A_365 = arith.constant 0 : i32
    %dma_wait3A_366 = arith.constant 1 : i32
    %dma_wait3A_367 = arith.constant 0 : i32
    %dma_wait3A_368 = arith.constant 128 : i32
    %dma_wait3A_369 = arith.constant 0 : i32
    %dma_wait3A_370 = tpu.memref_slice %arg6[%dma_wait3A_367, %dma_wait3A_368, %dma_wait3A_369] : memref<2x256x128xf32, #tpu.memory_space<vmem>> -> memref<1x128x128xf32, #tpu.memory_space<vmem>>
    %dma_wait3A_371 = tpu.memref_squeeze %dma_wait3A_370 : memref<1x128x128xf32, #tpu.memory_space<vmem>> -> memref<128x128xf32, #tpu.memory_space<vmem>>
    %dma_wait3A_372 = arith.constant 0 : i32
    %dma_wait3A_373 = tpu.memref_slice %arg5[%dma_wait3A_365, %dma_wait3A_366, %dma_wait3A_372] : memref<2x2x128xi32, #tpu.memory_space<vmem>> -> memref<1x1x128xi32, #tpu.memory_space<vmem>>
    %dma_wait3A_374 = tpu.memref_squeeze %dma_wait3A_373 : memref<1x1x128xi32, #tpu.memory_space<vmem>> -> memref<128xi32, #tpu.memory_space<vmem>>
    %dma_wait3A_375 = arith.constant 0 : i32
    %dma_wait3A_376 = arith.constant 0 : i32
    %dma_wait3A_377 = tpu.memref_slice %arg3[%dma_wait3A_375, %dma_wait3A_376] : memref<1000000x128xf32, #tpu.memory_space<hbm>> -> memref<1000000x128xf32, #tpu.memory_space<hbm>>
    tpu.wait_indirect_dma semaphore(%arg7 : memref<!tpu.dma_semaphore, #tpu.memory_space<semaphore_mem>>) src(%dma_wait3A_377 : memref<1000000x128xf32, #tpu.memory_space<hbm>>) dst(%dma_wait3A_371 : memref<128x128xf32, #tpu.memory_space<vmem>>)
    %add3A_378 = arith.constant 1024 : i32
    %add3A_379 = arith.addi %mul3A_6, %add3A_378 : i32
    %dma_start3A_380 = arith.constant 0 : i32
    %dma_start3A_381 = arith.constant 0 : i32
    %dma_start3A_382 = arith.constant 0 : i32
    %dma_start3A_383 = tpu.memref_slice %arg6[%dma_start3A_380, %dma_start3A_381, %dma_start3A_382] : memref<2x256x128xf32, #tpu.memory_space<vmem>> -> memref<1x256x128xf32, #tpu.memory_space<vmem>>
    %dma_start3A_384 = tpu.memref_squeeze %dma_start3A_383 : memref<1x256x128xf32, #tpu.memory_space<vmem>> -> memref<256x128xf32, #tpu.memory_space<vmem>>
    %dma_start3A_385 = arith.constant 0 : i32
    %dma_start3A_386 = tpu.memref_slice %arg4[%add3A_379, %dma_start3A_385] : memref<204800x128xf32, #tpu.memory_space<hbm>> -> memref<256x128xf32, #tpu.memory_space<hbm>>
    %dma_start3A_387 = arith.constant 0 : i32
    %dma_start3A_388 = tpu.memref_slice %arg4[%add3A_379, %dma_start3A_387] : memref<204800x128xf32, #tpu.memory_space<hbm>> -> memref<256x128xf32, #tpu.memory_space<hbm>>
    %dma_start3A_389 = arith.constant 0 : i32
    %dma_start3A_390 = arith.constant 0 : i32
    %dma_start3A_391 = tpu.memref_slice %arg6[%dma_start3A_380, %dma_start3A_389, %dma_start3A_390] : memref<2x256x128xf32, #tpu.memory_space<vmem>> -> memref<1x256x128xf32, #tpu.memory_space<vmem>>
    %dma_start3A_392 = tpu.memref_squeeze %dma_start3A_391 : memref<1x256x128xf32, #tpu.memory_space<vmem>> -> memref<256x128xf32, #tpu.memory_space<vmem>>
    tpu.enqueue_dma source(%dma_start3A_392 : memref<256x128xf32, #tpu.memory_space<vmem>>) target(%dma_start3A_388 : memref<256x128xf32, #tpu.memory_space<hbm>>) target_semaphore(%arg8 : memref<!tpu.dma_semaphore, #tpu.memory_space<semaphore_mem>>)
    %dma_wait3A_393 = arith.constant 1 : i32
    %dma_wait3A_394 = arith.constant 0 : i32
    %dma_wait3A_395 = arith.constant 0 : i32
    %dma_wait3A_396 = tpu.memref_slice %arg6[%dma_wait3A_393, %dma_wait3A_394, %dma_wait3A_395] : memref<2x256x128xf32, #tpu.memory_space<vmem>> -> memref<1x256x128xf32, #tpu.memory_space<vmem>>
    %dma_wait3A_397 = tpu.memref_squeeze %dma_wait3A_396 : memref<1x256x128xf32, #tpu.memory_space<vmem>> -> memref<256x128xf32, #tpu.memory_space<vmem>>
    %dma_wait3A_398 = arith.constant 0 : i32
    %dma_wait3A_399 = tpu.memref_slice %arg4[%add3A_296, %dma_wait3A_398] : memref<204800x128xf32, #tpu.memory_space<hbm>> -> memref<256x128xf32, #tpu.memory_space<hbm>>
    %dma_wait3A_400 = arith.constant 0 : i32
    %dma_wait3A_401 = tpu.memref_slice %arg4[%add3A_296, %dma_wait3A_400] : memref<204800x128xf32, #tpu.memory_space<hbm>> -> memref<256x128xf32, #tpu.memory_space<hbm>>
    %dma_wait3A_402 = arith.constant 0 : i32
    %dma_wait3A_403 = arith.constant 0 : i32
    %dma_wait3A_404 = tpu.memref_slice %arg6[%dma_wait3A_393, %dma_wait3A_402, %dma_wait3A_403] : memref<2x256x128xf32, #tpu.memory_space<vmem>> -> memref<1x256x128xf32, #tpu.memory_space<vmem>>
    %dma_wait3A_405 = tpu.memref_squeeze %dma_wait3A_404 : memref<1x256x128xf32, #tpu.memory_space<vmem>> -> memref<256x128xf32, #tpu.memory_space<vmem>>
    tpu.wait_dma2 semaphore(%arg9 : memref<!tpu.dma_semaphore, #tpu.memory_space<semaphore_mem>>) src(%dma_wait3A_405 : memref<256x128xf32, #tpu.memory_space<vmem>>) dst(%dma_wait3A_401 : memref<256x128xf32, #tpu.memory_space<hbm>>)
    %add3A_406 = arith.constant 10 : i32
    %add3A_407 = arith.addi %mul3A_2, %add3A_406 : i32
    %run_scoped3A_408 = arith.constant 1 : i32
    "tpu.region"() ({
      %run_scoped3A_2079 = tpu.sem_alloc : memref<!tpu.dma_semaphore, #tpu.memory_space<semaphore_mem>>
      %dma_start3A_2080 = arith.constant 0 : i32
      %dma_start3A_2081 = arith.constant 0 : i32
      %dma_start3A_2082 = tpu.memref_slice %arg5[%run_scoped3A_408, %dma_start3A_2080, %dma_start3A_2081] : memref<2x2x128xi32, #tpu.memory_space<vmem>> -> memref<1x2x128xi32, #tpu.memory_space<vmem>>
      %dma_start3A_2083 = tpu.memref_squeeze %dma_start3A_2082 : memref<1x2x128xi32, #tpu.memory_space<vmem>> -> memref<2x128xi32, #tpu.memory_space<vmem>>
      %dma_start3A_2084 = arith.constant 0 : i32
      %dma_start3A_2085 = tpu.memref_slice %arg2[%add3A_407, %dma_start3A_2084] : memref<1600x128xi32, #tpu.memory_space<hbm>> -> memref<2x128xi32, #tpu.memory_space<hbm>>
      %dma_start3A_2086 = arith.constant 0 : i32
      %dma_start3A_2087 = arith.constant 0 : i32
      %dma_start3A_2088 = tpu.memref_slice %arg5[%run_scoped3A_408, %dma_start3A_2086, %dma_start3A_2087] : memref<2x2x128xi32, #tpu.memory_space<vmem>> -> memref<1x2x128xi32, #tpu.memory_space<vmem>>
      %dma_start3A_2089 = tpu.memref_squeeze %dma_start3A_2088 : memref<1x2x128xi32, #tpu.memory_space<vmem>> -> memref<2x128xi32, #tpu.memory_space<vmem>>
      %dma_start3A_2090 = arith.constant 0 : i32
      %dma_start3A_2091 = tpu.memref_slice %arg2[%add3A_407, %dma_start3A_2090] : memref<1600x128xi32, #tpu.memory_space<hbm>> -> memref<2x128xi32, #tpu.memory_space<hbm>>
      tpu.enqueue_dma source(%dma_start3A_2091 : memref<2x128xi32, #tpu.memory_space<hbm>>) target(%dma_start3A_2089 : memref<2x128xi32, #tpu.memory_space<vmem>>) target_semaphore(%run_scoped3A_2079 : memref<!tpu.dma_semaphore, #tpu.memory_space<semaphore_mem>>)
      %dma_wait3A_2092 = arith.constant 0 : i32
      %dma_wait3A_2093 = arith.constant 0 : i32
      %dma_wait3A_2094 = tpu.memref_slice %arg5[%run_scoped3A_408, %dma_wait3A_2092, %dma_wait3A_2093] : memref<2x2x128xi32, #tpu.memory_space<vmem>> -> memref<1x2x128xi32, #tpu.memory_space<vmem>>
      %dma_wait3A_2095 = tpu.memref_squeeze %dma_wait3A_2094 : memref<1x2x128xi32, #tpu.memory_space<vmem>> -> memref<2x128xi32, #tpu.memory_space<vmem>>
      %dma_wait3A_2096 = arith.constant 0 : i32
      %dma_wait3A_2097 = tpu.memref_slice %arg2[%add3A_407, %dma_wait3A_2096] : memref<1600x128xi32, #tpu.memory_space<hbm>> -> memref<2x128xi32, #tpu.memory_space<hbm>>
      %dma_wait3A_2098 = arith.constant 0 : i32
      %dma_wait3A_2099 = arith.constant 0 : i32
      %dma_wait3A_2100 = tpu.memref_slice %arg5[%run_scoped3A_408, %dma_wait3A_2098, %dma_wait3A_2099] : memref<2x2x128xi32, #tpu.memory_space<vmem>> -> memref<1x2x128xi32, #tpu.memory_space<vmem>>
      %dma_wait3A_2101 = tpu.memref_squeeze %dma_wait3A_2100 : memref<1x2x128xi32, #tpu.memory_space<vmem>> -> memref<2x128xi32, #tpu.memory_space<vmem>>
      %dma_wait3A_2102 = arith.constant 0 : i32
      %dma_wait3A_2103 = tpu.memref_slice %arg2[%add3A_407, %dma_wait3A_2102] : memref<1600x128xi32, #tpu.memory_space<hbm>> -> memref<2x128xi32, #tpu.memory_space<hbm>>
      tpu.wait_dma2 semaphore(%run_scoped3A_2079 : memref<!tpu.dma_semaphore, #tpu.memory_space<semaphore_mem>>) src(%dma_wait3A_2103 : memref<2x128xi32, #tpu.memory_space<hbm>>) dst(%dma_wait3A_2101 : memref<2x128xi32, #tpu.memory_space<vmem>>)
      tpu.yield
    }) : () -> ()
    %dma_start3A_409 = arith.constant 1 : i32
    %dma_start3A_410 = arith.constant 0 : i32
    %dma_start3A_411 = arith.constant 1 : i32
    %dma_start3A_412 = arith.constant 0 : i32
    %dma_start3A_413 = arith.constant 0 : i32
    %dma_start3A_414 = tpu.memref_slice %arg6[%dma_start3A_411, %dma_start3A_412, %dma_start3A_413] : memref<2x256x128xf32, #tpu.memory_space<vmem>> -> memref<1x128x128xf32, #tpu.memory_space<vmem>>
    %dma_start3A_415 = tpu.memref_squeeze %dma_start3A_414 : memref<1x128x128xf32, #tpu.memory_space<vmem>> -> memref<128x128xf32, #tpu.memory_space<vmem>>
    %dma_start3A_416 = arith.constant 0 : i32
    %dma_start3A_417 = tpu.memref_slice %arg5[%dma_start3A_409, %dma_start3A_410, %dma_start3A_416] : memref<2x2x128xi32, #tpu.memory_space<vmem>> -> memref<1x1x128xi32, #tpu.memory_space<vmem>>
    %dma_start3A_418 = tpu.memref_squeeze %dma_start3A_417 : memref<1x1x128xi32, #tpu.memory_space<vmem>> -> memref<128xi32, #tpu.memory_space<vmem>>
    %dma_start3A_419 = arith.constant 0 : i32
    %dma_start3A_420 = arith.constant 0 : i32
    %dma_start3A_421 = tpu.memref_slice %arg3[%dma_start3A_419, %dma_start3A_420] : memref<1000000x128xf32, #tpu.memory_space<hbm>> -> memref<1000000x128xf32, #tpu.memory_space<hbm>>
    tpu.enqueue_indirect_dma source(%dma_start3A_421 : memref<1000000x128xf32, #tpu.memory_space<hbm>>) target(%dma_start3A_415 : memref<128x128xf32, #tpu.memory_space<vmem>>) offsets(%dma_start3A_418 : memref<128xi32, #tpu.memory_space<vmem>>) semaphore(%arg7 : memref<!tpu.dma_semaphore, #tpu.memory_space<semaphore_mem>>)
    %dma_start3A_422 = arith.constant 1 : i32
    %dma_start3A_423 = arith.constant 1 : i32
    %dma_start3A_424 = arith.constant 1 : i32
    %dma_start3A_425 = arith.constant 128 : i32
    %dma_start3A_426 = arith.constant 0 : i32
    %dma_start3A_427 = tpu.memref_slice %arg6[%dma_start3A_424, %dma_start3A_425, %dma_start3A_426] : memref<2x256x128xf32, #tpu.memory_space<vmem>> -> memref<1x128x128xf32, #tpu.memory_space<vmem>>
    %dma_start3A_428 = tpu.memref_squeeze %dma_start3A_427 : memref<1x128x128xf32, #tpu.memory_space<vmem>> -> memref<128x128xf32, #tpu.memory_space<vmem>>
    %dma_start3A_429 = arith.constant 0 : i32
    %dma_start3A_430 = tpu.memref_slice %arg5[%dma_start3A_422, %dma_start3A_423, %dma_start3A_429] : memref<2x2x128xi32, #tpu.memory_space<vmem>> -> memref<1x1x128xi32, #tpu.memory_space<vmem>>
    %dma_start3A_431 = tpu.memref_squeeze %dma_start3A_430 : memref<1x1x128xi32, #tpu.memory_space<vmem>> -> memref<128xi32, #tpu.memory_space<vmem>>
    %dma_start3A_432 = arith.constant 0 : i32
    %dma_start3A_433 = arith.constant 0 : i32
    %dma_start3A_434 = tpu.memref_slice %arg3[%dma_start3A_432, %dma_start3A_433] : memref<1000000x128xf32, #tpu.memory_space<hbm>> -> memref<1000000x128xf32, #tpu.memory_space<hbm>>
    tpu.enqueue_indirect_dma source(%dma_start3A_434 : memref<1000000x128xf32, #tpu.memory_space<hbm>>) target(%dma_start3A_428 : memref<128x128xf32, #tpu.memory_space<vmem>>) offsets(%dma_start3A_431 : memref<128xi32, #tpu.memory_space<vmem>>) semaphore(%arg7 : memref<!tpu.dma_semaphore, #tpu.memory_space<semaphore_mem>>)
    %dma_wait3A_435 = arith.constant 1 : i32
    %dma_wait3A_436 = arith.constant 0 : i32
    %dma_wait3A_437 = arith.constant 1 : i32
    %dma_wait3A_438 = arith.constant 0 : i32
    %dma_wait3A_439 = arith.constant 0 : i32
    %dma_wait3A_440 = tpu.memref_slice %arg6[%dma_wait3A_437, %dma_wait3A_438, %dma_wait3A_439] : memref<2x256x128xf32, #tpu.memory_space<vmem>> -> memref<1x128x128xf32, #tpu.memory_space<vmem>>
    %dma_wait3A_441 = tpu.memref_squeeze %dma_wait3A_440 : memref<1x128x128xf32, #tpu.memory_space<vmem>> -> memref<128x128xf32, #tpu.memory_space<vmem>>
    %dma_wait3A_442 = arith.constant 0 : i32
    %dma_wait3A_443 = tpu.memref_slice %arg5[%dma_wait3A_435, %dma_wait3A_436, %dma_wait3A_442] : memref<2x2x128xi32, #tpu.memory_space<vmem>> -> memref<1x1x128xi32, #tpu.memory_space<vmem>>
    %dma_wait3A_444 = tpu.memref_squeeze %dma_wait3A_443 : memref<1x1x128xi32, #tpu.memory_space<vmem>> -> memref<128xi32, #tpu.memory_space<vmem>>
    %dma_wait3A_445 = arith.constant 0 : i32
    %dma_wait3A_446 = arith.constant 0 : i32
    %dma_wait3A_447 = tpu.memref_slice %arg3[%dma_wait3A_445, %dma_wait3A_446] : memref<1000000x128xf32, #tpu.memory_space<hbm>> -> memref<1000000x128xf32, #tpu.memory_space<hbm>>
    tpu.wait_indirect_dma semaphore(%arg7 : memref<!tpu.dma_semaphore, #tpu.memory_space<semaphore_mem>>) src(%dma_wait3A_447 : memref<1000000x128xf32, #tpu.memory_space<hbm>>) dst(%dma_wait3A_441 : memref<128x128xf32, #tpu.memory_space<vmem>>)
    %dma_wait3A_448 = arith.constant 1 : i32
    %dma_wait3A_449 = arith.constant 1 : i32
    %dma_wait3A_450 = arith.constant 1 : i32
    %dma_wait3A_451 = arith.constant 128 : i32
    %dma_wait3A_452 = arith.constant 0 : i32
    %dma_wait3A_453 = tpu.memref_slice %arg6[%dma_wait3A_450, %dma_wait3A_451, %dma_wait3A_452] : memref<2x256x128xf32, #tpu.memory_space<vmem>> -> memref<1x128x128xf32, #tpu.memory_space<vmem>>
    %dma_wait3A_454 = tpu.memref_squeeze %dma_wait3A_453 : memref<1x128x128xf32, #tpu.memory_space<vmem>> -> memref<128x128xf32, #tpu.memory_space<vmem>>
    %dma_wait3A_455 = arith.constant 0 : i32
    %dma_wait3A_456 = tpu.memref_slice %arg5[%dma_wait3A_448, %dma_wait3A_449, %dma_wait3A_455] : memref<2x2x128xi32, #tpu.memory_space<vmem>> -> memref<1x1x128xi32, #tpu.memory_space<vmem>>
    %dma_wait3A_457 = tpu.memref_squeeze %dma_wait3A_456 : memref<1x1x128xi32, #tpu.memory_space<vmem>> -> memref<128xi32, #tpu.memory_space<vmem>>
    %dma_wait3A_458 = arith.constant 0 : i32
    %dma_wait3A_459 = arith.constant 0 : i32
    %dma_wait3A_460 = tpu.memref_slice %arg3[%dma_wait3A_458, %dma_wait3A_459] : memref<1000000x128xf32, #tpu.memory_space<hbm>> -> memref<1000000x128xf32, #tpu.memory_space<hbm>>
    tpu.wait_indirect_dma semaphore(%arg7 : memref<!tpu.dma_semaphore, #tpu.memory_space<semaphore_mem>>) src(%dma_wait3A_460 : memref<1000000x128xf32, #tpu.memory_space<hbm>>) dst(%dma_wait3A_454 : memref<128x128xf32, #tpu.memory_space<vmem>>)
    %add3A_461 = arith.constant 1280 : i32
    %add3A_462 = arith.addi %mul3A_6, %add3A_461 : i32
    %dma_start3A_463 = arith.constant 1 : i32
    %dma_start3A_464 = arith.constant 0 : i32
    %dma_start3A_465 = arith.constant 0 : i32
    %dma_start3A_466 = tpu.memref_slice %arg6[%dma_start3A_463, %dma_start3A_464, %dma_start3A_465] : memref<2x256x128xf32, #tpu.memory_space<vmem>> -> memref<1x256x128xf32, #tpu.memory_space<vmem>>
    %dma_start3A_467 = tpu.memref_squeeze %dma_start3A_466 : memref<1x256x128xf32, #tpu.memory_space<vmem>> -> memref<256x128xf32, #tpu.memory_space<vmem>>
    %dma_start3A_468 = arith.constant 0 : i32
    %dma_start3A_469 = tpu.memref_slice %arg4[%add3A_462, %dma_start3A_468] : memref<204800x128xf32, #tpu.memory_space<hbm>> -> memref<256x128xf32, #tpu.memory_space<hbm>>
    %dma_start3A_470 = arith.constant 0 : i32
    %dma_start3A_471 = tpu.memref_slice %arg4[%add3A_462, %dma_start3A_470] : memref<204800x128xf32, #tpu.memory_space<hbm>> -> memref<256x128xf32, #tpu.memory_space<hbm>>
    %dma_start3A_472 = arith.constant 0 : i32
    %dma_start3A_473 = arith.constant 0 : i32
    %dma_start3A_474 = tpu.memref_slice %arg6[%dma_start3A_463, %dma_start3A_472, %dma_start3A_473] : memref<2x256x128xf32, #tpu.memory_space<vmem>> -> memref<1x256x128xf32, #tpu.memory_space<vmem>>
    %dma_start3A_475 = tpu.memref_squeeze %dma_start3A_474 : memref<1x256x128xf32, #tpu.memory_space<vmem>> -> memref<256x128xf32, #tpu.memory_space<vmem>>
    tpu.enqueue_dma source(%dma_start3A_475 : memref<256x128xf32, #tpu.memory_space<vmem>>) target(%dma_start3A_471 : memref<256x128xf32, #tpu.memory_space<hbm>>) target_semaphore(%arg9 : memref<!tpu.dma_semaphore, #tpu.memory_space<semaphore_mem>>)
    %dma_wait3A_476 = arith.constant 0 : i32
    %dma_wait3A_477 = arith.constant 0 : i32
    %dma_wait3A_478 = arith.constant 0 : i32
    %dma_wait3A_479 = tpu.memref_slice %arg6[%dma_wait3A_476, %dma_wait3A_477, %dma_wait3A_478] : memref<2x256x128xf32, #tpu.memory_space<vmem>> -> memref<1x256x128xf32, #tpu.memory_space<vmem>>
    %dma_wait3A_480 = tpu.memref_squeeze %dma_wait3A_479 : memref<1x256x128xf32, #tpu.memory_space<vmem>> -> memref<256x128xf32, #tpu.memory_space<vmem>>
    %dma_wait3A_481 = arith.constant 0 : i32
    %dma_wait3A_482 = tpu.memref_slice %arg4[%add3A_379, %dma_wait3A_481] : memref<204800x128xf32, #tpu.memory_space<hbm>> -> memref<256x128xf32, #tpu.memory_space<hbm>>
    %dma_wait3A_483 = arith.constant 0 : i32
    %dma_wait3A_484 = tpu.memref_slice %arg4[%add3A_379, %dma_wait3A_483] : memref<204800x128xf32, #tpu.memory_space<hbm>> -> memref<256x128xf32, #tpu.memory_space<hbm>>
    %dma_wait3A_485 = arith.constant 0 : i32
    %dma_wait3A_486 = arith.constant 0 : i32
    %dma_wait3A_487 = tpu.memref_slice %arg6[%dma_wait3A_476, %dma_wait3A_485, %dma_wait3A_486] : memref<2x256x128xf32, #tpu.memory_space<vmem>> -> memref<1x256x128xf32, #tpu.memory_space<vmem>>
    %dma_wait3A_488 = tpu.memref_squeeze %dma_wait3A_487 : memref<1x256x128xf32, #tpu.memory_space<vmem>> -> memref<256x128xf32, #tpu.memory_space<vmem>>
    tpu.wait_dma2 semaphore(%arg8 : memref<!tpu.dma_semaphore, #tpu.memory_space<semaphore_mem>>) src(%dma_wait3A_488 : memref<256x128xf32, #tpu.memory_space<vmem>>) dst(%dma_wait3A_484 : memref<256x128xf32, #tpu.memory_space<hbm>>)
    %add3A_489 = arith.constant 12 : i32
    %add3A_490 = arith.addi %mul3A_2, %add3A_489 : i32
    %run_scoped3A_491 = arith.constant 0 : i32
    "tpu.region"() ({
      %run_scoped3A_2079 = tpu.sem_alloc : memref<!tpu.dma_semaphore, #tpu.memory_space<semaphore_mem>>
      %dma_start3A_2080 = arith.constant 0 : i32
      %dma_start3A_2081 = arith.constant 0 : i32
      %dma_start3A_2082 = tpu.memref_slice %arg5[%run_scoped3A_491, %dma_start3A_2080, %dma_start3A_2081] : memref<2x2x128xi32, #tpu.memory_space<vmem>> -> memref<1x2x128xi32, #tpu.memory_space<vmem>>
      %dma_start3A_2083 = tpu.memref_squeeze %dma_start3A_2082 : memref<1x2x128xi32, #tpu.memory_space<vmem>> -> memref<2x128xi32, #tpu.memory_space<vmem>>
      %dma_start3A_2084 = arith.constant 0 : i32
      %dma_start3A_2085 = tpu.memref_slice %arg2[%add3A_490, %dma_start3A_2084] : memref<1600x128xi32, #tpu.memory_space<hbm>> -> memref<2x128xi32, #tpu.memory_space<hbm>>
      %dma_start3A_2086 = arith.constant 0 : i32
      %dma_start3A_2087 = arith.constant 0 : i32
      %dma_start3A_2088 = tpu.memref_slice %arg5[%run_scoped3A_491, %dma_start3A_2086, %dma_start3A_2087] : memref<2x2x128xi32, #tpu.memory_space<vmem>> -> memref<1x2x128xi32, #tpu.memory_space<vmem>>
      %dma_start3A_2089 = tpu.memref_squeeze %dma_start3A_2088 : memref<1x2x128xi32, #tpu.memory_space<vmem>> -> memref<2x128xi32, #tpu.memory_space<vmem>>
      %dma_start3A_2090 = arith.constant 0 : i32
      %dma_start3A_2091 = tpu.memref_slice %arg2[%add3A_490, %dma_start3A_2090] : memref<1600x128xi32, #tpu.memory_space<hbm>> -> memref<2x128xi32, #tpu.memory_space<hbm>>
      tpu.enqueue_dma source(%dma_start3A_2091 : memref<2x128xi32, #tpu.memory_space<hbm>>) target(%dma_start3A_2089 : memref<2x128xi32, #tpu.memory_space<vmem>>) target_semaphore(%run_scoped3A_2079 : memref<!tpu.dma_semaphore, #tpu.memory_space<semaphore_mem>>)
      %dma_wait3A_2092 = arith.constant 0 : i32
      %dma_wait3A_2093 = arith.constant 0 : i32
      %dma_wait3A_2094 = tpu.memref_slice %arg5[%run_scoped3A_491, %dma_wait3A_2092, %dma_wait3A_2093] : memref<2x2x128xi32, #tpu.memory_space<vmem>> -> memref<1x2x128xi32, #tpu.memory_space<vmem>>
      %dma_wait3A_2095 = tpu.memref_squeeze %dma_wait3A_2094 : memref<1x2x128xi32, #tpu.memory_space<vmem>> -> memref<2x128xi32, #tpu.memory_space<vmem>>
      %dma_wait3A_2096 = arith.constant 0 : i32
      %dma_wait3A_2097 = tpu.memref_slice %arg2[%add3A_490, %dma_wait3A_2096] : memref<1600x128xi32, #tpu.memory_space<hbm>> -> memref<2x128xi32, #tpu.memory_space<hbm>>
      %dma_wait3A_2098 = arith.constant 0 : i32
      %dma_wait3A_2099 = arith.constant 0 : i32
      %dma_wait3A_2100 = tpu.memref_slice %arg5[%run_scoped3A_491, %dma_wait3A_2098, %dma_wait3A_2099] : memref<2x2x128xi32, #tpu.memory_space<vmem>> -> memref<1x2x128xi32, #tpu.memory_space<vmem>>
      %dma_wait3A_2101 = tpu.memref_squeeze %dma_wait3A_2100 : memref<1x2x128xi32, #tpu.memory_space<vmem>> -> memref<2x128xi32, #tpu.memory_space<vmem>>
      %dma_wait3A_2102 = arith.constant 0 : i32
      %dma_wait3A_2103 = tpu.memref_slice %arg2[%add3A_490, %dma_wait3A_2102] : memref<1600x128xi32, #tpu.memory_space<hbm>> -> memref<2x128xi32, #tpu.memory_space<hbm>>
      tpu.wait_dma2 semaphore(%run_scoped3A_2079 : memref<!tpu.dma_semaphore, #tpu.memory_space<semaphore_mem>>) src(%dma_wait3A_2103 : memref<2x128xi32, #tpu.memory_space<hbm>>) dst(%dma_wait3A_2101 : memref<2x128xi32, #tpu.memory_space<vmem>>)
      tpu.yield
    }) : () -> ()
    %dma_start3A_492 = arith.constant 0 : i32
    %dma_start3A_493 = arith.constant 0 : i32
    %dma_start3A_494 = arith.constant 0 : i32
    %dma_start3A_495 = arith.constant 0 : i32
    %dma_start3A_496 = arith.constant 0 : i32
    %dma_start3A_497 = tpu.memref_slice %arg6[%dma_start3A_494, %dma_start3A_495, %dma_start3A_496] : memref<2x256x128xf32, #tpu.memory_space<vmem>> -> memref<1x128x128xf32, #tpu.memory_space<vmem>>
    %dma_start3A_498 = tpu.memref_squeeze %dma_start3A_497 : memref<1x128x128xf32, #tpu.memory_space<vmem>> -> memref<128x128xf32, #tpu.memory_space<vmem>>
    %dma_start3A_499 = arith.constant 0 : i32
    %dma_start3A_500 = tpu.memref_slice %arg5[%dma_start3A_492, %dma_start3A_493, %dma_start3A_499] : memref<2x2x128xi32, #tpu.memory_space<vmem>> -> memref<1x1x128xi32, #tpu.memory_space<vmem>>
    %dma_start3A_501 = tpu.memref_squeeze %dma_start3A_500 : memref<1x1x128xi32, #tpu.memory_space<vmem>> -> memref<128xi32, #tpu.memory_space<vmem>>
    %dma_start3A_502 = arith.constant 0 : i32
    %dma_start3A_503 = arith.constant 0 : i32
    %dma_start3A_504 = tpu.memref_slice %arg3[%dma_start3A_502, %dma_start3A_503] : memref<1000000x128xf32, #tpu.memory_space<hbm>> -> memref<1000000x128xf32, #tpu.memory_space<hbm>>
    tpu.enqueue_indirect_dma source(%dma_start3A_504 : memref<1000000x128xf32, #tpu.memory_space<hbm>>) target(%dma_start3A_498 : memref<128x128xf32, #tpu.memory_space<vmem>>) offsets(%dma_start3A_501 : memref<128xi32, #tpu.memory_space<vmem>>) semaphore(%arg7 : memref<!tpu.dma_semaphore, #tpu.memory_space<semaphore_mem>>)
    %dma_start3A_505 = arith.constant 0 : i32
    %dma_start3A_506 = arith.constant 1 : i32
    %dma_start3A_507 = arith.constant 0 : i32
    %dma_start3A_508 = arith.constant 128 : i32
    %dma_start3A_509 = arith.constant 0 : i32
    %dma_start3A_510 = tpu.memref_slice %arg6[%dma_start3A_507, %dma_start3A_508, %dma_start3A_509] : memref<2x256x128xf32, #tpu.memory_space<vmem>> -> memref<1x128x128xf32, #tpu.memory_space<vmem>>
    %dma_start3A_511 = tpu.memref_squeeze %dma_start3A_510 : memref<1x128x128xf32, #tpu.memory_space<vmem>> -> memref<128x128xf32, #tpu.memory_space<vmem>>
    %dma_start3A_512 = arith.constant 0 : i32
    %dma_start3A_513 = tpu.memref_slice %arg5[%dma_start3A_505, %dma_start3A_506, %dma_start3A_512] : memref<2x2x128xi32, #tpu.memory_space<vmem>> -> memref<1x1x128xi32, #tpu.memory_space<vmem>>
    %dma_start3A_514 = tpu.memref_squeeze %dma_start3A_513 : memref<1x1x128xi32, #tpu.memory_space<vmem>> -> memref<128xi32, #tpu.memory_space<vmem>>
    %dma_start3A_515 = arith.constant 0 : i32
    %dma_start3A_516 = arith.constant 0 : i32
    %dma_start3A_517 = tpu.memref_slice %arg3[%dma_start3A_515, %dma_start3A_516] : memref<1000000x128xf32, #tpu.memory_space<hbm>> -> memref<1000000x128xf32, #tpu.memory_space<hbm>>
    tpu.enqueue_indirect_dma source(%dma_start3A_517 : memref<1000000x128xf32, #tpu.memory_space<hbm>>) target(%dma_start3A_511 : memref<128x128xf32, #tpu.memory_space<vmem>>) offsets(%dma_start3A_514 : memref<128xi32, #tpu.memory_space<vmem>>) semaphore(%arg7 : memref<!tpu.dma_semaphore, #tpu.memory_space<semaphore_mem>>)
    %dma_wait3A_518 = arith.constant 0 : i32
    %dma_wait3A_519 = arith.constant 0 : i32
    %dma_wait3A_520 = arith.constant 0 : i32
    %dma_wait3A_521 = arith.constant 0 : i32
    %dma_wait3A_522 = arith.constant 0 : i32
    %dma_wait3A_523 = tpu.memref_slice %arg6[%dma_wait3A_520, %dma_wait3A_521, %dma_wait3A_522] : memref<2x256x128xf32, #tpu.memory_space<vmem>> -> memref<1x128x128xf32, #tpu.memory_space<vmem>>
    %dma_wait3A_524 = tpu.memref_squeeze %dma_wait3A_523 : memref<1x128x128xf32, #tpu.memory_space<vmem>> -> memref<128x128xf32, #tpu.memory_space<vmem>>
    %dma_wait3A_525 = arith.constant 0 : i32
    %dma_wait3A_526 = tpu.memref_slice %arg5[%dma_wait3A_518, %dma_wait3A_519, %dma_wait3A_525] : memref<2x2x128xi32, #tpu.memory_space<vmem>> -> memref<1x1x128xi32, #tpu.memory_space<vmem>>
    %dma_wait3A_527 = tpu.memref_squeeze %dma_wait3A_526 : memref<1x1x128xi32, #tpu.memory_space<vmem>> -> memref<128xi32, #tpu.memory_space<vmem>>
    %dma_wait3A_528 = arith.constant 0 : i32
    %dma_wait3A_529 = arith.constant 0 : i32
    %dma_wait3A_530 = tpu.memref_slice %arg3[%dma_wait3A_528, %dma_wait3A_529] : memref<1000000x128xf32, #tpu.memory_space<hbm>> -> memref<1000000x128xf32, #tpu.memory_space<hbm>>
    tpu.wait_indirect_dma semaphore(%arg7 : memref<!tpu.dma_semaphore, #tpu.memory_space<semaphore_mem>>) src(%dma_wait3A_530 : memref<1000000x128xf32, #tpu.memory_space<hbm>>) dst(%dma_wait3A_524 : memref<128x128xf32, #tpu.memory_space<vmem>>)
    %dma_wait3A_531 = arith.constant 0 : i32
    %dma_wait3A_532 = arith.constant 1 : i32
    %dma_wait3A_533 = arith.constant 0 : i32
    %dma_wait3A_534 = arith.constant 128 : i32
    %dma_wait3A_535 = arith.constant 0 : i32
    %dma_wait3A_536 = tpu.memref_slice %arg6[%dma_wait3A_533, %dma_wait3A_534, %dma_wait3A_535] : memref<2x256x128xf32, #tpu.memory_space<vmem>> -> memref<1x128x128xf32, #tpu.memory_space<vmem>>
    %dma_wait3A_537 = tpu.memref_squeeze %dma_wait3A_536 : memref<1x128x128xf32, #tpu.memory_space<vmem>> -> memref<128x128xf32, #tpu.memory_space<vmem>>
    %dma_wait3A_538 = arith.constant 0 : i32
    %dma_wait3A_539 = tpu.memref_slice %arg5[%dma_wait3A_531, %dma_wait3A_532, %dma_wait3A_538] : memref<2x2x128xi32, #tpu.memory_space<vmem>> -> memref<1x1x128xi32, #tpu.memory_space<vmem>>
    %dma_wait3A_540 = tpu.memref_squeeze %dma_wait3A_539 : memref<1x1x128xi32, #tpu.memory_space<vmem>> -> memref<128xi32, #tpu.memory_space<vmem>>
    %dma_wait3A_541 = arith.constant 0 : i32
    %dma_wait3A_542 = arith.constant 0 : i32
    %dma_wait3A_543 = tpu.memref_slice %arg3[%dma_wait3A_541, %dma_wait3A_542] : memref<1000000x128xf32, #tpu.memory_space<hbm>> -> memref<1000000x128xf32, #tpu.memory_space<hbm>>
    tpu.wait_indirect_dma semaphore(%arg7 : memref<!tpu.dma_semaphore, #tpu.memory_space<semaphore_mem>>) src(%dma_wait3A_543 : memref<1000000x128xf32, #tpu.memory_space<hbm>>) dst(%dma_wait3A_537 : memref<128x128xf32, #tpu.memory_space<vmem>>)
    %add3A_544 = arith.constant 1536 : i32
    %add3A_545 = arith.addi %mul3A_6, %add3A_544 : i32
    %dma_start3A_546 = arith.constant 0 : i32
    %dma_start3A_547 = arith.constant 0 : i32
    %dma_start3A_548 = arith.constant 0 : i32
    %dma_start3A_549 = tpu.memref_slice %arg6[%dma_start3A_546, %dma_start3A_547, %dma_start3A_548] : memref<2x256x128xf32, #tpu.memory_space<vmem>> -> memref<1x256x128xf32, #tpu.memory_space<vmem>>
    %dma_start3A_550 = tpu.memref_squeeze %dma_start3A_549 : memref<1x256x128xf32, #tpu.memory_space<vmem>> -> memref<256x128xf32, #tpu.memory_space<vmem>>
    %dma_start3A_551 = arith.constant 0 : i32
    %dma_start3A_552 = tpu.memref_slice %arg4[%add3A_545, %dma_start3A_551] : memref<204800x128xf32, #tpu.memory_space<hbm>> -> memref<256x128xf32, #tpu.memory_space<hbm>>
    %dma_start3A_553 = arith.constant 0 : i32
    %dma_start3A_554 = tpu.memref_slice %arg4[%add3A_545, %dma_start3A_553] : memref<204800x128xf32, #tpu.memory_space<hbm>> -> memref<256x128xf32, #tpu.memory_space<hbm>>
    %dma_start3A_555 = arith.constant 0 : i32
    %dma_start3A_556 = arith.constant 0 : i32
    %dma_start3A_557 = tpu.memref_slice %arg6[%dma_start3A_546, %dma_start3A_555, %dma_start3A_556] : memref<2x256x128xf32, #tpu.memory_space<vmem>> -> memref<1x256x128xf32, #tpu.memory_space<vmem>>
    %dma_start3A_558 = tpu.memref_squeeze %dma_start3A_557 : memref<1x256x128xf32, #tpu.memory_space<vmem>> -> memref<256x128xf32, #tpu.memory_space<vmem>>
    tpu.enqueue_dma source(%dma_start3A_558 : memref<256x128xf32, #tpu.memory_space<vmem>>) target(%dma_start3A_554 : memref<256x128xf32, #tpu.memory_space<hbm>>) target_semaphore(%arg8 : memref<!tpu.dma_semaphore, #tpu.memory_space<semaphore_mem>>)
    %dma_wait3A_559 = arith.constant 1 : i32
    %dma_wait3A_560 = arith.constant 0 : i32
    %dma_wait3A_561 = arith.constant 0 : i32
    %dma_wait3A_562 = tpu.memref_slice %arg6[%dma_wait3A_559, %dma_wait3A_560, %dma_wait3A_561] : memref<2x256x128xf32, #tpu.memory_space<vmem>> -> memref<1x256x128xf32, #tpu.memory_space<vmem>>
    %dma_wait3A_563 = tpu.memref_squeeze %dma_wait3A_562 : memref<1x256x128xf32, #tpu.memory_space<vmem>> -> memref<256x128xf32, #tpu.memory_space<vmem>>
    %dma_wait3A_564 = arith.constant 0 : i32
    %dma_wait3A_565 = tpu.memref_slice %arg4[%add3A_462, %dma_wait3A_564] : memref<204800x128xf32, #tpu.memory_space<hbm>> -> memref<256x128xf32, #tpu.memory_space<hbm>>
    %dma_wait3A_566 = arith.constant 0 : i32
    %dma_wait3A_567 = tpu.memref_slice %arg4[%add3A_462, %dma_wait3A_566] : memref<204800x128xf32, #tpu.memory_space<hbm>> -> memref<256x128xf32, #tpu.memory_space<hbm>>
    %dma_wait3A_568 = arith.constant 0 : i32
    %dma_wait3A_569 = arith.constant 0 : i32
    %dma_wait3A_570 = tpu.memref_slice %arg6[%dma_wait3A_559, %dma_wait3A_568, %dma_wait3A_569] : memref<2x256x128xf32, #tpu.memory_space<vmem>> -> memref<1x256x128xf32, #tpu.memory_space<vmem>>
    %dma_wait3A_571 = tpu.memref_squeeze %dma_wait3A_570 : memref<1x256x128xf32, #tpu.memory_space<vmem>> -> memref<256x128xf32, #tpu.memory_space<vmem>>
    tpu.wait_dma2 semaphore(%arg9 : memref<!tpu.dma_semaphore, #tpu.memory_space<semaphore_mem>>) src(%dma_wait3A_571 : memref<256x128xf32, #tpu.memory_space<vmem>>) dst(%dma_wait3A_567 : memref<256x128xf32, #tpu.memory_space<hbm>>)
    %add3A_572 = arith.constant 14 : i32
    %add3A_573 = arith.addi %mul3A_2, %add3A_572 : i32
    %run_scoped3A_574 = arith.constant 1 : i32
    "tpu.region"() ({
      %run_scoped3A_2079 = tpu.sem_alloc : memref<!tpu.dma_semaphore, #tpu.memory_space<semaphore_mem>>
      %dma_start3A_2080 = arith.constant 0 : i32
      %dma_start3A_2081 = arith.constant 0 : i32
      %dma_start3A_2082 = tpu.memref_slice %arg5[%run_scoped3A_574, %dma_start3A_2080, %dma_start3A_2081] : memref<2x2x128xi32, #tpu.memory_space<vmem>> -> memref<1x2x128xi32, #tpu.memory_space<vmem>>
      %dma_start3A_2083 = tpu.memref_squeeze %dma_start3A_2082 : memref<1x2x128xi32, #tpu.memory_space<vmem>> -> memref<2x128xi32, #tpu.memory_space<vmem>>
      %dma_start3A_2084 = arith.constant 0 : i32
      %dma_start3A_2085 = tpu.memref_slice %arg2[%add3A_573, %dma_start3A_2084] : memref<1600x128xi32, #tpu.memory_space<hbm>> -> memref<2x128xi32, #tpu.memory_space<hbm>>
      %dma_start3A_2086 = arith.constant 0 : i32
      %dma_start3A_2087 = arith.constant 0 : i32
      %dma_start3A_2088 = tpu.memref_slice %arg5[%run_scoped3A_574, %dma_start3A_2086, %dma_start3A_2087] : memref<2x2x128xi32, #tpu.memory_space<vmem>> -> memref<1x2x128xi32, #tpu.memory_space<vmem>>
      %dma_start3A_2089 = tpu.memref_squeeze %dma_start3A_2088 : memref<1x2x128xi32, #tpu.memory_space<vmem>> -> memref<2x128xi32, #tpu.memory_space<vmem>>
      %dma_start3A_2090 = arith.constant 0 : i32
      %dma_start3A_2091 = tpu.memref_slice %arg2[%add3A_573, %dma_start3A_2090] : memref<1600x128xi32, #tpu.memory_space<hbm>> -> memref<2x128xi32, #tpu.memory_space<hbm>>
      tpu.enqueue_dma source(%dma_start3A_2091 : memref<2x128xi32, #tpu.memory_space<hbm>>) target(%dma_start3A_2089 : memref<2x128xi32, #tpu.memory_space<vmem>>) target_semaphore(%run_scoped3A_2079 : memref<!tpu.dma_semaphore, #tpu.memory_space<semaphore_mem>>)
      %dma_wait3A_2092 = arith.constant 0 : i32
      %dma_wait3A_2093 = arith.constant 0 : i32
      %dma_wait3A_2094 = tpu.memref_slice %arg5[%run_scoped3A_574, %dma_wait3A_2092, %dma_wait3A_2093] : memref<2x2x128xi32, #tpu.memory_space<vmem>> -> memref<1x2x128xi32, #tpu.memory_space<vmem>>
      %dma_wait3A_2095 = tpu.memref_squeeze %dma_wait3A_2094 : memref<1x2x128xi32, #tpu.memory_space<vmem>> -> memref<2x128xi32, #tpu.memory_space<vmem>>
      %dma_wait3A_2096 = arith.constant 0 : i32
      %dma_wait3A_2097 = tpu.memref_slice %arg2[%add3A_573, %dma_wait3A_2096] : memref<1600x128xi32, #tpu.memory_space<hbm>> -> memref<2x128xi32, #tpu.memory_space<hbm>>
      %dma_wait3A_2098 = arith.constant 0 : i32
      %dma_wait3A_2099 = arith.constant 0 : i32
      %dma_wait3A_2100 = tpu.memref_slice %arg5[%run_scoped3A_574, %dma_wait3A_2098, %dma_wait3A_2099] : memref<2x2x128xi32, #tpu.memory_space<vmem>> -> memref<1x2x128xi32, #tpu.memory_space<vmem>>
      %dma_wait3A_2101 = tpu.memref_squeeze %dma_wait3A_2100 : memref<1x2x128xi32, #tpu.memory_space<vmem>> -> memref<2x128xi32, #tpu.memory_space<vmem>>
      %dma_wait3A_2102 = arith.constant 0 : i32
      %dma_wait3A_2103 = tpu.memref_slice %arg2[%add3A_573, %dma_wait3A_2102] : memref<1600x128xi32, #tpu.memory_space<hbm>> -> memref<2x128xi32, #tpu.memory_space<hbm>>
      tpu.wait_dma2 semaphore(%run_scoped3A_2079 : memref<!tpu.dma_semaphore, #tpu.memory_space<semaphore_mem>>) src(%dma_wait3A_2103 : memref<2x128xi32, #tpu.memory_space<hbm>>) dst(%dma_wait3A_2101 : memref<2x128xi32, #tpu.memory_space<vmem>>)
      tpu.yield
    }) : () -> ()
    %dma_start3A_575 = arith.constant 1 : i32
    %dma_start3A_576 = arith.constant 0 : i32
    %dma_start3A_577 = arith.constant 1 : i32
    %dma_start3A_578 = arith.constant 0 : i32
    %dma_start3A_579 = arith.constant 0 : i32
    %dma_start3A_580 = tpu.memref_slice %arg6[%dma_start3A_577, %dma_start3A_578, %dma_start3A_579] : memref<2x256x128xf32, #tpu.memory_space<vmem>> -> memref<1x128x128xf32, #tpu.memory_space<vmem>>
    %dma_start3A_581 = tpu.memref_squeeze %dma_start3A_580 : memref<1x128x128xf32, #tpu.memory_space<vmem>> -> memref<128x128xf32, #tpu.memory_space<vmem>>
    %dma_start3A_582 = arith.constant 0 : i32
    %dma_start3A_583 = tpu.memref_slice %arg5[%dma_start3A_575, %dma_start3A_576, %dma_start3A_582] : memref<2x2x128xi32, #tpu.memory_space<vmem>> -> memref<1x1x128xi32, #tpu.memory_space<vmem>>
    %dma_start3A_584 = tpu.memref_squeeze %dma_start3A_583 : memref<1x1x128xi32, #tpu.memory_space<vmem>> -> memref<128xi32, #tpu.memory_space<vmem>>
    %dma_start3A_585 = arith.constant 0 : i32
    %dma_start3A_586 = arith.constant 0 : i32
    %dma_start3A_587 = tpu.memref_slice %arg3[%dma_start3A_585, %dma_start3A_586] : memref<1000000x128xf32, #tpu.memory_space<hbm>> -> memref<1000000x128xf32, #tpu.memory_space<hbm>>
    tpu.enqueue_indirect_dma source(%dma_start3A_587 : memref<1000000x128xf32, #tpu.memory_space<hbm>>) target(%dma_start3A_581 : memref<128x128xf32, #tpu.memory_space<vmem>>) offsets(%dma_start3A_584 : memref<128xi32, #tpu.memory_space<vmem>>) semaphore(%arg7 : memref<!tpu.dma_semaphore, #tpu.memory_space<semaphore_mem>>)
    %dma_start3A_588 = arith.constant 1 : i32
    %dma_start3A_589 = arith.constant 1 : i32
    %dma_start3A_590 = arith.constant 1 : i32
    %dma_start3A_591 = arith.constant 128 : i32
    %dma_start3A_592 = arith.constant 0 : i32
    %dma_start3A_593 = tpu.memref_slice %arg6[%dma_start3A_590, %dma_start3A_591, %dma_start3A_592] : memref<2x256x128xf32, #tpu.memory_space<vmem>> -> memref<1x128x128xf32, #tpu.memory_space<vmem>>
    %dma_start3A_594 = tpu.memref_squeeze %dma_start3A_593 : memref<1x128x128xf32, #tpu.memory_space<vmem>> -> memref<128x128xf32, #tpu.memory_space<vmem>>
    %dma_start3A_595 = arith.constant 0 : i32
    %dma_start3A_596 = tpu.memref_slice %arg5[%dma_start3A_588, %dma_start3A_589, %dma_start3A_595] : memref<2x2x128xi32, #tpu.memory_space<vmem>> -> memref<1x1x128xi32, #tpu.memory_space<vmem>>
    %dma_start3A_597 = tpu.memref_squeeze %dma_start3A_596 : memref<1x1x128xi32, #tpu.memory_space<vmem>> -> memref<128xi32, #tpu.memory_space<vmem>>
    %dma_start3A_598 = arith.constant 0 : i32
    %dma_start3A_599 = arith.constant 0 : i32
    %dma_start3A_600 = tpu.memref_slice %arg3[%dma_start3A_598, %dma_start3A_599] : memref<1000000x128xf32, #tpu.memory_space<hbm>> -> memref<1000000x128xf32, #tpu.memory_space<hbm>>
    tpu.enqueue_indirect_dma source(%dma_start3A_600 : memref<1000000x128xf32, #tpu.memory_space<hbm>>) target(%dma_start3A_594 : memref<128x128xf32, #tpu.memory_space<vmem>>) offsets(%dma_start3A_597 : memref<128xi32, #tpu.memory_space<vmem>>) semaphore(%arg7 : memref<!tpu.dma_semaphore, #tpu.memory_space<semaphore_mem>>)
    %dma_wait3A_601 = arith.constant 1 : i32
    %dma_wait3A_602 = arith.constant 0 : i32
    %dma_wait3A_603 = arith.constant 1 : i32
    %dma_wait3A_604 = arith.constant 0 : i32
    %dma_wait3A_605 = arith.constant 0 : i32
    %dma_wait3A_606 = tpu.memref_slice %arg6[%dma_wait3A_603, %dma_wait3A_604, %dma_wait3A_605] : memref<2x256x128xf32, #tpu.memory_space<vmem>> -> memref<1x128x128xf32, #tpu.memory_space<vmem>>
    %dma_wait3A_607 = tpu.memref_squeeze %dma_wait3A_606 : memref<1x128x128xf32, #tpu.memory_space<vmem>> -> memref<128x128xf32, #tpu.memory_space<vmem>>
    %dma_wait3A_608 = arith.constant 0 : i32
    %dma_wait3A_609 = tpu.memref_slice %arg5[%dma_wait3A_601, %dma_wait3A_602, %dma_wait3A_608] : memref<2x2x128xi32, #tpu.memory_space<vmem>> -> memref<1x1x128xi32, #tpu.memory_space<vmem>>
    %dma_wait3A_610 = tpu.memref_squeeze %dma_wait3A_609 : memref<1x1x128xi32, #tpu.memory_space<vmem>> -> memref<128xi32, #tpu.memory_space<vmem>>
    %dma_wait3A_611 = arith.constant 0 : i32
    %dma_wait3A_612 = arith.constant 0 : i32
    %dma_wait3A_613 = tpu.memref_slice %arg3[%dma_wait3A_611, %dma_wait3A_612] : memref<1000000x128xf32, #tpu.memory_space<hbm>> -> memref<1000000x128xf32, #tpu.memory_space<hbm>>
    tpu.wait_indirect_dma semaphore(%arg7 : memref<!tpu.dma_semaphore, #tpu.memory_space<semaphore_mem>>) src(%dma_wait3A_613 : memref<1000000x128xf32, #tpu.memory_space<hbm>>) dst(%dma_wait3A_607 : memref<128x128xf32, #tpu.memory_space<vmem>>)
    %dma_wait3A_614 = arith.constant 1 : i32
    %dma_wait3A_615 = arith.constant 1 : i32
    %dma_wait3A_616 = arith.constant 1 : i32
    %dma_wait3A_617 = arith.constant 128 : i32
    %dma_wait3A_618 = arith.constant 0 : i32
    %dma_wait3A_619 = tpu.memref_slice %arg6[%dma_wait3A_616, %dma_wait3A_617, %dma_wait3A_618] : memref<2x256x128xf32, #tpu.memory_space<vmem>> -> memref<1x128x128xf32, #tpu.memory_space<vmem>>
    %dma_wait3A_620 = tpu.memref_squeeze %dma_wait3A_619 : memref<1x128x128xf32, #tpu.memory_space<vmem>> -> memref<128x128xf32, #tpu.memory_space<vmem>>
    %dma_wait3A_621 = arith.constant 0 : i32
    %dma_wait3A_622 = tpu.memref_slice %arg5[%dma_wait3A_614, %dma_wait3A_615, %dma_wait3A_621] : memref<2x2x128xi32, #tpu.memory_space<vmem>> -> memref<1x1x128xi32, #tpu.memory_space<vmem>>
    %dma_wait3A_623 = tpu.memref_squeeze %dma_wait3A_622 : memref<1x1x128xi32, #tpu.memory_space<vmem>> -> memref<128xi32, #tpu.memory_space<vmem>>
    %dma_wait3A_624 = arith.constant 0 : i32
    %dma_wait3A_625 = arith.constant 0 : i32
    %dma_wait3A_626 = tpu.memref_slice %arg3[%dma_wait3A_624, %dma_wait3A_625] : memref<1000000x128xf32, #tpu.memory_space<hbm>> -> memref<1000000x128xf32, #tpu.memory_space<hbm>>
    tpu.wait_indirect_dma semaphore(%arg7 : memref<!tpu.dma_semaphore, #tpu.memory_space<semaphore_mem>>) src(%dma_wait3A_626 : memref<1000000x128xf32, #tpu.memory_space<hbm>>) dst(%dma_wait3A_620 : memref<128x128xf32, #tpu.memory_space<vmem>>)
    %add3A_627 = arith.constant 1792 : i32
    %add3A_628 = arith.addi %mul3A_6, %add3A_627 : i32
    %dma_start3A_629 = arith.constant 1 : i32
    %dma_start3A_630 = arith.constant 0 : i32
    %dma_start3A_631 = arith.constant 0 : i32
    %dma_start3A_632 = tpu.memref_slice %arg6[%dma_start3A_629, %dma_start3A_630, %dma_start3A_631] : memref<2x256x128xf32, #tpu.memory_space<vmem>> -> memref<1x256x128xf32, #tpu.memory_space<vmem>>
    %dma_start3A_633 = tpu.memref_squeeze %dma_start3A_632 : memref<1x256x128xf32, #tpu.memory_space<vmem>> -> memref<256x128xf32, #tpu.memory_space<vmem>>
    %dma_start3A_634 = arith.constant 0 : i32
    %dma_start3A_635 = tpu.memref_slice %arg4[%add3A_628, %dma_start3A_634] : memref<204800x128xf32, #tpu.memory_space<hbm>> -> memref<256x128xf32, #tpu.memory_space<hbm>>
    %dma_start3A_636 = arith.constant 0 : i32
    %dma_start3A_637 = tpu.memref_slice %arg4[%add3A_628, %dma_start3A_636] : memref<204800x128xf32, #tpu.memory_space<hbm>> -> memref<256x128xf32, #tpu.memory_space<hbm>>
    %dma_start3A_638 = arith.constant 0 : i32
    %dma_start3A_639 = arith.constant 0 : i32
    %dma_start3A_640 = tpu.memref_slice %arg6[%dma_start3A_629, %dma_start3A_638, %dma_start3A_639] : memref<2x256x128xf32, #tpu.memory_space<vmem>> -> memref<1x256x128xf32, #tpu.memory_space<vmem>>
    %dma_start3A_641 = tpu.memref_squeeze %dma_start3A_640 : memref<1x256x128xf32, #tpu.memory_space<vmem>> -> memref<256x128xf32, #tpu.memory_space<vmem>>
    tpu.enqueue_dma source(%dma_start3A_641 : memref<256x128xf32, #tpu.memory_space<vmem>>) target(%dma_start3A_637 : memref<256x128xf32, #tpu.memory_space<hbm>>) target_semaphore(%arg9 : memref<!tpu.dma_semaphore, #tpu.memory_space<semaphore_mem>>)
    %dma_wait3A_642 = arith.constant 0 : i32
    %dma_wait3A_643 = arith.constant 0 : i32
    %dma_wait3A_644 = arith.constant 0 : i32
    %dma_wait3A_645 = tpu.memref_slice %arg6[%dma_wait3A_642, %dma_wait3A_643, %dma_wait3A_644] : memref<2x256x128xf32, #tpu.memory_space<vmem>> -> memref<1x256x128xf32, #tpu.memory_space<vmem>>
    %dma_wait3A_646 = tpu.memref_squeeze %dma_wait3A_645 : memref<1x256x128xf32, #tpu.memory_space<vmem>> -> memref<256x128xf32, #tpu.memory_space<vmem>>
    %dma_wait3A_647 = arith.constant 0 : i32
    %dma_wait3A_648 = tpu.memref_slice %arg4[%add3A_545, %dma_wait3A_647] : memref<204800x128xf32, #tpu.memory_space<hbm>> -> memref<256x128xf32, #tpu.memory_space<hbm>>
    %dma_wait3A_649 = arith.constant 0 : i32
    %dma_wait3A_650 = tpu.memref_slice %arg4[%add3A_545, %dma_wait3A_649] : memref<204800x128xf32, #tpu.memory_space<hbm>> -> memref<256x128xf32, #tpu.memory_space<hbm>>
    %dma_wait3A_651 = arith.constant 0 : i32
    %dma_wait3A_652 = arith.constant 0 : i32
    %dma_wait3A_653 = tpu.memref_slice %arg6[%dma_wait3A_642, %dma_wait3A_651, %dma_wait3A_652] : memref<2x256x128xf32, #tpu.memory_space<vmem>> -> memref<1x256x128xf32, #tpu.memory_space<vmem>>
    %dma_wait3A_654 = tpu.memref_squeeze %dma_wait3A_653 : memref<1x256x128xf32, #tpu.memory_space<vmem>> -> memref<256x128xf32, #tpu.memory_space<vmem>>
    tpu.wait_dma2 semaphore(%arg8 : memref<!tpu.dma_semaphore, #tpu.memory_space<semaphore_mem>>) src(%dma_wait3A_654 : memref<256x128xf32, #tpu.memory_space<vmem>>) dst(%dma_wait3A_650 : memref<256x128xf32, #tpu.memory_space<hbm>>)
    %add3A_655 = arith.constant 16 : i32
    %add3A_656 = arith.addi %mul3A_2, %add3A_655 : i32
    %run_scoped3A_657 = arith.constant 0 : i32
    "tpu.region"() ({
      %run_scoped3A_2079 = tpu.sem_alloc : memref<!tpu.dma_semaphore, #tpu.memory_space<semaphore_mem>>
      %dma_start3A_2080 = arith.constant 0 : i32
      %dma_start3A_2081 = arith.constant 0 : i32
      %dma_start3A_2082 = tpu.memref_slice %arg5[%run_scoped3A_657, %dma_start3A_2080, %dma_start3A_2081] : memref<2x2x128xi32, #tpu.memory_space<vmem>> -> memref<1x2x128xi32, #tpu.memory_space<vmem>>
      %dma_start3A_2083 = tpu.memref_squeeze %dma_start3A_2082 : memref<1x2x128xi32, #tpu.memory_space<vmem>> -> memref<2x128xi32, #tpu.memory_space<vmem>>
      %dma_start3A_2084 = arith.constant 0 : i32
      %dma_start3A_2085 = tpu.memref_slice %arg2[%add3A_656, %dma_start3A_2084] : memref<1600x128xi32, #tpu.memory_space<hbm>> -> memref<2x128xi32, #tpu.memory_space<hbm>>
      %dma_start3A_2086 = arith.constant 0 : i32
      %dma_start3A_2087 = arith.constant 0 : i32
      %dma_start3A_2088 = tpu.memref_slice %arg5[%run_scoped3A_657, %dma_start3A_2086, %dma_start3A_2087] : memref<2x2x128xi32, #tpu.memory_space<vmem>> -> memref<1x2x128xi32, #tpu.memory_space<vmem>>
      %dma_start3A_2089 = tpu.memref_squeeze %dma_start3A_2088 : memref<1x2x128xi32, #tpu.memory_space<vmem>> -> memref<2x128xi32, #tpu.memory_space<vmem>>
      %dma_start3A_2090 = arith.constant 0 : i32
      %dma_start3A_2091 = tpu.memref_slice %arg2[%add3A_656, %dma_start3A_2090] : memref<1600x128xi32, #tpu.memory_space<hbm>> -> memref<2x128xi32, #tpu.memory_space<hbm>>
      tpu.enqueue_dma source(%dma_start3A_2091 : memref<2x128xi32, #tpu.memory_space<hbm>>) target(%dma_start3A_2089 : memref<2x128xi32, #tpu.memory_space<vmem>>) target_semaphore(%run_scoped3A_2079 : memref<!tpu.dma_semaphore, #tpu.memory_space<semaphore_mem>>)
      %dma_wait3A_2092 = arith.constant 0 : i32
      %dma_wait3A_2093 = arith.constant 0 : i32
      %dma_wait3A_2094 = tpu.memref_slice %arg5[%run_scoped3A_657, %dma_wait3A_2092, %dma_wait3A_2093] : memref<2x2x128xi32, #tpu.memory_space<vmem>> -> memref<1x2x128xi32, #tpu.memory_space<vmem>>
      %dma_wait3A_2095 = tpu.memref_squeeze %dma_wait3A_2094 : memref<1x2x128xi32, #tpu.memory_space<vmem>> -> memref<2x128xi32, #tpu.memory_space<vmem>>
      %dma_wait3A_2096 = arith.constant 0 : i32
      %dma_wait3A_2097 = tpu.memref_slice %arg2[%add3A_656, %dma_wait3A_2096] : memref<1600x128xi32, #tpu.memory_space<hbm>> -> memref<2x128xi32, #tpu.memory_space<hbm>>
      %dma_wait3A_2098 = arith.constant 0 : i32
      %dma_wait3A_2099 = arith.constant 0 : i32
      %dma_wait3A_2100 = tpu.memref_slice %arg5[%run_scoped3A_657, %dma_wait3A_2098, %dma_wait3A_2099] : memref<2x2x128xi32, #tpu.memory_space<vmem>> -> memref<1x2x128xi32, #tpu.memory_space<vmem>>
      %dma_wait3A_2101 = tpu.memref_squeeze %dma_wait3A_2100 : memref<1x2x128xi32, #tpu.memory_space<vmem>> -> memref<2x128xi32, #tpu.memory_space<vmem>>
      %dma_wait3A_2102 = arith.constant 0 : i32
      %dma_wait3A_2103 = tpu.memref_slice %arg2[%add3A_656, %dma_wait3A_2102] : memref<1600x128xi32, #tpu.memory_space<hbm>> -> memref<2x128xi32, #tpu.memory_space<hbm>>
      tpu.wait_dma2 semaphore(%run_scoped3A_2079 : memref<!tpu.dma_semaphore, #tpu.memory_space<semaphore_mem>>) src(%dma_wait3A_2103 : memref<2x128xi32, #tpu.memory_space<hbm>>) dst(%dma_wait3A_2101 : memref<2x128xi32, #tpu.memory_space<vmem>>)
      tpu.yield
    }) : () -> ()
    %dma_start3A_658 = arith.constant 0 : i32
    %dma_start3A_659 = arith.constant 0 : i32
    %dma_start3A_660 = arith.constant 0 : i32
    %dma_start3A_661 = arith.constant 0 : i32
    %dma_start3A_662 = arith.constant 0 : i32
    %dma_start3A_663 = tpu.memref_slice %arg6[%dma_start3A_660, %dma_start3A_661, %dma_start3A_662] : memref<2x256x128xf32, #tpu.memory_space<vmem>> -> memref<1x128x128xf32, #tpu.memory_space<vmem>>
    %dma_start3A_664 = tpu.memref_squeeze %dma_start3A_663 : memref<1x128x128xf32, #tpu.memory_space<vmem>> -> memref<128x128xf32, #tpu.memory_space<vmem>>
    %dma_start3A_665 = arith.constant 0 : i32
    %dma_start3A_666 = tpu.memref_slice %arg5[%dma_start3A_658, %dma_start3A_659, %dma_start3A_665] : memref<2x2x128xi32, #tpu.memory_space<vmem>> -> memref<1x1x128xi32, #tpu.memory_space<vmem>>
    %dma_start3A_667 = tpu.memref_squeeze %dma_start3A_666 : memref<1x1x128xi32, #tpu.memory_space<vmem>> -> memref<128xi32, #tpu.memory_space<vmem>>
    %dma_start3A_668 = arith.constant 0 : i32
    %dma_start3A_669 = arith.constant 0 : i32
    %dma_start3A_670 = tpu.memref_slice %arg3[%dma_start3A_668, %dma_start3A_669] : memref<1000000x128xf32, #tpu.memory_space<hbm>> -> memref<1000000x128xf32, #tpu.memory_space<hbm>>
    tpu.enqueue_indirect_dma source(%dma_start3A_670 : memref<1000000x128xf32, #tpu.memory_space<hbm>>) target(%dma_start3A_664 : memref<128x128xf32, #tpu.memory_space<vmem>>) offsets(%dma_start3A_667 : memref<128xi32, #tpu.memory_space<vmem>>) semaphore(%arg7 : memref<!tpu.dma_semaphore, #tpu.memory_space<semaphore_mem>>)
    %dma_start3A_671 = arith.constant 0 : i32
    %dma_start3A_672 = arith.constant 1 : i32
    %dma_start3A_673 = arith.constant 0 : i32
    %dma_start3A_674 = arith.constant 128 : i32
    %dma_start3A_675 = arith.constant 0 : i32
    %dma_start3A_676 = tpu.memref_slice %arg6[%dma_start3A_673, %dma_start3A_674, %dma_start3A_675] : memref<2x256x128xf32, #tpu.memory_space<vmem>> -> memref<1x128x128xf32, #tpu.memory_space<vmem>>
    %dma_start3A_677 = tpu.memref_squeeze %dma_start3A_676 : memref<1x128x128xf32, #tpu.memory_space<vmem>> -> memref<128x128xf32, #tpu.memory_space<vmem>>
    %dma_start3A_678 = arith.constant 0 : i32
    %dma_start3A_679 = tpu.memref_slice %arg5[%dma_start3A_671, %dma_start3A_672, %dma_start3A_678] : memref<2x2x128xi32, #tpu.memory_space<vmem>> -> memref<1x1x128xi32, #tpu.memory_space<vmem>>
    %dma_start3A_680 = tpu.memref_squeeze %dma_start3A_679 : memref<1x1x128xi32, #tpu.memory_space<vmem>> -> memref<128xi32, #tpu.memory_space<vmem>>
    %dma_start3A_681 = arith.constant 0 : i32
    %dma_start3A_682 = arith.constant 0 : i32
    %dma_start3A_683 = tpu.memref_slice %arg3[%dma_start3A_681, %dma_start3A_682] : memref<1000000x128xf32, #tpu.memory_space<hbm>> -> memref<1000000x128xf32, #tpu.memory_space<hbm>>
    tpu.enqueue_indirect_dma source(%dma_start3A_683 : memref<1000000x128xf32, #tpu.memory_space<hbm>>) target(%dma_start3A_677 : memref<128x128xf32, #tpu.memory_space<vmem>>) offsets(%dma_start3A_680 : memref<128xi32, #tpu.memory_space<vmem>>) semaphore(%arg7 : memref<!tpu.dma_semaphore, #tpu.memory_space<semaphore_mem>>)
    %dma_wait3A_684 = arith.constant 0 : i32
    %dma_wait3A_685 = arith.constant 0 : i32
    %dma_wait3A_686 = arith.constant 0 : i32
    %dma_wait3A_687 = arith.constant 0 : i32
    %dma_wait3A_688 = arith.constant 0 : i32
    %dma_wait3A_689 = tpu.memref_slice %arg6[%dma_wait3A_686, %dma_wait3A_687, %dma_wait3A_688] : memref<2x256x128xf32, #tpu.memory_space<vmem>> -> memref<1x128x128xf32, #tpu.memory_space<vmem>>
    %dma_wait3A_690 = tpu.memref_squeeze %dma_wait3A_689 : memref<1x128x128xf32, #tpu.memory_space<vmem>> -> memref<128x128xf32, #tpu.memory_space<vmem>>
    %dma_wait3A_691 = arith.constant 0 : i32
    %dma_wait3A_692 = tpu.memref_slice %arg5[%dma_wait3A_684, %dma_wait3A_685, %dma_wait3A_691] : memref<2x2x128xi32, #tpu.memory_space<vmem>> -> memref<1x1x128xi32, #tpu.memory_space<vmem>>
    %dma_wait3A_693 = tpu.memref_squeeze %dma_wait3A_692 : memref<1x1x128xi32, #tpu.memory_space<vmem>> -> memref<128xi32, #tpu.memory_space<vmem>>
    %dma_wait3A_694 = arith.constant 0 : i32
    %dma_wait3A_695 = arith.constant 0 : i32
    %dma_wait3A_696 = tpu.memref_slice %arg3[%dma_wait3A_694, %dma_wait3A_695] : memref<1000000x128xf32, #tpu.memory_space<hbm>> -> memref<1000000x128xf32, #tpu.memory_space<hbm>>
    tpu.wait_indirect_dma semaphore(%arg7 : memref<!tpu.dma_semaphore, #tpu.memory_space<semaphore_mem>>) src(%dma_wait3A_696 : memref<1000000x128xf32, #tpu.memory_space<hbm>>) dst(%dma_wait3A_690 : memref<128x128xf32, #tpu.memory_space<vmem>>)
    %dma_wait3A_697 = arith.constant 0 : i32
    %dma_wait3A_698 = arith.constant 1 : i32
    %dma_wait3A_699 = arith.constant 0 : i32
    %dma_wait3A_700 = arith.constant 128 : i32
    %dma_wait3A_701 = arith.constant 0 : i32
    %dma_wait3A_702 = tpu.memref_slice %arg6[%dma_wait3A_699, %dma_wait3A_700, %dma_wait3A_701] : memref<2x256x128xf32, #tpu.memory_space<vmem>> -> memref<1x128x128xf32, #tpu.memory_space<vmem>>
    %dma_wait3A_703 = tpu.memref_squeeze %dma_wait3A_702 : memref<1x128x128xf32, #tpu.memory_space<vmem>> -> memref<128x128xf32, #tpu.memory_space<vmem>>
    %dma_wait3A_704 = arith.constant 0 : i32
    %dma_wait3A_705 = tpu.memref_slice %arg5[%dma_wait3A_697, %dma_wait3A_698, %dma_wait3A_704] : memref<2x2x128xi32, #tpu.memory_space<vmem>> -> memref<1x1x128xi32, #tpu.memory_space<vmem>>
    %dma_wait3A_706 = tpu.memref_squeeze %dma_wait3A_705 : memref<1x1x128xi32, #tpu.memory_space<vmem>> -> memref<128xi32, #tpu.memory_space<vmem>>
    %dma_wait3A_707 = arith.constant 0 : i32
    %dma_wait3A_708 = arith.constant 0 : i32
    %dma_wait3A_709 = tpu.memref_slice %arg3[%dma_wait3A_707, %dma_wait3A_708] : memref<1000000x128xf32, #tpu.memory_space<hbm>> -> memref<1000000x128xf32, #tpu.memory_space<hbm>>
    tpu.wait_indirect_dma semaphore(%arg7 : memref<!tpu.dma_semaphore, #tpu.memory_space<semaphore_mem>>) src(%dma_wait3A_709 : memref<1000000x128xf32, #tpu.memory_space<hbm>>) dst(%dma_wait3A_703 : memref<128x128xf32, #tpu.memory_space<vmem>>)
    %add3A_710 = arith.constant 2048 : i32
    %add3A_711 = arith.addi %mul3A_6, %add3A_710 : i32
    %dma_start3A_712 = arith.constant 0 : i32
    %dma_start3A_713 = arith.constant 0 : i32
    %dma_start3A_714 = arith.constant 0 : i32
    %dma_start3A_715 = tpu.memref_slice %arg6[%dma_start3A_712, %dma_start3A_713, %dma_start3A_714] : memref<2x256x128xf32, #tpu.memory_space<vmem>> -> memref<1x256x128xf32, #tpu.memory_space<vmem>>
    %dma_start3A_716 = tpu.memref_squeeze %dma_start3A_715 : memref<1x256x128xf32, #tpu.memory_space<vmem>> -> memref<256x128xf32, #tpu.memory_space<vmem>>
    %dma_start3A_717 = arith.constant 0 : i32
    %dma_start3A_718 = tpu.memref_slice %arg4[%add3A_711, %dma_start3A_717] : memref<204800x128xf32, #tpu.memory_space<hbm>> -> memref<256x128xf32, #tpu.memory_space<hbm>>
    %dma_start3A_719 = arith.constant 0 : i32
    %dma_start3A_720 = tpu.memref_slice %arg4[%add3A_711, %dma_start3A_719] : memref<204800x128xf32, #tpu.memory_space<hbm>> -> memref<256x128xf32, #tpu.memory_space<hbm>>
    %dma_start3A_721 = arith.constant 0 : i32
    %dma_start3A_722 = arith.constant 0 : i32
    %dma_start3A_723 = tpu.memref_slice %arg6[%dma_start3A_712, %dma_start3A_721, %dma_start3A_722] : memref<2x256x128xf32, #tpu.memory_space<vmem>> -> memref<1x256x128xf32, #tpu.memory_space<vmem>>
    %dma_start3A_724 = tpu.memref_squeeze %dma_start3A_723 : memref<1x256x128xf32, #tpu.memory_space<vmem>> -> memref<256x128xf32, #tpu.memory_space<vmem>>
    tpu.enqueue_dma source(%dma_start3A_724 : memref<256x128xf32, #tpu.memory_space<vmem>>) target(%dma_start3A_720 : memref<256x128xf32, #tpu.memory_space<hbm>>) target_semaphore(%arg8 : memref<!tpu.dma_semaphore, #tpu.memory_space<semaphore_mem>>)
    %dma_wait3A_725 = arith.constant 1 : i32
    %dma_wait3A_726 = arith.constant 0 : i32
    %dma_wait3A_727 = arith.constant 0 : i32
    %dma_wait3A_728 = tpu.memref_slice %arg6[%dma_wait3A_725, %dma_wait3A_726, %dma_wait3A_727] : memref<2x256x128xf32, #tpu.memory_space<vmem>> -> memref<1x256x128xf32, #tpu.memory_space<vmem>>
    %dma_wait3A_729 = tpu.memref_squeeze %dma_wait3A_728 : memref<1x256x128xf32, #tpu.memory_space<vmem>> -> memref<256x128xf32, #tpu.memory_space<vmem>>
    %dma_wait3A_730 = arith.constant 0 : i32
    %dma_wait3A_731 = tpu.memref_slice %arg4[%add3A_628, %dma_wait3A_730] : memref<204800x128xf32, #tpu.memory_space<hbm>> -> memref<256x128xf32, #tpu.memory_space<hbm>>
    %dma_wait3A_732 = arith.constant 0 : i32
    %dma_wait3A_733 = tpu.memref_slice %arg4[%add3A_628, %dma_wait3A_732] : memref<204800x128xf32, #tpu.memory_space<hbm>> -> memref<256x128xf32, #tpu.memory_space<hbm>>
    %dma_wait3A_734 = arith.constant 0 : i32
    %dma_wait3A_735 = arith.constant 0 : i32
    %dma_wait3A_736 = tpu.memref_slice %arg6[%dma_wait3A_725, %dma_wait3A_734, %dma_wait3A_735] : memref<2x256x128xf32, #tpu.memory_space<vmem>> -> memref<1x256x128xf32, #tpu.memory_space<vmem>>
    %dma_wait3A_737 = tpu.memref_squeeze %dma_wait3A_736 : memref<1x256x128xf32, #tpu.memory_space<vmem>> -> memref<256x128xf32, #tpu.memory_space<vmem>>
    tpu.wait_dma2 semaphore(%arg9 : memref<!tpu.dma_semaphore, #tpu.memory_space<semaphore_mem>>) src(%dma_wait3A_737 : memref<256x128xf32, #tpu.memory_space<vmem>>) dst(%dma_wait3A_733 : memref<256x128xf32, #tpu.memory_space<hbm>>)
    %add3A_738 = arith.constant 18 : i32
    %add3A_739 = arith.addi %mul3A_2, %add3A_738 : i32
    %run_scoped3A_740 = arith.constant 1 : i32
    "tpu.region"() ({
      %run_scoped3A_2079 = tpu.sem_alloc : memref<!tpu.dma_semaphore, #tpu.memory_space<semaphore_mem>>
      %dma_start3A_2080 = arith.constant 0 : i32
      %dma_start3A_2081 = arith.constant 0 : i32
      %dma_start3A_2082 = tpu.memref_slice %arg5[%run_scoped3A_740, %dma_start3A_2080, %dma_start3A_2081] : memref<2x2x128xi32, #tpu.memory_space<vmem>> -> memref<1x2x128xi32, #tpu.memory_space<vmem>>
      %dma_start3A_2083 = tpu.memref_squeeze %dma_start3A_2082 : memref<1x2x128xi32, #tpu.memory_space<vmem>> -> memref<2x128xi32, #tpu.memory_space<vmem>>
      %dma_start3A_2084 = arith.constant 0 : i32
      %dma_start3A_2085 = tpu.memref_slice %arg2[%add3A_739, %dma_start3A_2084] : memref<1600x128xi32, #tpu.memory_space<hbm>> -> memref<2x128xi32, #tpu.memory_space<hbm>>
      %dma_start3A_2086 = arith.constant 0 : i32
      %dma_start3A_2087 = arith.constant 0 : i32
      %dma_start3A_2088 = tpu.memref_slice %arg5[%run_scoped3A_740, %dma_start3A_2086, %dma_start3A_2087] : memref<2x2x128xi32, #tpu.memory_space<vmem>> -> memref<1x2x128xi32, #tpu.memory_space<vmem>>
      %dma_start3A_2089 = tpu.memref_squeeze %dma_start3A_2088 : memref<1x2x128xi32, #tpu.memory_space<vmem>> -> memref<2x128xi32, #tpu.memory_space<vmem>>
      %dma_start3A_2090 = arith.constant 0 : i32
      %dma_start3A_2091 = tpu.memref_slice %arg2[%add3A_739, %dma_start3A_2090] : memref<1600x128xi32, #tpu.memory_space<hbm>> -> memref<2x128xi32, #tpu.memory_space<hbm>>
      tpu.enqueue_dma source(%dma_start3A_2091 : memref<2x128xi32, #tpu.memory_space<hbm>>) target(%dma_start3A_2089 : memref<2x128xi32, #tpu.memory_space<vmem>>) target_semaphore(%run_scoped3A_2079 : memref<!tpu.dma_semaphore, #tpu.memory_space<semaphore_mem>>)
      %dma_wait3A_2092 = arith.constant 0 : i32
      %dma_wait3A_2093 = arith.constant 0 : i32
      %dma_wait3A_2094 = tpu.memref_slice %arg5[%run_scoped3A_740, %dma_wait3A_2092, %dma_wait3A_2093] : memref<2x2x128xi32, #tpu.memory_space<vmem>> -> memref<1x2x128xi32, #tpu.memory_space<vmem>>
      %dma_wait3A_2095 = tpu.memref_squeeze %dma_wait3A_2094 : memref<1x2x128xi32, #tpu.memory_space<vmem>> -> memref<2x128xi32, #tpu.memory_space<vmem>>
      %dma_wait3A_2096 = arith.constant 0 : i32
      %dma_wait3A_2097 = tpu.memref_slice %arg2[%add3A_739, %dma_wait3A_2096] : memref<1600x128xi32, #tpu.memory_space<hbm>> -> memref<2x128xi32, #tpu.memory_space<hbm>>
      %dma_wait3A_2098 = arith.constant 0 : i32
      %dma_wait3A_2099 = arith.constant 0 : i32
      %dma_wait3A_2100 = tpu.memref_slice %arg5[%run_scoped3A_740, %dma_wait3A_2098, %dma_wait3A_2099] : memref<2x2x128xi32, #tpu.memory_space<vmem>> -> memref<1x2x128xi32, #tpu.memory_space<vmem>>
      %dma_wait3A_2101 = tpu.memref_squeeze %dma_wait3A_2100 : memref<1x2x128xi32, #tpu.memory_space<vmem>> -> memref<2x128xi32, #tpu.memory_space<vmem>>
      %dma_wait3A_2102 = arith.constant 0 : i32
      %dma_wait3A_2103 = tpu.memref_slice %arg2[%add3A_739, %dma_wait3A_2102] : memref<1600x128xi32, #tpu.memory_space<hbm>> -> memref<2x128xi32, #tpu.memory_space<hbm>>
      tpu.wait_dma2 semaphore(%run_scoped3A_2079 : memref<!tpu.dma_semaphore, #tpu.memory_space<semaphore_mem>>) src(%dma_wait3A_2103 : memref<2x128xi32, #tpu.memory_space<hbm>>) dst(%dma_wait3A_2101 : memref<2x128xi32, #tpu.memory_space<vmem>>)
      tpu.yield
    }) : () -> ()
    %dma_start3A_741 = arith.constant 1 : i32
    %dma_start3A_742 = arith.constant 0 : i32
    %dma_start3A_743 = arith.constant 1 : i32
    %dma_start3A_744 = arith.constant 0 : i32
    %dma_start3A_745 = arith.constant 0 : i32
    %dma_start3A_746 = tpu.memref_slice %arg6[%dma_start3A_743, %dma_start3A_744, %dma_start3A_745] : memref<2x256x128xf32, #tpu.memory_space<vmem>> -> memref<1x128x128xf32, #tpu.memory_space<vmem>>
    %dma_start3A_747 = tpu.memref_squeeze %dma_start3A_746 : memref<1x128x128xf32, #tpu.memory_space<vmem>> -> memref<128x128xf32, #tpu.memory_space<vmem>>
    %dma_start3A_748 = arith.constant 0 : i32
    %dma_start3A_749 = tpu.memref_slice %arg5[%dma_start3A_741, %dma_start3A_742, %dma_start3A_748] : memref<2x2x128xi32, #tpu.memory_space<vmem>> -> memref<1x1x128xi32, #tpu.memory_space<vmem>>
    %dma_start3A_750 = tpu.memref_squeeze %dma_start3A_749 : memref<1x1x128xi32, #tpu.memory_space<vmem>> -> memref<128xi32, #tpu.memory_space<vmem>>
    %dma_start3A_751 = arith.constant 0 : i32
    %dma_start3A_752 = arith.constant 0 : i32
    %dma_start3A_753 = tpu.memref_slice %arg3[%dma_start3A_751, %dma_start3A_752] : memref<1000000x128xf32, #tpu.memory_space<hbm>> -> memref<1000000x128xf32, #tpu.memory_space<hbm>>
    tpu.enqueue_indirect_dma source(%dma_start3A_753 : memref<1000000x128xf32, #tpu.memory_space<hbm>>) target(%dma_start3A_747 : memref<128x128xf32, #tpu.memory_space<vmem>>) offsets(%dma_start3A_750 : memref<128xi32, #tpu.memory_space<vmem>>) semaphore(%arg7 : memref<!tpu.dma_semaphore, #tpu.memory_space<semaphore_mem>>)
    %dma_start3A_754 = arith.constant 1 : i32
    %dma_start3A_755 = arith.constant 1 : i32
    %dma_start3A_756 = arith.constant 1 : i32
    %dma_start3A_757 = arith.constant 128 : i32
    %dma_start3A_758 = arith.constant 0 : i32
    %dma_start3A_759 = tpu.memref_slice %arg6[%dma_start3A_756, %dma_start3A_757, %dma_start3A_758] : memref<2x256x128xf32, #tpu.memory_space<vmem>> -> memref<1x128x128xf32, #tpu.memory_space<vmem>>
    %dma_start3A_760 = tpu.memref_squeeze %dma_start3A_759 : memref<1x128x128xf32, #tpu.memory_space<vmem>> -> memref<128x128xf32, #tpu.memory_space<vmem>>
    %dma_start3A_761 = arith.constant 0 : i32
    %dma_start3A_762 = tpu.memref_slice %arg5[%dma_start3A_754, %dma_start3A_755, %dma_start3A_761] : memref<2x2x128xi32, #tpu.memory_space<vmem>> -> memref<1x1x128xi32, #tpu.memory_space<vmem>>
    %dma_start3A_763 = tpu.memref_squeeze %dma_start3A_762 : memref<1x1x128xi32, #tpu.memory_space<vmem>> -> memref<128xi32, #tpu.memory_space<vmem>>
    %dma_start3A_764 = arith.constant 0 : i32
    %dma_start3A_765 = arith.constant 0 : i32
    %dma_start3A_766 = tpu.memref_slice %arg3[%dma_start3A_764, %dma_start3A_765] : memref<1000000x128xf32, #tpu.memory_space<hbm>> -> memref<1000000x128xf32, #tpu.memory_space<hbm>>
    tpu.enqueue_indirect_dma source(%dma_start3A_766 : memref<1000000x128xf32, #tpu.memory_space<hbm>>) target(%dma_start3A_760 : memref<128x128xf32, #tpu.memory_space<vmem>>) offsets(%dma_start3A_763 : memref<128xi32, #tpu.memory_space<vmem>>) semaphore(%arg7 : memref<!tpu.dma_semaphore, #tpu.memory_space<semaphore_mem>>)
    %dma_wait3A_767 = arith.constant 1 : i32
    %dma_wait3A_768 = arith.constant 0 : i32
    %dma_wait3A_769 = arith.constant 1 : i32
    %dma_wait3A_770 = arith.constant 0 : i32
    %dma_wait3A_771 = arith.constant 0 : i32
    %dma_wait3A_772 = tpu.memref_slice %arg6[%dma_wait3A_769, %dma_wait3A_770, %dma_wait3A_771] : memref<2x256x128xf32, #tpu.memory_space<vmem>> -> memref<1x128x128xf32, #tpu.memory_space<vmem>>
    %dma_wait3A_773 = tpu.memref_squeeze %dma_wait3A_772 : memref<1x128x128xf32, #tpu.memory_space<vmem>> -> memref<128x128xf32, #tpu.memory_space<vmem>>
    %dma_wait3A_774 = arith.constant 0 : i32
    %dma_wait3A_775 = tpu.memref_slice %arg5[%dma_wait3A_767, %dma_wait3A_768, %dma_wait3A_774] : memref<2x2x128xi32, #tpu.memory_space<vmem>> -> memref<1x1x128xi32, #tpu.memory_space<vmem>>
    %dma_wait3A_776 = tpu.memref_squeeze %dma_wait3A_775 : memref<1x1x128xi32, #tpu.memory_space<vmem>> -> memref<128xi32, #tpu.memory_space<vmem>>
    %dma_wait3A_777 = arith.constant 0 : i32
    %dma_wait3A_778 = arith.constant 0 : i32
    %dma_wait3A_779 = tpu.memref_slice %arg3[%dma_wait3A_777, %dma_wait3A_778] : memref<1000000x128xf32, #tpu.memory_space<hbm>> -> memref<1000000x128xf32, #tpu.memory_space<hbm>>
    tpu.wait_indirect_dma semaphore(%arg7 : memref<!tpu.dma_semaphore, #tpu.memory_space<semaphore_mem>>) src(%dma_wait3A_779 : memref<1000000x128xf32, #tpu.memory_space<hbm>>) dst(%dma_wait3A_773 : memref<128x128xf32, #tpu.memory_space<vmem>>)
    %dma_wait3A_780 = arith.constant 1 : i32
    %dma_wait3A_781 = arith.constant 1 : i32
    %dma_wait3A_782 = arith.constant 1 : i32
    %dma_wait3A_783 = arith.constant 128 : i32
    %dma_wait3A_784 = arith.constant 0 : i32
    %dma_wait3A_785 = tpu.memref_slice %arg6[%dma_wait3A_782, %dma_wait3A_783, %dma_wait3A_784] : memref<2x256x128xf32, #tpu.memory_space<vmem>> -> memref<1x128x128xf32, #tpu.memory_space<vmem>>
    %dma_wait3A_786 = tpu.memref_squeeze %dma_wait3A_785 : memref<1x128x128xf32, #tpu.memory_space<vmem>> -> memref<128x128xf32, #tpu.memory_space<vmem>>
    %dma_wait3A_787 = arith.constant 0 : i32
    %dma_wait3A_788 = tpu.memref_slice %arg5[%dma_wait3A_780, %dma_wait3A_781, %dma_wait3A_787] : memref<2x2x128xi32, #tpu.memory_space<vmem>> -> memref<1x1x128xi32, #tpu.memory_space<vmem>>
    %dma_wait3A_789 = tpu.memref_squeeze %dma_wait3A_788 : memref<1x1x128xi32, #tpu.memory_space<vmem>> -> memref<128xi32, #tpu.memory_space<vmem>>
    %dma_wait3A_790 = arith.constant 0 : i32
    %dma_wait3A_791 = arith.constant 0 : i32
    %dma_wait3A_792 = tpu.memref_slice %arg3[%dma_wait3A_790, %dma_wait3A_791] : memref<1000000x128xf32, #tpu.memory_space<hbm>> -> memref<1000000x128xf32, #tpu.memory_space<hbm>>
    tpu.wait_indirect_dma semaphore(%arg7 : memref<!tpu.dma_semaphore, #tpu.memory_space<semaphore_mem>>) src(%dma_wait3A_792 : memref<1000000x128xf32, #tpu.memory_space<hbm>>) dst(%dma_wait3A_786 : memref<128x128xf32, #tpu.memory_space<vmem>>)
    %add3A_793 = arith.constant 2304 : i32
    %add3A_794 = arith.addi %mul3A_6, %add3A_793 : i32
    %dma_start3A_795 = arith.constant 1 : i32
    %dma_start3A_796 = arith.constant 0 : i32
    %dma_start3A_797 = arith.constant 0 : i32
    %dma_start3A_798 = tpu.memref_slice %arg6[%dma_start3A_795, %dma_start3A_796, %dma_start3A_797] : memref<2x256x128xf32, #tpu.memory_space<vmem>> -> memref<1x256x128xf32, #tpu.memory_space<vmem>>
    %dma_start3A_799 = tpu.memref_squeeze %dma_start3A_798 : memref<1x256x128xf32, #tpu.memory_space<vmem>> -> memref<256x128xf32, #tpu.memory_space<vmem>>
    %dma_start3A_800 = arith.constant 0 : i32
    %dma_start3A_801 = tpu.memref_slice %arg4[%add3A_794, %dma_start3A_800] : memref<204800x128xf32, #tpu.memory_space<hbm>> -> memref<256x128xf32, #tpu.memory_space<hbm>>
    %dma_start3A_802 = arith.constant 0 : i32
    %dma_start3A_803 = tpu.memref_slice %arg4[%add3A_794, %dma_start3A_802] : memref<204800x128xf32, #tpu.memory_space<hbm>> -> memref<256x128xf32, #tpu.memory_space<hbm>>
    %dma_start3A_804 = arith.constant 0 : i32
    %dma_start3A_805 = arith.constant 0 : i32
    %dma_start3A_806 = tpu.memref_slice %arg6[%dma_start3A_795, %dma_start3A_804, %dma_start3A_805] : memref<2x256x128xf32, #tpu.memory_space<vmem>> -> memref<1x256x128xf32, #tpu.memory_space<vmem>>
    %dma_start3A_807 = tpu.memref_squeeze %dma_start3A_806 : memref<1x256x128xf32, #tpu.memory_space<vmem>> -> memref<256x128xf32, #tpu.memory_space<vmem>>
    tpu.enqueue_dma source(%dma_start3A_807 : memref<256x128xf32, #tpu.memory_space<vmem>>) target(%dma_start3A_803 : memref<256x128xf32, #tpu.memory_space<hbm>>) target_semaphore(%arg9 : memref<!tpu.dma_semaphore, #tpu.memory_space<semaphore_mem>>)
    %dma_wait3A_808 = arith.constant 0 : i32
    %dma_wait3A_809 = arith.constant 0 : i32
    %dma_wait3A_810 = arith.constant 0 : i32
    %dma_wait3A_811 = tpu.memref_slice %arg6[%dma_wait3A_808, %dma_wait3A_809, %dma_wait3A_810] : memref<2x256x128xf32, #tpu.memory_space<vmem>> -> memref<1x256x128xf32, #tpu.memory_space<vmem>>
    %dma_wait3A_812 = tpu.memref_squeeze %dma_wait3A_811 : memref<1x256x128xf32, #tpu.memory_space<vmem>> -> memref<256x128xf32, #tpu.memory_space<vmem>>
    %dma_wait3A_813 = arith.constant 0 : i32
    %dma_wait3A_814 = tpu.memref_slice %arg4[%add3A_711, %dma_wait3A_813] : memref<204800x128xf32, #tpu.memory_space<hbm>> -> memref<256x128xf32, #tpu.memory_space<hbm>>
    %dma_wait3A_815 = arith.constant 0 : i32
    %dma_wait3A_816 = tpu.memref_slice %arg4[%add3A_711, %dma_wait3A_815] : memref<204800x128xf32, #tpu.memory_space<hbm>> -> memref<256x128xf32, #tpu.memory_space<hbm>>
    %dma_wait3A_817 = arith.constant 0 : i32
    %dma_wait3A_818 = arith.constant 0 : i32
    %dma_wait3A_819 = tpu.memref_slice %arg6[%dma_wait3A_808, %dma_wait3A_817, %dma_wait3A_818] : memref<2x256x128xf32, #tpu.memory_space<vmem>> -> memref<1x256x128xf32, #tpu.memory_space<vmem>>
    %dma_wait3A_820 = tpu.memref_squeeze %dma_wait3A_819 : memref<1x256x128xf32, #tpu.memory_space<vmem>> -> memref<256x128xf32, #tpu.memory_space<vmem>>
    tpu.wait_dma2 semaphore(%arg8 : memref<!tpu.dma_semaphore, #tpu.memory_space<semaphore_mem>>) src(%dma_wait3A_820 : memref<256x128xf32, #tpu.memory_space<vmem>>) dst(%dma_wait3A_816 : memref<256x128xf32, #tpu.memory_space<hbm>>)
    %add3A_821 = arith.constant 20 : i32
    %add3A_822 = arith.addi %mul3A_2, %add3A_821 : i32
    %run_scoped3A_823 = arith.constant 0 : i32
    "tpu.region"() ({
      %run_scoped3A_2079 = tpu.sem_alloc : memref<!tpu.dma_semaphore, #tpu.memory_space<semaphore_mem>>
      %dma_start3A_2080 = arith.constant 0 : i32
      %dma_start3A_2081 = arith.constant 0 : i32
      %dma_start3A_2082 = tpu.memref_slice %arg5[%run_scoped3A_823, %dma_start3A_2080, %dma_start3A_2081] : memref<2x2x128xi32, #tpu.memory_space<vmem>> -> memref<1x2x128xi32, #tpu.memory_space<vmem>>
      %dma_start3A_2083 = tpu.memref_squeeze %dma_start3A_2082 : memref<1x2x128xi32, #tpu.memory_space<vmem>> -> memref<2x128xi32, #tpu.memory_space<vmem>>
      %dma_start3A_2084 = arith.constant 0 : i32
      %dma_start3A_2085 = tpu.memref_slice %arg2[%add3A_822, %dma_start3A_2084] : memref<1600x128xi32, #tpu.memory_space<hbm>> -> memref<2x128xi32, #tpu.memory_space<hbm>>
      %dma_start3A_2086 = arith.constant 0 : i32
      %dma_start3A_2087 = arith.constant 0 : i32
      %dma_start3A_2088 = tpu.memref_slice %arg5[%run_scoped3A_823, %dma_start3A_2086, %dma_start3A_2087] : memref<2x2x128xi32, #tpu.memory_space<vmem>> -> memref<1x2x128xi32, #tpu.memory_space<vmem>>
      %dma_start3A_2089 = tpu.memref_squeeze %dma_start3A_2088 : memref<1x2x128xi32, #tpu.memory_space<vmem>> -> memref<2x128xi32, #tpu.memory_space<vmem>>
      %dma_start3A_2090 = arith.constant 0 : i32
      %dma_start3A_2091 = tpu.memref_slice %arg2[%add3A_822, %dma_start3A_2090] : memref<1600x128xi32, #tpu.memory_space<hbm>> -> memref<2x128xi32, #tpu.memory_space<hbm>>
      tpu.enqueue_dma source(%dma_start3A_2091 : memref<2x128xi32, #tpu.memory_space<hbm>>) target(%dma_start3A_2089 : memref<2x128xi32, #tpu.memory_space<vmem>>) target_semaphore(%run_scoped3A_2079 : memref<!tpu.dma_semaphore, #tpu.memory_space<semaphore_mem>>)
      %dma_wait3A_2092 = arith.constant 0 : i32
      %dma_wait3A_2093 = arith.constant 0 : i32
      %dma_wait3A_2094 = tpu.memref_slice %arg5[%run_scoped3A_823, %dma_wait3A_2092, %dma_wait3A_2093] : memref<2x2x128xi32, #tpu.memory_space<vmem>> -> memref<1x2x128xi32, #tpu.memory_space<vmem>>
      %dma_wait3A_2095 = tpu.memref_squeeze %dma_wait3A_2094 : memref<1x2x128xi32, #tpu.memory_space<vmem>> -> memref<2x128xi32, #tpu.memory_space<vmem>>
      %dma_wait3A_2096 = arith.constant 0 : i32
      %dma_wait3A_2097 = tpu.memref_slice %arg2[%add3A_822, %dma_wait3A_2096] : memref<1600x128xi32, #tpu.memory_space<hbm>> -> memref<2x128xi32, #tpu.memory_space<hbm>>
      %dma_wait3A_2098 = arith.constant 0 : i32
      %dma_wait3A_2099 = arith.constant 0 : i32
      %dma_wait3A_2100 = tpu.memref_slice %arg5[%run_scoped3A_823, %dma_wait3A_2098, %dma_wait3A_2099] : memref<2x2x128xi32, #tpu.memory_space<vmem>> -> memref<1x2x128xi32, #tpu.memory_space<vmem>>
      %dma_wait3A_2101 = tpu.memref_squeeze %dma_wait3A_2100 : memref<1x2x128xi32, #tpu.memory_space<vmem>> -> memref<2x128xi32, #tpu.memory_space<vmem>>
      %dma_wait3A_2102 = arith.constant 0 : i32
      %dma_wait3A_2103 = tpu.memref_slice %arg2[%add3A_822, %dma_wait3A_2102] : memref<1600x128xi32, #tpu.memory_space<hbm>> -> memref<2x128xi32, #tpu.memory_space<hbm>>
      tpu.wait_dma2 semaphore(%run_scoped3A_2079 : memref<!tpu.dma_semaphore, #tpu.memory_space<semaphore_mem>>) src(%dma_wait3A_2103 : memref<2x128xi32, #tpu.memory_space<hbm>>) dst(%dma_wait3A_2101 : memref<2x128xi32, #tpu.memory_space<vmem>>)
      tpu.yield
    }) : () -> ()
    %dma_start3A_824 = arith.constant 0 : i32
    %dma_start3A_825 = arith.constant 0 : i32
    %dma_start3A_826 = arith.constant 0 : i32
    %dma_start3A_827 = arith.constant 0 : i32
    %dma_start3A_828 = arith.constant 0 : i32
    %dma_start3A_829 = tpu.memref_slice %arg6[%dma_start3A_826, %dma_start3A_827, %dma_start3A_828] : memref<2x256x128xf32, #tpu.memory_space<vmem>> -> memref<1x128x128xf32, #tpu.memory_space<vmem>>
    %dma_start3A_830 = tpu.memref_squeeze %dma_start3A_829 : memref<1x128x128xf32, #tpu.memory_space<vmem>> -> memref<128x128xf32, #tpu.memory_space<vmem>>
    %dma_start3A_831 = arith.constant 0 : i32
    %dma_start3A_832 = tpu.memref_slice %arg5[%dma_start3A_824, %dma_start3A_825, %dma_start3A_831] : memref<2x2x128xi32, #tpu.memory_space<vmem>> -> memref<1x1x128xi32, #tpu.memory_space<vmem>>
    %dma_start3A_833 = tpu.memref_squeeze %dma_start3A_832 : memref<1x1x128xi32, #tpu.memory_space<vmem>> -> memref<128xi32, #tpu.memory_space<vmem>>
    %dma_start3A_834 = arith.constant 0 : i32
    %dma_start3A_835 = arith.constant 0 : i32
    %dma_start3A_836 = tpu.memref_slice %arg3[%dma_start3A_834, %dma_start3A_835] : memref<1000000x128xf32, #tpu.memory_space<hbm>> -> memref<1000000x128xf32, #tpu.memory_space<hbm>>
    tpu.enqueue_indirect_dma source(%dma_start3A_836 : memref<1000000x128xf32, #tpu.memory_space<hbm>>) target(%dma_start3A_830 : memref<128x128xf32, #tpu.memory_space<vmem>>) offsets(%dma_start3A_833 : memref<128xi32, #tpu.memory_space<vmem>>) semaphore(%arg7 : memref<!tpu.dma_semaphore, #tpu.memory_space<semaphore_mem>>)
    %dma_start3A_837 = arith.constant 0 : i32
    %dma_start3A_838 = arith.constant 1 : i32
    %dma_start3A_839 = arith.constant 0 : i32
    %dma_start3A_840 = arith.constant 128 : i32
    %dma_start3A_841 = arith.constant 0 : i32
    %dma_start3A_842 = tpu.memref_slice %arg6[%dma_start3A_839, %dma_start3A_840, %dma_start3A_841] : memref<2x256x128xf32, #tpu.memory_space<vmem>> -> memref<1x128x128xf32, #tpu.memory_space<vmem>>
    %dma_start3A_843 = tpu.memref_squeeze %dma_start3A_842 : memref<1x128x128xf32, #tpu.memory_space<vmem>> -> memref<128x128xf32, #tpu.memory_space<vmem>>
    %dma_start3A_844 = arith.constant 0 : i32
    %dma_start3A_845 = tpu.memref_slice %arg5[%dma_start3A_837, %dma_start3A_838, %dma_start3A_844] : memref<2x2x128xi32, #tpu.memory_space<vmem>> -> memref<1x1x128xi32, #tpu.memory_space<vmem>>
    %dma_start3A_846 = tpu.memref_squeeze %dma_start3A_845 : memref<1x1x128xi32, #tpu.memory_space<vmem>> -> memref<128xi32, #tpu.memory_space<vmem>>
    %dma_start3A_847 = arith.constant 0 : i32
    %dma_start3A_848 = arith.constant 0 : i32
    %dma_start3A_849 = tpu.memref_slice %arg3[%dma_start3A_847, %dma_start3A_848] : memref<1000000x128xf32, #tpu.memory_space<hbm>> -> memref<1000000x128xf32, #tpu.memory_space<hbm>>
    tpu.enqueue_indirect_dma source(%dma_start3A_849 : memref<1000000x128xf32, #tpu.memory_space<hbm>>) target(%dma_start3A_843 : memref<128x128xf32, #tpu.memory_space<vmem>>) offsets(%dma_start3A_846 : memref<128xi32, #tpu.memory_space<vmem>>) semaphore(%arg7 : memref<!tpu.dma_semaphore, #tpu.memory_space<semaphore_mem>>)
    %dma_wait3A_850 = arith.constant 0 : i32
    %dma_wait3A_851 = arith.constant 0 : i32
    %dma_wait3A_852 = arith.constant 0 : i32
    %dma_wait3A_853 = arith.constant 0 : i32
    %dma_wait3A_854 = arith.constant 0 : i32
    %dma_wait3A_855 = tpu.memref_slice %arg6[%dma_wait3A_852, %dma_wait3A_853, %dma_wait3A_854] : memref<2x256x128xf32, #tpu.memory_space<vmem>> -> memref<1x128x128xf32, #tpu.memory_space<vmem>>
    %dma_wait3A_856 = tpu.memref_squeeze %dma_wait3A_855 : memref<1x128x128xf32, #tpu.memory_space<vmem>> -> memref<128x128xf32, #tpu.memory_space<vmem>>
    %dma_wait3A_857 = arith.constant 0 : i32
    %dma_wait3A_858 = tpu.memref_slice %arg5[%dma_wait3A_850, %dma_wait3A_851, %dma_wait3A_857] : memref<2x2x128xi32, #tpu.memory_space<vmem>> -> memref<1x1x128xi32, #tpu.memory_space<vmem>>
    %dma_wait3A_859 = tpu.memref_squeeze %dma_wait3A_858 : memref<1x1x128xi32, #tpu.memory_space<vmem>> -> memref<128xi32, #tpu.memory_space<vmem>>
    %dma_wait3A_860 = arith.constant 0 : i32
    %dma_wait3A_861 = arith.constant 0 : i32
    %dma_wait3A_862 = tpu.memref_slice %arg3[%dma_wait3A_860, %dma_wait3A_861] : memref<1000000x128xf32, #tpu.memory_space<hbm>> -> memref<1000000x128xf32, #tpu.memory_space<hbm>>
    tpu.wait_indirect_dma semaphore(%arg7 : memref<!tpu.dma_semaphore, #tpu.memory_space<semaphore_mem>>) src(%dma_wait3A_862 : memref<1000000x128xf32, #tpu.memory_space<hbm>>) dst(%dma_wait3A_856 : memref<128x128xf32, #tpu.memory_space<vmem>>)
    %dma_wait3A_863 = arith.constant 0 : i32
    %dma_wait3A_864 = arith.constant 1 : i32
    %dma_wait3A_865 = arith.constant 0 : i32
    %dma_wait3A_866 = arith.constant 128 : i32
    %dma_wait3A_867 = arith.constant 0 : i32
    %dma_wait3A_868 = tpu.memref_slice %arg6[%dma_wait3A_865, %dma_wait3A_866, %dma_wait3A_867] : memref<2x256x128xf32, #tpu.memory_space<vmem>> -> memref<1x128x128xf32, #tpu.memory_space<vmem>>
    %dma_wait3A_869 = tpu.memref_squeeze %dma_wait3A_868 : memref<1x128x128xf32, #tpu.memory_space<vmem>> -> memref<128x128xf32, #tpu.memory_space<vmem>>
    %dma_wait3A_870 = arith.constant 0 : i32
    %dma_wait3A_871 = tpu.memref_slice %arg5[%dma_wait3A_863, %dma_wait3A_864, %dma_wait3A_870] : memref<2x2x128xi32, #tpu.memory_space<vmem>> -> memref<1x1x128xi32, #tpu.memory_space<vmem>>
    %dma_wait3A_872 = tpu.memref_squeeze %dma_wait3A_871 : memref<1x1x128xi32, #tpu.memory_space<vmem>> -> memref<128xi32, #tpu.memory_space<vmem>>
    %dma_wait3A_873 = arith.constant 0 : i32
    %dma_wait3A_874 = arith.constant 0 : i32
    %dma_wait3A_875 = tpu.memref_slice %arg3[%dma_wait3A_873, %dma_wait3A_874] : memref<1000000x128xf32, #tpu.memory_space<hbm>> -> memref<1000000x128xf32, #tpu.memory_space<hbm>>
    tpu.wait_indirect_dma semaphore(%arg7 : memref<!tpu.dma_semaphore, #tpu.memory_space<semaphore_mem>>) src(%dma_wait3A_875 : memref<1000000x128xf32, #tpu.memory_space<hbm>>) dst(%dma_wait3A_869 : memref<128x128xf32, #tpu.memory_space<vmem>>)
    %add3A_876 = arith.constant 2560 : i32
    %add3A_877 = arith.addi %mul3A_6, %add3A_876 : i32
    %dma_start3A_878 = arith.constant 0 : i32
    %dma_start3A_879 = arith.constant 0 : i32
    %dma_start3A_880 = arith.constant 0 : i32
    %dma_start3A_881 = tpu.memref_slice %arg6[%dma_start3A_878, %dma_start3A_879, %dma_start3A_880] : memref<2x256x128xf32, #tpu.memory_space<vmem>> -> memref<1x256x128xf32, #tpu.memory_space<vmem>>
    %dma_start3A_882 = tpu.memref_squeeze %dma_start3A_881 : memref<1x256x128xf32, #tpu.memory_space<vmem>> -> memref<256x128xf32, #tpu.memory_space<vmem>>
    %dma_start3A_883 = arith.constant 0 : i32
    %dma_start3A_884 = tpu.memref_slice %arg4[%add3A_877, %dma_start3A_883] : memref<204800x128xf32, #tpu.memory_space<hbm>> -> memref<256x128xf32, #tpu.memory_space<hbm>>
    %dma_start3A_885 = arith.constant 0 : i32
    %dma_start3A_886 = tpu.memref_slice %arg4[%add3A_877, %dma_start3A_885] : memref<204800x128xf32, #tpu.memory_space<hbm>> -> memref<256x128xf32, #tpu.memory_space<hbm>>
    %dma_start3A_887 = arith.constant 0 : i32
    %dma_start3A_888 = arith.constant 0 : i32
    %dma_start3A_889 = tpu.memref_slice %arg6[%dma_start3A_878, %dma_start3A_887, %dma_start3A_888] : memref<2x256x128xf32, #tpu.memory_space<vmem>> -> memref<1x256x128xf32, #tpu.memory_space<vmem>>
    %dma_start3A_890 = tpu.memref_squeeze %dma_start3A_889 : memref<1x256x128xf32, #tpu.memory_space<vmem>> -> memref<256x128xf32, #tpu.memory_space<vmem>>
    tpu.enqueue_dma source(%dma_start3A_890 : memref<256x128xf32, #tpu.memory_space<vmem>>) target(%dma_start3A_886 : memref<256x128xf32, #tpu.memory_space<hbm>>) target_semaphore(%arg8 : memref<!tpu.dma_semaphore, #tpu.memory_space<semaphore_mem>>)
    %dma_wait3A_891 = arith.constant 1 : i32
    %dma_wait3A_892 = arith.constant 0 : i32
    %dma_wait3A_893 = arith.constant 0 : i32
    %dma_wait3A_894 = tpu.memref_slice %arg6[%dma_wait3A_891, %dma_wait3A_892, %dma_wait3A_893] : memref<2x256x128xf32, #tpu.memory_space<vmem>> -> memref<1x256x128xf32, #tpu.memory_space<vmem>>
    %dma_wait3A_895 = tpu.memref_squeeze %dma_wait3A_894 : memref<1x256x128xf32, #tpu.memory_space<vmem>> -> memref<256x128xf32, #tpu.memory_space<vmem>>
    %dma_wait3A_896 = arith.constant 0 : i32
    %dma_wait3A_897 = tpu.memref_slice %arg4[%add3A_794, %dma_wait3A_896] : memref<204800x128xf32, #tpu.memory_space<hbm>> -> memref<256x128xf32, #tpu.memory_space<hbm>>
    %dma_wait3A_898 = arith.constant 0 : i32
    %dma_wait3A_899 = tpu.memref_slice %arg4[%add3A_794, %dma_wait3A_898] : memref<204800x128xf32, #tpu.memory_space<hbm>> -> memref<256x128xf32, #tpu.memory_space<hbm>>
    %dma_wait3A_900 = arith.constant 0 : i32
    %dma_wait3A_901 = arith.constant 0 : i32
    %dma_wait3A_902 = tpu.memref_slice %arg6[%dma_wait3A_891, %dma_wait3A_900, %dma_wait3A_901] : memref<2x256x128xf32, #tpu.memory_space<vmem>> -> memref<1x256x128xf32, #tpu.memory_space<vmem>>
    %dma_wait3A_903 = tpu.memref_squeeze %dma_wait3A_902 : memref<1x256x128xf32, #tpu.memory_space<vmem>> -> memref<256x128xf32, #tpu.memory_space<vmem>>
    tpu.wait_dma2 semaphore(%arg9 : memref<!tpu.dma_semaphore, #tpu.memory_space<semaphore_mem>>) src(%dma_wait3A_903 : memref<256x128xf32, #tpu.memory_space<vmem>>) dst(%dma_wait3A_899 : memref<256x128xf32, #tpu.memory_space<hbm>>)
    %add3A_904 = arith.constant 22 : i32
    %add3A_905 = arith.addi %mul3A_2, %add3A_904 : i32
    %run_scoped3A_906 = arith.constant 1 : i32
    "tpu.region"() ({
      %run_scoped3A_2079 = tpu.sem_alloc : memref<!tpu.dma_semaphore, #tpu.memory_space<semaphore_mem>>
      %dma_start3A_2080 = arith.constant 0 : i32
      %dma_start3A_2081 = arith.constant 0 : i32
      %dma_start3A_2082 = tpu.memref_slice %arg5[%run_scoped3A_906, %dma_start3A_2080, %dma_start3A_2081] : memref<2x2x128xi32, #tpu.memory_space<vmem>> -> memref<1x2x128xi32, #tpu.memory_space<vmem>>
      %dma_start3A_2083 = tpu.memref_squeeze %dma_start3A_2082 : memref<1x2x128xi32, #tpu.memory_space<vmem>> -> memref<2x128xi32, #tpu.memory_space<vmem>>
      %dma_start3A_2084 = arith.constant 0 : i32
      %dma_start3A_2085 = tpu.memref_slice %arg2[%add3A_905, %dma_start3A_2084] : memref<1600x128xi32, #tpu.memory_space<hbm>> -> memref<2x128xi32, #tpu.memory_space<hbm>>
      %dma_start3A_2086 = arith.constant 0 : i32
      %dma_start3A_2087 = arith.constant 0 : i32
      %dma_start3A_2088 = tpu.memref_slice %arg5[%run_scoped3A_906, %dma_start3A_2086, %dma_start3A_2087] : memref<2x2x128xi32, #tpu.memory_space<vmem>> -> memref<1x2x128xi32, #tpu.memory_space<vmem>>
      %dma_start3A_2089 = tpu.memref_squeeze %dma_start3A_2088 : memref<1x2x128xi32, #tpu.memory_space<vmem>> -> memref<2x128xi32, #tpu.memory_space<vmem>>
      %dma_start3A_2090 = arith.constant 0 : i32
      %dma_start3A_2091 = tpu.memref_slice %arg2[%add3A_905, %dma_start3A_2090] : memref<1600x128xi32, #tpu.memory_space<hbm>> -> memref<2x128xi32, #tpu.memory_space<hbm>>
      tpu.enqueue_dma source(%dma_start3A_2091 : memref<2x128xi32, #tpu.memory_space<hbm>>) target(%dma_start3A_2089 : memref<2x128xi32, #tpu.memory_space<vmem>>) target_semaphore(%run_scoped3A_2079 : memref<!tpu.dma_semaphore, #tpu.memory_space<semaphore_mem>>)
      %dma_wait3A_2092 = arith.constant 0 : i32
      %dma_wait3A_2093 = arith.constant 0 : i32
      %dma_wait3A_2094 = tpu.memref_slice %arg5[%run_scoped3A_906, %dma_wait3A_2092, %dma_wait3A_2093] : memref<2x2x128xi32, #tpu.memory_space<vmem>> -> memref<1x2x128xi32, #tpu.memory_space<vmem>>
      %dma_wait3A_2095 = tpu.memref_squeeze %dma_wait3A_2094 : memref<1x2x128xi32, #tpu.memory_space<vmem>> -> memref<2x128xi32, #tpu.memory_space<vmem>>
      %dma_wait3A_2096 = arith.constant 0 : i32
      %dma_wait3A_2097 = tpu.memref_slice %arg2[%add3A_905, %dma_wait3A_2096] : memref<1600x128xi32, #tpu.memory_space<hbm>> -> memref<2x128xi32, #tpu.memory_space<hbm>>
      %dma_wait3A_2098 = arith.constant 0 : i32
      %dma_wait3A_2099 = arith.constant 0 : i32
      %dma_wait3A_2100 = tpu.memref_slice %arg5[%run_scoped3A_906, %dma_wait3A_2098, %dma_wait3A_2099] : memref<2x2x128xi32, #tpu.memory_space<vmem>> -> memref<1x2x128xi32, #tpu.memory_space<vmem>>
      %dma_wait3A_2101 = tpu.memref_squeeze %dma_wait3A_2100 : memref<1x2x128xi32, #tpu.memory_space<vmem>> -> memref<2x128xi32, #tpu.memory_space<vmem>>
      %dma_wait3A_2102 = arith.constant 0 : i32
      %dma_wait3A_2103 = tpu.memref_slice %arg2[%add3A_905, %dma_wait3A_2102] : memref<1600x128xi32, #tpu.memory_space<hbm>> -> memref<2x128xi32, #tpu.memory_space<hbm>>
      tpu.wait_dma2 semaphore(%run_scoped3A_2079 : memref<!tpu.dma_semaphore, #tpu.memory_space<semaphore_mem>>) src(%dma_wait3A_2103 : memref<2x128xi32, #tpu.memory_space<hbm>>) dst(%dma_wait3A_2101 : memref<2x128xi32, #tpu.memory_space<vmem>>)
      tpu.yield
    }) : () -> ()
    %dma_start3A_907 = arith.constant 1 : i32
    %dma_start3A_908 = arith.constant 0 : i32
    %dma_start3A_909 = arith.constant 1 : i32
    %dma_start3A_910 = arith.constant 0 : i32
    %dma_start3A_911 = arith.constant 0 : i32
    %dma_start3A_912 = tpu.memref_slice %arg6[%dma_start3A_909, %dma_start3A_910, %dma_start3A_911] : memref<2x256x128xf32, #tpu.memory_space<vmem>> -> memref<1x128x128xf32, #tpu.memory_space<vmem>>
    %dma_start3A_913 = tpu.memref_squeeze %dma_start3A_912 : memref<1x128x128xf32, #tpu.memory_space<vmem>> -> memref<128x128xf32, #tpu.memory_space<vmem>>
    %dma_start3A_914 = arith.constant 0 : i32
    %dma_start3A_915 = tpu.memref_slice %arg5[%dma_start3A_907, %dma_start3A_908, %dma_start3A_914] : memref<2x2x128xi32, #tpu.memory_space<vmem>> -> memref<1x1x128xi32, #tpu.memory_space<vmem>>
    %dma_start3A_916 = tpu.memref_squeeze %dma_start3A_915 : memref<1x1x128xi32, #tpu.memory_space<vmem>> -> memref<128xi32, #tpu.memory_space<vmem>>
    %dma_start3A_917 = arith.constant 0 : i32
    %dma_start3A_918 = arith.constant 0 : i32
    %dma_start3A_919 = tpu.memref_slice %arg3[%dma_start3A_917, %dma_start3A_918] : memref<1000000x128xf32, #tpu.memory_space<hbm>> -> memref<1000000x128xf32, #tpu.memory_space<hbm>>
    tpu.enqueue_indirect_dma source(%dma_start3A_919 : memref<1000000x128xf32, #tpu.memory_space<hbm>>) target(%dma_start3A_913 : memref<128x128xf32, #tpu.memory_space<vmem>>) offsets(%dma_start3A_916 : memref<128xi32, #tpu.memory_space<vmem>>) semaphore(%arg7 : memref<!tpu.dma_semaphore, #tpu.memory_space<semaphore_mem>>)
    %dma_start3A_920 = arith.constant 1 : i32
    %dma_start3A_921 = arith.constant 1 : i32
    %dma_start3A_922 = arith.constant 1 : i32
    %dma_start3A_923 = arith.constant 128 : i32
    %dma_start3A_924 = arith.constant 0 : i32
    %dma_start3A_925 = tpu.memref_slice %arg6[%dma_start3A_922, %dma_start3A_923, %dma_start3A_924] : memref<2x256x128xf32, #tpu.memory_space<vmem>> -> memref<1x128x128xf32, #tpu.memory_space<vmem>>
    %dma_start3A_926 = tpu.memref_squeeze %dma_start3A_925 : memref<1x128x128xf32, #tpu.memory_space<vmem>> -> memref<128x128xf32, #tpu.memory_space<vmem>>
    %dma_start3A_927 = arith.constant 0 : i32
    %dma_start3A_928 = tpu.memref_slice %arg5[%dma_start3A_920, %dma_start3A_921, %dma_start3A_927] : memref<2x2x128xi32, #tpu.memory_space<vmem>> -> memref<1x1x128xi32, #tpu.memory_space<vmem>>
    %dma_start3A_929 = tpu.memref_squeeze %dma_start3A_928 : memref<1x1x128xi32, #tpu.memory_space<vmem>> -> memref<128xi32, #tpu.memory_space<vmem>>
    %dma_start3A_930 = arith.constant 0 : i32
    %dma_start3A_931 = arith.constant 0 : i32
    %dma_start3A_932 = tpu.memref_slice %arg3[%dma_start3A_930, %dma_start3A_931] : memref<1000000x128xf32, #tpu.memory_space<hbm>> -> memref<1000000x128xf32, #tpu.memory_space<hbm>>
    tpu.enqueue_indirect_dma source(%dma_start3A_932 : memref<1000000x128xf32, #tpu.memory_space<hbm>>) target(%dma_start3A_926 : memref<128x128xf32, #tpu.memory_space<vmem>>) offsets(%dma_start3A_929 : memref<128xi32, #tpu.memory_space<vmem>>) semaphore(%arg7 : memref<!tpu.dma_semaphore, #tpu.memory_space<semaphore_mem>>)
    %dma_wait3A_933 = arith.constant 1 : i32
    %dma_wait3A_934 = arith.constant 0 : i32
    %dma_wait3A_935 = arith.constant 1 : i32
    %dma_wait3A_936 = arith.constant 0 : i32
    %dma_wait3A_937 = arith.constant 0 : i32
    %dma_wait3A_938 = tpu.memref_slice %arg6[%dma_wait3A_935, %dma_wait3A_936, %dma_wait3A_937] : memref<2x256x128xf32, #tpu.memory_space<vmem>> -> memref<1x128x128xf32, #tpu.memory_space<vmem>>
    %dma_wait3A_939 = tpu.memref_squeeze %dma_wait3A_938 : memref<1x128x128xf32, #tpu.memory_space<vmem>> -> memref<128x128xf32, #tpu.memory_space<vmem>>
    %dma_wait3A_940 = arith.constant 0 : i32
    %dma_wait3A_941 = tpu.memref_slice %arg5[%dma_wait3A_933, %dma_wait3A_934, %dma_wait3A_940] : memref<2x2x128xi32, #tpu.memory_space<vmem>> -> memref<1x1x128xi32, #tpu.memory_space<vmem>>
    %dma_wait3A_942 = tpu.memref_squeeze %dma_wait3A_941 : memref<1x1x128xi32, #tpu.memory_space<vmem>> -> memref<128xi32, #tpu.memory_space<vmem>>
    %dma_wait3A_943 = arith.constant 0 : i32
    %dma_wait3A_944 = arith.constant 0 : i32
    %dma_wait3A_945 = tpu.memref_slice %arg3[%dma_wait3A_943, %dma_wait3A_944] : memref<1000000x128xf32, #tpu.memory_space<hbm>> -> memref<1000000x128xf32, #tpu.memory_space<hbm>>
    tpu.wait_indirect_dma semaphore(%arg7 : memref<!tpu.dma_semaphore, #tpu.memory_space<semaphore_mem>>) src(%dma_wait3A_945 : memref<1000000x128xf32, #tpu.memory_space<hbm>>) dst(%dma_wait3A_939 : memref<128x128xf32, #tpu.memory_space<vmem>>)
    %dma_wait3A_946 = arith.constant 1 : i32
    %dma_wait3A_947 = arith.constant 1 : i32
    %dma_wait3A_948 = arith.constant 1 : i32
    %dma_wait3A_949 = arith.constant 128 : i32
    %dma_wait3A_950 = arith.constant 0 : i32
    %dma_wait3A_951 = tpu.memref_slice %arg6[%dma_wait3A_948, %dma_wait3A_949, %dma_wait3A_950] : memref<2x256x128xf32, #tpu.memory_space<vmem>> -> memref<1x128x128xf32, #tpu.memory_space<vmem>>
    %dma_wait3A_952 = tpu.memref_squeeze %dma_wait3A_951 : memref<1x128x128xf32, #tpu.memory_space<vmem>> -> memref<128x128xf32, #tpu.memory_space<vmem>>
    %dma_wait3A_953 = arith.constant 0 : i32
    %dma_wait3A_954 = tpu.memref_slice %arg5[%dma_wait3A_946, %dma_wait3A_947, %dma_wait3A_953] : memref<2x2x128xi32, #tpu.memory_space<vmem>> -> memref<1x1x128xi32, #tpu.memory_space<vmem>>
    %dma_wait3A_955 = tpu.memref_squeeze %dma_wait3A_954 : memref<1x1x128xi32, #tpu.memory_space<vmem>> -> memref<128xi32, #tpu.memory_space<vmem>>
    %dma_wait3A_956 = arith.constant 0 : i32
    %dma_wait3A_957 = arith.constant 0 : i32
    %dma_wait3A_958 = tpu.memref_slice %arg3[%dma_wait3A_956, %dma_wait3A_957] : memref<1000000x128xf32, #tpu.memory_space<hbm>> -> memref<1000000x128xf32, #tpu.memory_space<hbm>>
    tpu.wait_indirect_dma semaphore(%arg7 : memref<!tpu.dma_semaphore, #tpu.memory_space<semaphore_mem>>) src(%dma_wait3A_958 : memref<1000000x128xf32, #tpu.memory_space<hbm>>) dst(%dma_wait3A_952 : memref<128x128xf32, #tpu.memory_space<vmem>>)
    %add3A_959 = arith.constant 2816 : i32
    %add3A_960 = arith.addi %mul3A_6, %add3A_959 : i32
    %dma_start3A_961 = arith.constant 1 : i32
    %dma_start3A_962 = arith.constant 0 : i32
    %dma_start3A_963 = arith.constant 0 : i32
    %dma_start3A_964 = tpu.memref_slice %arg6[%dma_start3A_961, %dma_start3A_962, %dma_start3A_963] : memref<2x256x128xf32, #tpu.memory_space<vmem>> -> memref<1x256x128xf32, #tpu.memory_space<vmem>>
    %dma_start3A_965 = tpu.memref_squeeze %dma_start3A_964 : memref<1x256x128xf32, #tpu.memory_space<vmem>> -> memref<256x128xf32, #tpu.memory_space<vmem>>
    %dma_start3A_966 = arith.constant 0 : i32
    %dma_start3A_967 = tpu.memref_slice %arg4[%add3A_960, %dma_start3A_966] : memref<204800x128xf32, #tpu.memory_space<hbm>> -> memref<256x128xf32, #tpu.memory_space<hbm>>
    %dma_start3A_968 = arith.constant 0 : i32
    %dma_start3A_969 = tpu.memref_slice %arg4[%add3A_960, %dma_start3A_968] : memref<204800x128xf32, #tpu.memory_space<hbm>> -> memref<256x128xf32, #tpu.memory_space<hbm>>
    %dma_start3A_970 = arith.constant 0 : i32
    %dma_start3A_971 = arith.constant 0 : i32
    %dma_start3A_972 = tpu.memref_slice %arg6[%dma_start3A_961, %dma_start3A_970, %dma_start3A_971] : memref<2x256x128xf32, #tpu.memory_space<vmem>> -> memref<1x256x128xf32, #tpu.memory_space<vmem>>
    %dma_start3A_973 = tpu.memref_squeeze %dma_start3A_972 : memref<1x256x128xf32, #tpu.memory_space<vmem>> -> memref<256x128xf32, #tpu.memory_space<vmem>>
    tpu.enqueue_dma source(%dma_start3A_973 : memref<256x128xf32, #tpu.memory_space<vmem>>) target(%dma_start3A_969 : memref<256x128xf32, #tpu.memory_space<hbm>>) target_semaphore(%arg9 : memref<!tpu.dma_semaphore, #tpu.memory_space<semaphore_mem>>)
    %dma_wait3A_974 = arith.constant 0 : i32
    %dma_wait3A_975 = arith.constant 0 : i32
    %dma_wait3A_976 = arith.constant 0 : i32
    %dma_wait3A_977 = tpu.memref_slice %arg6[%dma_wait3A_974, %dma_wait3A_975, %dma_wait3A_976] : memref<2x256x128xf32, #tpu.memory_space<vmem>> -> memref<1x256x128xf32, #tpu.memory_space<vmem>>
    %dma_wait3A_978 = tpu.memref_squeeze %dma_wait3A_977 : memref<1x256x128xf32, #tpu.memory_space<vmem>> -> memref<256x128xf32, #tpu.memory_space<vmem>>
    %dma_wait3A_979 = arith.constant 0 : i32
    %dma_wait3A_980 = tpu.memref_slice %arg4[%add3A_877, %dma_wait3A_979] : memref<204800x128xf32, #tpu.memory_space<hbm>> -> memref<256x128xf32, #tpu.memory_space<hbm>>
    %dma_wait3A_981 = arith.constant 0 : i32
    %dma_wait3A_982 = tpu.memref_slice %arg4[%add3A_877, %dma_wait3A_981] : memref<204800x128xf32, #tpu.memory_space<hbm>> -> memref<256x128xf32, #tpu.memory_space<hbm>>
    %dma_wait3A_983 = arith.constant 0 : i32
    %dma_wait3A_984 = arith.constant 0 : i32
    %dma_wait3A_985 = tpu.memref_slice %arg6[%dma_wait3A_974, %dma_wait3A_983, %dma_wait3A_984] : memref<2x256x128xf32, #tpu.memory_space<vmem>> -> memref<1x256x128xf32, #tpu.memory_space<vmem>>
    %dma_wait3A_986 = tpu.memref_squeeze %dma_wait3A_985 : memref<1x256x128xf32, #tpu.memory_space<vmem>> -> memref<256x128xf32, #tpu.memory_space<vmem>>
    tpu.wait_dma2 semaphore(%arg8 : memref<!tpu.dma_semaphore, #tpu.memory_space<semaphore_mem>>) src(%dma_wait3A_986 : memref<256x128xf32, #tpu.memory_space<vmem>>) dst(%dma_wait3A_982 : memref<256x128xf32, #tpu.memory_space<hbm>>)
    %add3A_987 = arith.constant 24 : i32
    %add3A_988 = arith.addi %mul3A_2, %add3A_987 : i32
    %run_scoped3A_989 = arith.constant 0 : i32
    "tpu.region"() ({
      %run_scoped3A_2079 = tpu.sem_alloc : memref<!tpu.dma_semaphore, #tpu.memory_space<semaphore_mem>>
      %dma_start3A_2080 = arith.constant 0 : i32
      %dma_start3A_2081 = arith.constant 0 : i32
      %dma_start3A_2082 = tpu.memref_slice %arg5[%run_scoped3A_989, %dma_start3A_2080, %dma_start3A_2081] : memref<2x2x128xi32, #tpu.memory_space<vmem>> -> memref<1x2x128xi32, #tpu.memory_space<vmem>>
      %dma_start3A_2083 = tpu.memref_squeeze %dma_start3A_2082 : memref<1x2x128xi32, #tpu.memory_space<vmem>> -> memref<2x128xi32, #tpu.memory_space<vmem>>
      %dma_start3A_2084 = arith.constant 0 : i32
      %dma_start3A_2085 = tpu.memref_slice %arg2[%add3A_988, %dma_start3A_2084] : memref<1600x128xi32, #tpu.memory_space<hbm>> -> memref<2x128xi32, #tpu.memory_space<hbm>>
      %dma_start3A_2086 = arith.constant 0 : i32
      %dma_start3A_2087 = arith.constant 0 : i32
      %dma_start3A_2088 = tpu.memref_slice %arg5[%run_scoped3A_989, %dma_start3A_2086, %dma_start3A_2087] : memref<2x2x128xi32, #tpu.memory_space<vmem>> -> memref<1x2x128xi32, #tpu.memory_space<vmem>>
      %dma_start3A_2089 = tpu.memref_squeeze %dma_start3A_2088 : memref<1x2x128xi32, #tpu.memory_space<vmem>> -> memref<2x128xi32, #tpu.memory_space<vmem>>
      %dma_start3A_2090 = arith.constant 0 : i32
      %dma_start3A_2091 = tpu.memref_slice %arg2[%add3A_988, %dma_start3A_2090] : memref<1600x128xi32, #tpu.memory_space<hbm>> -> memref<2x128xi32, #tpu.memory_space<hbm>>
      tpu.enqueue_dma source(%dma_start3A_2091 : memref<2x128xi32, #tpu.memory_space<hbm>>) target(%dma_start3A_2089 : memref<2x128xi32, #tpu.memory_space<vmem>>) target_semaphore(%run_scoped3A_2079 : memref<!tpu.dma_semaphore, #tpu.memory_space<semaphore_mem>>)
      %dma_wait3A_2092 = arith.constant 0 : i32
      %dma_wait3A_2093 = arith.constant 0 : i32
      %dma_wait3A_2094 = tpu.memref_slice %arg5[%run_scoped3A_989, %dma_wait3A_2092, %dma_wait3A_2093] : memref<2x2x128xi32, #tpu.memory_space<vmem>> -> memref<1x2x128xi32, #tpu.memory_space<vmem>>
      %dma_wait3A_2095 = tpu.memref_squeeze %dma_wait3A_2094 : memref<1x2x128xi32, #tpu.memory_space<vmem>> -> memref<2x128xi32, #tpu.memory_space<vmem>>
      %dma_wait3A_2096 = arith.constant 0 : i32
      %dma_wait3A_2097 = tpu.memref_slice %arg2[%add3A_988, %dma_wait3A_2096] : memref<1600x128xi32, #tpu.memory_space<hbm>> -> memref<2x128xi32, #tpu.memory_space<hbm>>
      %dma_wait3A_2098 = arith.constant 0 : i32
      %dma_wait3A_2099 = arith.constant 0 : i32
      %dma_wait3A_2100 = tpu.memref_slice %arg5[%run_scoped3A_989, %dma_wait3A_2098, %dma_wait3A_2099] : memref<2x2x128xi32, #tpu.memory_space<vmem>> -> memref<1x2x128xi32, #tpu.memory_space<vmem>>
      %dma_wait3A_2101 = tpu.memref_squeeze %dma_wait3A_2100 : memref<1x2x128xi32, #tpu.memory_space<vmem>> -> memref<2x128xi32, #tpu.memory_space<vmem>>
      %dma_wait3A_2102 = arith.constant 0 : i32
      %dma_wait3A_2103 = tpu.memref_slice %arg2[%add3A_988, %dma_wait3A_2102] : memref<1600x128xi32, #tpu.memory_space<hbm>> -> memref<2x128xi32, #tpu.memory_space<hbm>>
      tpu.wait_dma2 semaphore(%run_scoped3A_2079 : memref<!tpu.dma_semaphore, #tpu.memory_space<semaphore_mem>>) src(%dma_wait3A_2103 : memref<2x128xi32, #tpu.memory_space<hbm>>) dst(%dma_wait3A_2101 : memref<2x128xi32, #tpu.memory_space<vmem>>)
      tpu.yield
    }) : () -> ()
    %dma_start3A_990 = arith.constant 0 : i32
    %dma_start3A_991 = arith.constant 0 : i32
    %dma_start3A_992 = arith.constant 0 : i32
    %dma_start3A_993 = arith.constant 0 : i32
    %dma_start3A_994 = arith.constant 0 : i32
    %dma_start3A_995 = tpu.memref_slice %arg6[%dma_start3A_992, %dma_start3A_993, %dma_start3A_994] : memref<2x256x128xf32, #tpu.memory_space<vmem>> -> memref<1x128x128xf32, #tpu.memory_space<vmem>>
    %dma_start3A_996 = tpu.memref_squeeze %dma_start3A_995 : memref<1x128x128xf32, #tpu.memory_space<vmem>> -> memref<128x128xf32, #tpu.memory_space<vmem>>
    %dma_start3A_997 = arith.constant 0 : i32
    %dma_start3A_998 = tpu.memref_slice %arg5[%dma_start3A_990, %dma_start3A_991, %dma_start3A_997] : memref<2x2x128xi32, #tpu.memory_space<vmem>> -> memref<1x1x128xi32, #tpu.memory_space<vmem>>
    %dma_start3A_999 = tpu.memref_squeeze %dma_start3A_998 : memref<1x1x128xi32, #tpu.memory_space<vmem>> -> memref<128xi32, #tpu.memory_space<vmem>>
    %dma_start3A_1000 = arith.constant 0 : i32
    %dma_start3A_1001 = arith.constant 0 : i32
    %dma_start3A_1002 = tpu.memref_slice %arg3[%dma_start3A_1000, %dma_start3A_1001] : memref<1000000x128xf32, #tpu.memory_space<hbm>> -> memref<1000000x128xf32, #tpu.memory_space<hbm>>
    tpu.enqueue_indirect_dma source(%dma_start3A_1002 : memref<1000000x128xf32, #tpu.memory_space<hbm>>) target(%dma_start3A_996 : memref<128x128xf32, #tpu.memory_space<vmem>>) offsets(%dma_start3A_999 : memref<128xi32, #tpu.memory_space<vmem>>) semaphore(%arg7 : memref<!tpu.dma_semaphore, #tpu.memory_space<semaphore_mem>>)
    %dma_start3A_1003 = arith.constant 0 : i32
    %dma_start3A_1004 = arith.constant 1 : i32
    %dma_start3A_1005 = arith.constant 0 : i32
    %dma_start3A_1006 = arith.constant 128 : i32
    %dma_start3A_1007 = arith.constant 0 : i32
    %dma_start3A_1008 = tpu.memref_slice %arg6[%dma_start3A_1005, %dma_start3A_1006, %dma_start3A_1007] : memref<2x256x128xf32, #tpu.memory_space<vmem>> -> memref<1x128x128xf32, #tpu.memory_space<vmem>>
    %dma_start3A_1009 = tpu.memref_squeeze %dma_start3A_1008 : memref<1x128x128xf32, #tpu.memory_space<vmem>> -> memref<128x128xf32, #tpu.memory_space<vmem>>
    %dma_start3A_1010 = arith.constant 0 : i32
    %dma_start3A_1011 = tpu.memref_slice %arg5[%dma_start3A_1003, %dma_start3A_1004, %dma_start3A_1010] : memref<2x2x128xi32, #tpu.memory_space<vmem>> -> memref<1x1x128xi32, #tpu.memory_space<vmem>>
    %dma_start3A_1012 = tpu.memref_squeeze %dma_start3A_1011 : memref<1x1x128xi32, #tpu.memory_space<vmem>> -> memref<128xi32, #tpu.memory_space<vmem>>
    %dma_start3A_1013 = arith.constant 0 : i32
    %dma_start3A_1014 = arith.constant 0 : i32
    %dma_start3A_1015 = tpu.memref_slice %arg3[%dma_start3A_1013, %dma_start3A_1014] : memref<1000000x128xf32, #tpu.memory_space<hbm>> -> memref<1000000x128xf32, #tpu.memory_space<hbm>>
    tpu.enqueue_indirect_dma source(%dma_start3A_1015 : memref<1000000x128xf32, #tpu.memory_space<hbm>>) target(%dma_start3A_1009 : memref<128x128xf32, #tpu.memory_space<vmem>>) offsets(%dma_start3A_1012 : memref<128xi32, #tpu.memory_space<vmem>>) semaphore(%arg7 : memref<!tpu.dma_semaphore, #tpu.memory_space<semaphore_mem>>)
    %dma_wait3A_1016 = arith.constant 0 : i32
    %dma_wait3A_1017 = arith.constant 0 : i32
    %dma_wait3A_1018 = arith.constant 0 : i32
    %dma_wait3A_1019 = arith.constant 0 : i32
    %dma_wait3A_1020 = arith.constant 0 : i32
    %dma_wait3A_1021 = tpu.memref_slice %arg6[%dma_wait3A_1018, %dma_wait3A_1019, %dma_wait3A_1020] : memref<2x256x128xf32, #tpu.memory_space<vmem>> -> memref<1x128x128xf32, #tpu.memory_space<vmem>>
    %dma_wait3A_1022 = tpu.memref_squeeze %dma_wait3A_1021 : memref<1x128x128xf32, #tpu.memory_space<vmem>> -> memref<128x128xf32, #tpu.memory_space<vmem>>
    %dma_wait3A_1023 = arith.constant 0 : i32
    %dma_wait3A_1024 = tpu.memref_slice %arg5[%dma_wait3A_1016, %dma_wait3A_1017, %dma_wait3A_1023] : memref<2x2x128xi32, #tpu.memory_space<vmem>> -> memref<1x1x128xi32, #tpu.memory_space<vmem>>
    %dma_wait3A_1025 = tpu.memref_squeeze %dma_wait3A_1024 : memref<1x1x128xi32, #tpu.memory_space<vmem>> -> memref<128xi32, #tpu.memory_space<vmem>>
    %dma_wait3A_1026 = arith.constant 0 : i32
    %dma_wait3A_1027 = arith.constant 0 : i32
    %dma_wait3A_1028 = tpu.memref_slice %arg3[%dma_wait3A_1026, %dma_wait3A_1027] : memref<1000000x128xf32, #tpu.memory_space<hbm>> -> memref<1000000x128xf32, #tpu.memory_space<hbm>>
    tpu.wait_indirect_dma semaphore(%arg7 : memref<!tpu.dma_semaphore, #tpu.memory_space<semaphore_mem>>) src(%dma_wait3A_1028 : memref<1000000x128xf32, #tpu.memory_space<hbm>>) dst(%dma_wait3A_1022 : memref<128x128xf32, #tpu.memory_space<vmem>>)
    %dma_wait3A_1029 = arith.constant 0 : i32
    %dma_wait3A_1030 = arith.constant 1 : i32
    %dma_wait3A_1031 = arith.constant 0 : i32
    %dma_wait3A_1032 = arith.constant 128 : i32
    %dma_wait3A_1033 = arith.constant 0 : i32
    %dma_wait3A_1034 = tpu.memref_slice %arg6[%dma_wait3A_1031, %dma_wait3A_1032, %dma_wait3A_1033] : memref<2x256x128xf32, #tpu.memory_space<vmem>> -> memref<1x128x128xf32, #tpu.memory_space<vmem>>
    %dma_wait3A_1035 = tpu.memref_squeeze %dma_wait3A_1034 : memref<1x128x128xf32, #tpu.memory_space<vmem>> -> memref<128x128xf32, #tpu.memory_space<vmem>>
    %dma_wait3A_1036 = arith.constant 0 : i32
    %dma_wait3A_1037 = tpu.memref_slice %arg5[%dma_wait3A_1029, %dma_wait3A_1030, %dma_wait3A_1036] : memref<2x2x128xi32, #tpu.memory_space<vmem>> -> memref<1x1x128xi32, #tpu.memory_space<vmem>>
    %dma_wait3A_1038 = tpu.memref_squeeze %dma_wait3A_1037 : memref<1x1x128xi32, #tpu.memory_space<vmem>> -> memref<128xi32, #tpu.memory_space<vmem>>
    %dma_wait3A_1039 = arith.constant 0 : i32
    %dma_wait3A_1040 = arith.constant 0 : i32
    %dma_wait3A_1041 = tpu.memref_slice %arg3[%dma_wait3A_1039, %dma_wait3A_1040] : memref<1000000x128xf32, #tpu.memory_space<hbm>> -> memref<1000000x128xf32, #tpu.memory_space<hbm>>
    tpu.wait_indirect_dma semaphore(%arg7 : memref<!tpu.dma_semaphore, #tpu.memory_space<semaphore_mem>>) src(%dma_wait3A_1041 : memref<1000000x128xf32, #tpu.memory_space<hbm>>) dst(%dma_wait3A_1035 : memref<128x128xf32, #tpu.memory_space<vmem>>)
    %add3A_1042 = arith.constant 3072 : i32
    %add3A_1043 = arith.addi %mul3A_6, %add3A_1042 : i32
    %dma_start3A_1044 = arith.constant 0 : i32
    %dma_start3A_1045 = arith.constant 0 : i32
    %dma_start3A_1046 = arith.constant 0 : i32
    %dma_start3A_1047 = tpu.memref_slice %arg6[%dma_start3A_1044, %dma_start3A_1045, %dma_start3A_1046] : memref<2x256x128xf32, #tpu.memory_space<vmem>> -> memref<1x256x128xf32, #tpu.memory_space<vmem>>
    %dma_start3A_1048 = tpu.memref_squeeze %dma_start3A_1047 : memref<1x256x128xf32, #tpu.memory_space<vmem>> -> memref<256x128xf32, #tpu.memory_space<vmem>>
    %dma_start3A_1049 = arith.constant 0 : i32
    %dma_start3A_1050 = tpu.memref_slice %arg4[%add3A_1043, %dma_start3A_1049] : memref<204800x128xf32, #tpu.memory_space<hbm>> -> memref<256x128xf32, #tpu.memory_space<hbm>>
    %dma_start3A_1051 = arith.constant 0 : i32
    %dma_start3A_1052 = tpu.memref_slice %arg4[%add3A_1043, %dma_start3A_1051] : memref<204800x128xf32, #tpu.memory_space<hbm>> -> memref<256x128xf32, #tpu.memory_space<hbm>>
    %dma_start3A_1053 = arith.constant 0 : i32
    %dma_start3A_1054 = arith.constant 0 : i32
    %dma_start3A_1055 = tpu.memref_slice %arg6[%dma_start3A_1044, %dma_start3A_1053, %dma_start3A_1054] : memref<2x256x128xf32, #tpu.memory_space<vmem>> -> memref<1x256x128xf32, #tpu.memory_space<vmem>>
    %dma_start3A_1056 = tpu.memref_squeeze %dma_start3A_1055 : memref<1x256x128xf32, #tpu.memory_space<vmem>> -> memref<256x128xf32, #tpu.memory_space<vmem>>
    tpu.enqueue_dma source(%dma_start3A_1056 : memref<256x128xf32, #tpu.memory_space<vmem>>) target(%dma_start3A_1052 : memref<256x128xf32, #tpu.memory_space<hbm>>) target_semaphore(%arg8 : memref<!tpu.dma_semaphore, #tpu.memory_space<semaphore_mem>>)
    %dma_wait3A_1057 = arith.constant 1 : i32
    %dma_wait3A_1058 = arith.constant 0 : i32
    %dma_wait3A_1059 = arith.constant 0 : i32
    %dma_wait3A_1060 = tpu.memref_slice %arg6[%dma_wait3A_1057, %dma_wait3A_1058, %dma_wait3A_1059] : memref<2x256x128xf32, #tpu.memory_space<vmem>> -> memref<1x256x128xf32, #tpu.memory_space<vmem>>
    %dma_wait3A_1061 = tpu.memref_squeeze %dma_wait3A_1060 : memref<1x256x128xf32, #tpu.memory_space<vmem>> -> memref<256x128xf32, #tpu.memory_space<vmem>>
    %dma_wait3A_1062 = arith.constant 0 : i32
    %dma_wait3A_1063 = tpu.memref_slice %arg4[%add3A_960, %dma_wait3A_1062] : memref<204800x128xf32, #tpu.memory_space<hbm>> -> memref<256x128xf32, #tpu.memory_space<hbm>>
    %dma_wait3A_1064 = arith.constant 0 : i32
    %dma_wait3A_1065 = tpu.memref_slice %arg4[%add3A_960, %dma_wait3A_1064] : memref<204800x128xf32, #tpu.memory_space<hbm>> -> memref<256x128xf32, #tpu.memory_space<hbm>>
    %dma_wait3A_1066 = arith.constant 0 : i32
    %dma_wait3A_1067 = arith.constant 0 : i32
    %dma_wait3A_1068 = tpu.memref_slice %arg6[%dma_wait3A_1057, %dma_wait3A_1066, %dma_wait3A_1067] : memref<2x256x128xf32, #tpu.memory_space<vmem>> -> memref<1x256x128xf32, #tpu.memory_space<vmem>>
    %dma_wait3A_1069 = tpu.memref_squeeze %dma_wait3A_1068 : memref<1x256x128xf32, #tpu.memory_space<vmem>> -> memref<256x128xf32, #tpu.memory_space<vmem>>
    tpu.wait_dma2 semaphore(%arg9 : memref<!tpu.dma_semaphore, #tpu.memory_space<semaphore_mem>>) src(%dma_wait3A_1069 : memref<256x128xf32, #tpu.memory_space<vmem>>) dst(%dma_wait3A_1065 : memref<256x128xf32, #tpu.memory_space<hbm>>)
    %add3A_1070 = arith.constant 26 : i32
    %add3A_1071 = arith.addi %mul3A_2, %add3A_1070 : i32
    %run_scoped3A_1072 = arith.constant 1 : i32
    "tpu.region"() ({
      %run_scoped3A_2079 = tpu.sem_alloc : memref<!tpu.dma_semaphore, #tpu.memory_space<semaphore_mem>>
      %dma_start3A_2080 = arith.constant 0 : i32
      %dma_start3A_2081 = arith.constant 0 : i32
      %dma_start3A_2082 = tpu.memref_slice %arg5[%run_scoped3A_1072, %dma_start3A_2080, %dma_start3A_2081] : memref<2x2x128xi32, #tpu.memory_space<vmem>> -> memref<1x2x128xi32, #tpu.memory_space<vmem>>
      %dma_start3A_2083 = tpu.memref_squeeze %dma_start3A_2082 : memref<1x2x128xi32, #tpu.memory_space<vmem>> -> memref<2x128xi32, #tpu.memory_space<vmem>>
      %dma_start3A_2084 = arith.constant 0 : i32
      %dma_start3A_2085 = tpu.memref_slice %arg2[%add3A_1071, %dma_start3A_2084] : memref<1600x128xi32, #tpu.memory_space<hbm>> -> memref<2x128xi32, #tpu.memory_space<hbm>>
      %dma_start3A_2086 = arith.constant 0 : i32
      %dma_start3A_2087 = arith.constant 0 : i32
      %dma_start3A_2088 = tpu.memref_slice %arg5[%run_scoped3A_1072, %dma_start3A_2086, %dma_start3A_2087] : memref<2x2x128xi32, #tpu.memory_space<vmem>> -> memref<1x2x128xi32, #tpu.memory_space<vmem>>
      %dma_start3A_2089 = tpu.memref_squeeze %dma_start3A_2088 : memref<1x2x128xi32, #tpu.memory_space<vmem>> -> memref<2x128xi32, #tpu.memory_space<vmem>>
      %dma_start3A_2090 = arith.constant 0 : i32
      %dma_start3A_2091 = tpu.memref_slice %arg2[%add3A_1071, %dma_start3A_2090] : memref<1600x128xi32, #tpu.memory_space<hbm>> -> memref<2x128xi32, #tpu.memory_space<hbm>>
      tpu.enqueue_dma source(%dma_start3A_2091 : memref<2x128xi32, #tpu.memory_space<hbm>>) target(%dma_start3A_2089 : memref<2x128xi32, #tpu.memory_space<vmem>>) target_semaphore(%run_scoped3A_2079 : memref<!tpu.dma_semaphore, #tpu.memory_space<semaphore_mem>>)
      %dma_wait3A_2092 = arith.constant 0 : i32
      %dma_wait3A_2093 = arith.constant 0 : i32
      %dma_wait3A_2094 = tpu.memref_slice %arg5[%run_scoped3A_1072, %dma_wait3A_2092, %dma_wait3A_2093] : memref<2x2x128xi32, #tpu.memory_space<vmem>> -> memref<1x2x128xi32, #tpu.memory_space<vmem>>
      %dma_wait3A_2095 = tpu.memref_squeeze %dma_wait3A_2094 : memref<1x2x128xi32, #tpu.memory_space<vmem>> -> memref<2x128xi32, #tpu.memory_space<vmem>>
      %dma_wait3A_2096 = arith.constant 0 : i32
      %dma_wait3A_2097 = tpu.memref_slice %arg2[%add3A_1071, %dma_wait3A_2096] : memref<1600x128xi32, #tpu.memory_space<hbm>> -> memref<2x128xi32, #tpu.memory_space<hbm>>
      %dma_wait3A_2098 = arith.constant 0 : i32
      %dma_wait3A_2099 = arith.constant 0 : i32
      %dma_wait3A_2100 = tpu.memref_slice %arg5[%run_scoped3A_1072, %dma_wait3A_2098, %dma_wait3A_2099] : memref<2x2x128xi32, #tpu.memory_space<vmem>> -> memref<1x2x128xi32, #tpu.memory_space<vmem>>
      %dma_wait3A_2101 = tpu.memref_squeeze %dma_wait3A_2100 : memref<1x2x128xi32, #tpu.memory_space<vmem>> -> memref<2x128xi32, #tpu.memory_space<vmem>>
      %dma_wait3A_2102 = arith.constant 0 : i32
      %dma_wait3A_2103 = tpu.memref_slice %arg2[%add3A_1071, %dma_wait3A_2102] : memref<1600x128xi32, #tpu.memory_space<hbm>> -> memref<2x128xi32, #tpu.memory_space<hbm>>
      tpu.wait_dma2 semaphore(%run_scoped3A_2079 : memref<!tpu.dma_semaphore, #tpu.memory_space<semaphore_mem>>) src(%dma_wait3A_2103 : memref<2x128xi32, #tpu.memory_space<hbm>>) dst(%dma_wait3A_2101 : memref<2x128xi32, #tpu.memory_space<vmem>>)
      tpu.yield
    }) : () -> ()
    %dma_start3A_1073 = arith.constant 1 : i32
    %dma_start3A_1074 = arith.constant 0 : i32
    %dma_start3A_1075 = arith.constant 1 : i32
    %dma_start3A_1076 = arith.constant 0 : i32
    %dma_start3A_1077 = arith.constant 0 : i32
    %dma_start3A_1078 = tpu.memref_slice %arg6[%dma_start3A_1075, %dma_start3A_1076, %dma_start3A_1077] : memref<2x256x128xf32, #tpu.memory_space<vmem>> -> memref<1x128x128xf32, #tpu.memory_space<vmem>>
    %dma_start3A_1079 = tpu.memref_squeeze %dma_start3A_1078 : memref<1x128x128xf32, #tpu.memory_space<vmem>> -> memref<128x128xf32, #tpu.memory_space<vmem>>
    %dma_start3A_1080 = arith.constant 0 : i32
    %dma_start3A_1081 = tpu.memref_slice %arg5[%dma_start3A_1073, %dma_start3A_1074, %dma_start3A_1080] : memref<2x2x128xi32, #tpu.memory_space<vmem>> -> memref<1x1x128xi32, #tpu.memory_space<vmem>>
    %dma_start3A_1082 = tpu.memref_squeeze %dma_start3A_1081 : memref<1x1x128xi32, #tpu.memory_space<vmem>> -> memref<128xi32, #tpu.memory_space<vmem>>
    %dma_start3A_1083 = arith.constant 0 : i32
    %dma_start3A_1084 = arith.constant 0 : i32
    %dma_start3A_1085 = tpu.memref_slice %arg3[%dma_start3A_1083, %dma_start3A_1084] : memref<1000000x128xf32, #tpu.memory_space<hbm>> -> memref<1000000x128xf32, #tpu.memory_space<hbm>>
    tpu.enqueue_indirect_dma source(%dma_start3A_1085 : memref<1000000x128xf32, #tpu.memory_space<hbm>>) target(%dma_start3A_1079 : memref<128x128xf32, #tpu.memory_space<vmem>>) offsets(%dma_start3A_1082 : memref<128xi32, #tpu.memory_space<vmem>>) semaphore(%arg7 : memref<!tpu.dma_semaphore, #tpu.memory_space<semaphore_mem>>)
    %dma_start3A_1086 = arith.constant 1 : i32
    %dma_start3A_1087 = arith.constant 1 : i32
    %dma_start3A_1088 = arith.constant 1 : i32
    %dma_start3A_1089 = arith.constant 128 : i32
    %dma_start3A_1090 = arith.constant 0 : i32
    %dma_start3A_1091 = tpu.memref_slice %arg6[%dma_start3A_1088, %dma_start3A_1089, %dma_start3A_1090] : memref<2x256x128xf32, #tpu.memory_space<vmem>> -> memref<1x128x128xf32, #tpu.memory_space<vmem>>
    %dma_start3A_1092 = tpu.memref_squeeze %dma_start3A_1091 : memref<1x128x128xf32, #tpu.memory_space<vmem>> -> memref<128x128xf32, #tpu.memory_space<vmem>>
    %dma_start3A_1093 = arith.constant 0 : i32
    %dma_start3A_1094 = tpu.memref_slice %arg5[%dma_start3A_1086, %dma_start3A_1087, %dma_start3A_1093] : memref<2x2x128xi32, #tpu.memory_space<vmem>> -> memref<1x1x128xi32, #tpu.memory_space<vmem>>
    %dma_start3A_1095 = tpu.memref_squeeze %dma_start3A_1094 : memref<1x1x128xi32, #tpu.memory_space<vmem>> -> memref<128xi32, #tpu.memory_space<vmem>>
    %dma_start3A_1096 = arith.constant 0 : i32
    %dma_start3A_1097 = arith.constant 0 : i32
    %dma_start3A_1098 = tpu.memref_slice %arg3[%dma_start3A_1096, %dma_start3A_1097] : memref<1000000x128xf32, #tpu.memory_space<hbm>> -> memref<1000000x128xf32, #tpu.memory_space<hbm>>
    tpu.enqueue_indirect_dma source(%dma_start3A_1098 : memref<1000000x128xf32, #tpu.memory_space<hbm>>) target(%dma_start3A_1092 : memref<128x128xf32, #tpu.memory_space<vmem>>) offsets(%dma_start3A_1095 : memref<128xi32, #tpu.memory_space<vmem>>) semaphore(%arg7 : memref<!tpu.dma_semaphore, #tpu.memory_space<semaphore_mem>>)
    %dma_wait3A_1099 = arith.constant 1 : i32
    %dma_wait3A_1100 = arith.constant 0 : i32
    %dma_wait3A_1101 = arith.constant 1 : i32
    %dma_wait3A_1102 = arith.constant 0 : i32
    %dma_wait3A_1103 = arith.constant 0 : i32
    %dma_wait3A_1104 = tpu.memref_slice %arg6[%dma_wait3A_1101, %dma_wait3A_1102, %dma_wait3A_1103] : memref<2x256x128xf32, #tpu.memory_space<vmem>> -> memref<1x128x128xf32, #tpu.memory_space<vmem>>
    %dma_wait3A_1105 = tpu.memref_squeeze %dma_wait3A_1104 : memref<1x128x128xf32, #tpu.memory_space<vmem>> -> memref<128x128xf32, #tpu.memory_space<vmem>>
    %dma_wait3A_1106 = arith.constant 0 : i32
    %dma_wait3A_1107 = tpu.memref_slice %arg5[%dma_wait3A_1099, %dma_wait3A_1100, %dma_wait3A_1106] : memref<2x2x128xi32, #tpu.memory_space<vmem>> -> memref<1x1x128xi32, #tpu.memory_space<vmem>>
    %dma_wait3A_1108 = tpu.memref_squeeze %dma_wait3A_1107 : memref<1x1x128xi32, #tpu.memory_space<vmem>> -> memref<128xi32, #tpu.memory_space<vmem>>
    %dma_wait3A_1109 = arith.constant 0 : i32
    %dma_wait3A_1110 = arith.constant 0 : i32
    %dma_wait3A_1111 = tpu.memref_slice %arg3[%dma_wait3A_1109, %dma_wait3A_1110] : memref<1000000x128xf32, #tpu.memory_space<hbm>> -> memref<1000000x128xf32, #tpu.memory_space<hbm>>
    tpu.wait_indirect_dma semaphore(%arg7 : memref<!tpu.dma_semaphore, #tpu.memory_space<semaphore_mem>>) src(%dma_wait3A_1111 : memref<1000000x128xf32, #tpu.memory_space<hbm>>) dst(%dma_wait3A_1105 : memref<128x128xf32, #tpu.memory_space<vmem>>)
    %dma_wait3A_1112 = arith.constant 1 : i32
    %dma_wait3A_1113 = arith.constant 1 : i32
    %dma_wait3A_1114 = arith.constant 1 : i32
    %dma_wait3A_1115 = arith.constant 128 : i32
    %dma_wait3A_1116 = arith.constant 0 : i32
    %dma_wait3A_1117 = tpu.memref_slice %arg6[%dma_wait3A_1114, %dma_wait3A_1115, %dma_wait3A_1116] : memref<2x256x128xf32, #tpu.memory_space<vmem>> -> memref<1x128x128xf32, #tpu.memory_space<vmem>>
    %dma_wait3A_1118 = tpu.memref_squeeze %dma_wait3A_1117 : memref<1x128x128xf32, #tpu.memory_space<vmem>> -> memref<128x128xf32, #tpu.memory_space<vmem>>
    %dma_wait3A_1119 = arith.constant 0 : i32
    %dma_wait3A_1120 = tpu.memref_slice %arg5[%dma_wait3A_1112, %dma_wait3A_1113, %dma_wait3A_1119] : memref<2x2x128xi32, #tpu.memory_space<vmem>> -> memref<1x1x128xi32, #tpu.memory_space<vmem>>
    %dma_wait3A_1121 = tpu.memref_squeeze %dma_wait3A_1120 : memref<1x1x128xi32, #tpu.memory_space<vmem>> -> memref<128xi32, #tpu.memory_space<vmem>>
    %dma_wait3A_1122 = arith.constant 0 : i32
    %dma_wait3A_1123 = arith.constant 0 : i32
    %dma_wait3A_1124 = tpu.memref_slice %arg3[%dma_wait3A_1122, %dma_wait3A_1123] : memref<1000000x128xf32, #tpu.memory_space<hbm>> -> memref<1000000x128xf32, #tpu.memory_space<hbm>>
    tpu.wait_indirect_dma semaphore(%arg7 : memref<!tpu.dma_semaphore, #tpu.memory_space<semaphore_mem>>) src(%dma_wait3A_1124 : memref<1000000x128xf32, #tpu.memory_space<hbm>>) dst(%dma_wait3A_1118 : memref<128x128xf32, #tpu.memory_space<vmem>>)
    %add3A_1125 = arith.constant 3328 : i32
    %add3A_1126 = arith.addi %mul3A_6, %add3A_1125 : i32
    %dma_start3A_1127 = arith.constant 1 : i32
    %dma_start3A_1128 = arith.constant 0 : i32
    %dma_start3A_1129 = arith.constant 0 : i32
    %dma_start3A_1130 = tpu.memref_slice %arg6[%dma_start3A_1127, %dma_start3A_1128, %dma_start3A_1129] : memref<2x256x128xf32, #tpu.memory_space<vmem>> -> memref<1x256x128xf32, #tpu.memory_space<vmem>>
    %dma_start3A_1131 = tpu.memref_squeeze %dma_start3A_1130 : memref<1x256x128xf32, #tpu.memory_space<vmem>> -> memref<256x128xf32, #tpu.memory_space<vmem>>
    %dma_start3A_1132 = arith.constant 0 : i32
    %dma_start3A_1133 = tpu.memref_slice %arg4[%add3A_1126, %dma_start3A_1132] : memref<204800x128xf32, #tpu.memory_space<hbm>> -> memref<256x128xf32, #tpu.memory_space<hbm>>
    %dma_start3A_1134 = arith.constant 0 : i32
    %dma_start3A_1135 = tpu.memref_slice %arg4[%add3A_1126, %dma_start3A_1134] : memref<204800x128xf32, #tpu.memory_space<hbm>> -> memref<256x128xf32, #tpu.memory_space<hbm>>
    %dma_start3A_1136 = arith.constant 0 : i32
    %dma_start3A_1137 = arith.constant 0 : i32
    %dma_start3A_1138 = tpu.memref_slice %arg6[%dma_start3A_1127, %dma_start3A_1136, %dma_start3A_1137] : memref<2x256x128xf32, #tpu.memory_space<vmem>> -> memref<1x256x128xf32, #tpu.memory_space<vmem>>
    %dma_start3A_1139 = tpu.memref_squeeze %dma_start3A_1138 : memref<1x256x128xf32, #tpu.memory_space<vmem>> -> memref<256x128xf32, #tpu.memory_space<vmem>>
    tpu.enqueue_dma source(%dma_start3A_1139 : memref<256x128xf32, #tpu.memory_space<vmem>>) target(%dma_start3A_1135 : memref<256x128xf32, #tpu.memory_space<hbm>>) target_semaphore(%arg9 : memref<!tpu.dma_semaphore, #tpu.memory_space<semaphore_mem>>)
    %dma_wait3A_1140 = arith.constant 0 : i32
    %dma_wait3A_1141 = arith.constant 0 : i32
    %dma_wait3A_1142 = arith.constant 0 : i32
    %dma_wait3A_1143 = tpu.memref_slice %arg6[%dma_wait3A_1140, %dma_wait3A_1141, %dma_wait3A_1142] : memref<2x256x128xf32, #tpu.memory_space<vmem>> -> memref<1x256x128xf32, #tpu.memory_space<vmem>>
    %dma_wait3A_1144 = tpu.memref_squeeze %dma_wait3A_1143 : memref<1x256x128xf32, #tpu.memory_space<vmem>> -> memref<256x128xf32, #tpu.memory_space<vmem>>
    %dma_wait3A_1145 = arith.constant 0 : i32
    %dma_wait3A_1146 = tpu.memref_slice %arg4[%add3A_1043, %dma_wait3A_1145] : memref<204800x128xf32, #tpu.memory_space<hbm>> -> memref<256x128xf32, #tpu.memory_space<hbm>>
    %dma_wait3A_1147 = arith.constant 0 : i32
    %dma_wait3A_1148 = tpu.memref_slice %arg4[%add3A_1043, %dma_wait3A_1147] : memref<204800x128xf32, #tpu.memory_space<hbm>> -> memref<256x128xf32, #tpu.memory_space<hbm>>
    %dma_wait3A_1149 = arith.constant 0 : i32
    %dma_wait3A_1150 = arith.constant 0 : i32
    %dma_wait3A_1151 = tpu.memref_slice %arg6[%dma_wait3A_1140, %dma_wait3A_1149, %dma_wait3A_1150] : memref<2x256x128xf32, #tpu.memory_space<vmem>> -> memref<1x256x128xf32, #tpu.memory_space<vmem>>
    %dma_wait3A_1152 = tpu.memref_squeeze %dma_wait3A_1151 : memref<1x256x128xf32, #tpu.memory_space<vmem>> -> memref<256x128xf32, #tpu.memory_space<vmem>>
    tpu.wait_dma2 semaphore(%arg8 : memref<!tpu.dma_semaphore, #tpu.memory_space<semaphore_mem>>) src(%dma_wait3A_1152 : memref<256x128xf32, #tpu.memory_space<vmem>>) dst(%dma_wait3A_1148 : memref<256x128xf32, #tpu.memory_space<hbm>>)
    %add3A_1153 = arith.constant 28 : i32
    %add3A_1154 = arith.addi %mul3A_2, %add3A_1153 : i32
    %run_scoped3A_1155 = arith.constant 0 : i32
    "tpu.region"() ({
      %run_scoped3A_2079 = tpu.sem_alloc : memref<!tpu.dma_semaphore, #tpu.memory_space<semaphore_mem>>
      %dma_start3A_2080 = arith.constant 0 : i32
      %dma_start3A_2081 = arith.constant 0 : i32
      %dma_start3A_2082 = tpu.memref_slice %arg5[%run_scoped3A_1155, %dma_start3A_2080, %dma_start3A_2081] : memref<2x2x128xi32, #tpu.memory_space<vmem>> -> memref<1x2x128xi32, #tpu.memory_space<vmem>>
      %dma_start3A_2083 = tpu.memref_squeeze %dma_start3A_2082 : memref<1x2x128xi32, #tpu.memory_space<vmem>> -> memref<2x128xi32, #tpu.memory_space<vmem>>
      %dma_start3A_2084 = arith.constant 0 : i32
      %dma_start3A_2085 = tpu.memref_slice %arg2[%add3A_1154, %dma_start3A_2084] : memref<1600x128xi32, #tpu.memory_space<hbm>> -> memref<2x128xi32, #tpu.memory_space<hbm>>
      %dma_start3A_2086 = arith.constant 0 : i32
      %dma_start3A_2087 = arith.constant 0 : i32
      %dma_start3A_2088 = tpu.memref_slice %arg5[%run_scoped3A_1155, %dma_start3A_2086, %dma_start3A_2087] : memref<2x2x128xi32, #tpu.memory_space<vmem>> -> memref<1x2x128xi32, #tpu.memory_space<vmem>>
      %dma_start3A_2089 = tpu.memref_squeeze %dma_start3A_2088 : memref<1x2x128xi32, #tpu.memory_space<vmem>> -> memref<2x128xi32, #tpu.memory_space<vmem>>
      %dma_start3A_2090 = arith.constant 0 : i32
      %dma_start3A_2091 = tpu.memref_slice %arg2[%add3A_1154, %dma_start3A_2090] : memref<1600x128xi32, #tpu.memory_space<hbm>> -> memref<2x128xi32, #tpu.memory_space<hbm>>
      tpu.enqueue_dma source(%dma_start3A_2091 : memref<2x128xi32, #tpu.memory_space<hbm>>) target(%dma_start3A_2089 : memref<2x128xi32, #tpu.memory_space<vmem>>) target_semaphore(%run_scoped3A_2079 : memref<!tpu.dma_semaphore, #tpu.memory_space<semaphore_mem>>)
      %dma_wait3A_2092 = arith.constant 0 : i32
      %dma_wait3A_2093 = arith.constant 0 : i32
      %dma_wait3A_2094 = tpu.memref_slice %arg5[%run_scoped3A_1155, %dma_wait3A_2092, %dma_wait3A_2093] : memref<2x2x128xi32, #tpu.memory_space<vmem>> -> memref<1x2x128xi32, #tpu.memory_space<vmem>>
      %dma_wait3A_2095 = tpu.memref_squeeze %dma_wait3A_2094 : memref<1x2x128xi32, #tpu.memory_space<vmem>> -> memref<2x128xi32, #tpu.memory_space<vmem>>
      %dma_wait3A_2096 = arith.constant 0 : i32
      %dma_wait3A_2097 = tpu.memref_slice %arg2[%add3A_1154, %dma_wait3A_2096] : memref<1600x128xi32, #tpu.memory_space<hbm>> -> memref<2x128xi32, #tpu.memory_space<hbm>>
      %dma_wait3A_2098 = arith.constant 0 : i32
      %dma_wait3A_2099 = arith.constant 0 : i32
      %dma_wait3A_2100 = tpu.memref_slice %arg5[%run_scoped3A_1155, %dma_wait3A_2098, %dma_wait3A_2099] : memref<2x2x128xi32, #tpu.memory_space<vmem>> -> memref<1x2x128xi32, #tpu.memory_space<vmem>>
      %dma_wait3A_2101 = tpu.memref_squeeze %dma_wait3A_2100 : memref<1x2x128xi32, #tpu.memory_space<vmem>> -> memref<2x128xi32, #tpu.memory_space<vmem>>
      %dma_wait3A_2102 = arith.constant 0 : i32
      %dma_wait3A_2103 = tpu.memref_slice %arg2[%add3A_1154, %dma_wait3A_2102] : memref<1600x128xi32, #tpu.memory_space<hbm>> -> memref<2x128xi32, #tpu.memory_space<hbm>>
      tpu.wait_dma2 semaphore(%run_scoped3A_2079 : memref<!tpu.dma_semaphore, #tpu.memory_space<semaphore_mem>>) src(%dma_wait3A_2103 : memref<2x128xi32, #tpu.memory_space<hbm>>) dst(%dma_wait3A_2101 : memref<2x128xi32, #tpu.memory_space<vmem>>)
      tpu.yield
    }) : () -> ()
    %dma_start3A_1156 = arith.constant 0 : i32
    %dma_start3A_1157 = arith.constant 0 : i32
    %dma_start3A_1158 = arith.constant 0 : i32
    %dma_start3A_1159 = arith.constant 0 : i32
    %dma_start3A_1160 = arith.constant 0 : i32
    %dma_start3A_1161 = tpu.memref_slice %arg6[%dma_start3A_1158, %dma_start3A_1159, %dma_start3A_1160] : memref<2x256x128xf32, #tpu.memory_space<vmem>> -> memref<1x128x128xf32, #tpu.memory_space<vmem>>
    %dma_start3A_1162 = tpu.memref_squeeze %dma_start3A_1161 : memref<1x128x128xf32, #tpu.memory_space<vmem>> -> memref<128x128xf32, #tpu.memory_space<vmem>>
    %dma_start3A_1163 = arith.constant 0 : i32
    %dma_start3A_1164 = tpu.memref_slice %arg5[%dma_start3A_1156, %dma_start3A_1157, %dma_start3A_1163] : memref<2x2x128xi32, #tpu.memory_space<vmem>> -> memref<1x1x128xi32, #tpu.memory_space<vmem>>
    %dma_start3A_1165 = tpu.memref_squeeze %dma_start3A_1164 : memref<1x1x128xi32, #tpu.memory_space<vmem>> -> memref<128xi32, #tpu.memory_space<vmem>>
    %dma_start3A_1166 = arith.constant 0 : i32
    %dma_start3A_1167 = arith.constant 0 : i32
    %dma_start3A_1168 = tpu.memref_slice %arg3[%dma_start3A_1166, %dma_start3A_1167] : memref<1000000x128xf32, #tpu.memory_space<hbm>> -> memref<1000000x128xf32, #tpu.memory_space<hbm>>
    tpu.enqueue_indirect_dma source(%dma_start3A_1168 : memref<1000000x128xf32, #tpu.memory_space<hbm>>) target(%dma_start3A_1162 : memref<128x128xf32, #tpu.memory_space<vmem>>) offsets(%dma_start3A_1165 : memref<128xi32, #tpu.memory_space<vmem>>) semaphore(%arg7 : memref<!tpu.dma_semaphore, #tpu.memory_space<semaphore_mem>>)
    %dma_start3A_1169 = arith.constant 0 : i32
    %dma_start3A_1170 = arith.constant 1 : i32
    %dma_start3A_1171 = arith.constant 0 : i32
    %dma_start3A_1172 = arith.constant 128 : i32
    %dma_start3A_1173 = arith.constant 0 : i32
    %dma_start3A_1174 = tpu.memref_slice %arg6[%dma_start3A_1171, %dma_start3A_1172, %dma_start3A_1173] : memref<2x256x128xf32, #tpu.memory_space<vmem>> -> memref<1x128x128xf32, #tpu.memory_space<vmem>>
    %dma_start3A_1175 = tpu.memref_squeeze %dma_start3A_1174 : memref<1x128x128xf32, #tpu.memory_space<vmem>> -> memref<128x128xf32, #tpu.memory_space<vmem>>
    %dma_start3A_1176 = arith.constant 0 : i32
    %dma_start3A_1177 = tpu.memref_slice %arg5[%dma_start3A_1169, %dma_start3A_1170, %dma_start3A_1176] : memref<2x2x128xi32, #tpu.memory_space<vmem>> -> memref<1x1x128xi32, #tpu.memory_space<vmem>>
    %dma_start3A_1178 = tpu.memref_squeeze %dma_start3A_1177 : memref<1x1x128xi32, #tpu.memory_space<vmem>> -> memref<128xi32, #tpu.memory_space<vmem>>
    %dma_start3A_1179 = arith.constant 0 : i32
    %dma_start3A_1180 = arith.constant 0 : i32
    %dma_start3A_1181 = tpu.memref_slice %arg3[%dma_start3A_1179, %dma_start3A_1180] : memref<1000000x128xf32, #tpu.memory_space<hbm>> -> memref<1000000x128xf32, #tpu.memory_space<hbm>>
    tpu.enqueue_indirect_dma source(%dma_start3A_1181 : memref<1000000x128xf32, #tpu.memory_space<hbm>>) target(%dma_start3A_1175 : memref<128x128xf32, #tpu.memory_space<vmem>>) offsets(%dma_start3A_1178 : memref<128xi32, #tpu.memory_space<vmem>>) semaphore(%arg7 : memref<!tpu.dma_semaphore, #tpu.memory_space<semaphore_mem>>)
    %dma_wait3A_1182 = arith.constant 0 : i32
    %dma_wait3A_1183 = arith.constant 0 : i32
    %dma_wait3A_1184 = arith.constant 0 : i32
    %dma_wait3A_1185 = arith.constant 0 : i32
    %dma_wait3A_1186 = arith.constant 0 : i32
    %dma_wait3A_1187 = tpu.memref_slice %arg6[%dma_wait3A_1184, %dma_wait3A_1185, %dma_wait3A_1186] : memref<2x256x128xf32, #tpu.memory_space<vmem>> -> memref<1x128x128xf32, #tpu.memory_space<vmem>>
    %dma_wait3A_1188 = tpu.memref_squeeze %dma_wait3A_1187 : memref<1x128x128xf32, #tpu.memory_space<vmem>> -> memref<128x128xf32, #tpu.memory_space<vmem>>
    %dma_wait3A_1189 = arith.constant 0 : i32
    %dma_wait3A_1190 = tpu.memref_slice %arg5[%dma_wait3A_1182, %dma_wait3A_1183, %dma_wait3A_1189] : memref<2x2x128xi32, #tpu.memory_space<vmem>> -> memref<1x1x128xi32, #tpu.memory_space<vmem>>
    %dma_wait3A_1191 = tpu.memref_squeeze %dma_wait3A_1190 : memref<1x1x128xi32, #tpu.memory_space<vmem>> -> memref<128xi32, #tpu.memory_space<vmem>>
    %dma_wait3A_1192 = arith.constant 0 : i32
    %dma_wait3A_1193 = arith.constant 0 : i32
    %dma_wait3A_1194 = tpu.memref_slice %arg3[%dma_wait3A_1192, %dma_wait3A_1193] : memref<1000000x128xf32, #tpu.memory_space<hbm>> -> memref<1000000x128xf32, #tpu.memory_space<hbm>>
    tpu.wait_indirect_dma semaphore(%arg7 : memref<!tpu.dma_semaphore, #tpu.memory_space<semaphore_mem>>) src(%dma_wait3A_1194 : memref<1000000x128xf32, #tpu.memory_space<hbm>>) dst(%dma_wait3A_1188 : memref<128x128xf32, #tpu.memory_space<vmem>>)
    %dma_wait3A_1195 = arith.constant 0 : i32
    %dma_wait3A_1196 = arith.constant 1 : i32
    %dma_wait3A_1197 = arith.constant 0 : i32
    %dma_wait3A_1198 = arith.constant 128 : i32
    %dma_wait3A_1199 = arith.constant 0 : i32
    %dma_wait3A_1200 = tpu.memref_slice %arg6[%dma_wait3A_1197, %dma_wait3A_1198, %dma_wait3A_1199] : memref<2x256x128xf32, #tpu.memory_space<vmem>> -> memref<1x128x128xf32, #tpu.memory_space<vmem>>
    %dma_wait3A_1201 = tpu.memref_squeeze %dma_wait3A_1200 : memref<1x128x128xf32, #tpu.memory_space<vmem>> -> memref<128x128xf32, #tpu.memory_space<vmem>>
    %dma_wait3A_1202 = arith.constant 0 : i32
    %dma_wait3A_1203 = tpu.memref_slice %arg5[%dma_wait3A_1195, %dma_wait3A_1196, %dma_wait3A_1202] : memref<2x2x128xi32, #tpu.memory_space<vmem>> -> memref<1x1x128xi32, #tpu.memory_space<vmem>>
    %dma_wait3A_1204 = tpu.memref_squeeze %dma_wait3A_1203 : memref<1x1x128xi32, #tpu.memory_space<vmem>> -> memref<128xi32, #tpu.memory_space<vmem>>
    %dma_wait3A_1205 = arith.constant 0 : i32
    %dma_wait3A_1206 = arith.constant 0 : i32
    %dma_wait3A_1207 = tpu.memref_slice %arg3[%dma_wait3A_1205, %dma_wait3A_1206] : memref<1000000x128xf32, #tpu.memory_space<hbm>> -> memref<1000000x128xf32, #tpu.memory_space<hbm>>
    tpu.wait_indirect_dma semaphore(%arg7 : memref<!tpu.dma_semaphore, #tpu.memory_space<semaphore_mem>>) src(%dma_wait3A_1207 : memref<1000000x128xf32, #tpu.memory_space<hbm>>) dst(%dma_wait3A_1201 : memref<128x128xf32, #tpu.memory_space<vmem>>)
    %add3A_1208 = arith.constant 3584 : i32
    %add3A_1209 = arith.addi %mul3A_6, %add3A_1208 : i32
    %dma_start3A_1210 = arith.constant 0 : i32
    %dma_start3A_1211 = arith.constant 0 : i32
    %dma_start3A_1212 = arith.constant 0 : i32
    %dma_start3A_1213 = tpu.memref_slice %arg6[%dma_start3A_1210, %dma_start3A_1211, %dma_start3A_1212] : memref<2x256x128xf32, #tpu.memory_space<vmem>> -> memref<1x256x128xf32, #tpu.memory_space<vmem>>
    %dma_start3A_1214 = tpu.memref_squeeze %dma_start3A_1213 : memref<1x256x128xf32, #tpu.memory_space<vmem>> -> memref<256x128xf32, #tpu.memory_space<vmem>>
    %dma_start3A_1215 = arith.constant 0 : i32
    %dma_start3A_1216 = tpu.memref_slice %arg4[%add3A_1209, %dma_start3A_1215] : memref<204800x128xf32, #tpu.memory_space<hbm>> -> memref<256x128xf32, #tpu.memory_space<hbm>>
    %dma_start3A_1217 = arith.constant 0 : i32
    %dma_start3A_1218 = tpu.memref_slice %arg4[%add3A_1209, %dma_start3A_1217] : memref<204800x128xf32, #tpu.memory_space<hbm>> -> memref<256x128xf32, #tpu.memory_space<hbm>>
    %dma_start3A_1219 = arith.constant 0 : i32
    %dma_start3A_1220 = arith.constant 0 : i32
    %dma_start3A_1221 = tpu.memref_slice %arg6[%dma_start3A_1210, %dma_start3A_1219, %dma_start3A_1220] : memref<2x256x128xf32, #tpu.memory_space<vmem>> -> memref<1x256x128xf32, #tpu.memory_space<vmem>>
    %dma_start3A_1222 = tpu.memref_squeeze %dma_start3A_1221 : memref<1x256x128xf32, #tpu.memory_space<vmem>> -> memref<256x128xf32, #tpu.memory_space<vmem>>
    tpu.enqueue_dma source(%dma_start3A_1222 : memref<256x128xf32, #tpu.memory_space<vmem>>) target(%dma_start3A_1218 : memref<256x128xf32, #tpu.memory_space<hbm>>) target_semaphore(%arg8 : memref<!tpu.dma_semaphore, #tpu.memory_space<semaphore_mem>>)
    %dma_wait3A_1223 = arith.constant 1 : i32
    %dma_wait3A_1224 = arith.constant 0 : i32
    %dma_wait3A_1225 = arith.constant 0 : i32
    %dma_wait3A_1226 = tpu.memref_slice %arg6[%dma_wait3A_1223, %dma_wait3A_1224, %dma_wait3A_1225] : memref<2x256x128xf32, #tpu.memory_space<vmem>> -> memref<1x256x128xf32, #tpu.memory_space<vmem>>
    %dma_wait3A_1227 = tpu.memref_squeeze %dma_wait3A_1226 : memref<1x256x128xf32, #tpu.memory_space<vmem>> -> memref<256x128xf32, #tpu.memory_space<vmem>>
    %dma_wait3A_1228 = arith.constant 0 : i32
    %dma_wait3A_1229 = tpu.memref_slice %arg4[%add3A_1126, %dma_wait3A_1228] : memref<204800x128xf32, #tpu.memory_space<hbm>> -> memref<256x128xf32, #tpu.memory_space<hbm>>
    %dma_wait3A_1230 = arith.constant 0 : i32
    %dma_wait3A_1231 = tpu.memref_slice %arg4[%add3A_1126, %dma_wait3A_1230] : memref<204800x128xf32, #tpu.memory_space<hbm>> -> memref<256x128xf32, #tpu.memory_space<hbm>>
    %dma_wait3A_1232 = arith.constant 0 : i32
    %dma_wait3A_1233 = arith.constant 0 : i32
    %dma_wait3A_1234 = tpu.memref_slice %arg6[%dma_wait3A_1223, %dma_wait3A_1232, %dma_wait3A_1233] : memref<2x256x128xf32, #tpu.memory_space<vmem>> -> memref<1x256x128xf32, #tpu.memory_space<vmem>>
    %dma_wait3A_1235 = tpu.memref_squeeze %dma_wait3A_1234 : memref<1x256x128xf32, #tpu.memory_space<vmem>> -> memref<256x128xf32, #tpu.memory_space<vmem>>
    tpu.wait_dma2 semaphore(%arg9 : memref<!tpu.dma_semaphore, #tpu.memory_space<semaphore_mem>>) src(%dma_wait3A_1235 : memref<256x128xf32, #tpu.memory_space<vmem>>) dst(%dma_wait3A_1231 : memref<256x128xf32, #tpu.memory_space<hbm>>)
    %add3A_1236 = arith.constant 30 : i32
    %add3A_1237 = arith.addi %mul3A_2, %add3A_1236 : i32
    %run_scoped3A_1238 = arith.constant 1 : i32
    "tpu.region"() ({
      %run_scoped3A_2079 = tpu.sem_alloc : memref<!tpu.dma_semaphore, #tpu.memory_space<semaphore_mem>>
      %dma_start3A_2080 = arith.constant 0 : i32
      %dma_start3A_2081 = arith.constant 0 : i32
      %dma_start3A_2082 = tpu.memref_slice %arg5[%run_scoped3A_1238, %dma_start3A_2080, %dma_start3A_2081] : memref<2x2x128xi32, #tpu.memory_space<vmem>> -> memref<1x2x128xi32, #tpu.memory_space<vmem>>
      %dma_start3A_2083 = tpu.memref_squeeze %dma_start3A_2082 : memref<1x2x128xi32, #tpu.memory_space<vmem>> -> memref<2x128xi32, #tpu.memory_space<vmem>>
      %dma_start3A_2084 = arith.constant 0 : i32
      %dma_start3A_2085 = tpu.memref_slice %arg2[%add3A_1237, %dma_start3A_2084] : memref<1600x128xi32, #tpu.memory_space<hbm>> -> memref<2x128xi32, #tpu.memory_space<hbm>>
      %dma_start3A_2086 = arith.constant 0 : i32
      %dma_start3A_2087 = arith.constant 0 : i32
      %dma_start3A_2088 = tpu.memref_slice %arg5[%run_scoped3A_1238, %dma_start3A_2086, %dma_start3A_2087] : memref<2x2x128xi32, #tpu.memory_space<vmem>> -> memref<1x2x128xi32, #tpu.memory_space<vmem>>
      %dma_start3A_2089 = tpu.memref_squeeze %dma_start3A_2088 : memref<1x2x128xi32, #tpu.memory_space<vmem>> -> memref<2x128xi32, #tpu.memory_space<vmem>>
      %dma_start3A_2090 = arith.constant 0 : i32
      %dma_start3A_2091 = tpu.memref_slice %arg2[%add3A_1237, %dma_start3A_2090] : memref<1600x128xi32, #tpu.memory_space<hbm>> -> memref<2x128xi32, #tpu.memory_space<hbm>>
      tpu.enqueue_dma source(%dma_start3A_2091 : memref<2x128xi32, #tpu.memory_space<hbm>>) target(%dma_start3A_2089 : memref<2x128xi32, #tpu.memory_space<vmem>>) target_semaphore(%run_scoped3A_2079 : memref<!tpu.dma_semaphore, #tpu.memory_space<semaphore_mem>>)
      %dma_wait3A_2092 = arith.constant 0 : i32
      %dma_wait3A_2093 = arith.constant 0 : i32
      %dma_wait3A_2094 = tpu.memref_slice %arg5[%run_scoped3A_1238, %dma_wait3A_2092, %dma_wait3A_2093] : memref<2x2x128xi32, #tpu.memory_space<vmem>> -> memref<1x2x128xi32, #tpu.memory_space<vmem>>
      %dma_wait3A_2095 = tpu.memref_squeeze %dma_wait3A_2094 : memref<1x2x128xi32, #tpu.memory_space<vmem>> -> memref<2x128xi32, #tpu.memory_space<vmem>>
      %dma_wait3A_2096 = arith.constant 0 : i32
      %dma_wait3A_2097 = tpu.memref_slice %arg2[%add3A_1237, %dma_wait3A_2096] : memref<1600x128xi32, #tpu.memory_space<hbm>> -> memref<2x128xi32, #tpu.memory_space<hbm>>
      %dma_wait3A_2098 = arith.constant 0 : i32
      %dma_wait3A_2099 = arith.constant 0 : i32
      %dma_wait3A_2100 = tpu.memref_slice %arg5[%run_scoped3A_1238, %dma_wait3A_2098, %dma_wait3A_2099] : memref<2x2x128xi32, #tpu.memory_space<vmem>> -> memref<1x2x128xi32, #tpu.memory_space<vmem>>
      %dma_wait3A_2101 = tpu.memref_squeeze %dma_wait3A_2100 : memref<1x2x128xi32, #tpu.memory_space<vmem>> -> memref<2x128xi32, #tpu.memory_space<vmem>>
      %dma_wait3A_2102 = arith.constant 0 : i32
      %dma_wait3A_2103 = tpu.memref_slice %arg2[%add3A_1237, %dma_wait3A_2102] : memref<1600x128xi32, #tpu.memory_space<hbm>> -> memref<2x128xi32, #tpu.memory_space<hbm>>
      tpu.wait_dma2 semaphore(%run_scoped3A_2079 : memref<!tpu.dma_semaphore, #tpu.memory_space<semaphore_mem>>) src(%dma_wait3A_2103 : memref<2x128xi32, #tpu.memory_space<hbm>>) dst(%dma_wait3A_2101 : memref<2x128xi32, #tpu.memory_space<vmem>>)
      tpu.yield
    }) : () -> ()
    %dma_start3A_1239 = arith.constant 1 : i32
    %dma_start3A_1240 = arith.constant 0 : i32
    %dma_start3A_1241 = arith.constant 1 : i32
    %dma_start3A_1242 = arith.constant 0 : i32
    %dma_start3A_1243 = arith.constant 0 : i32
    %dma_start3A_1244 = tpu.memref_slice %arg6[%dma_start3A_1241, %dma_start3A_1242, %dma_start3A_1243] : memref<2x256x128xf32, #tpu.memory_space<vmem>> -> memref<1x128x128xf32, #tpu.memory_space<vmem>>
    %dma_start3A_1245 = tpu.memref_squeeze %dma_start3A_1244 : memref<1x128x128xf32, #tpu.memory_space<vmem>> -> memref<128x128xf32, #tpu.memory_space<vmem>>
    %dma_start3A_1246 = arith.constant 0 : i32
    %dma_start3A_1247 = tpu.memref_slice %arg5[%dma_start3A_1239, %dma_start3A_1240, %dma_start3A_1246] : memref<2x2x128xi32, #tpu.memory_space<vmem>> -> memref<1x1x128xi32, #tpu.memory_space<vmem>>
    %dma_start3A_1248 = tpu.memref_squeeze %dma_start3A_1247 : memref<1x1x128xi32, #tpu.memory_space<vmem>> -> memref<128xi32, #tpu.memory_space<vmem>>
    %dma_start3A_1249 = arith.constant 0 : i32
    %dma_start3A_1250 = arith.constant 0 : i32
    %dma_start3A_1251 = tpu.memref_slice %arg3[%dma_start3A_1249, %dma_start3A_1250] : memref<1000000x128xf32, #tpu.memory_space<hbm>> -> memref<1000000x128xf32, #tpu.memory_space<hbm>>
    tpu.enqueue_indirect_dma source(%dma_start3A_1251 : memref<1000000x128xf32, #tpu.memory_space<hbm>>) target(%dma_start3A_1245 : memref<128x128xf32, #tpu.memory_space<vmem>>) offsets(%dma_start3A_1248 : memref<128xi32, #tpu.memory_space<vmem>>) semaphore(%arg7 : memref<!tpu.dma_semaphore, #tpu.memory_space<semaphore_mem>>)
    %dma_start3A_1252 = arith.constant 1 : i32
    %dma_start3A_1253 = arith.constant 1 : i32
    %dma_start3A_1254 = arith.constant 1 : i32
    %dma_start3A_1255 = arith.constant 128 : i32
    %dma_start3A_1256 = arith.constant 0 : i32
    %dma_start3A_1257 = tpu.memref_slice %arg6[%dma_start3A_1254, %dma_start3A_1255, %dma_start3A_1256] : memref<2x256x128xf32, #tpu.memory_space<vmem>> -> memref<1x128x128xf32, #tpu.memory_space<vmem>>
    %dma_start3A_1258 = tpu.memref_squeeze %dma_start3A_1257 : memref<1x128x128xf32, #tpu.memory_space<vmem>> -> memref<128x128xf32, #tpu.memory_space<vmem>>
    %dma_start3A_1259 = arith.constant 0 : i32
    %dma_start3A_1260 = tpu.memref_slice %arg5[%dma_start3A_1252, %dma_start3A_1253, %dma_start3A_1259] : memref<2x2x128xi32, #tpu.memory_space<vmem>> -> memref<1x1x128xi32, #tpu.memory_space<vmem>>
    %dma_start3A_1261 = tpu.memref_squeeze %dma_start3A_1260 : memref<1x1x128xi32, #tpu.memory_space<vmem>> -> memref<128xi32, #tpu.memory_space<vmem>>
    %dma_start3A_1262 = arith.constant 0 : i32
    %dma_start3A_1263 = arith.constant 0 : i32
    %dma_start3A_1264 = tpu.memref_slice %arg3[%dma_start3A_1262, %dma_start3A_1263] : memref<1000000x128xf32, #tpu.memory_space<hbm>> -> memref<1000000x128xf32, #tpu.memory_space<hbm>>
    tpu.enqueue_indirect_dma source(%dma_start3A_1264 : memref<1000000x128xf32, #tpu.memory_space<hbm>>) target(%dma_start3A_1258 : memref<128x128xf32, #tpu.memory_space<vmem>>) offsets(%dma_start3A_1261 : memref<128xi32, #tpu.memory_space<vmem>>) semaphore(%arg7 : memref<!tpu.dma_semaphore, #tpu.memory_space<semaphore_mem>>)
    %dma_wait3A_1265 = arith.constant 1 : i32
    %dma_wait3A_1266 = arith.constant 0 : i32
    %dma_wait3A_1267 = arith.constant 1 : i32
    %dma_wait3A_1268 = arith.constant 0 : i32
    %dma_wait3A_1269 = arith.constant 0 : i32
    %dma_wait3A_1270 = tpu.memref_slice %arg6[%dma_wait3A_1267, %dma_wait3A_1268, %dma_wait3A_1269] : memref<2x256x128xf32, #tpu.memory_space<vmem>> -> memref<1x128x128xf32, #tpu.memory_space<vmem>>
    %dma_wait3A_1271 = tpu.memref_squeeze %dma_wait3A_1270 : memref<1x128x128xf32, #tpu.memory_space<vmem>> -> memref<128x128xf32, #tpu.memory_space<vmem>>
    %dma_wait3A_1272 = arith.constant 0 : i32
    %dma_wait3A_1273 = tpu.memref_slice %arg5[%dma_wait3A_1265, %dma_wait3A_1266, %dma_wait3A_1272] : memref<2x2x128xi32, #tpu.memory_space<vmem>> -> memref<1x1x128xi32, #tpu.memory_space<vmem>>
    %dma_wait3A_1274 = tpu.memref_squeeze %dma_wait3A_1273 : memref<1x1x128xi32, #tpu.memory_space<vmem>> -> memref<128xi32, #tpu.memory_space<vmem>>
    %dma_wait3A_1275 = arith.constant 0 : i32
    %dma_wait3A_1276 = arith.constant 0 : i32
    %dma_wait3A_1277 = tpu.memref_slice %arg3[%dma_wait3A_1275, %dma_wait3A_1276] : memref<1000000x128xf32, #tpu.memory_space<hbm>> -> memref<1000000x128xf32, #tpu.memory_space<hbm>>
    tpu.wait_indirect_dma semaphore(%arg7 : memref<!tpu.dma_semaphore, #tpu.memory_space<semaphore_mem>>) src(%dma_wait3A_1277 : memref<1000000x128xf32, #tpu.memory_space<hbm>>) dst(%dma_wait3A_1271 : memref<128x128xf32, #tpu.memory_space<vmem>>)
    %dma_wait3A_1278 = arith.constant 1 : i32
    %dma_wait3A_1279 = arith.constant 1 : i32
    %dma_wait3A_1280 = arith.constant 1 : i32
    %dma_wait3A_1281 = arith.constant 128 : i32
    %dma_wait3A_1282 = arith.constant 0 : i32
    %dma_wait3A_1283 = tpu.memref_slice %arg6[%dma_wait3A_1280, %dma_wait3A_1281, %dma_wait3A_1282] : memref<2x256x128xf32, #tpu.memory_space<vmem>> -> memref<1x128x128xf32, #tpu.memory_space<vmem>>
    %dma_wait3A_1284 = tpu.memref_squeeze %dma_wait3A_1283 : memref<1x128x128xf32, #tpu.memory_space<vmem>> -> memref<128x128xf32, #tpu.memory_space<vmem>>
    %dma_wait3A_1285 = arith.constant 0 : i32
    %dma_wait3A_1286 = tpu.memref_slice %arg5[%dma_wait3A_1278, %dma_wait3A_1279, %dma_wait3A_1285] : memref<2x2x128xi32, #tpu.memory_space<vmem>> -> memref<1x1x128xi32, #tpu.memory_space<vmem>>
    %dma_wait3A_1287 = tpu.memref_squeeze %dma_wait3A_1286 : memref<1x1x128xi32, #tpu.memory_space<vmem>> -> memref<128xi32, #tpu.memory_space<vmem>>
    %dma_wait3A_1288 = arith.constant 0 : i32
    %dma_wait3A_1289 = arith.constant 0 : i32
    %dma_wait3A_1290 = tpu.memref_slice %arg3[%dma_wait3A_1288, %dma_wait3A_1289] : memref<1000000x128xf32, #tpu.memory_space<hbm>> -> memref<1000000x128xf32, #tpu.memory_space<hbm>>
    tpu.wait_indirect_dma semaphore(%arg7 : memref<!tpu.dma_semaphore, #tpu.memory_space<semaphore_mem>>) src(%dma_wait3A_1290 : memref<1000000x128xf32, #tpu.memory_space<hbm>>) dst(%dma_wait3A_1284 : memref<128x128xf32, #tpu.memory_space<vmem>>)
    %add3A_1291 = arith.constant 3840 : i32
    %add3A_1292 = arith.addi %mul3A_6, %add3A_1291 : i32
    %dma_start3A_1293 = arith.constant 1 : i32
    %dma_start3A_1294 = arith.constant 0 : i32
    %dma_start3A_1295 = arith.constant 0 : i32
    %dma_start3A_1296 = tpu.memref_slice %arg6[%dma_start3A_1293, %dma_start3A_1294, %dma_start3A_1295] : memref<2x256x128xf32, #tpu.memory_space<vmem>> -> memref<1x256x128xf32, #tpu.memory_space<vmem>>
    %dma_start3A_1297 = tpu.memref_squeeze %dma_start3A_1296 : memref<1x256x128xf32, #tpu.memory_space<vmem>> -> memref<256x128xf32, #tpu.memory_space<vmem>>
    %dma_start3A_1298 = arith.constant 0 : i32
    %dma_start3A_1299 = tpu.memref_slice %arg4[%add3A_1292, %dma_start3A_1298] : memref<204800x128xf32, #tpu.memory_space<hbm>> -> memref<256x128xf32, #tpu.memory_space<hbm>>
    %dma_start3A_1300 = arith.constant 0 : i32
    %dma_start3A_1301 = tpu.memref_slice %arg4[%add3A_1292, %dma_start3A_1300] : memref<204800x128xf32, #tpu.memory_space<hbm>> -> memref<256x128xf32, #tpu.memory_space<hbm>>
    %dma_start3A_1302 = arith.constant 0 : i32
    %dma_start3A_1303 = arith.constant 0 : i32
    %dma_start3A_1304 = tpu.memref_slice %arg6[%dma_start3A_1293, %dma_start3A_1302, %dma_start3A_1303] : memref<2x256x128xf32, #tpu.memory_space<vmem>> -> memref<1x256x128xf32, #tpu.memory_space<vmem>>
    %dma_start3A_1305 = tpu.memref_squeeze %dma_start3A_1304 : memref<1x256x128xf32, #tpu.memory_space<vmem>> -> memref<256x128xf32, #tpu.memory_space<vmem>>
    tpu.enqueue_dma source(%dma_start3A_1305 : memref<256x128xf32, #tpu.memory_space<vmem>>) target(%dma_start3A_1301 : memref<256x128xf32, #tpu.memory_space<hbm>>) target_semaphore(%arg9 : memref<!tpu.dma_semaphore, #tpu.memory_space<semaphore_mem>>)
    %dma_wait3A_1306 = arith.constant 0 : i32
    %dma_wait3A_1307 = arith.constant 0 : i32
    %dma_wait3A_1308 = arith.constant 0 : i32
    %dma_wait3A_1309 = tpu.memref_slice %arg6[%dma_wait3A_1306, %dma_wait3A_1307, %dma_wait3A_1308] : memref<2x256x128xf32, #tpu.memory_space<vmem>> -> memref<1x256x128xf32, #tpu.memory_space<vmem>>
    %dma_wait3A_1310 = tpu.memref_squeeze %dma_wait3A_1309 : memref<1x256x128xf32, #tpu.memory_space<vmem>> -> memref<256x128xf32, #tpu.memory_space<vmem>>
    %dma_wait3A_1311 = arith.constant 0 : i32
    %dma_wait3A_1312 = tpu.memref_slice %arg4[%add3A_1209, %dma_wait3A_1311] : memref<204800x128xf32, #tpu.memory_space<hbm>> -> memref<256x128xf32, #tpu.memory_space<hbm>>
    %dma_wait3A_1313 = arith.constant 0 : i32
    %dma_wait3A_1314 = tpu.memref_slice %arg4[%add3A_1209, %dma_wait3A_1313] : memref<204800x128xf32, #tpu.memory_space<hbm>> -> memref<256x128xf32, #tpu.memory_space<hbm>>
    %dma_wait3A_1315 = arith.constant 0 : i32
    %dma_wait3A_1316 = arith.constant 0 : i32
    %dma_wait3A_1317 = tpu.memref_slice %arg6[%dma_wait3A_1306, %dma_wait3A_1315, %dma_wait3A_1316] : memref<2x256x128xf32, #tpu.memory_space<vmem>> -> memref<1x256x128xf32, #tpu.memory_space<vmem>>
    %dma_wait3A_1318 = tpu.memref_squeeze %dma_wait3A_1317 : memref<1x256x128xf32, #tpu.memory_space<vmem>> -> memref<256x128xf32, #tpu.memory_space<vmem>>
    tpu.wait_dma2 semaphore(%arg8 : memref<!tpu.dma_semaphore, #tpu.memory_space<semaphore_mem>>) src(%dma_wait3A_1318 : memref<256x128xf32, #tpu.memory_space<vmem>>) dst(%dma_wait3A_1314 : memref<256x128xf32, #tpu.memory_space<hbm>>)
    %add3A_1319 = arith.constant 32 : i32
    %add3A_1320 = arith.addi %mul3A_2, %add3A_1319 : i32
    %run_scoped3A_1321 = arith.constant 0 : i32
    "tpu.region"() ({
      %run_scoped3A_2079 = tpu.sem_alloc : memref<!tpu.dma_semaphore, #tpu.memory_space<semaphore_mem>>
      %dma_start3A_2080 = arith.constant 0 : i32
      %dma_start3A_2081 = arith.constant 0 : i32
      %dma_start3A_2082 = tpu.memref_slice %arg5[%run_scoped3A_1321, %dma_start3A_2080, %dma_start3A_2081] : memref<2x2x128xi32, #tpu.memory_space<vmem>> -> memref<1x2x128xi32, #tpu.memory_space<vmem>>
      %dma_start3A_2083 = tpu.memref_squeeze %dma_start3A_2082 : memref<1x2x128xi32, #tpu.memory_space<vmem>> -> memref<2x128xi32, #tpu.memory_space<vmem>>
      %dma_start3A_2084 = arith.constant 0 : i32
      %dma_start3A_2085 = tpu.memref_slice %arg2[%add3A_1320, %dma_start3A_2084] : memref<1600x128xi32, #tpu.memory_space<hbm>> -> memref<2x128xi32, #tpu.memory_space<hbm>>
      %dma_start3A_2086 = arith.constant 0 : i32
      %dma_start3A_2087 = arith.constant 0 : i32
      %dma_start3A_2088 = tpu.memref_slice %arg5[%run_scoped3A_1321, %dma_start3A_2086, %dma_start3A_2087] : memref<2x2x128xi32, #tpu.memory_space<vmem>> -> memref<1x2x128xi32, #tpu.memory_space<vmem>>
      %dma_start3A_2089 = tpu.memref_squeeze %dma_start3A_2088 : memref<1x2x128xi32, #tpu.memory_space<vmem>> -> memref<2x128xi32, #tpu.memory_space<vmem>>
      %dma_start3A_2090 = arith.constant 0 : i32
      %dma_start3A_2091 = tpu.memref_slice %arg2[%add3A_1320, %dma_start3A_2090] : memref<1600x128xi32, #tpu.memory_space<hbm>> -> memref<2x128xi32, #tpu.memory_space<hbm>>
      tpu.enqueue_dma source(%dma_start3A_2091 : memref<2x128xi32, #tpu.memory_space<hbm>>) target(%dma_start3A_2089 : memref<2x128xi32, #tpu.memory_space<vmem>>) target_semaphore(%run_scoped3A_2079 : memref<!tpu.dma_semaphore, #tpu.memory_space<semaphore_mem>>)
      %dma_wait3A_2092 = arith.constant 0 : i32
      %dma_wait3A_2093 = arith.constant 0 : i32
      %dma_wait3A_2094 = tpu.memref_slice %arg5[%run_scoped3A_1321, %dma_wait3A_2092, %dma_wait3A_2093] : memref<2x2x128xi32, #tpu.memory_space<vmem>> -> memref<1x2x128xi32, #tpu.memory_space<vmem>>
      %dma_wait3A_2095 = tpu.memref_squeeze %dma_wait3A_2094 : memref<1x2x128xi32, #tpu.memory_space<vmem>> -> memref<2x128xi32, #tpu.memory_space<vmem>>
      %dma_wait3A_2096 = arith.constant 0 : i32
      %dma_wait3A_2097 = tpu.memref_slice %arg2[%add3A_1320, %dma_wait3A_2096] : memref<1600x128xi32, #tpu.memory_space<hbm>> -> memref<2x128xi32, #tpu.memory_space<hbm>>
      %dma_wait3A_2098 = arith.constant 0 : i32
      %dma_wait3A_2099 = arith.constant 0 : i32
      %dma_wait3A_2100 = tpu.memref_slice %arg5[%run_scoped3A_1321, %dma_wait3A_2098, %dma_wait3A_2099] : memref<2x2x128xi32, #tpu.memory_space<vmem>> -> memref<1x2x128xi32, #tpu.memory_space<vmem>>
      %dma_wait3A_2101 = tpu.memref_squeeze %dma_wait3A_2100 : memref<1x2x128xi32, #tpu.memory_space<vmem>> -> memref<2x128xi32, #tpu.memory_space<vmem>>
      %dma_wait3A_2102 = arith.constant 0 : i32
      %dma_wait3A_2103 = tpu.memref_slice %arg2[%add3A_1320, %dma_wait3A_2102] : memref<1600x128xi32, #tpu.memory_space<hbm>> -> memref<2x128xi32, #tpu.memory_space<hbm>>
      tpu.wait_dma2 semaphore(%run_scoped3A_2079 : memref<!tpu.dma_semaphore, #tpu.memory_space<semaphore_mem>>) src(%dma_wait3A_2103 : memref<2x128xi32, #tpu.memory_space<hbm>>) dst(%dma_wait3A_2101 : memref<2x128xi32, #tpu.memory_space<vmem>>)
      tpu.yield
    }) : () -> ()
    %dma_start3A_1322 = arith.constant 0 : i32
    %dma_start3A_1323 = arith.constant 0 : i32
    %dma_start3A_1324 = arith.constant 0 : i32
    %dma_start3A_1325 = arith.constant 0 : i32
    %dma_start3A_1326 = arith.constant 0 : i32
    %dma_start3A_1327 = tpu.memref_slice %arg6[%dma_start3A_1324, %dma_start3A_1325, %dma_start3A_1326] : memref<2x256x128xf32, #tpu.memory_space<vmem>> -> memref<1x128x128xf32, #tpu.memory_space<vmem>>
    %dma_start3A_1328 = tpu.memref_squeeze %dma_start3A_1327 : memref<1x128x128xf32, #tpu.memory_space<vmem>> -> memref<128x128xf32, #tpu.memory_space<vmem>>
    %dma_start3A_1329 = arith.constant 0 : i32
    %dma_start3A_1330 = tpu.memref_slice %arg5[%dma_start3A_1322, %dma_start3A_1323, %dma_start3A_1329] : memref<2x2x128xi32, #tpu.memory_space<vmem>> -> memref<1x1x128xi32, #tpu.memory_space<vmem>>
    %dma_start3A_1331 = tpu.memref_squeeze %dma_start3A_1330 : memref<1x1x128xi32, #tpu.memory_space<vmem>> -> memref<128xi32, #tpu.memory_space<vmem>>
    %dma_start3A_1332 = arith.constant 0 : i32
    %dma_start3A_1333 = arith.constant 0 : i32
    %dma_start3A_1334 = tpu.memref_slice %arg3[%dma_start3A_1332, %dma_start3A_1333] : memref<1000000x128xf32, #tpu.memory_space<hbm>> -> memref<1000000x128xf32, #tpu.memory_space<hbm>>
    tpu.enqueue_indirect_dma source(%dma_start3A_1334 : memref<1000000x128xf32, #tpu.memory_space<hbm>>) target(%dma_start3A_1328 : memref<128x128xf32, #tpu.memory_space<vmem>>) offsets(%dma_start3A_1331 : memref<128xi32, #tpu.memory_space<vmem>>) semaphore(%arg7 : memref<!tpu.dma_semaphore, #tpu.memory_space<semaphore_mem>>)
    %dma_start3A_1335 = arith.constant 0 : i32
    %dma_start3A_1336 = arith.constant 1 : i32
    %dma_start3A_1337 = arith.constant 0 : i32
    %dma_start3A_1338 = arith.constant 128 : i32
    %dma_start3A_1339 = arith.constant 0 : i32
    %dma_start3A_1340 = tpu.memref_slice %arg6[%dma_start3A_1337, %dma_start3A_1338, %dma_start3A_1339] : memref<2x256x128xf32, #tpu.memory_space<vmem>> -> memref<1x128x128xf32, #tpu.memory_space<vmem>>
    %dma_start3A_1341 = tpu.memref_squeeze %dma_start3A_1340 : memref<1x128x128xf32, #tpu.memory_space<vmem>> -> memref<128x128xf32, #tpu.memory_space<vmem>>
    %dma_start3A_1342 = arith.constant 0 : i32
    %dma_start3A_1343 = tpu.memref_slice %arg5[%dma_start3A_1335, %dma_start3A_1336, %dma_start3A_1342] : memref<2x2x128xi32, #tpu.memory_space<vmem>> -> memref<1x1x128xi32, #tpu.memory_space<vmem>>
    %dma_start3A_1344 = tpu.memref_squeeze %dma_start3A_1343 : memref<1x1x128xi32, #tpu.memory_space<vmem>> -> memref<128xi32, #tpu.memory_space<vmem>>
    %dma_start3A_1345 = arith.constant 0 : i32
    %dma_start3A_1346 = arith.constant 0 : i32
    %dma_start3A_1347 = tpu.memref_slice %arg3[%dma_start3A_1345, %dma_start3A_1346] : memref<1000000x128xf32, #tpu.memory_space<hbm>> -> memref<1000000x128xf32, #tpu.memory_space<hbm>>
    tpu.enqueue_indirect_dma source(%dma_start3A_1347 : memref<1000000x128xf32, #tpu.memory_space<hbm>>) target(%dma_start3A_1341 : memref<128x128xf32, #tpu.memory_space<vmem>>) offsets(%dma_start3A_1344 : memref<128xi32, #tpu.memory_space<vmem>>) semaphore(%arg7 : memref<!tpu.dma_semaphore, #tpu.memory_space<semaphore_mem>>)
    %dma_wait3A_1348 = arith.constant 0 : i32
    %dma_wait3A_1349 = arith.constant 0 : i32
    %dma_wait3A_1350 = arith.constant 0 : i32
    %dma_wait3A_1351 = arith.constant 0 : i32
    %dma_wait3A_1352 = arith.constant 0 : i32
    %dma_wait3A_1353 = tpu.memref_slice %arg6[%dma_wait3A_1350, %dma_wait3A_1351, %dma_wait3A_1352] : memref<2x256x128xf32, #tpu.memory_space<vmem>> -> memref<1x128x128xf32, #tpu.memory_space<vmem>>
    %dma_wait3A_1354 = tpu.memref_squeeze %dma_wait3A_1353 : memref<1x128x128xf32, #tpu.memory_space<vmem>> -> memref<128x128xf32, #tpu.memory_space<vmem>>
    %dma_wait3A_1355 = arith.constant 0 : i32
    %dma_wait3A_1356 = tpu.memref_slice %arg5[%dma_wait3A_1348, %dma_wait3A_1349, %dma_wait3A_1355] : memref<2x2x128xi32, #tpu.memory_space<vmem>> -> memref<1x1x128xi32, #tpu.memory_space<vmem>>
    %dma_wait3A_1357 = tpu.memref_squeeze %dma_wait3A_1356 : memref<1x1x128xi32, #tpu.memory_space<vmem>> -> memref<128xi32, #tpu.memory_space<vmem>>
    %dma_wait3A_1358 = arith.constant 0 : i32
    %dma_wait3A_1359 = arith.constant 0 : i32
    %dma_wait3A_1360 = tpu.memref_slice %arg3[%dma_wait3A_1358, %dma_wait3A_1359] : memref<1000000x128xf32, #tpu.memory_space<hbm>> -> memref<1000000x128xf32, #tpu.memory_space<hbm>>
    tpu.wait_indirect_dma semaphore(%arg7 : memref<!tpu.dma_semaphore, #tpu.memory_space<semaphore_mem>>) src(%dma_wait3A_1360 : memref<1000000x128xf32, #tpu.memory_space<hbm>>) dst(%dma_wait3A_1354 : memref<128x128xf32, #tpu.memory_space<vmem>>)
    %dma_wait3A_1361 = arith.constant 0 : i32
    %dma_wait3A_1362 = arith.constant 1 : i32
    %dma_wait3A_1363 = arith.constant 0 : i32
    %dma_wait3A_1364 = arith.constant 128 : i32
    %dma_wait3A_1365 = arith.constant 0 : i32
    %dma_wait3A_1366 = tpu.memref_slice %arg6[%dma_wait3A_1363, %dma_wait3A_1364, %dma_wait3A_1365] : memref<2x256x128xf32, #tpu.memory_space<vmem>> -> memref<1x128x128xf32, #tpu.memory_space<vmem>>
    %dma_wait3A_1367 = tpu.memref_squeeze %dma_wait3A_1366 : memref<1x128x128xf32, #tpu.memory_space<vmem>> -> memref<128x128xf32, #tpu.memory_space<vmem>>
    %dma_wait3A_1368 = arith.constant 0 : i32
    %dma_wait3A_1369 = tpu.memref_slice %arg5[%dma_wait3A_1361, %dma_wait3A_1362, %dma_wait3A_1368] : memref<2x2x128xi32, #tpu.memory_space<vmem>> -> memref<1x1x128xi32, #tpu.memory_space<vmem>>
    %dma_wait3A_1370 = tpu.memref_squeeze %dma_wait3A_1369 : memref<1x1x128xi32, #tpu.memory_space<vmem>> -> memref<128xi32, #tpu.memory_space<vmem>>
    %dma_wait3A_1371 = arith.constant 0 : i32
    %dma_wait3A_1372 = arith.constant 0 : i32
    %dma_wait3A_1373 = tpu.memref_slice %arg3[%dma_wait3A_1371, %dma_wait3A_1372] : memref<1000000x128xf32, #tpu.memory_space<hbm>> -> memref<1000000x128xf32, #tpu.memory_space<hbm>>
    tpu.wait_indirect_dma semaphore(%arg7 : memref<!tpu.dma_semaphore, #tpu.memory_space<semaphore_mem>>) src(%dma_wait3A_1373 : memref<1000000x128xf32, #tpu.memory_space<hbm>>) dst(%dma_wait3A_1367 : memref<128x128xf32, #tpu.memory_space<vmem>>)
    %add3A_1374 = arith.constant 4096 : i32
    %add3A_1375 = arith.addi %mul3A_6, %add3A_1374 : i32
    %dma_start3A_1376 = arith.constant 0 : i32
    %dma_start3A_1377 = arith.constant 0 : i32
    %dma_start3A_1378 = arith.constant 0 : i32
    %dma_start3A_1379 = tpu.memref_slice %arg6[%dma_start3A_1376, %dma_start3A_1377, %dma_start3A_1378] : memref<2x256x128xf32, #tpu.memory_space<vmem>> -> memref<1x256x128xf32, #tpu.memory_space<vmem>>
    %dma_start3A_1380 = tpu.memref_squeeze %dma_start3A_1379 : memref<1x256x128xf32, #tpu.memory_space<vmem>> -> memref<256x128xf32, #tpu.memory_space<vmem>>
    %dma_start3A_1381 = arith.constant 0 : i32
    %dma_start3A_1382 = tpu.memref_slice %arg4[%add3A_1375, %dma_start3A_1381] : memref<204800x128xf32, #tpu.memory_space<hbm>> -> memref<256x128xf32, #tpu.memory_space<hbm>>
    %dma_start3A_1383 = arith.constant 0 : i32
    %dma_start3A_1384 = tpu.memref_slice %arg4[%add3A_1375, %dma_start3A_1383] : memref<204800x128xf32, #tpu.memory_space<hbm>> -> memref<256x128xf32, #tpu.memory_space<hbm>>
    %dma_start3A_1385 = arith.constant 0 : i32
    %dma_start3A_1386 = arith.constant 0 : i32
    %dma_start3A_1387 = tpu.memref_slice %arg6[%dma_start3A_1376, %dma_start3A_1385, %dma_start3A_1386] : memref<2x256x128xf32, #tpu.memory_space<vmem>> -> memref<1x256x128xf32, #tpu.memory_space<vmem>>
    %dma_start3A_1388 = tpu.memref_squeeze %dma_start3A_1387 : memref<1x256x128xf32, #tpu.memory_space<vmem>> -> memref<256x128xf32, #tpu.memory_space<vmem>>
    tpu.enqueue_dma source(%dma_start3A_1388 : memref<256x128xf32, #tpu.memory_space<vmem>>) target(%dma_start3A_1384 : memref<256x128xf32, #tpu.memory_space<hbm>>) target_semaphore(%arg8 : memref<!tpu.dma_semaphore, #tpu.memory_space<semaphore_mem>>)
    %dma_wait3A_1389 = arith.constant 1 : i32
    %dma_wait3A_1390 = arith.constant 0 : i32
    %dma_wait3A_1391 = arith.constant 0 : i32
    %dma_wait3A_1392 = tpu.memref_slice %arg6[%dma_wait3A_1389, %dma_wait3A_1390, %dma_wait3A_1391] : memref<2x256x128xf32, #tpu.memory_space<vmem>> -> memref<1x256x128xf32, #tpu.memory_space<vmem>>
    %dma_wait3A_1393 = tpu.memref_squeeze %dma_wait3A_1392 : memref<1x256x128xf32, #tpu.memory_space<vmem>> -> memref<256x128xf32, #tpu.memory_space<vmem>>
    %dma_wait3A_1394 = arith.constant 0 : i32
    %dma_wait3A_1395 = tpu.memref_slice %arg4[%add3A_1292, %dma_wait3A_1394] : memref<204800x128xf32, #tpu.memory_space<hbm>> -> memref<256x128xf32, #tpu.memory_space<hbm>>
    %dma_wait3A_1396 = arith.constant 0 : i32
    %dma_wait3A_1397 = tpu.memref_slice %arg4[%add3A_1292, %dma_wait3A_1396] : memref<204800x128xf32, #tpu.memory_space<hbm>> -> memref<256x128xf32, #tpu.memory_space<hbm>>
    %dma_wait3A_1398 = arith.constant 0 : i32
    %dma_wait3A_1399 = arith.constant 0 : i32
    %dma_wait3A_1400 = tpu.memref_slice %arg6[%dma_wait3A_1389, %dma_wait3A_1398, %dma_wait3A_1399] : memref<2x256x128xf32, #tpu.memory_space<vmem>> -> memref<1x256x128xf32, #tpu.memory_space<vmem>>
    %dma_wait3A_1401 = tpu.memref_squeeze %dma_wait3A_1400 : memref<1x256x128xf32, #tpu.memory_space<vmem>> -> memref<256x128xf32, #tpu.memory_space<vmem>>
    tpu.wait_dma2 semaphore(%arg9 : memref<!tpu.dma_semaphore, #tpu.memory_space<semaphore_mem>>) src(%dma_wait3A_1401 : memref<256x128xf32, #tpu.memory_space<vmem>>) dst(%dma_wait3A_1397 : memref<256x128xf32, #tpu.memory_space<hbm>>)
    %add3A_1402 = arith.constant 34 : i32
    %add3A_1403 = arith.addi %mul3A_2, %add3A_1402 : i32
    %run_scoped3A_1404 = arith.constant 1 : i32
    "tpu.region"() ({
      %run_scoped3A_2079 = tpu.sem_alloc : memref<!tpu.dma_semaphore, #tpu.memory_space<semaphore_mem>>
      %dma_start3A_2080 = arith.constant 0 : i32
      %dma_start3A_2081 = arith.constant 0 : i32
      %dma_start3A_2082 = tpu.memref_slice %arg5[%run_scoped3A_1404, %dma_start3A_2080, %dma_start3A_2081] : memref<2x2x128xi32, #tpu.memory_space<vmem>> -> memref<1x2x128xi32, #tpu.memory_space<vmem>>
      %dma_start3A_2083 = tpu.memref_squeeze %dma_start3A_2082 : memref<1x2x128xi32, #tpu.memory_space<vmem>> -> memref<2x128xi32, #tpu.memory_space<vmem>>
      %dma_start3A_2084 = arith.constant 0 : i32
      %dma_start3A_2085 = tpu.memref_slice %arg2[%add3A_1403, %dma_start3A_2084] : memref<1600x128xi32, #tpu.memory_space<hbm>> -> memref<2x128xi32, #tpu.memory_space<hbm>>
      %dma_start3A_2086 = arith.constant 0 : i32
      %dma_start3A_2087 = arith.constant 0 : i32
      %dma_start3A_2088 = tpu.memref_slice %arg5[%run_scoped3A_1404, %dma_start3A_2086, %dma_start3A_2087] : memref<2x2x128xi32, #tpu.memory_space<vmem>> -> memref<1x2x128xi32, #tpu.memory_space<vmem>>
      %dma_start3A_2089 = tpu.memref_squeeze %dma_start3A_2088 : memref<1x2x128xi32, #tpu.memory_space<vmem>> -> memref<2x128xi32, #tpu.memory_space<vmem>>
      %dma_start3A_2090 = arith.constant 0 : i32
      %dma_start3A_2091 = tpu.memref_slice %arg2[%add3A_1403, %dma_start3A_2090] : memref<1600x128xi32, #tpu.memory_space<hbm>> -> memref<2x128xi32, #tpu.memory_space<hbm>>
      tpu.enqueue_dma source(%dma_start3A_2091 : memref<2x128xi32, #tpu.memory_space<hbm>>) target(%dma_start3A_2089 : memref<2x128xi32, #tpu.memory_space<vmem>>) target_semaphore(%run_scoped3A_2079 : memref<!tpu.dma_semaphore, #tpu.memory_space<semaphore_mem>>)
      %dma_wait3A_2092 = arith.constant 0 : i32
      %dma_wait3A_2093 = arith.constant 0 : i32
      %dma_wait3A_2094 = tpu.memref_slice %arg5[%run_scoped3A_1404, %dma_wait3A_2092, %dma_wait3A_2093] : memref<2x2x128xi32, #tpu.memory_space<vmem>> -> memref<1x2x128xi32, #tpu.memory_space<vmem>>
      %dma_wait3A_2095 = tpu.memref_squeeze %dma_wait3A_2094 : memref<1x2x128xi32, #tpu.memory_space<vmem>> -> memref<2x128xi32, #tpu.memory_space<vmem>>
      %dma_wait3A_2096 = arith.constant 0 : i32
      %dma_wait3A_2097 = tpu.memref_slice %arg2[%add3A_1403, %dma_wait3A_2096] : memref<1600x128xi32, #tpu.memory_space<hbm>> -> memref<2x128xi32, #tpu.memory_space<hbm>>
      %dma_wait3A_2098 = arith.constant 0 : i32
      %dma_wait3A_2099 = arith.constant 0 : i32
      %dma_wait3A_2100 = tpu.memref_slice %arg5[%run_scoped3A_1404, %dma_wait3A_2098, %dma_wait3A_2099] : memref<2x2x128xi32, #tpu.memory_space<vmem>> -> memref<1x2x128xi32, #tpu.memory_space<vmem>>
      %dma_wait3A_2101 = tpu.memref_squeeze %dma_wait3A_2100 : memref<1x2x128xi32, #tpu.memory_space<vmem>> -> memref<2x128xi32, #tpu.memory_space<vmem>>
      %dma_wait3A_2102 = arith.constant 0 : i32
      %dma_wait3A_2103 = tpu.memref_slice %arg2[%add3A_1403, %dma_wait3A_2102] : memref<1600x128xi32, #tpu.memory_space<hbm>> -> memref<2x128xi32, #tpu.memory_space<hbm>>
      tpu.wait_dma2 semaphore(%run_scoped3A_2079 : memref<!tpu.dma_semaphore, #tpu.memory_space<semaphore_mem>>) src(%dma_wait3A_2103 : memref<2x128xi32, #tpu.memory_space<hbm>>) dst(%dma_wait3A_2101 : memref<2x128xi32, #tpu.memory_space<vmem>>)
      tpu.yield
    }) : () -> ()
    %dma_start3A_1405 = arith.constant 1 : i32
    %dma_start3A_1406 = arith.constant 0 : i32
    %dma_start3A_1407 = arith.constant 1 : i32
    %dma_start3A_1408 = arith.constant 0 : i32
    %dma_start3A_1409 = arith.constant 0 : i32
    %dma_start3A_1410 = tpu.memref_slice %arg6[%dma_start3A_1407, %dma_start3A_1408, %dma_start3A_1409] : memref<2x256x128xf32, #tpu.memory_space<vmem>> -> memref<1x128x128xf32, #tpu.memory_space<vmem>>
    %dma_start3A_1411 = tpu.memref_squeeze %dma_start3A_1410 : memref<1x128x128xf32, #tpu.memory_space<vmem>> -> memref<128x128xf32, #tpu.memory_space<vmem>>
    %dma_start3A_1412 = arith.constant 0 : i32
    %dma_start3A_1413 = tpu.memref_slice %arg5[%dma_start3A_1405, %dma_start3A_1406, %dma_start3A_1412] : memref<2x2x128xi32, #tpu.memory_space<vmem>> -> memref<1x1x128xi32, #tpu.memory_space<vmem>>
    %dma_start3A_1414 = tpu.memref_squeeze %dma_start3A_1413 : memref<1x1x128xi32, #tpu.memory_space<vmem>> -> memref<128xi32, #tpu.memory_space<vmem>>
    %dma_start3A_1415 = arith.constant 0 : i32
    %dma_start3A_1416 = arith.constant 0 : i32
    %dma_start3A_1417 = tpu.memref_slice %arg3[%dma_start3A_1415, %dma_start3A_1416] : memref<1000000x128xf32, #tpu.memory_space<hbm>> -> memref<1000000x128xf32, #tpu.memory_space<hbm>>
    tpu.enqueue_indirect_dma source(%dma_start3A_1417 : memref<1000000x128xf32, #tpu.memory_space<hbm>>) target(%dma_start3A_1411 : memref<128x128xf32, #tpu.memory_space<vmem>>) offsets(%dma_start3A_1414 : memref<128xi32, #tpu.memory_space<vmem>>) semaphore(%arg7 : memref<!tpu.dma_semaphore, #tpu.memory_space<semaphore_mem>>)
    %dma_start3A_1418 = arith.constant 1 : i32
    %dma_start3A_1419 = arith.constant 1 : i32
    %dma_start3A_1420 = arith.constant 1 : i32
    %dma_start3A_1421 = arith.constant 128 : i32
    %dma_start3A_1422 = arith.constant 0 : i32
    %dma_start3A_1423 = tpu.memref_slice %arg6[%dma_start3A_1420, %dma_start3A_1421, %dma_start3A_1422] : memref<2x256x128xf32, #tpu.memory_space<vmem>> -> memref<1x128x128xf32, #tpu.memory_space<vmem>>
    %dma_start3A_1424 = tpu.memref_squeeze %dma_start3A_1423 : memref<1x128x128xf32, #tpu.memory_space<vmem>> -> memref<128x128xf32, #tpu.memory_space<vmem>>
    %dma_start3A_1425 = arith.constant 0 : i32
    %dma_start3A_1426 = tpu.memref_slice %arg5[%dma_start3A_1418, %dma_start3A_1419, %dma_start3A_1425] : memref<2x2x128xi32, #tpu.memory_space<vmem>> -> memref<1x1x128xi32, #tpu.memory_space<vmem>>
    %dma_start3A_1427 = tpu.memref_squeeze %dma_start3A_1426 : memref<1x1x128xi32, #tpu.memory_space<vmem>> -> memref<128xi32, #tpu.memory_space<vmem>>
    %dma_start3A_1428 = arith.constant 0 : i32
    %dma_start3A_1429 = arith.constant 0 : i32
    %dma_start3A_1430 = tpu.memref_slice %arg3[%dma_start3A_1428, %dma_start3A_1429] : memref<1000000x128xf32, #tpu.memory_space<hbm>> -> memref<1000000x128xf32, #tpu.memory_space<hbm>>
    tpu.enqueue_indirect_dma source(%dma_start3A_1430 : memref<1000000x128xf32, #tpu.memory_space<hbm>>) target(%dma_start3A_1424 : memref<128x128xf32, #tpu.memory_space<vmem>>) offsets(%dma_start3A_1427 : memref<128xi32, #tpu.memory_space<vmem>>) semaphore(%arg7 : memref<!tpu.dma_semaphore, #tpu.memory_space<semaphore_mem>>)
    %dma_wait3A_1431 = arith.constant 1 : i32
    %dma_wait3A_1432 = arith.constant 0 : i32
    %dma_wait3A_1433 = arith.constant 1 : i32
    %dma_wait3A_1434 = arith.constant 0 : i32
    %dma_wait3A_1435 = arith.constant 0 : i32
    %dma_wait3A_1436 = tpu.memref_slice %arg6[%dma_wait3A_1433, %dma_wait3A_1434, %dma_wait3A_1435] : memref<2x256x128xf32, #tpu.memory_space<vmem>> -> memref<1x128x128xf32, #tpu.memory_space<vmem>>
    %dma_wait3A_1437 = tpu.memref_squeeze %dma_wait3A_1436 : memref<1x128x128xf32, #tpu.memory_space<vmem>> -> memref<128x128xf32, #tpu.memory_space<vmem>>
    %dma_wait3A_1438 = arith.constant 0 : i32
    %dma_wait3A_1439 = tpu.memref_slice %arg5[%dma_wait3A_1431, %dma_wait3A_1432, %dma_wait3A_1438] : memref<2x2x128xi32, #tpu.memory_space<vmem>> -> memref<1x1x128xi32, #tpu.memory_space<vmem>>
    %dma_wait3A_1440 = tpu.memref_squeeze %dma_wait3A_1439 : memref<1x1x128xi32, #tpu.memory_space<vmem>> -> memref<128xi32, #tpu.memory_space<vmem>>
    %dma_wait3A_1441 = arith.constant 0 : i32
    %dma_wait3A_1442 = arith.constant 0 : i32
    %dma_wait3A_1443 = tpu.memref_slice %arg3[%dma_wait3A_1441, %dma_wait3A_1442] : memref<1000000x128xf32, #tpu.memory_space<hbm>> -> memref<1000000x128xf32, #tpu.memory_space<hbm>>
    tpu.wait_indirect_dma semaphore(%arg7 : memref<!tpu.dma_semaphore, #tpu.memory_space<semaphore_mem>>) src(%dma_wait3A_1443 : memref<1000000x128xf32, #tpu.memory_space<hbm>>) dst(%dma_wait3A_1437 : memref<128x128xf32, #tpu.memory_space<vmem>>)
    %dma_wait3A_1444 = arith.constant 1 : i32
    %dma_wait3A_1445 = arith.constant 1 : i32
    %dma_wait3A_1446 = arith.constant 1 : i32
    %dma_wait3A_1447 = arith.constant 128 : i32
    %dma_wait3A_1448 = arith.constant 0 : i32
    %dma_wait3A_1449 = tpu.memref_slice %arg6[%dma_wait3A_1446, %dma_wait3A_1447, %dma_wait3A_1448] : memref<2x256x128xf32, #tpu.memory_space<vmem>> -> memref<1x128x128xf32, #tpu.memory_space<vmem>>
    %dma_wait3A_1450 = tpu.memref_squeeze %dma_wait3A_1449 : memref<1x128x128xf32, #tpu.memory_space<vmem>> -> memref<128x128xf32, #tpu.memory_space<vmem>>
    %dma_wait3A_1451 = arith.constant 0 : i32
    %dma_wait3A_1452 = tpu.memref_slice %arg5[%dma_wait3A_1444, %dma_wait3A_1445, %dma_wait3A_1451] : memref<2x2x128xi32, #tpu.memory_space<vmem>> -> memref<1x1x128xi32, #tpu.memory_space<vmem>>
    %dma_wait3A_1453 = tpu.memref_squeeze %dma_wait3A_1452 : memref<1x1x128xi32, #tpu.memory_space<vmem>> -> memref<128xi32, #tpu.memory_space<vmem>>
    %dma_wait3A_1454 = arith.constant 0 : i32
    %dma_wait3A_1455 = arith.constant 0 : i32
    %dma_wait3A_1456 = tpu.memref_slice %arg3[%dma_wait3A_1454, %dma_wait3A_1455] : memref<1000000x128xf32, #tpu.memory_space<hbm>> -> memref<1000000x128xf32, #tpu.memory_space<hbm>>
    tpu.wait_indirect_dma semaphore(%arg7 : memref<!tpu.dma_semaphore, #tpu.memory_space<semaphore_mem>>) src(%dma_wait3A_1456 : memref<1000000x128xf32, #tpu.memory_space<hbm>>) dst(%dma_wait3A_1450 : memref<128x128xf32, #tpu.memory_space<vmem>>)
    %add3A_1457 = arith.constant 4352 : i32
    %add3A_1458 = arith.addi %mul3A_6, %add3A_1457 : i32
    %dma_start3A_1459 = arith.constant 1 : i32
    %dma_start3A_1460 = arith.constant 0 : i32
    %dma_start3A_1461 = arith.constant 0 : i32
    %dma_start3A_1462 = tpu.memref_slice %arg6[%dma_start3A_1459, %dma_start3A_1460, %dma_start3A_1461] : memref<2x256x128xf32, #tpu.memory_space<vmem>> -> memref<1x256x128xf32, #tpu.memory_space<vmem>>
    %dma_start3A_1463 = tpu.memref_squeeze %dma_start3A_1462 : memref<1x256x128xf32, #tpu.memory_space<vmem>> -> memref<256x128xf32, #tpu.memory_space<vmem>>
    %dma_start3A_1464 = arith.constant 0 : i32
    %dma_start3A_1465 = tpu.memref_slice %arg4[%add3A_1458, %dma_start3A_1464] : memref<204800x128xf32, #tpu.memory_space<hbm>> -> memref<256x128xf32, #tpu.memory_space<hbm>>
    %dma_start3A_1466 = arith.constant 0 : i32
    %dma_start3A_1467 = tpu.memref_slice %arg4[%add3A_1458, %dma_start3A_1466] : memref<204800x128xf32, #tpu.memory_space<hbm>> -> memref<256x128xf32, #tpu.memory_space<hbm>>
    %dma_start3A_1468 = arith.constant 0 : i32
    %dma_start3A_1469 = arith.constant 0 : i32
    %dma_start3A_1470 = tpu.memref_slice %arg6[%dma_start3A_1459, %dma_start3A_1468, %dma_start3A_1469] : memref<2x256x128xf32, #tpu.memory_space<vmem>> -> memref<1x256x128xf32, #tpu.memory_space<vmem>>
    %dma_start3A_1471 = tpu.memref_squeeze %dma_start3A_1470 : memref<1x256x128xf32, #tpu.memory_space<vmem>> -> memref<256x128xf32, #tpu.memory_space<vmem>>
    tpu.enqueue_dma source(%dma_start3A_1471 : memref<256x128xf32, #tpu.memory_space<vmem>>) target(%dma_start3A_1467 : memref<256x128xf32, #tpu.memory_space<hbm>>) target_semaphore(%arg9 : memref<!tpu.dma_semaphore, #tpu.memory_space<semaphore_mem>>)
    %dma_wait3A_1472 = arith.constant 0 : i32
    %dma_wait3A_1473 = arith.constant 0 : i32
    %dma_wait3A_1474 = arith.constant 0 : i32
    %dma_wait3A_1475 = tpu.memref_slice %arg6[%dma_wait3A_1472, %dma_wait3A_1473, %dma_wait3A_1474] : memref<2x256x128xf32, #tpu.memory_space<vmem>> -> memref<1x256x128xf32, #tpu.memory_space<vmem>>
    %dma_wait3A_1476 = tpu.memref_squeeze %dma_wait3A_1475 : memref<1x256x128xf32, #tpu.memory_space<vmem>> -> memref<256x128xf32, #tpu.memory_space<vmem>>
    %dma_wait3A_1477 = arith.constant 0 : i32
    %dma_wait3A_1478 = tpu.memref_slice %arg4[%add3A_1375, %dma_wait3A_1477] : memref<204800x128xf32, #tpu.memory_space<hbm>> -> memref<256x128xf32, #tpu.memory_space<hbm>>
    %dma_wait3A_1479 = arith.constant 0 : i32
    %dma_wait3A_1480 = tpu.memref_slice %arg4[%add3A_1375, %dma_wait3A_1479] : memref<204800x128xf32, #tpu.memory_space<hbm>> -> memref<256x128xf32, #tpu.memory_space<hbm>>
    %dma_wait3A_1481 = arith.constant 0 : i32
    %dma_wait3A_1482 = arith.constant 0 : i32
    %dma_wait3A_1483 = tpu.memref_slice %arg6[%dma_wait3A_1472, %dma_wait3A_1481, %dma_wait3A_1482] : memref<2x256x128xf32, #tpu.memory_space<vmem>> -> memref<1x256x128xf32, #tpu.memory_space<vmem>>
    %dma_wait3A_1484 = tpu.memref_squeeze %dma_wait3A_1483 : memref<1x256x128xf32, #tpu.memory_space<vmem>> -> memref<256x128xf32, #tpu.memory_space<vmem>>
    tpu.wait_dma2 semaphore(%arg8 : memref<!tpu.dma_semaphore, #tpu.memory_space<semaphore_mem>>) src(%dma_wait3A_1484 : memref<256x128xf32, #tpu.memory_space<vmem>>) dst(%dma_wait3A_1480 : memref<256x128xf32, #tpu.memory_space<hbm>>)
    %add3A_1485 = arith.constant 36 : i32
    %add3A_1486 = arith.addi %mul3A_2, %add3A_1485 : i32
    %run_scoped3A_1487 = arith.constant 0 : i32
    "tpu.region"() ({
      %run_scoped3A_2079 = tpu.sem_alloc : memref<!tpu.dma_semaphore, #tpu.memory_space<semaphore_mem>>
      %dma_start3A_2080 = arith.constant 0 : i32
      %dma_start3A_2081 = arith.constant 0 : i32
      %dma_start3A_2082 = tpu.memref_slice %arg5[%run_scoped3A_1487, %dma_start3A_2080, %dma_start3A_2081] : memref<2x2x128xi32, #tpu.memory_space<vmem>> -> memref<1x2x128xi32, #tpu.memory_space<vmem>>
      %dma_start3A_2083 = tpu.memref_squeeze %dma_start3A_2082 : memref<1x2x128xi32, #tpu.memory_space<vmem>> -> memref<2x128xi32, #tpu.memory_space<vmem>>
      %dma_start3A_2084 = arith.constant 0 : i32
      %dma_start3A_2085 = tpu.memref_slice %arg2[%add3A_1486, %dma_start3A_2084] : memref<1600x128xi32, #tpu.memory_space<hbm>> -> memref<2x128xi32, #tpu.memory_space<hbm>>
      %dma_start3A_2086 = arith.constant 0 : i32
      %dma_start3A_2087 = arith.constant 0 : i32
      %dma_start3A_2088 = tpu.memref_slice %arg5[%run_scoped3A_1487, %dma_start3A_2086, %dma_start3A_2087] : memref<2x2x128xi32, #tpu.memory_space<vmem>> -> memref<1x2x128xi32, #tpu.memory_space<vmem>>
      %dma_start3A_2089 = tpu.memref_squeeze %dma_start3A_2088 : memref<1x2x128xi32, #tpu.memory_space<vmem>> -> memref<2x128xi32, #tpu.memory_space<vmem>>
      %dma_start3A_2090 = arith.constant 0 : i32
      %dma_start3A_2091 = tpu.memref_slice %arg2[%add3A_1486, %dma_start3A_2090] : memref<1600x128xi32, #tpu.memory_space<hbm>> -> memref<2x128xi32, #tpu.memory_space<hbm>>
      tpu.enqueue_dma source(%dma_start3A_2091 : memref<2x128xi32, #tpu.memory_space<hbm>>) target(%dma_start3A_2089 : memref<2x128xi32, #tpu.memory_space<vmem>>) target_semaphore(%run_scoped3A_2079 : memref<!tpu.dma_semaphore, #tpu.memory_space<semaphore_mem>>)
      %dma_wait3A_2092 = arith.constant 0 : i32
      %dma_wait3A_2093 = arith.constant 0 : i32
      %dma_wait3A_2094 = tpu.memref_slice %arg5[%run_scoped3A_1487, %dma_wait3A_2092, %dma_wait3A_2093] : memref<2x2x128xi32, #tpu.memory_space<vmem>> -> memref<1x2x128xi32, #tpu.memory_space<vmem>>
      %dma_wait3A_2095 = tpu.memref_squeeze %dma_wait3A_2094 : memref<1x2x128xi32, #tpu.memory_space<vmem>> -> memref<2x128xi32, #tpu.memory_space<vmem>>
      %dma_wait3A_2096 = arith.constant 0 : i32
      %dma_wait3A_2097 = tpu.memref_slice %arg2[%add3A_1486, %dma_wait3A_2096] : memref<1600x128xi32, #tpu.memory_space<hbm>> -> memref<2x128xi32, #tpu.memory_space<hbm>>
      %dma_wait3A_2098 = arith.constant 0 : i32
      %dma_wait3A_2099 = arith.constant 0 : i32
      %dma_wait3A_2100 = tpu.memref_slice %arg5[%run_scoped3A_1487, %dma_wait3A_2098, %dma_wait3A_2099] : memref<2x2x128xi32, #tpu.memory_space<vmem>> -> memref<1x2x128xi32, #tpu.memory_space<vmem>>
      %dma_wait3A_2101 = tpu.memref_squeeze %dma_wait3A_2100 : memref<1x2x128xi32, #tpu.memory_space<vmem>> -> memref<2x128xi32, #tpu.memory_space<vmem>>
      %dma_wait3A_2102 = arith.constant 0 : i32
      %dma_wait3A_2103 = tpu.memref_slice %arg2[%add3A_1486, %dma_wait3A_2102] : memref<1600x128xi32, #tpu.memory_space<hbm>> -> memref<2x128xi32, #tpu.memory_space<hbm>>
      tpu.wait_dma2 semaphore(%run_scoped3A_2079 : memref<!tpu.dma_semaphore, #tpu.memory_space<semaphore_mem>>) src(%dma_wait3A_2103 : memref<2x128xi32, #tpu.memory_space<hbm>>) dst(%dma_wait3A_2101 : memref<2x128xi32, #tpu.memory_space<vmem>>)
      tpu.yield
    }) : () -> ()
    %dma_start3A_1488 = arith.constant 0 : i32
    %dma_start3A_1489 = arith.constant 0 : i32
    %dma_start3A_1490 = arith.constant 0 : i32
    %dma_start3A_1491 = arith.constant 0 : i32
    %dma_start3A_1492 = arith.constant 0 : i32
    %dma_start3A_1493 = tpu.memref_slice %arg6[%dma_start3A_1490, %dma_start3A_1491, %dma_start3A_1492] : memref<2x256x128xf32, #tpu.memory_space<vmem>> -> memref<1x128x128xf32, #tpu.memory_space<vmem>>
    %dma_start3A_1494 = tpu.memref_squeeze %dma_start3A_1493 : memref<1x128x128xf32, #tpu.memory_space<vmem>> -> memref<128x128xf32, #tpu.memory_space<vmem>>
    %dma_start3A_1495 = arith.constant 0 : i32
    %dma_start3A_1496 = tpu.memref_slice %arg5[%dma_start3A_1488, %dma_start3A_1489, %dma_start3A_1495] : memref<2x2x128xi32, #tpu.memory_space<vmem>> -> memref<1x1x128xi32, #tpu.memory_space<vmem>>
    %dma_start3A_1497 = tpu.memref_squeeze %dma_start3A_1496 : memref<1x1x128xi32, #tpu.memory_space<vmem>> -> memref<128xi32, #tpu.memory_space<vmem>>
    %dma_start3A_1498 = arith.constant 0 : i32
    %dma_start3A_1499 = arith.constant 0 : i32
    %dma_start3A_1500 = tpu.memref_slice %arg3[%dma_start3A_1498, %dma_start3A_1499] : memref<1000000x128xf32, #tpu.memory_space<hbm>> -> memref<1000000x128xf32, #tpu.memory_space<hbm>>
    tpu.enqueue_indirect_dma source(%dma_start3A_1500 : memref<1000000x128xf32, #tpu.memory_space<hbm>>) target(%dma_start3A_1494 : memref<128x128xf32, #tpu.memory_space<vmem>>) offsets(%dma_start3A_1497 : memref<128xi32, #tpu.memory_space<vmem>>) semaphore(%arg7 : memref<!tpu.dma_semaphore, #tpu.memory_space<semaphore_mem>>)
    %dma_start3A_1501 = arith.constant 0 : i32
    %dma_start3A_1502 = arith.constant 1 : i32
    %dma_start3A_1503 = arith.constant 0 : i32
    %dma_start3A_1504 = arith.constant 128 : i32
    %dma_start3A_1505 = arith.constant 0 : i32
    %dma_start3A_1506 = tpu.memref_slice %arg6[%dma_start3A_1503, %dma_start3A_1504, %dma_start3A_1505] : memref<2x256x128xf32, #tpu.memory_space<vmem>> -> memref<1x128x128xf32, #tpu.memory_space<vmem>>
    %dma_start3A_1507 = tpu.memref_squeeze %dma_start3A_1506 : memref<1x128x128xf32, #tpu.memory_space<vmem>> -> memref<128x128xf32, #tpu.memory_space<vmem>>
    %dma_start3A_1508 = arith.constant 0 : i32
    %dma_start3A_1509 = tpu.memref_slice %arg5[%dma_start3A_1501, %dma_start3A_1502, %dma_start3A_1508] : memref<2x2x128xi32, #tpu.memory_space<vmem>> -> memref<1x1x128xi32, #tpu.memory_space<vmem>>
    %dma_start3A_1510 = tpu.memref_squeeze %dma_start3A_1509 : memref<1x1x128xi32, #tpu.memory_space<vmem>> -> memref<128xi32, #tpu.memory_space<vmem>>
    %dma_start3A_1511 = arith.constant 0 : i32
    %dma_start3A_1512 = arith.constant 0 : i32
    %dma_start3A_1513 = tpu.memref_slice %arg3[%dma_start3A_1511, %dma_start3A_1512] : memref<1000000x128xf32, #tpu.memory_space<hbm>> -> memref<1000000x128xf32, #tpu.memory_space<hbm>>
    tpu.enqueue_indirect_dma source(%dma_start3A_1513 : memref<1000000x128xf32, #tpu.memory_space<hbm>>) target(%dma_start3A_1507 : memref<128x128xf32, #tpu.memory_space<vmem>>) offsets(%dma_start3A_1510 : memref<128xi32, #tpu.memory_space<vmem>>) semaphore(%arg7 : memref<!tpu.dma_semaphore, #tpu.memory_space<semaphore_mem>>)
    %dma_wait3A_1514 = arith.constant 0 : i32
    %dma_wait3A_1515 = arith.constant 0 : i32
    %dma_wait3A_1516 = arith.constant 0 : i32
    %dma_wait3A_1517 = arith.constant 0 : i32
    %dma_wait3A_1518 = arith.constant 0 : i32
    %dma_wait3A_1519 = tpu.memref_slice %arg6[%dma_wait3A_1516, %dma_wait3A_1517, %dma_wait3A_1518] : memref<2x256x128xf32, #tpu.memory_space<vmem>> -> memref<1x128x128xf32, #tpu.memory_space<vmem>>
    %dma_wait3A_1520 = tpu.memref_squeeze %dma_wait3A_1519 : memref<1x128x128xf32, #tpu.memory_space<vmem>> -> memref<128x128xf32, #tpu.memory_space<vmem>>
    %dma_wait3A_1521 = arith.constant 0 : i32
    %dma_wait3A_1522 = tpu.memref_slice %arg5[%dma_wait3A_1514, %dma_wait3A_1515, %dma_wait3A_1521] : memref<2x2x128xi32, #tpu.memory_space<vmem>> -> memref<1x1x128xi32, #tpu.memory_space<vmem>>
    %dma_wait3A_1523 = tpu.memref_squeeze %dma_wait3A_1522 : memref<1x1x128xi32, #tpu.memory_space<vmem>> -> memref<128xi32, #tpu.memory_space<vmem>>
    %dma_wait3A_1524 = arith.constant 0 : i32
    %dma_wait3A_1525 = arith.constant 0 : i32
    %dma_wait3A_1526 = tpu.memref_slice %arg3[%dma_wait3A_1524, %dma_wait3A_1525] : memref<1000000x128xf32, #tpu.memory_space<hbm>> -> memref<1000000x128xf32, #tpu.memory_space<hbm>>
    tpu.wait_indirect_dma semaphore(%arg7 : memref<!tpu.dma_semaphore, #tpu.memory_space<semaphore_mem>>) src(%dma_wait3A_1526 : memref<1000000x128xf32, #tpu.memory_space<hbm>>) dst(%dma_wait3A_1520 : memref<128x128xf32, #tpu.memory_space<vmem>>)
    %dma_wait3A_1527 = arith.constant 0 : i32
    %dma_wait3A_1528 = arith.constant 1 : i32
    %dma_wait3A_1529 = arith.constant 0 : i32
    %dma_wait3A_1530 = arith.constant 128 : i32
    %dma_wait3A_1531 = arith.constant 0 : i32
    %dma_wait3A_1532 = tpu.memref_slice %arg6[%dma_wait3A_1529, %dma_wait3A_1530, %dma_wait3A_1531] : memref<2x256x128xf32, #tpu.memory_space<vmem>> -> memref<1x128x128xf32, #tpu.memory_space<vmem>>
    %dma_wait3A_1533 = tpu.memref_squeeze %dma_wait3A_1532 : memref<1x128x128xf32, #tpu.memory_space<vmem>> -> memref<128x128xf32, #tpu.memory_space<vmem>>
    %dma_wait3A_1534 = arith.constant 0 : i32
    %dma_wait3A_1535 = tpu.memref_slice %arg5[%dma_wait3A_1527, %dma_wait3A_1528, %dma_wait3A_1534] : memref<2x2x128xi32, #tpu.memory_space<vmem>> -> memref<1x1x128xi32, #tpu.memory_space<vmem>>
    %dma_wait3A_1536 = tpu.memref_squeeze %dma_wait3A_1535 : memref<1x1x128xi32, #tpu.memory_space<vmem>> -> memref<128xi32, #tpu.memory_space<vmem>>
    %dma_wait3A_1537 = arith.constant 0 : i32
    %dma_wait3A_1538 = arith.constant 0 : i32
    %dma_wait3A_1539 = tpu.memref_slice %arg3[%dma_wait3A_1537, %dma_wait3A_1538] : memref<1000000x128xf32, #tpu.memory_space<hbm>> -> memref<1000000x128xf32, #tpu.memory_space<hbm>>
    tpu.wait_indirect_dma semaphore(%arg7 : memref<!tpu.dma_semaphore, #tpu.memory_space<semaphore_mem>>) src(%dma_wait3A_1539 : memref<1000000x128xf32, #tpu.memory_space<hbm>>) dst(%dma_wait3A_1533 : memref<128x128xf32, #tpu.memory_space<vmem>>)
    %add3A_1540 = arith.constant 4608 : i32
    %add3A_1541 = arith.addi %mul3A_6, %add3A_1540 : i32
    %dma_start3A_1542 = arith.constant 0 : i32
    %dma_start3A_1543 = arith.constant 0 : i32
    %dma_start3A_1544 = arith.constant 0 : i32
    %dma_start3A_1545 = tpu.memref_slice %arg6[%dma_start3A_1542, %dma_start3A_1543, %dma_start3A_1544] : memref<2x256x128xf32, #tpu.memory_space<vmem>> -> memref<1x256x128xf32, #tpu.memory_space<vmem>>
    %dma_start3A_1546 = tpu.memref_squeeze %dma_start3A_1545 : memref<1x256x128xf32, #tpu.memory_space<vmem>> -> memref<256x128xf32, #tpu.memory_space<vmem>>
    %dma_start3A_1547 = arith.constant 0 : i32
    %dma_start3A_1548 = tpu.memref_slice %arg4[%add3A_1541, %dma_start3A_1547] : memref<204800x128xf32, #tpu.memory_space<hbm>> -> memref<256x128xf32, #tpu.memory_space<hbm>>
    %dma_start3A_1549 = arith.constant 0 : i32
    %dma_start3A_1550 = tpu.memref_slice %arg4[%add3A_1541, %dma_start3A_1549] : memref<204800x128xf32, #tpu.memory_space<hbm>> -> memref<256x128xf32, #tpu.memory_space<hbm>>
    %dma_start3A_1551 = arith.constant 0 : i32
    %dma_start3A_1552 = arith.constant 0 : i32
    %dma_start3A_1553 = tpu.memref_slice %arg6[%dma_start3A_1542, %dma_start3A_1551, %dma_start3A_1552] : memref<2x256x128xf32, #tpu.memory_space<vmem>> -> memref<1x256x128xf32, #tpu.memory_space<vmem>>
    %dma_start3A_1554 = tpu.memref_squeeze %dma_start3A_1553 : memref<1x256x128xf32, #tpu.memory_space<vmem>> -> memref<256x128xf32, #tpu.memory_space<vmem>>
    tpu.enqueue_dma source(%dma_start3A_1554 : memref<256x128xf32, #tpu.memory_space<vmem>>) target(%dma_start3A_1550 : memref<256x128xf32, #tpu.memory_space<hbm>>) target_semaphore(%arg8 : memref<!tpu.dma_semaphore, #tpu.memory_space<semaphore_mem>>)
    %dma_wait3A_1555 = arith.constant 1 : i32
    %dma_wait3A_1556 = arith.constant 0 : i32
    %dma_wait3A_1557 = arith.constant 0 : i32
    %dma_wait3A_1558 = tpu.memref_slice %arg6[%dma_wait3A_1555, %dma_wait3A_1556, %dma_wait3A_1557] : memref<2x256x128xf32, #tpu.memory_space<vmem>> -> memref<1x256x128xf32, #tpu.memory_space<vmem>>
    %dma_wait3A_1559 = tpu.memref_squeeze %dma_wait3A_1558 : memref<1x256x128xf32, #tpu.memory_space<vmem>> -> memref<256x128xf32, #tpu.memory_space<vmem>>
    %dma_wait3A_1560 = arith.constant 0 : i32
    %dma_wait3A_1561 = tpu.memref_slice %arg4[%add3A_1458, %dma_wait3A_1560] : memref<204800x128xf32, #tpu.memory_space<hbm>> -> memref<256x128xf32, #tpu.memory_space<hbm>>
    %dma_wait3A_1562 = arith.constant 0 : i32
    %dma_wait3A_1563 = tpu.memref_slice %arg4[%add3A_1458, %dma_wait3A_1562] : memref<204800x128xf32, #tpu.memory_space<hbm>> -> memref<256x128xf32, #tpu.memory_space<hbm>>
    %dma_wait3A_1564 = arith.constant 0 : i32
    %dma_wait3A_1565 = arith.constant 0 : i32
    %dma_wait3A_1566 = tpu.memref_slice %arg6[%dma_wait3A_1555, %dma_wait3A_1564, %dma_wait3A_1565] : memref<2x256x128xf32, #tpu.memory_space<vmem>> -> memref<1x256x128xf32, #tpu.memory_space<vmem>>
    %dma_wait3A_1567 = tpu.memref_squeeze %dma_wait3A_1566 : memref<1x256x128xf32, #tpu.memory_space<vmem>> -> memref<256x128xf32, #tpu.memory_space<vmem>>
    tpu.wait_dma2 semaphore(%arg9 : memref<!tpu.dma_semaphore, #tpu.memory_space<semaphore_mem>>) src(%dma_wait3A_1567 : memref<256x128xf32, #tpu.memory_space<vmem>>) dst(%dma_wait3A_1563 : memref<256x128xf32, #tpu.memory_space<hbm>>)
    %add3A_1568 = arith.constant 38 : i32
    %add3A_1569 = arith.addi %mul3A_2, %add3A_1568 : i32
    %run_scoped3A_1570 = arith.constant 1 : i32
    "tpu.region"() ({
      %run_scoped3A_2079 = tpu.sem_alloc : memref<!tpu.dma_semaphore, #tpu.memory_space<semaphore_mem>>
      %dma_start3A_2080 = arith.constant 0 : i32
      %dma_start3A_2081 = arith.constant 0 : i32
      %dma_start3A_2082 = tpu.memref_slice %arg5[%run_scoped3A_1570, %dma_start3A_2080, %dma_start3A_2081] : memref<2x2x128xi32, #tpu.memory_space<vmem>> -> memref<1x2x128xi32, #tpu.memory_space<vmem>>
      %dma_start3A_2083 = tpu.memref_squeeze %dma_start3A_2082 : memref<1x2x128xi32, #tpu.memory_space<vmem>> -> memref<2x128xi32, #tpu.memory_space<vmem>>
      %dma_start3A_2084 = arith.constant 0 : i32
      %dma_start3A_2085 = tpu.memref_slice %arg2[%add3A_1569, %dma_start3A_2084] : memref<1600x128xi32, #tpu.memory_space<hbm>> -> memref<2x128xi32, #tpu.memory_space<hbm>>
      %dma_start3A_2086 = arith.constant 0 : i32
      %dma_start3A_2087 = arith.constant 0 : i32
      %dma_start3A_2088 = tpu.memref_slice %arg5[%run_scoped3A_1570, %dma_start3A_2086, %dma_start3A_2087] : memref<2x2x128xi32, #tpu.memory_space<vmem>> -> memref<1x2x128xi32, #tpu.memory_space<vmem>>
      %dma_start3A_2089 = tpu.memref_squeeze %dma_start3A_2088 : memref<1x2x128xi32, #tpu.memory_space<vmem>> -> memref<2x128xi32, #tpu.memory_space<vmem>>
      %dma_start3A_2090 = arith.constant 0 : i32
      %dma_start3A_2091 = tpu.memref_slice %arg2[%add3A_1569, %dma_start3A_2090] : memref<1600x128xi32, #tpu.memory_space<hbm>> -> memref<2x128xi32, #tpu.memory_space<hbm>>
      tpu.enqueue_dma source(%dma_start3A_2091 : memref<2x128xi32, #tpu.memory_space<hbm>>) target(%dma_start3A_2089 : memref<2x128xi32, #tpu.memory_space<vmem>>) target_semaphore(%run_scoped3A_2079 : memref<!tpu.dma_semaphore, #tpu.memory_space<semaphore_mem>>)
      %dma_wait3A_2092 = arith.constant 0 : i32
      %dma_wait3A_2093 = arith.constant 0 : i32
      %dma_wait3A_2094 = tpu.memref_slice %arg5[%run_scoped3A_1570, %dma_wait3A_2092, %dma_wait3A_2093] : memref<2x2x128xi32, #tpu.memory_space<vmem>> -> memref<1x2x128xi32, #tpu.memory_space<vmem>>
      %dma_wait3A_2095 = tpu.memref_squeeze %dma_wait3A_2094 : memref<1x2x128xi32, #tpu.memory_space<vmem>> -> memref<2x128xi32, #tpu.memory_space<vmem>>
      %dma_wait3A_2096 = arith.constant 0 : i32
      %dma_wait3A_2097 = tpu.memref_slice %arg2[%add3A_1569, %dma_wait3A_2096] : memref<1600x128xi32, #tpu.memory_space<hbm>> -> memref<2x128xi32, #tpu.memory_space<hbm>>
      %dma_wait3A_2098 = arith.constant 0 : i32
      %dma_wait3A_2099 = arith.constant 0 : i32
      %dma_wait3A_2100 = tpu.memref_slice %arg5[%run_scoped3A_1570, %dma_wait3A_2098, %dma_wait3A_2099] : memref<2x2x128xi32, #tpu.memory_space<vmem>> -> memref<1x2x128xi32, #tpu.memory_space<vmem>>
      %dma_wait3A_2101 = tpu.memref_squeeze %dma_wait3A_2100 : memref<1x2x128xi32, #tpu.memory_space<vmem>> -> memref<2x128xi32, #tpu.memory_space<vmem>>
      %dma_wait3A_2102 = arith.constant 0 : i32
      %dma_wait3A_2103 = tpu.memref_slice %arg2[%add3A_1569, %dma_wait3A_2102] : memref<1600x128xi32, #tpu.memory_space<hbm>> -> memref<2x128xi32, #tpu.memory_space<hbm>>
      tpu.wait_dma2 semaphore(%run_scoped3A_2079 : memref<!tpu.dma_semaphore, #tpu.memory_space<semaphore_mem>>) src(%dma_wait3A_2103 : memref<2x128xi32, #tpu.memory_space<hbm>>) dst(%dma_wait3A_2101 : memref<2x128xi32, #tpu.memory_space<vmem>>)
      tpu.yield
    }) : () -> ()
    %dma_start3A_1571 = arith.constant 1 : i32
    %dma_start3A_1572 = arith.constant 0 : i32
    %dma_start3A_1573 = arith.constant 1 : i32
    %dma_start3A_1574 = arith.constant 0 : i32
    %dma_start3A_1575 = arith.constant 0 : i32
    %dma_start3A_1576 = tpu.memref_slice %arg6[%dma_start3A_1573, %dma_start3A_1574, %dma_start3A_1575] : memref<2x256x128xf32, #tpu.memory_space<vmem>> -> memref<1x128x128xf32, #tpu.memory_space<vmem>>
    %dma_start3A_1577 = tpu.memref_squeeze %dma_start3A_1576 : memref<1x128x128xf32, #tpu.memory_space<vmem>> -> memref<128x128xf32, #tpu.memory_space<vmem>>
    %dma_start3A_1578 = arith.constant 0 : i32
    %dma_start3A_1579 = tpu.memref_slice %arg5[%dma_start3A_1571, %dma_start3A_1572, %dma_start3A_1578] : memref<2x2x128xi32, #tpu.memory_space<vmem>> -> memref<1x1x128xi32, #tpu.memory_space<vmem>>
    %dma_start3A_1580 = tpu.memref_squeeze %dma_start3A_1579 : memref<1x1x128xi32, #tpu.memory_space<vmem>> -> memref<128xi32, #tpu.memory_space<vmem>>
    %dma_start3A_1581 = arith.constant 0 : i32
    %dma_start3A_1582 = arith.constant 0 : i32
    %dma_start3A_1583 = tpu.memref_slice %arg3[%dma_start3A_1581, %dma_start3A_1582] : memref<1000000x128xf32, #tpu.memory_space<hbm>> -> memref<1000000x128xf32, #tpu.memory_space<hbm>>
    tpu.enqueue_indirect_dma source(%dma_start3A_1583 : memref<1000000x128xf32, #tpu.memory_space<hbm>>) target(%dma_start3A_1577 : memref<128x128xf32, #tpu.memory_space<vmem>>) offsets(%dma_start3A_1580 : memref<128xi32, #tpu.memory_space<vmem>>) semaphore(%arg7 : memref<!tpu.dma_semaphore, #tpu.memory_space<semaphore_mem>>)
    %dma_start3A_1584 = arith.constant 1 : i32
    %dma_start3A_1585 = arith.constant 1 : i32
    %dma_start3A_1586 = arith.constant 1 : i32
    %dma_start3A_1587 = arith.constant 128 : i32
    %dma_start3A_1588 = arith.constant 0 : i32
    %dma_start3A_1589 = tpu.memref_slice %arg6[%dma_start3A_1586, %dma_start3A_1587, %dma_start3A_1588] : memref<2x256x128xf32, #tpu.memory_space<vmem>> -> memref<1x128x128xf32, #tpu.memory_space<vmem>>
    %dma_start3A_1590 = tpu.memref_squeeze %dma_start3A_1589 : memref<1x128x128xf32, #tpu.memory_space<vmem>> -> memref<128x128xf32, #tpu.memory_space<vmem>>
    %dma_start3A_1591 = arith.constant 0 : i32
    %dma_start3A_1592 = tpu.memref_slice %arg5[%dma_start3A_1584, %dma_start3A_1585, %dma_start3A_1591] : memref<2x2x128xi32, #tpu.memory_space<vmem>> -> memref<1x1x128xi32, #tpu.memory_space<vmem>>
    %dma_start3A_1593 = tpu.memref_squeeze %dma_start3A_1592 : memref<1x1x128xi32, #tpu.memory_space<vmem>> -> memref<128xi32, #tpu.memory_space<vmem>>
    %dma_start3A_1594 = arith.constant 0 : i32
    %dma_start3A_1595 = arith.constant 0 : i32
    %dma_start3A_1596 = tpu.memref_slice %arg3[%dma_start3A_1594, %dma_start3A_1595] : memref<1000000x128xf32, #tpu.memory_space<hbm>> -> memref<1000000x128xf32, #tpu.memory_space<hbm>>
    tpu.enqueue_indirect_dma source(%dma_start3A_1596 : memref<1000000x128xf32, #tpu.memory_space<hbm>>) target(%dma_start3A_1590 : memref<128x128xf32, #tpu.memory_space<vmem>>) offsets(%dma_start3A_1593 : memref<128xi32, #tpu.memory_space<vmem>>) semaphore(%arg7 : memref<!tpu.dma_semaphore, #tpu.memory_space<semaphore_mem>>)
    %dma_wait3A_1597 = arith.constant 1 : i32
    %dma_wait3A_1598 = arith.constant 0 : i32
    %dma_wait3A_1599 = arith.constant 1 : i32
    %dma_wait3A_1600 = arith.constant 0 : i32
    %dma_wait3A_1601 = arith.constant 0 : i32
    %dma_wait3A_1602 = tpu.memref_slice %arg6[%dma_wait3A_1599, %dma_wait3A_1600, %dma_wait3A_1601] : memref<2x256x128xf32, #tpu.memory_space<vmem>> -> memref<1x128x128xf32, #tpu.memory_space<vmem>>
    %dma_wait3A_1603 = tpu.memref_squeeze %dma_wait3A_1602 : memref<1x128x128xf32, #tpu.memory_space<vmem>> -> memref<128x128xf32, #tpu.memory_space<vmem>>
    %dma_wait3A_1604 = arith.constant 0 : i32
    %dma_wait3A_1605 = tpu.memref_slice %arg5[%dma_wait3A_1597, %dma_wait3A_1598, %dma_wait3A_1604] : memref<2x2x128xi32, #tpu.memory_space<vmem>> -> memref<1x1x128xi32, #tpu.memory_space<vmem>>
    %dma_wait3A_1606 = tpu.memref_squeeze %dma_wait3A_1605 : memref<1x1x128xi32, #tpu.memory_space<vmem>> -> memref<128xi32, #tpu.memory_space<vmem>>
    %dma_wait3A_1607 = arith.constant 0 : i32
    %dma_wait3A_1608 = arith.constant 0 : i32
    %dma_wait3A_1609 = tpu.memref_slice %arg3[%dma_wait3A_1607, %dma_wait3A_1608] : memref<1000000x128xf32, #tpu.memory_space<hbm>> -> memref<1000000x128xf32, #tpu.memory_space<hbm>>
    tpu.wait_indirect_dma semaphore(%arg7 : memref<!tpu.dma_semaphore, #tpu.memory_space<semaphore_mem>>) src(%dma_wait3A_1609 : memref<1000000x128xf32, #tpu.memory_space<hbm>>) dst(%dma_wait3A_1603 : memref<128x128xf32, #tpu.memory_space<vmem>>)
    %dma_wait3A_1610 = arith.constant 1 : i32
    %dma_wait3A_1611 = arith.constant 1 : i32
    %dma_wait3A_1612 = arith.constant 1 : i32
    %dma_wait3A_1613 = arith.constant 128 : i32
    %dma_wait3A_1614 = arith.constant 0 : i32
    %dma_wait3A_1615 = tpu.memref_slice %arg6[%dma_wait3A_1612, %dma_wait3A_1613, %dma_wait3A_1614] : memref<2x256x128xf32, #tpu.memory_space<vmem>> -> memref<1x128x128xf32, #tpu.memory_space<vmem>>
    %dma_wait3A_1616 = tpu.memref_squeeze %dma_wait3A_1615 : memref<1x128x128xf32, #tpu.memory_space<vmem>> -> memref<128x128xf32, #tpu.memory_space<vmem>>
    %dma_wait3A_1617 = arith.constant 0 : i32
    %dma_wait3A_1618 = tpu.memref_slice %arg5[%dma_wait3A_1610, %dma_wait3A_1611, %dma_wait3A_1617] : memref<2x2x128xi32, #tpu.memory_space<vmem>> -> memref<1x1x128xi32, #tpu.memory_space<vmem>>
    %dma_wait3A_1619 = tpu.memref_squeeze %dma_wait3A_1618 : memref<1x1x128xi32, #tpu.memory_space<vmem>> -> memref<128xi32, #tpu.memory_space<vmem>>
    %dma_wait3A_1620 = arith.constant 0 : i32
    %dma_wait3A_1621 = arith.constant 0 : i32
    %dma_wait3A_1622 = tpu.memref_slice %arg3[%dma_wait3A_1620, %dma_wait3A_1621] : memref<1000000x128xf32, #tpu.memory_space<hbm>> -> memref<1000000x128xf32, #tpu.memory_space<hbm>>
    tpu.wait_indirect_dma semaphore(%arg7 : memref<!tpu.dma_semaphore, #tpu.memory_space<semaphore_mem>>) src(%dma_wait3A_1622 : memref<1000000x128xf32, #tpu.memory_space<hbm>>) dst(%dma_wait3A_1616 : memref<128x128xf32, #tpu.memory_space<vmem>>)
    %add3A_1623 = arith.constant 4864 : i32
    %add3A_1624 = arith.addi %mul3A_6, %add3A_1623 : i32
    %dma_start3A_1625 = arith.constant 1 : i32
    %dma_start3A_1626 = arith.constant 0 : i32
    %dma_start3A_1627 = arith.constant 0 : i32
    %dma_start3A_1628 = tpu.memref_slice %arg6[%dma_start3A_1625, %dma_start3A_1626, %dma_start3A_1627] : memref<2x256x128xf32, #tpu.memory_space<vmem>> -> memref<1x256x128xf32, #tpu.memory_space<vmem>>
    %dma_start3A_1629 = tpu.memref_squeeze %dma_start3A_1628 : memref<1x256x128xf32, #tpu.memory_space<vmem>> -> memref<256x128xf32, #tpu.memory_space<vmem>>
    %dma_start3A_1630 = arith.constant 0 : i32
    %dma_start3A_1631 = tpu.memref_slice %arg4[%add3A_1624, %dma_start3A_1630] : memref<204800x128xf32, #tpu.memory_space<hbm>> -> memref<256x128xf32, #tpu.memory_space<hbm>>
    %dma_start3A_1632 = arith.constant 0 : i32
    %dma_start3A_1633 = tpu.memref_slice %arg4[%add3A_1624, %dma_start3A_1632] : memref<204800x128xf32, #tpu.memory_space<hbm>> -> memref<256x128xf32, #tpu.memory_space<hbm>>
    %dma_start3A_1634 = arith.constant 0 : i32
    %dma_start3A_1635 = arith.constant 0 : i32
    %dma_start3A_1636 = tpu.memref_slice %arg6[%dma_start3A_1625, %dma_start3A_1634, %dma_start3A_1635] : memref<2x256x128xf32, #tpu.memory_space<vmem>> -> memref<1x256x128xf32, #tpu.memory_space<vmem>>
    %dma_start3A_1637 = tpu.memref_squeeze %dma_start3A_1636 : memref<1x256x128xf32, #tpu.memory_space<vmem>> -> memref<256x128xf32, #tpu.memory_space<vmem>>
    tpu.enqueue_dma source(%dma_start3A_1637 : memref<256x128xf32, #tpu.memory_space<vmem>>) target(%dma_start3A_1633 : memref<256x128xf32, #tpu.memory_space<hbm>>) target_semaphore(%arg9 : memref<!tpu.dma_semaphore, #tpu.memory_space<semaphore_mem>>)
    %dma_wait3A_1638 = arith.constant 0 : i32
    %dma_wait3A_1639 = arith.constant 0 : i32
    %dma_wait3A_1640 = arith.constant 0 : i32
    %dma_wait3A_1641 = tpu.memref_slice %arg6[%dma_wait3A_1638, %dma_wait3A_1639, %dma_wait3A_1640] : memref<2x256x128xf32, #tpu.memory_space<vmem>> -> memref<1x256x128xf32, #tpu.memory_space<vmem>>
    %dma_wait3A_1642 = tpu.memref_squeeze %dma_wait3A_1641 : memref<1x256x128xf32, #tpu.memory_space<vmem>> -> memref<256x128xf32, #tpu.memory_space<vmem>>
    %dma_wait3A_1643 = arith.constant 0 : i32
    %dma_wait3A_1644 = tpu.memref_slice %arg4[%add3A_1541, %dma_wait3A_1643] : memref<204800x128xf32, #tpu.memory_space<hbm>> -> memref<256x128xf32, #tpu.memory_space<hbm>>
    %dma_wait3A_1645 = arith.constant 0 : i32
    %dma_wait3A_1646 = tpu.memref_slice %arg4[%add3A_1541, %dma_wait3A_1645] : memref<204800x128xf32, #tpu.memory_space<hbm>> -> memref<256x128xf32, #tpu.memory_space<hbm>>
    %dma_wait3A_1647 = arith.constant 0 : i32
    %dma_wait3A_1648 = arith.constant 0 : i32
    %dma_wait3A_1649 = tpu.memref_slice %arg6[%dma_wait3A_1638, %dma_wait3A_1647, %dma_wait3A_1648] : memref<2x256x128xf32, #tpu.memory_space<vmem>> -> memref<1x256x128xf32, #tpu.memory_space<vmem>>
    %dma_wait3A_1650 = tpu.memref_squeeze %dma_wait3A_1649 : memref<1x256x128xf32, #tpu.memory_space<vmem>> -> memref<256x128xf32, #tpu.memory_space<vmem>>
    tpu.wait_dma2 semaphore(%arg8 : memref<!tpu.dma_semaphore, #tpu.memory_space<semaphore_mem>>) src(%dma_wait3A_1650 : memref<256x128xf32, #tpu.memory_space<vmem>>) dst(%dma_wait3A_1646 : memref<256x128xf32, #tpu.memory_space<hbm>>)
    %add3A_1651 = arith.constant 40 : i32
    %add3A_1652 = arith.addi %mul3A_2, %add3A_1651 : i32
    %run_scoped3A_1653 = arith.constant 0 : i32
    "tpu.region"() ({
      %run_scoped3A_2079 = tpu.sem_alloc : memref<!tpu.dma_semaphore, #tpu.memory_space<semaphore_mem>>
      %dma_start3A_2080 = arith.constant 0 : i32
      %dma_start3A_2081 = arith.constant 0 : i32
      %dma_start3A_2082 = tpu.memref_slice %arg5[%run_scoped3A_1653, %dma_start3A_2080, %dma_start3A_2081] : memref<2x2x128xi32, #tpu.memory_space<vmem>> -> memref<1x2x128xi32, #tpu.memory_space<vmem>>
      %dma_start3A_2083 = tpu.memref_squeeze %dma_start3A_2082 : memref<1x2x128xi32, #tpu.memory_space<vmem>> -> memref<2x128xi32, #tpu.memory_space<vmem>>
      %dma_start3A_2084 = arith.constant 0 : i32
      %dma_start3A_2085 = tpu.memref_slice %arg2[%add3A_1652, %dma_start3A_2084] : memref<1600x128xi32, #tpu.memory_space<hbm>> -> memref<2x128xi32, #tpu.memory_space<hbm>>
      %dma_start3A_2086 = arith.constant 0 : i32
      %dma_start3A_2087 = arith.constant 0 : i32
      %dma_start3A_2088 = tpu.memref_slice %arg5[%run_scoped3A_1653, %dma_start3A_2086, %dma_start3A_2087] : memref<2x2x128xi32, #tpu.memory_space<vmem>> -> memref<1x2x128xi32, #tpu.memory_space<vmem>>
      %dma_start3A_2089 = tpu.memref_squeeze %dma_start3A_2088 : memref<1x2x128xi32, #tpu.memory_space<vmem>> -> memref<2x128xi32, #tpu.memory_space<vmem>>
      %dma_start3A_2090 = arith.constant 0 : i32
      %dma_start3A_2091 = tpu.memref_slice %arg2[%add3A_1652, %dma_start3A_2090] : memref<1600x128xi32, #tpu.memory_space<hbm>> -> memref<2x128xi32, #tpu.memory_space<hbm>>
      tpu.enqueue_dma source(%dma_start3A_2091 : memref<2x128xi32, #tpu.memory_space<hbm>>) target(%dma_start3A_2089 : memref<2x128xi32, #tpu.memory_space<vmem>>) target_semaphore(%run_scoped3A_2079 : memref<!tpu.dma_semaphore, #tpu.memory_space<semaphore_mem>>)
      %dma_wait3A_2092 = arith.constant 0 : i32
      %dma_wait3A_2093 = arith.constant 0 : i32
      %dma_wait3A_2094 = tpu.memref_slice %arg5[%run_scoped3A_1653, %dma_wait3A_2092, %dma_wait3A_2093] : memref<2x2x128xi32, #tpu.memory_space<vmem>> -> memref<1x2x128xi32, #tpu.memory_space<vmem>>
      %dma_wait3A_2095 = tpu.memref_squeeze %dma_wait3A_2094 : memref<1x2x128xi32, #tpu.memory_space<vmem>> -> memref<2x128xi32, #tpu.memory_space<vmem>>
      %dma_wait3A_2096 = arith.constant 0 : i32
      %dma_wait3A_2097 = tpu.memref_slice %arg2[%add3A_1652, %dma_wait3A_2096] : memref<1600x128xi32, #tpu.memory_space<hbm>> -> memref<2x128xi32, #tpu.memory_space<hbm>>
      %dma_wait3A_2098 = arith.constant 0 : i32
      %dma_wait3A_2099 = arith.constant 0 : i32
      %dma_wait3A_2100 = tpu.memref_slice %arg5[%run_scoped3A_1653, %dma_wait3A_2098, %dma_wait3A_2099] : memref<2x2x128xi32, #tpu.memory_space<vmem>> -> memref<1x2x128xi32, #tpu.memory_space<vmem>>
      %dma_wait3A_2101 = tpu.memref_squeeze %dma_wait3A_2100 : memref<1x2x128xi32, #tpu.memory_space<vmem>> -> memref<2x128xi32, #tpu.memory_space<vmem>>
      %dma_wait3A_2102 = arith.constant 0 : i32
      %dma_wait3A_2103 = tpu.memref_slice %arg2[%add3A_1652, %dma_wait3A_2102] : memref<1600x128xi32, #tpu.memory_space<hbm>> -> memref<2x128xi32, #tpu.memory_space<hbm>>
      tpu.wait_dma2 semaphore(%run_scoped3A_2079 : memref<!tpu.dma_semaphore, #tpu.memory_space<semaphore_mem>>) src(%dma_wait3A_2103 : memref<2x128xi32, #tpu.memory_space<hbm>>) dst(%dma_wait3A_2101 : memref<2x128xi32, #tpu.memory_space<vmem>>)
      tpu.yield
    }) : () -> ()
    %dma_start3A_1654 = arith.constant 0 : i32
    %dma_start3A_1655 = arith.constant 0 : i32
    %dma_start3A_1656 = arith.constant 0 : i32
    %dma_start3A_1657 = arith.constant 0 : i32
    %dma_start3A_1658 = arith.constant 0 : i32
    %dma_start3A_1659 = tpu.memref_slice %arg6[%dma_start3A_1656, %dma_start3A_1657, %dma_start3A_1658] : memref<2x256x128xf32, #tpu.memory_space<vmem>> -> memref<1x128x128xf32, #tpu.memory_space<vmem>>
    %dma_start3A_1660 = tpu.memref_squeeze %dma_start3A_1659 : memref<1x128x128xf32, #tpu.memory_space<vmem>> -> memref<128x128xf32, #tpu.memory_space<vmem>>
    %dma_start3A_1661 = arith.constant 0 : i32
    %dma_start3A_1662 = tpu.memref_slice %arg5[%dma_start3A_1654, %dma_start3A_1655, %dma_start3A_1661] : memref<2x2x128xi32, #tpu.memory_space<vmem>> -> memref<1x1x128xi32, #tpu.memory_space<vmem>>
    %dma_start3A_1663 = tpu.memref_squeeze %dma_start3A_1662 : memref<1x1x128xi32, #tpu.memory_space<vmem>> -> memref<128xi32, #tpu.memory_space<vmem>>
    %dma_start3A_1664 = arith.constant 0 : i32
    %dma_start3A_1665 = arith.constant 0 : i32
    %dma_start3A_1666 = tpu.memref_slice %arg3[%dma_start3A_1664, %dma_start3A_1665] : memref<1000000x128xf32, #tpu.memory_space<hbm>> -> memref<1000000x128xf32, #tpu.memory_space<hbm>>
    tpu.enqueue_indirect_dma source(%dma_start3A_1666 : memref<1000000x128xf32, #tpu.memory_space<hbm>>) target(%dma_start3A_1660 : memref<128x128xf32, #tpu.memory_space<vmem>>) offsets(%dma_start3A_1663 : memref<128xi32, #tpu.memory_space<vmem>>) semaphore(%arg7 : memref<!tpu.dma_semaphore, #tpu.memory_space<semaphore_mem>>)
    %dma_start3A_1667 = arith.constant 0 : i32
    %dma_start3A_1668 = arith.constant 1 : i32
    %dma_start3A_1669 = arith.constant 0 : i32
    %dma_start3A_1670 = arith.constant 128 : i32
    %dma_start3A_1671 = arith.constant 0 : i32
    %dma_start3A_1672 = tpu.memref_slice %arg6[%dma_start3A_1669, %dma_start3A_1670, %dma_start3A_1671] : memref<2x256x128xf32, #tpu.memory_space<vmem>> -> memref<1x128x128xf32, #tpu.memory_space<vmem>>
    %dma_start3A_1673 = tpu.memref_squeeze %dma_start3A_1672 : memref<1x128x128xf32, #tpu.memory_space<vmem>> -> memref<128x128xf32, #tpu.memory_space<vmem>>
    %dma_start3A_1674 = arith.constant 0 : i32
    %dma_start3A_1675 = tpu.memref_slice %arg5[%dma_start3A_1667, %dma_start3A_1668, %dma_start3A_1674] : memref<2x2x128xi32, #tpu.memory_space<vmem>> -> memref<1x1x128xi32, #tpu.memory_space<vmem>>
    %dma_start3A_1676 = tpu.memref_squeeze %dma_start3A_1675 : memref<1x1x128xi32, #tpu.memory_space<vmem>> -> memref<128xi32, #tpu.memory_space<vmem>>
    %dma_start3A_1677 = arith.constant 0 : i32
    %dma_start3A_1678 = arith.constant 0 : i32
    %dma_start3A_1679 = tpu.memref_slice %arg3[%dma_start3A_1677, %dma_start3A_1678] : memref<1000000x128xf32, #tpu.memory_space<hbm>> -> memref<1000000x128xf32, #tpu.memory_space<hbm>>
    tpu.enqueue_indirect_dma source(%dma_start3A_1679 : memref<1000000x128xf32, #tpu.memory_space<hbm>>) target(%dma_start3A_1673 : memref<128x128xf32, #tpu.memory_space<vmem>>) offsets(%dma_start3A_1676 : memref<128xi32, #tpu.memory_space<vmem>>) semaphore(%arg7 : memref<!tpu.dma_semaphore, #tpu.memory_space<semaphore_mem>>)
    %dma_wait3A_1680 = arith.constant 0 : i32
    %dma_wait3A_1681 = arith.constant 0 : i32
    %dma_wait3A_1682 = arith.constant 0 : i32
    %dma_wait3A_1683 = arith.constant 0 : i32
    %dma_wait3A_1684 = arith.constant 0 : i32
    %dma_wait3A_1685 = tpu.memref_slice %arg6[%dma_wait3A_1682, %dma_wait3A_1683, %dma_wait3A_1684] : memref<2x256x128xf32, #tpu.memory_space<vmem>> -> memref<1x128x128xf32, #tpu.memory_space<vmem>>
    %dma_wait3A_1686 = tpu.memref_squeeze %dma_wait3A_1685 : memref<1x128x128xf32, #tpu.memory_space<vmem>> -> memref<128x128xf32, #tpu.memory_space<vmem>>
    %dma_wait3A_1687 = arith.constant 0 : i32
    %dma_wait3A_1688 = tpu.memref_slice %arg5[%dma_wait3A_1680, %dma_wait3A_1681, %dma_wait3A_1687] : memref<2x2x128xi32, #tpu.memory_space<vmem>> -> memref<1x1x128xi32, #tpu.memory_space<vmem>>
    %dma_wait3A_1689 = tpu.memref_squeeze %dma_wait3A_1688 : memref<1x1x128xi32, #tpu.memory_space<vmem>> -> memref<128xi32, #tpu.memory_space<vmem>>
    %dma_wait3A_1690 = arith.constant 0 : i32
    %dma_wait3A_1691 = arith.constant 0 : i32
    %dma_wait3A_1692 = tpu.memref_slice %arg3[%dma_wait3A_1690, %dma_wait3A_1691] : memref<1000000x128xf32, #tpu.memory_space<hbm>> -> memref<1000000x128xf32, #tpu.memory_space<hbm>>
    tpu.wait_indirect_dma semaphore(%arg7 : memref<!tpu.dma_semaphore, #tpu.memory_space<semaphore_mem>>) src(%dma_wait3A_1692 : memref<1000000x128xf32, #tpu.memory_space<hbm>>) dst(%dma_wait3A_1686 : memref<128x128xf32, #tpu.memory_space<vmem>>)
    %dma_wait3A_1693 = arith.constant 0 : i32
    %dma_wait3A_1694 = arith.constant 1 : i32
    %dma_wait3A_1695 = arith.constant 0 : i32
    %dma_wait3A_1696 = arith.constant 128 : i32
    %dma_wait3A_1697 = arith.constant 0 : i32
    %dma_wait3A_1698 = tpu.memref_slice %arg6[%dma_wait3A_1695, %dma_wait3A_1696, %dma_wait3A_1697] : memref<2x256x128xf32, #tpu.memory_space<vmem>> -> memref<1x128x128xf32, #tpu.memory_space<vmem>>
    %dma_wait3A_1699 = tpu.memref_squeeze %dma_wait3A_1698 : memref<1x128x128xf32, #tpu.memory_space<vmem>> -> memref<128x128xf32, #tpu.memory_space<vmem>>
    %dma_wait3A_1700 = arith.constant 0 : i32
    %dma_wait3A_1701 = tpu.memref_slice %arg5[%dma_wait3A_1693, %dma_wait3A_1694, %dma_wait3A_1700] : memref<2x2x128xi32, #tpu.memory_space<vmem>> -> memref<1x1x128xi32, #tpu.memory_space<vmem>>
    %dma_wait3A_1702 = tpu.memref_squeeze %dma_wait3A_1701 : memref<1x1x128xi32, #tpu.memory_space<vmem>> -> memref<128xi32, #tpu.memory_space<vmem>>
    %dma_wait3A_1703 = arith.constant 0 : i32
    %dma_wait3A_1704 = arith.constant 0 : i32
    %dma_wait3A_1705 = tpu.memref_slice %arg3[%dma_wait3A_1703, %dma_wait3A_1704] : memref<1000000x128xf32, #tpu.memory_space<hbm>> -> memref<1000000x128xf32, #tpu.memory_space<hbm>>
    tpu.wait_indirect_dma semaphore(%arg7 : memref<!tpu.dma_semaphore, #tpu.memory_space<semaphore_mem>>) src(%dma_wait3A_1705 : memref<1000000x128xf32, #tpu.memory_space<hbm>>) dst(%dma_wait3A_1699 : memref<128x128xf32, #tpu.memory_space<vmem>>)
    %add3A_1706 = arith.constant 5120 : i32
    %add3A_1707 = arith.addi %mul3A_6, %add3A_1706 : i32
    %dma_start3A_1708 = arith.constant 0 : i32
    %dma_start3A_1709 = arith.constant 0 : i32
    %dma_start3A_1710 = arith.constant 0 : i32
    %dma_start3A_1711 = tpu.memref_slice %arg6[%dma_start3A_1708, %dma_start3A_1709, %dma_start3A_1710] : memref<2x256x128xf32, #tpu.memory_space<vmem>> -> memref<1x256x128xf32, #tpu.memory_space<vmem>>
    %dma_start3A_1712 = tpu.memref_squeeze %dma_start3A_1711 : memref<1x256x128xf32, #tpu.memory_space<vmem>> -> memref<256x128xf32, #tpu.memory_space<vmem>>
    %dma_start3A_1713 = arith.constant 0 : i32
    %dma_start3A_1714 = tpu.memref_slice %arg4[%add3A_1707, %dma_start3A_1713] : memref<204800x128xf32, #tpu.memory_space<hbm>> -> memref<256x128xf32, #tpu.memory_space<hbm>>
    %dma_start3A_1715 = arith.constant 0 : i32
    %dma_start3A_1716 = tpu.memref_slice %arg4[%add3A_1707, %dma_start3A_1715] : memref<204800x128xf32, #tpu.memory_space<hbm>> -> memref<256x128xf32, #tpu.memory_space<hbm>>
    %dma_start3A_1717 = arith.constant 0 : i32
    %dma_start3A_1718 = arith.constant 0 : i32
    %dma_start3A_1719 = tpu.memref_slice %arg6[%dma_start3A_1708, %dma_start3A_1717, %dma_start3A_1718] : memref<2x256x128xf32, #tpu.memory_space<vmem>> -> memref<1x256x128xf32, #tpu.memory_space<vmem>>
    %dma_start3A_1720 = tpu.memref_squeeze %dma_start3A_1719 : memref<1x256x128xf32, #tpu.memory_space<vmem>> -> memref<256x128xf32, #tpu.memory_space<vmem>>
    tpu.enqueue_dma source(%dma_start3A_1720 : memref<256x128xf32, #tpu.memory_space<vmem>>) target(%dma_start3A_1716 : memref<256x128xf32, #tpu.memory_space<hbm>>) target_semaphore(%arg8 : memref<!tpu.dma_semaphore, #tpu.memory_space<semaphore_mem>>)
    %dma_wait3A_1721 = arith.constant 1 : i32
    %dma_wait3A_1722 = arith.constant 0 : i32
    %dma_wait3A_1723 = arith.constant 0 : i32
    %dma_wait3A_1724 = tpu.memref_slice %arg6[%dma_wait3A_1721, %dma_wait3A_1722, %dma_wait3A_1723] : memref<2x256x128xf32, #tpu.memory_space<vmem>> -> memref<1x256x128xf32, #tpu.memory_space<vmem>>
    %dma_wait3A_1725 = tpu.memref_squeeze %dma_wait3A_1724 : memref<1x256x128xf32, #tpu.memory_space<vmem>> -> memref<256x128xf32, #tpu.memory_space<vmem>>
    %dma_wait3A_1726 = arith.constant 0 : i32
    %dma_wait3A_1727 = tpu.memref_slice %arg4[%add3A_1624, %dma_wait3A_1726] : memref<204800x128xf32, #tpu.memory_space<hbm>> -> memref<256x128xf32, #tpu.memory_space<hbm>>
    %dma_wait3A_1728 = arith.constant 0 : i32
    %dma_wait3A_1729 = tpu.memref_slice %arg4[%add3A_1624, %dma_wait3A_1728] : memref<204800x128xf32, #tpu.memory_space<hbm>> -> memref<256x128xf32, #tpu.memory_space<hbm>>
    %dma_wait3A_1730 = arith.constant 0 : i32
    %dma_wait3A_1731 = arith.constant 0 : i32
    %dma_wait3A_1732 = tpu.memref_slice %arg6[%dma_wait3A_1721, %dma_wait3A_1730, %dma_wait3A_1731] : memref<2x256x128xf32, #tpu.memory_space<vmem>> -> memref<1x256x128xf32, #tpu.memory_space<vmem>>
    %dma_wait3A_1733 = tpu.memref_squeeze %dma_wait3A_1732 : memref<1x256x128xf32, #tpu.memory_space<vmem>> -> memref<256x128xf32, #tpu.memory_space<vmem>>
    tpu.wait_dma2 semaphore(%arg9 : memref<!tpu.dma_semaphore, #tpu.memory_space<semaphore_mem>>) src(%dma_wait3A_1733 : memref<256x128xf32, #tpu.memory_space<vmem>>) dst(%dma_wait3A_1729 : memref<256x128xf32, #tpu.memory_space<hbm>>)
    %add3A_1734 = arith.constant 42 : i32
    %add3A_1735 = arith.addi %mul3A_2, %add3A_1734 : i32
    %run_scoped3A_1736 = arith.constant 1 : i32
    "tpu.region"() ({
      %run_scoped3A_2079 = tpu.sem_alloc : memref<!tpu.dma_semaphore, #tpu.memory_space<semaphore_mem>>
      %dma_start3A_2080 = arith.constant 0 : i32
      %dma_start3A_2081 = arith.constant 0 : i32
      %dma_start3A_2082 = tpu.memref_slice %arg5[%run_scoped3A_1736, %dma_start3A_2080, %dma_start3A_2081] : memref<2x2x128xi32, #tpu.memory_space<vmem>> -> memref<1x2x128xi32, #tpu.memory_space<vmem>>
      %dma_start3A_2083 = tpu.memref_squeeze %dma_start3A_2082 : memref<1x2x128xi32, #tpu.memory_space<vmem>> -> memref<2x128xi32, #tpu.memory_space<vmem>>
      %dma_start3A_2084 = arith.constant 0 : i32
      %dma_start3A_2085 = tpu.memref_slice %arg2[%add3A_1735, %dma_start3A_2084] : memref<1600x128xi32, #tpu.memory_space<hbm>> -> memref<2x128xi32, #tpu.memory_space<hbm>>
      %dma_start3A_2086 = arith.constant 0 : i32
      %dma_start3A_2087 = arith.constant 0 : i32
      %dma_start3A_2088 = tpu.memref_slice %arg5[%run_scoped3A_1736, %dma_start3A_2086, %dma_start3A_2087] : memref<2x2x128xi32, #tpu.memory_space<vmem>> -> memref<1x2x128xi32, #tpu.memory_space<vmem>>
      %dma_start3A_2089 = tpu.memref_squeeze %dma_start3A_2088 : memref<1x2x128xi32, #tpu.memory_space<vmem>> -> memref<2x128xi32, #tpu.memory_space<vmem>>
      %dma_start3A_2090 = arith.constant 0 : i32
      %dma_start3A_2091 = tpu.memref_slice %arg2[%add3A_1735, %dma_start3A_2090] : memref<1600x128xi32, #tpu.memory_space<hbm>> -> memref<2x128xi32, #tpu.memory_space<hbm>>
      tpu.enqueue_dma source(%dma_start3A_2091 : memref<2x128xi32, #tpu.memory_space<hbm>>) target(%dma_start3A_2089 : memref<2x128xi32, #tpu.memory_space<vmem>>) target_semaphore(%run_scoped3A_2079 : memref<!tpu.dma_semaphore, #tpu.memory_space<semaphore_mem>>)
      %dma_wait3A_2092 = arith.constant 0 : i32
      %dma_wait3A_2093 = arith.constant 0 : i32
      %dma_wait3A_2094 = tpu.memref_slice %arg5[%run_scoped3A_1736, %dma_wait3A_2092, %dma_wait3A_2093] : memref<2x2x128xi32, #tpu.memory_space<vmem>> -> memref<1x2x128xi32, #tpu.memory_space<vmem>>
      %dma_wait3A_2095 = tpu.memref_squeeze %dma_wait3A_2094 : memref<1x2x128xi32, #tpu.memory_space<vmem>> -> memref<2x128xi32, #tpu.memory_space<vmem>>
      %dma_wait3A_2096 = arith.constant 0 : i32
      %dma_wait3A_2097 = tpu.memref_slice %arg2[%add3A_1735, %dma_wait3A_2096] : memref<1600x128xi32, #tpu.memory_space<hbm>> -> memref<2x128xi32, #tpu.memory_space<hbm>>
      %dma_wait3A_2098 = arith.constant 0 : i32
      %dma_wait3A_2099 = arith.constant 0 : i32
      %dma_wait3A_2100 = tpu.memref_slice %arg5[%run_scoped3A_1736, %dma_wait3A_2098, %dma_wait3A_2099] : memref<2x2x128xi32, #tpu.memory_space<vmem>> -> memref<1x2x128xi32, #tpu.memory_space<vmem>>
      %dma_wait3A_2101 = tpu.memref_squeeze %dma_wait3A_2100 : memref<1x2x128xi32, #tpu.memory_space<vmem>> -> memref<2x128xi32, #tpu.memory_space<vmem>>
      %dma_wait3A_2102 = arith.constant 0 : i32
      %dma_wait3A_2103 = tpu.memref_slice %arg2[%add3A_1735, %dma_wait3A_2102] : memref<1600x128xi32, #tpu.memory_space<hbm>> -> memref<2x128xi32, #tpu.memory_space<hbm>>
      tpu.wait_dma2 semaphore(%run_scoped3A_2079 : memref<!tpu.dma_semaphore, #tpu.memory_space<semaphore_mem>>) src(%dma_wait3A_2103 : memref<2x128xi32, #tpu.memory_space<hbm>>) dst(%dma_wait3A_2101 : memref<2x128xi32, #tpu.memory_space<vmem>>)
      tpu.yield
    }) : () -> ()
    %dma_start3A_1737 = arith.constant 1 : i32
    %dma_start3A_1738 = arith.constant 0 : i32
    %dma_start3A_1739 = arith.constant 1 : i32
    %dma_start3A_1740 = arith.constant 0 : i32
    %dma_start3A_1741 = arith.constant 0 : i32
    %dma_start3A_1742 = tpu.memref_slice %arg6[%dma_start3A_1739, %dma_start3A_1740, %dma_start3A_1741] : memref<2x256x128xf32, #tpu.memory_space<vmem>> -> memref<1x128x128xf32, #tpu.memory_space<vmem>>
    %dma_start3A_1743 = tpu.memref_squeeze %dma_start3A_1742 : memref<1x128x128xf32, #tpu.memory_space<vmem>> -> memref<128x128xf32, #tpu.memory_space<vmem>>
    %dma_start3A_1744 = arith.constant 0 : i32
    %dma_start3A_1745 = tpu.memref_slice %arg5[%dma_start3A_1737, %dma_start3A_1738, %dma_start3A_1744] : memref<2x2x128xi32, #tpu.memory_space<vmem>> -> memref<1x1x128xi32, #tpu.memory_space<vmem>>
    %dma_start3A_1746 = tpu.memref_squeeze %dma_start3A_1745 : memref<1x1x128xi32, #tpu.memory_space<vmem>> -> memref<128xi32, #tpu.memory_space<vmem>>
    %dma_start3A_1747 = arith.constant 0 : i32
    %dma_start3A_1748 = arith.constant 0 : i32
    %dma_start3A_1749 = tpu.memref_slice %arg3[%dma_start3A_1747, %dma_start3A_1748] : memref<1000000x128xf32, #tpu.memory_space<hbm>> -> memref<1000000x128xf32, #tpu.memory_space<hbm>>
    tpu.enqueue_indirect_dma source(%dma_start3A_1749 : memref<1000000x128xf32, #tpu.memory_space<hbm>>) target(%dma_start3A_1743 : memref<128x128xf32, #tpu.memory_space<vmem>>) offsets(%dma_start3A_1746 : memref<128xi32, #tpu.memory_space<vmem>>) semaphore(%arg7 : memref<!tpu.dma_semaphore, #tpu.memory_space<semaphore_mem>>)
    %dma_start3A_1750 = arith.constant 1 : i32
    %dma_start3A_1751 = arith.constant 1 : i32
    %dma_start3A_1752 = arith.constant 1 : i32
    %dma_start3A_1753 = arith.constant 128 : i32
    %dma_start3A_1754 = arith.constant 0 : i32
    %dma_start3A_1755 = tpu.memref_slice %arg6[%dma_start3A_1752, %dma_start3A_1753, %dma_start3A_1754] : memref<2x256x128xf32, #tpu.memory_space<vmem>> -> memref<1x128x128xf32, #tpu.memory_space<vmem>>
    %dma_start3A_1756 = tpu.memref_squeeze %dma_start3A_1755 : memref<1x128x128xf32, #tpu.memory_space<vmem>> -> memref<128x128xf32, #tpu.memory_space<vmem>>
    %dma_start3A_1757 = arith.constant 0 : i32
    %dma_start3A_1758 = tpu.memref_slice %arg5[%dma_start3A_1750, %dma_start3A_1751, %dma_start3A_1757] : memref<2x2x128xi32, #tpu.memory_space<vmem>> -> memref<1x1x128xi32, #tpu.memory_space<vmem>>
    %dma_start3A_1759 = tpu.memref_squeeze %dma_start3A_1758 : memref<1x1x128xi32, #tpu.memory_space<vmem>> -> memref<128xi32, #tpu.memory_space<vmem>>
    %dma_start3A_1760 = arith.constant 0 : i32
    %dma_start3A_1761 = arith.constant 0 : i32
    %dma_start3A_1762 = tpu.memref_slice %arg3[%dma_start3A_1760, %dma_start3A_1761] : memref<1000000x128xf32, #tpu.memory_space<hbm>> -> memref<1000000x128xf32, #tpu.memory_space<hbm>>
    tpu.enqueue_indirect_dma source(%dma_start3A_1762 : memref<1000000x128xf32, #tpu.memory_space<hbm>>) target(%dma_start3A_1756 : memref<128x128xf32, #tpu.memory_space<vmem>>) offsets(%dma_start3A_1759 : memref<128xi32, #tpu.memory_space<vmem>>) semaphore(%arg7 : memref<!tpu.dma_semaphore, #tpu.memory_space<semaphore_mem>>)
    %dma_wait3A_1763 = arith.constant 1 : i32
    %dma_wait3A_1764 = arith.constant 0 : i32
    %dma_wait3A_1765 = arith.constant 1 : i32
    %dma_wait3A_1766 = arith.constant 0 : i32
    %dma_wait3A_1767 = arith.constant 0 : i32
    %dma_wait3A_1768 = tpu.memref_slice %arg6[%dma_wait3A_1765, %dma_wait3A_1766, %dma_wait3A_1767] : memref<2x256x128xf32, #tpu.memory_space<vmem>> -> memref<1x128x128xf32, #tpu.memory_space<vmem>>
    %dma_wait3A_1769 = tpu.memref_squeeze %dma_wait3A_1768 : memref<1x128x128xf32, #tpu.memory_space<vmem>> -> memref<128x128xf32, #tpu.memory_space<vmem>>
    %dma_wait3A_1770 = arith.constant 0 : i32
    %dma_wait3A_1771 = tpu.memref_slice %arg5[%dma_wait3A_1763, %dma_wait3A_1764, %dma_wait3A_1770] : memref<2x2x128xi32, #tpu.memory_space<vmem>> -> memref<1x1x128xi32, #tpu.memory_space<vmem>>
    %dma_wait3A_1772 = tpu.memref_squeeze %dma_wait3A_1771 : memref<1x1x128xi32, #tpu.memory_space<vmem>> -> memref<128xi32, #tpu.memory_space<vmem>>
    %dma_wait3A_1773 = arith.constant 0 : i32
    %dma_wait3A_1774 = arith.constant 0 : i32
    %dma_wait3A_1775 = tpu.memref_slice %arg3[%dma_wait3A_1773, %dma_wait3A_1774] : memref<1000000x128xf32, #tpu.memory_space<hbm>> -> memref<1000000x128xf32, #tpu.memory_space<hbm>>
    tpu.wait_indirect_dma semaphore(%arg7 : memref<!tpu.dma_semaphore, #tpu.memory_space<semaphore_mem>>) src(%dma_wait3A_1775 : memref<1000000x128xf32, #tpu.memory_space<hbm>>) dst(%dma_wait3A_1769 : memref<128x128xf32, #tpu.memory_space<vmem>>)
    %dma_wait3A_1776 = arith.constant 1 : i32
    %dma_wait3A_1777 = arith.constant 1 : i32
    %dma_wait3A_1778 = arith.constant 1 : i32
    %dma_wait3A_1779 = arith.constant 128 : i32
    %dma_wait3A_1780 = arith.constant 0 : i32
    %dma_wait3A_1781 = tpu.memref_slice %arg6[%dma_wait3A_1778, %dma_wait3A_1779, %dma_wait3A_1780] : memref<2x256x128xf32, #tpu.memory_space<vmem>> -> memref<1x128x128xf32, #tpu.memory_space<vmem>>
    %dma_wait3A_1782 = tpu.memref_squeeze %dma_wait3A_1781 : memref<1x128x128xf32, #tpu.memory_space<vmem>> -> memref<128x128xf32, #tpu.memory_space<vmem>>
    %dma_wait3A_1783 = arith.constant 0 : i32
    %dma_wait3A_1784 = tpu.memref_slice %arg5[%dma_wait3A_1776, %dma_wait3A_1777, %dma_wait3A_1783] : memref<2x2x128xi32, #tpu.memory_space<vmem>> -> memref<1x1x128xi32, #tpu.memory_space<vmem>>
    %dma_wait3A_1785 = tpu.memref_squeeze %dma_wait3A_1784 : memref<1x1x128xi32, #tpu.memory_space<vmem>> -> memref<128xi32, #tpu.memory_space<vmem>>
    %dma_wait3A_1786 = arith.constant 0 : i32
    %dma_wait3A_1787 = arith.constant 0 : i32
    %dma_wait3A_1788 = tpu.memref_slice %arg3[%dma_wait3A_1786, %dma_wait3A_1787] : memref<1000000x128xf32, #tpu.memory_space<hbm>> -> memref<1000000x128xf32, #tpu.memory_space<hbm>>
    tpu.wait_indirect_dma semaphore(%arg7 : memref<!tpu.dma_semaphore, #tpu.memory_space<semaphore_mem>>) src(%dma_wait3A_1788 : memref<1000000x128xf32, #tpu.memory_space<hbm>>) dst(%dma_wait3A_1782 : memref<128x128xf32, #tpu.memory_space<vmem>>)
    %add3A_1789 = arith.constant 5376 : i32
    %add3A_1790 = arith.addi %mul3A_6, %add3A_1789 : i32
    %dma_start3A_1791 = arith.constant 1 : i32
    %dma_start3A_1792 = arith.constant 0 : i32
    %dma_start3A_1793 = arith.constant 0 : i32
    %dma_start3A_1794 = tpu.memref_slice %arg6[%dma_start3A_1791, %dma_start3A_1792, %dma_start3A_1793] : memref<2x256x128xf32, #tpu.memory_space<vmem>> -> memref<1x256x128xf32, #tpu.memory_space<vmem>>
    %dma_start3A_1795 = tpu.memref_squeeze %dma_start3A_1794 : memref<1x256x128xf32, #tpu.memory_space<vmem>> -> memref<256x128xf32, #tpu.memory_space<vmem>>
    %dma_start3A_1796 = arith.constant 0 : i32
    %dma_start3A_1797 = tpu.memref_slice %arg4[%add3A_1790, %dma_start3A_1796] : memref<204800x128xf32, #tpu.memory_space<hbm>> -> memref<256x128xf32, #tpu.memory_space<hbm>>
    %dma_start3A_1798 = arith.constant 0 : i32
    %dma_start3A_1799 = tpu.memref_slice %arg4[%add3A_1790, %dma_start3A_1798] : memref<204800x128xf32, #tpu.memory_space<hbm>> -> memref<256x128xf32, #tpu.memory_space<hbm>>
    %dma_start3A_1800 = arith.constant 0 : i32
    %dma_start3A_1801 = arith.constant 0 : i32
    %dma_start3A_1802 = tpu.memref_slice %arg6[%dma_start3A_1791, %dma_start3A_1800, %dma_start3A_1801] : memref<2x256x128xf32, #tpu.memory_space<vmem>> -> memref<1x256x128xf32, #tpu.memory_space<vmem>>
    %dma_start3A_1803 = tpu.memref_squeeze %dma_start3A_1802 : memref<1x256x128xf32, #tpu.memory_space<vmem>> -> memref<256x128xf32, #tpu.memory_space<vmem>>
    tpu.enqueue_dma source(%dma_start3A_1803 : memref<256x128xf32, #tpu.memory_space<vmem>>) target(%dma_start3A_1799 : memref<256x128xf32, #tpu.memory_space<hbm>>) target_semaphore(%arg9 : memref<!tpu.dma_semaphore, #tpu.memory_space<semaphore_mem>>)
    %dma_wait3A_1804 = arith.constant 0 : i32
    %dma_wait3A_1805 = arith.constant 0 : i32
    %dma_wait3A_1806 = arith.constant 0 : i32
    %dma_wait3A_1807 = tpu.memref_slice %arg6[%dma_wait3A_1804, %dma_wait3A_1805, %dma_wait3A_1806] : memref<2x256x128xf32, #tpu.memory_space<vmem>> -> memref<1x256x128xf32, #tpu.memory_space<vmem>>
    %dma_wait3A_1808 = tpu.memref_squeeze %dma_wait3A_1807 : memref<1x256x128xf32, #tpu.memory_space<vmem>> -> memref<256x128xf32, #tpu.memory_space<vmem>>
    %dma_wait3A_1809 = arith.constant 0 : i32
    %dma_wait3A_1810 = tpu.memref_slice %arg4[%add3A_1707, %dma_wait3A_1809] : memref<204800x128xf32, #tpu.memory_space<hbm>> -> memref<256x128xf32, #tpu.memory_space<hbm>>
    %dma_wait3A_1811 = arith.constant 0 : i32
    %dma_wait3A_1812 = tpu.memref_slice %arg4[%add3A_1707, %dma_wait3A_1811] : memref<204800x128xf32, #tpu.memory_space<hbm>> -> memref<256x128xf32, #tpu.memory_space<hbm>>
    %dma_wait3A_1813 = arith.constant 0 : i32
    %dma_wait3A_1814 = arith.constant 0 : i32
    %dma_wait3A_1815 = tpu.memref_slice %arg6[%dma_wait3A_1804, %dma_wait3A_1813, %dma_wait3A_1814] : memref<2x256x128xf32, #tpu.memory_space<vmem>> -> memref<1x256x128xf32, #tpu.memory_space<vmem>>
    %dma_wait3A_1816 = tpu.memref_squeeze %dma_wait3A_1815 : memref<1x256x128xf32, #tpu.memory_space<vmem>> -> memref<256x128xf32, #tpu.memory_space<vmem>>
    tpu.wait_dma2 semaphore(%arg8 : memref<!tpu.dma_semaphore, #tpu.memory_space<semaphore_mem>>) src(%dma_wait3A_1816 : memref<256x128xf32, #tpu.memory_space<vmem>>) dst(%dma_wait3A_1812 : memref<256x128xf32, #tpu.memory_space<hbm>>)
    %add3A_1817 = arith.constant 44 : i32
    %add3A_1818 = arith.addi %mul3A_2, %add3A_1817 : i32
    %run_scoped3A_1819 = arith.constant 0 : i32
    "tpu.region"() ({
      %run_scoped3A_2079 = tpu.sem_alloc : memref<!tpu.dma_semaphore, #tpu.memory_space<semaphore_mem>>
      %dma_start3A_2080 = arith.constant 0 : i32
      %dma_start3A_2081 = arith.constant 0 : i32
      %dma_start3A_2082 = tpu.memref_slice %arg5[%run_scoped3A_1819, %dma_start3A_2080, %dma_start3A_2081] : memref<2x2x128xi32, #tpu.memory_space<vmem>> -> memref<1x2x128xi32, #tpu.memory_space<vmem>>
      %dma_start3A_2083 = tpu.memref_squeeze %dma_start3A_2082 : memref<1x2x128xi32, #tpu.memory_space<vmem>> -> memref<2x128xi32, #tpu.memory_space<vmem>>
      %dma_start3A_2084 = arith.constant 0 : i32
      %dma_start3A_2085 = tpu.memref_slice %arg2[%add3A_1818, %dma_start3A_2084] : memref<1600x128xi32, #tpu.memory_space<hbm>> -> memref<2x128xi32, #tpu.memory_space<hbm>>
      %dma_start3A_2086 = arith.constant 0 : i32
      %dma_start3A_2087 = arith.constant 0 : i32
      %dma_start3A_2088 = tpu.memref_slice %arg5[%run_scoped3A_1819, %dma_start3A_2086, %dma_start3A_2087] : memref<2x2x128xi32, #tpu.memory_space<vmem>> -> memref<1x2x128xi32, #tpu.memory_space<vmem>>
      %dma_start3A_2089 = tpu.memref_squeeze %dma_start3A_2088 : memref<1x2x128xi32, #tpu.memory_space<vmem>> -> memref<2x128xi32, #tpu.memory_space<vmem>>
      %dma_start3A_2090 = arith.constant 0 : i32
      %dma_start3A_2091 = tpu.memref_slice %arg2[%add3A_1818, %dma_start3A_2090] : memref<1600x128xi32, #tpu.memory_space<hbm>> -> memref<2x128xi32, #tpu.memory_space<hbm>>
      tpu.enqueue_dma source(%dma_start3A_2091 : memref<2x128xi32, #tpu.memory_space<hbm>>) target(%dma_start3A_2089 : memref<2x128xi32, #tpu.memory_space<vmem>>) target_semaphore(%run_scoped3A_2079 : memref<!tpu.dma_semaphore, #tpu.memory_space<semaphore_mem>>)
      %dma_wait3A_2092 = arith.constant 0 : i32
      %dma_wait3A_2093 = arith.constant 0 : i32
      %dma_wait3A_2094 = tpu.memref_slice %arg5[%run_scoped3A_1819, %dma_wait3A_2092, %dma_wait3A_2093] : memref<2x2x128xi32, #tpu.memory_space<vmem>> -> memref<1x2x128xi32, #tpu.memory_space<vmem>>
      %dma_wait3A_2095 = tpu.memref_squeeze %dma_wait3A_2094 : memref<1x2x128xi32, #tpu.memory_space<vmem>> -> memref<2x128xi32, #tpu.memory_space<vmem>>
      %dma_wait3A_2096 = arith.constant 0 : i32
      %dma_wait3A_2097 = tpu.memref_slice %arg2[%add3A_1818, %dma_wait3A_2096] : memref<1600x128xi32, #tpu.memory_space<hbm>> -> memref<2x128xi32, #tpu.memory_space<hbm>>
      %dma_wait3A_2098 = arith.constant 0 : i32
      %dma_wait3A_2099 = arith.constant 0 : i32
      %dma_wait3A_2100 = tpu.memref_slice %arg5[%run_scoped3A_1819, %dma_wait3A_2098, %dma_wait3A_2099] : memref<2x2x128xi32, #tpu.memory_space<vmem>> -> memref<1x2x128xi32, #tpu.memory_space<vmem>>
      %dma_wait3A_2101 = tpu.memref_squeeze %dma_wait3A_2100 : memref<1x2x128xi32, #tpu.memory_space<vmem>> -> memref<2x128xi32, #tpu.memory_space<vmem>>
      %dma_wait3A_2102 = arith.constant 0 : i32
      %dma_wait3A_2103 = tpu.memref_slice %arg2[%add3A_1818, %dma_wait3A_2102] : memref<1600x128xi32, #tpu.memory_space<hbm>> -> memref<2x128xi32, #tpu.memory_space<hbm>>
      tpu.wait_dma2 semaphore(%run_scoped3A_2079 : memref<!tpu.dma_semaphore, #tpu.memory_space<semaphore_mem>>) src(%dma_wait3A_2103 : memref<2x128xi32, #tpu.memory_space<hbm>>) dst(%dma_wait3A_2101 : memref<2x128xi32, #tpu.memory_space<vmem>>)
      tpu.yield
    }) : () -> ()
    %dma_start3A_1820 = arith.constant 0 : i32
    %dma_start3A_1821 = arith.constant 0 : i32
    %dma_start3A_1822 = arith.constant 0 : i32
    %dma_start3A_1823 = arith.constant 0 : i32
    %dma_start3A_1824 = arith.constant 0 : i32
    %dma_start3A_1825 = tpu.memref_slice %arg6[%dma_start3A_1822, %dma_start3A_1823, %dma_start3A_1824] : memref<2x256x128xf32, #tpu.memory_space<vmem>> -> memref<1x128x128xf32, #tpu.memory_space<vmem>>
    %dma_start3A_1826 = tpu.memref_squeeze %dma_start3A_1825 : memref<1x128x128xf32, #tpu.memory_space<vmem>> -> memref<128x128xf32, #tpu.memory_space<vmem>>
    %dma_start3A_1827 = arith.constant 0 : i32
    %dma_start3A_1828 = tpu.memref_slice %arg5[%dma_start3A_1820, %dma_start3A_1821, %dma_start3A_1827] : memref<2x2x128xi32, #tpu.memory_space<vmem>> -> memref<1x1x128xi32, #tpu.memory_space<vmem>>
    %dma_start3A_1829 = tpu.memref_squeeze %dma_start3A_1828 : memref<1x1x128xi32, #tpu.memory_space<vmem>> -> memref<128xi32, #tpu.memory_space<vmem>>
    %dma_start3A_1830 = arith.constant 0 : i32
    %dma_start3A_1831 = arith.constant 0 : i32
    %dma_start3A_1832 = tpu.memref_slice %arg3[%dma_start3A_1830, %dma_start3A_1831] : memref<1000000x128xf32, #tpu.memory_space<hbm>> -> memref<1000000x128xf32, #tpu.memory_space<hbm>>
    tpu.enqueue_indirect_dma source(%dma_start3A_1832 : memref<1000000x128xf32, #tpu.memory_space<hbm>>) target(%dma_start3A_1826 : memref<128x128xf32, #tpu.memory_space<vmem>>) offsets(%dma_start3A_1829 : memref<128xi32, #tpu.memory_space<vmem>>) semaphore(%arg7 : memref<!tpu.dma_semaphore, #tpu.memory_space<semaphore_mem>>)
    %dma_start3A_1833 = arith.constant 0 : i32
    %dma_start3A_1834 = arith.constant 1 : i32
    %dma_start3A_1835 = arith.constant 0 : i32
    %dma_start3A_1836 = arith.constant 128 : i32
    %dma_start3A_1837 = arith.constant 0 : i32
    %dma_start3A_1838 = tpu.memref_slice %arg6[%dma_start3A_1835, %dma_start3A_1836, %dma_start3A_1837] : memref<2x256x128xf32, #tpu.memory_space<vmem>> -> memref<1x128x128xf32, #tpu.memory_space<vmem>>
    %dma_start3A_1839 = tpu.memref_squeeze %dma_start3A_1838 : memref<1x128x128xf32, #tpu.memory_space<vmem>> -> memref<128x128xf32, #tpu.memory_space<vmem>>
    %dma_start3A_1840 = arith.constant 0 : i32
    %dma_start3A_1841 = tpu.memref_slice %arg5[%dma_start3A_1833, %dma_start3A_1834, %dma_start3A_1840] : memref<2x2x128xi32, #tpu.memory_space<vmem>> -> memref<1x1x128xi32, #tpu.memory_space<vmem>>
    %dma_start3A_1842 = tpu.memref_squeeze %dma_start3A_1841 : memref<1x1x128xi32, #tpu.memory_space<vmem>> -> memref<128xi32, #tpu.memory_space<vmem>>
    %dma_start3A_1843 = arith.constant 0 : i32
    %dma_start3A_1844 = arith.constant 0 : i32
    %dma_start3A_1845 = tpu.memref_slice %arg3[%dma_start3A_1843, %dma_start3A_1844] : memref<1000000x128xf32, #tpu.memory_space<hbm>> -> memref<1000000x128xf32, #tpu.memory_space<hbm>>
    tpu.enqueue_indirect_dma source(%dma_start3A_1845 : memref<1000000x128xf32, #tpu.memory_space<hbm>>) target(%dma_start3A_1839 : memref<128x128xf32, #tpu.memory_space<vmem>>) offsets(%dma_start3A_1842 : memref<128xi32, #tpu.memory_space<vmem>>) semaphore(%arg7 : memref<!tpu.dma_semaphore, #tpu.memory_space<semaphore_mem>>)
    %dma_wait3A_1846 = arith.constant 0 : i32
    %dma_wait3A_1847 = arith.constant 0 : i32
    %dma_wait3A_1848 = arith.constant 0 : i32
    %dma_wait3A_1849 = arith.constant 0 : i32
    %dma_wait3A_1850 = arith.constant 0 : i32
    %dma_wait3A_1851 = tpu.memref_slice %arg6[%dma_wait3A_1848, %dma_wait3A_1849, %dma_wait3A_1850] : memref<2x256x128xf32, #tpu.memory_space<vmem>> -> memref<1x128x128xf32, #tpu.memory_space<vmem>>
    %dma_wait3A_1852 = tpu.memref_squeeze %dma_wait3A_1851 : memref<1x128x128xf32, #tpu.memory_space<vmem>> -> memref<128x128xf32, #tpu.memory_space<vmem>>
    %dma_wait3A_1853 = arith.constant 0 : i32
    %dma_wait3A_1854 = tpu.memref_slice %arg5[%dma_wait3A_1846, %dma_wait3A_1847, %dma_wait3A_1853] : memref<2x2x128xi32, #tpu.memory_space<vmem>> -> memref<1x1x128xi32, #tpu.memory_space<vmem>>
    %dma_wait3A_1855 = tpu.memref_squeeze %dma_wait3A_1854 : memref<1x1x128xi32, #tpu.memory_space<vmem>> -> memref<128xi32, #tpu.memory_space<vmem>>
    %dma_wait3A_1856 = arith.constant 0 : i32
    %dma_wait3A_1857 = arith.constant 0 : i32
    %dma_wait3A_1858 = tpu.memref_slice %arg3[%dma_wait3A_1856, %dma_wait3A_1857] : memref<1000000x128xf32, #tpu.memory_space<hbm>> -> memref<1000000x128xf32, #tpu.memory_space<hbm>>
    tpu.wait_indirect_dma semaphore(%arg7 : memref<!tpu.dma_semaphore, #tpu.memory_space<semaphore_mem>>) src(%dma_wait3A_1858 : memref<1000000x128xf32, #tpu.memory_space<hbm>>) dst(%dma_wait3A_1852 : memref<128x128xf32, #tpu.memory_space<vmem>>)
    %dma_wait3A_1859 = arith.constant 0 : i32
    %dma_wait3A_1860 = arith.constant 1 : i32
    %dma_wait3A_1861 = arith.constant 0 : i32
    %dma_wait3A_1862 = arith.constant 128 : i32
    %dma_wait3A_1863 = arith.constant 0 : i32
    %dma_wait3A_1864 = tpu.memref_slice %arg6[%dma_wait3A_1861, %dma_wait3A_1862, %dma_wait3A_1863] : memref<2x256x128xf32, #tpu.memory_space<vmem>> -> memref<1x128x128xf32, #tpu.memory_space<vmem>>
    %dma_wait3A_1865 = tpu.memref_squeeze %dma_wait3A_1864 : memref<1x128x128xf32, #tpu.memory_space<vmem>> -> memref<128x128xf32, #tpu.memory_space<vmem>>
    %dma_wait3A_1866 = arith.constant 0 : i32
    %dma_wait3A_1867 = tpu.memref_slice %arg5[%dma_wait3A_1859, %dma_wait3A_1860, %dma_wait3A_1866] : memref<2x2x128xi32, #tpu.memory_space<vmem>> -> memref<1x1x128xi32, #tpu.memory_space<vmem>>
    %dma_wait3A_1868 = tpu.memref_squeeze %dma_wait3A_1867 : memref<1x1x128xi32, #tpu.memory_space<vmem>> -> memref<128xi32, #tpu.memory_space<vmem>>
    %dma_wait3A_1869 = arith.constant 0 : i32
    %dma_wait3A_1870 = arith.constant 0 : i32
    %dma_wait3A_1871 = tpu.memref_slice %arg3[%dma_wait3A_1869, %dma_wait3A_1870] : memref<1000000x128xf32, #tpu.memory_space<hbm>> -> memref<1000000x128xf32, #tpu.memory_space<hbm>>
    tpu.wait_indirect_dma semaphore(%arg7 : memref<!tpu.dma_semaphore, #tpu.memory_space<semaphore_mem>>) src(%dma_wait3A_1871 : memref<1000000x128xf32, #tpu.memory_space<hbm>>) dst(%dma_wait3A_1865 : memref<128x128xf32, #tpu.memory_space<vmem>>)
    %add3A_1872 = arith.constant 5632 : i32
    %add3A_1873 = arith.addi %mul3A_6, %add3A_1872 : i32
    %dma_start3A_1874 = arith.constant 0 : i32
    %dma_start3A_1875 = arith.constant 0 : i32
    %dma_start3A_1876 = arith.constant 0 : i32
    %dma_start3A_1877 = tpu.memref_slice %arg6[%dma_start3A_1874, %dma_start3A_1875, %dma_start3A_1876] : memref<2x256x128xf32, #tpu.memory_space<vmem>> -> memref<1x256x128xf32, #tpu.memory_space<vmem>>
    %dma_start3A_1878 = tpu.memref_squeeze %dma_start3A_1877 : memref<1x256x128xf32, #tpu.memory_space<vmem>> -> memref<256x128xf32, #tpu.memory_space<vmem>>
    %dma_start3A_1879 = arith.constant 0 : i32
    %dma_start3A_1880 = tpu.memref_slice %arg4[%add3A_1873, %dma_start3A_1879] : memref<204800x128xf32, #tpu.memory_space<hbm>> -> memref<256x128xf32, #tpu.memory_space<hbm>>
    %dma_start3A_1881 = arith.constant 0 : i32
    %dma_start3A_1882 = tpu.memref_slice %arg4[%add3A_1873, %dma_start3A_1881] : memref<204800x128xf32, #tpu.memory_space<hbm>> -> memref<256x128xf32, #tpu.memory_space<hbm>>
    %dma_start3A_1883 = arith.constant 0 : i32
    %dma_start3A_1884 = arith.constant 0 : i32
    %dma_start3A_1885 = tpu.memref_slice %arg6[%dma_start3A_1874, %dma_start3A_1883, %dma_start3A_1884] : memref<2x256x128xf32, #tpu.memory_space<vmem>> -> memref<1x256x128xf32, #tpu.memory_space<vmem>>
    %dma_start3A_1886 = tpu.memref_squeeze %dma_start3A_1885 : memref<1x256x128xf32, #tpu.memory_space<vmem>> -> memref<256x128xf32, #tpu.memory_space<vmem>>
    tpu.enqueue_dma source(%dma_start3A_1886 : memref<256x128xf32, #tpu.memory_space<vmem>>) target(%dma_start3A_1882 : memref<256x128xf32, #tpu.memory_space<hbm>>) target_semaphore(%arg8 : memref<!tpu.dma_semaphore, #tpu.memory_space<semaphore_mem>>)
    %dma_wait3A_1887 = arith.constant 1 : i32
    %dma_wait3A_1888 = arith.constant 0 : i32
    %dma_wait3A_1889 = arith.constant 0 : i32
    %dma_wait3A_1890 = tpu.memref_slice %arg6[%dma_wait3A_1887, %dma_wait3A_1888, %dma_wait3A_1889] : memref<2x256x128xf32, #tpu.memory_space<vmem>> -> memref<1x256x128xf32, #tpu.memory_space<vmem>>
    %dma_wait3A_1891 = tpu.memref_squeeze %dma_wait3A_1890 : memref<1x256x128xf32, #tpu.memory_space<vmem>> -> memref<256x128xf32, #tpu.memory_space<vmem>>
    %dma_wait3A_1892 = arith.constant 0 : i32
    %dma_wait3A_1893 = tpu.memref_slice %arg4[%add3A_1790, %dma_wait3A_1892] : memref<204800x128xf32, #tpu.memory_space<hbm>> -> memref<256x128xf32, #tpu.memory_space<hbm>>
    %dma_wait3A_1894 = arith.constant 0 : i32
    %dma_wait3A_1895 = tpu.memref_slice %arg4[%add3A_1790, %dma_wait3A_1894] : memref<204800x128xf32, #tpu.memory_space<hbm>> -> memref<256x128xf32, #tpu.memory_space<hbm>>
    %dma_wait3A_1896 = arith.constant 0 : i32
    %dma_wait3A_1897 = arith.constant 0 : i32
    %dma_wait3A_1898 = tpu.memref_slice %arg6[%dma_wait3A_1887, %dma_wait3A_1896, %dma_wait3A_1897] : memref<2x256x128xf32, #tpu.memory_space<vmem>> -> memref<1x256x128xf32, #tpu.memory_space<vmem>>
    %dma_wait3A_1899 = tpu.memref_squeeze %dma_wait3A_1898 : memref<1x256x128xf32, #tpu.memory_space<vmem>> -> memref<256x128xf32, #tpu.memory_space<vmem>>
    tpu.wait_dma2 semaphore(%arg9 : memref<!tpu.dma_semaphore, #tpu.memory_space<semaphore_mem>>) src(%dma_wait3A_1899 : memref<256x128xf32, #tpu.memory_space<vmem>>) dst(%dma_wait3A_1895 : memref<256x128xf32, #tpu.memory_space<hbm>>)
    %add3A_1900 = arith.constant 46 : i32
    %add3A_1901 = arith.addi %mul3A_2, %add3A_1900 : i32
    %run_scoped3A_1902 = arith.constant 1 : i32
    "tpu.region"() ({
      %run_scoped3A_2079 = tpu.sem_alloc : memref<!tpu.dma_semaphore, #tpu.memory_space<semaphore_mem>>
      %dma_start3A_2080 = arith.constant 0 : i32
      %dma_start3A_2081 = arith.constant 0 : i32
      %dma_start3A_2082 = tpu.memref_slice %arg5[%run_scoped3A_1902, %dma_start3A_2080, %dma_start3A_2081] : memref<2x2x128xi32, #tpu.memory_space<vmem>> -> memref<1x2x128xi32, #tpu.memory_space<vmem>>
      %dma_start3A_2083 = tpu.memref_squeeze %dma_start3A_2082 : memref<1x2x128xi32, #tpu.memory_space<vmem>> -> memref<2x128xi32, #tpu.memory_space<vmem>>
      %dma_start3A_2084 = arith.constant 0 : i32
      %dma_start3A_2085 = tpu.memref_slice %arg2[%add3A_1901, %dma_start3A_2084] : memref<1600x128xi32, #tpu.memory_space<hbm>> -> memref<2x128xi32, #tpu.memory_space<hbm>>
      %dma_start3A_2086 = arith.constant 0 : i32
      %dma_start3A_2087 = arith.constant 0 : i32
      %dma_start3A_2088 = tpu.memref_slice %arg5[%run_scoped3A_1902, %dma_start3A_2086, %dma_start3A_2087] : memref<2x2x128xi32, #tpu.memory_space<vmem>> -> memref<1x2x128xi32, #tpu.memory_space<vmem>>
      %dma_start3A_2089 = tpu.memref_squeeze %dma_start3A_2088 : memref<1x2x128xi32, #tpu.memory_space<vmem>> -> memref<2x128xi32, #tpu.memory_space<vmem>>
      %dma_start3A_2090 = arith.constant 0 : i32
      %dma_start3A_2091 = tpu.memref_slice %arg2[%add3A_1901, %dma_start3A_2090] : memref<1600x128xi32, #tpu.memory_space<hbm>> -> memref<2x128xi32, #tpu.memory_space<hbm>>
      tpu.enqueue_dma source(%dma_start3A_2091 : memref<2x128xi32, #tpu.memory_space<hbm>>) target(%dma_start3A_2089 : memref<2x128xi32, #tpu.memory_space<vmem>>) target_semaphore(%run_scoped3A_2079 : memref<!tpu.dma_semaphore, #tpu.memory_space<semaphore_mem>>)
      %dma_wait3A_2092 = arith.constant 0 : i32
      %dma_wait3A_2093 = arith.constant 0 : i32
      %dma_wait3A_2094 = tpu.memref_slice %arg5[%run_scoped3A_1902, %dma_wait3A_2092, %dma_wait3A_2093] : memref<2x2x128xi32, #tpu.memory_space<vmem>> -> memref<1x2x128xi32, #tpu.memory_space<vmem>>
      %dma_wait3A_2095 = tpu.memref_squeeze %dma_wait3A_2094 : memref<1x2x128xi32, #tpu.memory_space<vmem>> -> memref<2x128xi32, #tpu.memory_space<vmem>>
      %dma_wait3A_2096 = arith.constant 0 : i32
      %dma_wait3A_2097 = tpu.memref_slice %arg2[%add3A_1901, %dma_wait3A_2096] : memref<1600x128xi32, #tpu.memory_space<hbm>> -> memref<2x128xi32, #tpu.memory_space<hbm>>
      %dma_wait3A_2098 = arith.constant 0 : i32
      %dma_wait3A_2099 = arith.constant 0 : i32
      %dma_wait3A_2100 = tpu.memref_slice %arg5[%run_scoped3A_1902, %dma_wait3A_2098, %dma_wait3A_2099] : memref<2x2x128xi32, #tpu.memory_space<vmem>> -> memref<1x2x128xi32, #tpu.memory_space<vmem>>
      %dma_wait3A_2101 = tpu.memref_squeeze %dma_wait3A_2100 : memref<1x2x128xi32, #tpu.memory_space<vmem>> -> memref<2x128xi32, #tpu.memory_space<vmem>>
      %dma_wait3A_2102 = arith.constant 0 : i32
      %dma_wait3A_2103 = tpu.memref_slice %arg2[%add3A_1901, %dma_wait3A_2102] : memref<1600x128xi32, #tpu.memory_space<hbm>> -> memref<2x128xi32, #tpu.memory_space<hbm>>
      tpu.wait_dma2 semaphore(%run_scoped3A_2079 : memref<!tpu.dma_semaphore, #tpu.memory_space<semaphore_mem>>) src(%dma_wait3A_2103 : memref<2x128xi32, #tpu.memory_space<hbm>>) dst(%dma_wait3A_2101 : memref<2x128xi32, #tpu.memory_space<vmem>>)
      tpu.yield
    }) : () -> ()
    %dma_start3A_1903 = arith.constant 1 : i32
    %dma_start3A_1904 = arith.constant 0 : i32
    %dma_start3A_1905 = arith.constant 1 : i32
    %dma_start3A_1906 = arith.constant 0 : i32
    %dma_start3A_1907 = arith.constant 0 : i32
    %dma_start3A_1908 = tpu.memref_slice %arg6[%dma_start3A_1905, %dma_start3A_1906, %dma_start3A_1907] : memref<2x256x128xf32, #tpu.memory_space<vmem>> -> memref<1x128x128xf32, #tpu.memory_space<vmem>>
    %dma_start3A_1909 = tpu.memref_squeeze %dma_start3A_1908 : memref<1x128x128xf32, #tpu.memory_space<vmem>> -> memref<128x128xf32, #tpu.memory_space<vmem>>
    %dma_start3A_1910 = arith.constant 0 : i32
    %dma_start3A_1911 = tpu.memref_slice %arg5[%dma_start3A_1903, %dma_start3A_1904, %dma_start3A_1910] : memref<2x2x128xi32, #tpu.memory_space<vmem>> -> memref<1x1x128xi32, #tpu.memory_space<vmem>>
    %dma_start3A_1912 = tpu.memref_squeeze %dma_start3A_1911 : memref<1x1x128xi32, #tpu.memory_space<vmem>> -> memref<128xi32, #tpu.memory_space<vmem>>
    %dma_start3A_1913 = arith.constant 0 : i32
    %dma_start3A_1914 = arith.constant 0 : i32
    %dma_start3A_1915 = tpu.memref_slice %arg3[%dma_start3A_1913, %dma_start3A_1914] : memref<1000000x128xf32, #tpu.memory_space<hbm>> -> memref<1000000x128xf32, #tpu.memory_space<hbm>>
    tpu.enqueue_indirect_dma source(%dma_start3A_1915 : memref<1000000x128xf32, #tpu.memory_space<hbm>>) target(%dma_start3A_1909 : memref<128x128xf32, #tpu.memory_space<vmem>>) offsets(%dma_start3A_1912 : memref<128xi32, #tpu.memory_space<vmem>>) semaphore(%arg7 : memref<!tpu.dma_semaphore, #tpu.memory_space<semaphore_mem>>)
    %dma_start3A_1916 = arith.constant 1 : i32
    %dma_start3A_1917 = arith.constant 1 : i32
    %dma_start3A_1918 = arith.constant 1 : i32
    %dma_start3A_1919 = arith.constant 128 : i32
    %dma_start3A_1920 = arith.constant 0 : i32
    %dma_start3A_1921 = tpu.memref_slice %arg6[%dma_start3A_1918, %dma_start3A_1919, %dma_start3A_1920] : memref<2x256x128xf32, #tpu.memory_space<vmem>> -> memref<1x128x128xf32, #tpu.memory_space<vmem>>
    %dma_start3A_1922 = tpu.memref_squeeze %dma_start3A_1921 : memref<1x128x128xf32, #tpu.memory_space<vmem>> -> memref<128x128xf32, #tpu.memory_space<vmem>>
    %dma_start3A_1923 = arith.constant 0 : i32
    %dma_start3A_1924 = tpu.memref_slice %arg5[%dma_start3A_1916, %dma_start3A_1917, %dma_start3A_1923] : memref<2x2x128xi32, #tpu.memory_space<vmem>> -> memref<1x1x128xi32, #tpu.memory_space<vmem>>
    %dma_start3A_1925 = tpu.memref_squeeze %dma_start3A_1924 : memref<1x1x128xi32, #tpu.memory_space<vmem>> -> memref<128xi32, #tpu.memory_space<vmem>>
    %dma_start3A_1926 = arith.constant 0 : i32
    %dma_start3A_1927 = arith.constant 0 : i32
    %dma_start3A_1928 = tpu.memref_slice %arg3[%dma_start3A_1926, %dma_start3A_1927] : memref<1000000x128xf32, #tpu.memory_space<hbm>> -> memref<1000000x128xf32, #tpu.memory_space<hbm>>
    tpu.enqueue_indirect_dma source(%dma_start3A_1928 : memref<1000000x128xf32, #tpu.memory_space<hbm>>) target(%dma_start3A_1922 : memref<128x128xf32, #tpu.memory_space<vmem>>) offsets(%dma_start3A_1925 : memref<128xi32, #tpu.memory_space<vmem>>) semaphore(%arg7 : memref<!tpu.dma_semaphore, #tpu.memory_space<semaphore_mem>>)
    %dma_wait3A_1929 = arith.constant 1 : i32
    %dma_wait3A_1930 = arith.constant 0 : i32
    %dma_wait3A_1931 = arith.constant 1 : i32
    %dma_wait3A_1932 = arith.constant 0 : i32
    %dma_wait3A_1933 = arith.constant 0 : i32
    %dma_wait3A_1934 = tpu.memref_slice %arg6[%dma_wait3A_1931, %dma_wait3A_1932, %dma_wait3A_1933] : memref<2x256x128xf32, #tpu.memory_space<vmem>> -> memref<1x128x128xf32, #tpu.memory_space<vmem>>
    %dma_wait3A_1935 = tpu.memref_squeeze %dma_wait3A_1934 : memref<1x128x128xf32, #tpu.memory_space<vmem>> -> memref<128x128xf32, #tpu.memory_space<vmem>>
    %dma_wait3A_1936 = arith.constant 0 : i32
    %dma_wait3A_1937 = tpu.memref_slice %arg5[%dma_wait3A_1929, %dma_wait3A_1930, %dma_wait3A_1936] : memref<2x2x128xi32, #tpu.memory_space<vmem>> -> memref<1x1x128xi32, #tpu.memory_space<vmem>>
    %dma_wait3A_1938 = tpu.memref_squeeze %dma_wait3A_1937 : memref<1x1x128xi32, #tpu.memory_space<vmem>> -> memref<128xi32, #tpu.memory_space<vmem>>
    %dma_wait3A_1939 = arith.constant 0 : i32
    %dma_wait3A_1940 = arith.constant 0 : i32
    %dma_wait3A_1941 = tpu.memref_slice %arg3[%dma_wait3A_1939, %dma_wait3A_1940] : memref<1000000x128xf32, #tpu.memory_space<hbm>> -> memref<1000000x128xf32, #tpu.memory_space<hbm>>
    tpu.wait_indirect_dma semaphore(%arg7 : memref<!tpu.dma_semaphore, #tpu.memory_space<semaphore_mem>>) src(%dma_wait3A_1941 : memref<1000000x128xf32, #tpu.memory_space<hbm>>) dst(%dma_wait3A_1935 : memref<128x128xf32, #tpu.memory_space<vmem>>)
    %dma_wait3A_1942 = arith.constant 1 : i32
    %dma_wait3A_1943 = arith.constant 1 : i32
    %dma_wait3A_1944 = arith.constant 1 : i32
    %dma_wait3A_1945 = arith.constant 128 : i32
    %dma_wait3A_1946 = arith.constant 0 : i32
    %dma_wait3A_1947 = tpu.memref_slice %arg6[%dma_wait3A_1944, %dma_wait3A_1945, %dma_wait3A_1946] : memref<2x256x128xf32, #tpu.memory_space<vmem>> -> memref<1x128x128xf32, #tpu.memory_space<vmem>>
    %dma_wait3A_1948 = tpu.memref_squeeze %dma_wait3A_1947 : memref<1x128x128xf32, #tpu.memory_space<vmem>> -> memref<128x128xf32, #tpu.memory_space<vmem>>
    %dma_wait3A_1949 = arith.constant 0 : i32
    %dma_wait3A_1950 = tpu.memref_slice %arg5[%dma_wait3A_1942, %dma_wait3A_1943, %dma_wait3A_1949] : memref<2x2x128xi32, #tpu.memory_space<vmem>> -> memref<1x1x128xi32, #tpu.memory_space<vmem>>
    %dma_wait3A_1951 = tpu.memref_squeeze %dma_wait3A_1950 : memref<1x1x128xi32, #tpu.memory_space<vmem>> -> memref<128xi32, #tpu.memory_space<vmem>>
    %dma_wait3A_1952 = arith.constant 0 : i32
    %dma_wait3A_1953 = arith.constant 0 : i32
    %dma_wait3A_1954 = tpu.memref_slice %arg3[%dma_wait3A_1952, %dma_wait3A_1953] : memref<1000000x128xf32, #tpu.memory_space<hbm>> -> memref<1000000x128xf32, #tpu.memory_space<hbm>>
    tpu.wait_indirect_dma semaphore(%arg7 : memref<!tpu.dma_semaphore, #tpu.memory_space<semaphore_mem>>) src(%dma_wait3A_1954 : memref<1000000x128xf32, #tpu.memory_space<hbm>>) dst(%dma_wait3A_1948 : memref<128x128xf32, #tpu.memory_space<vmem>>)
    %add3A_1955 = arith.constant 5888 : i32
    %add3A_1956 = arith.addi %mul3A_6, %add3A_1955 : i32
    %dma_start3A_1957 = arith.constant 1 : i32
    %dma_start3A_1958 = arith.constant 0 : i32
    %dma_start3A_1959 = arith.constant 0 : i32
    %dma_start3A_1960 = tpu.memref_slice %arg6[%dma_start3A_1957, %dma_start3A_1958, %dma_start3A_1959] : memref<2x256x128xf32, #tpu.memory_space<vmem>> -> memref<1x256x128xf32, #tpu.memory_space<vmem>>
    %dma_start3A_1961 = tpu.memref_squeeze %dma_start3A_1960 : memref<1x256x128xf32, #tpu.memory_space<vmem>> -> memref<256x128xf32, #tpu.memory_space<vmem>>
    %dma_start3A_1962 = arith.constant 0 : i32
    %dma_start3A_1963 = tpu.memref_slice %arg4[%add3A_1956, %dma_start3A_1962] : memref<204800x128xf32, #tpu.memory_space<hbm>> -> memref<256x128xf32, #tpu.memory_space<hbm>>
    %dma_start3A_1964 = arith.constant 0 : i32
    %dma_start3A_1965 = tpu.memref_slice %arg4[%add3A_1956, %dma_start3A_1964] : memref<204800x128xf32, #tpu.memory_space<hbm>> -> memref<256x128xf32, #tpu.memory_space<hbm>>
    %dma_start3A_1966 = arith.constant 0 : i32
    %dma_start3A_1967 = arith.constant 0 : i32
    %dma_start3A_1968 = tpu.memref_slice %arg6[%dma_start3A_1957, %dma_start3A_1966, %dma_start3A_1967] : memref<2x256x128xf32, #tpu.memory_space<vmem>> -> memref<1x256x128xf32, #tpu.memory_space<vmem>>
    %dma_start3A_1969 = tpu.memref_squeeze %dma_start3A_1968 : memref<1x256x128xf32, #tpu.memory_space<vmem>> -> memref<256x128xf32, #tpu.memory_space<vmem>>
    tpu.enqueue_dma source(%dma_start3A_1969 : memref<256x128xf32, #tpu.memory_space<vmem>>) target(%dma_start3A_1965 : memref<256x128xf32, #tpu.memory_space<hbm>>) target_semaphore(%arg9 : memref<!tpu.dma_semaphore, #tpu.memory_space<semaphore_mem>>)
    %dma_wait3A_1970 = arith.constant 0 : i32
    %dma_wait3A_1971 = arith.constant 0 : i32
    %dma_wait3A_1972 = arith.constant 0 : i32
    %dma_wait3A_1973 = tpu.memref_slice %arg6[%dma_wait3A_1970, %dma_wait3A_1971, %dma_wait3A_1972] : memref<2x256x128xf32, #tpu.memory_space<vmem>> -> memref<1x256x128xf32, #tpu.memory_space<vmem>>
    %dma_wait3A_1974 = tpu.memref_squeeze %dma_wait3A_1973 : memref<1x256x128xf32, #tpu.memory_space<vmem>> -> memref<256x128xf32, #tpu.memory_space<vmem>>
    %dma_wait3A_1975 = arith.constant 0 : i32
    %dma_wait3A_1976 = tpu.memref_slice %arg4[%add3A_1873, %dma_wait3A_1975] : memref<204800x128xf32, #tpu.memory_space<hbm>> -> memref<256x128xf32, #tpu.memory_space<hbm>>
    %dma_wait3A_1977 = arith.constant 0 : i32
    %dma_wait3A_1978 = tpu.memref_slice %arg4[%add3A_1873, %dma_wait3A_1977] : memref<204800x128xf32, #tpu.memory_space<hbm>> -> memref<256x128xf32, #tpu.memory_space<hbm>>
    %dma_wait3A_1979 = arith.constant 0 : i32
    %dma_wait3A_1980 = arith.constant 0 : i32
    %dma_wait3A_1981 = tpu.memref_slice %arg6[%dma_wait3A_1970, %dma_wait3A_1979, %dma_wait3A_1980] : memref<2x256x128xf32, #tpu.memory_space<vmem>> -> memref<1x256x128xf32, #tpu.memory_space<vmem>>
    %dma_wait3A_1982 = tpu.memref_squeeze %dma_wait3A_1981 : memref<1x256x128xf32, #tpu.memory_space<vmem>> -> memref<256x128xf32, #tpu.memory_space<vmem>>
    tpu.wait_dma2 semaphore(%arg8 : memref<!tpu.dma_semaphore, #tpu.memory_space<semaphore_mem>>) src(%dma_wait3A_1982 : memref<256x128xf32, #tpu.memory_space<vmem>>) dst(%dma_wait3A_1978 : memref<256x128xf32, #tpu.memory_space<hbm>>)
    %add3A_1983 = arith.constant 48 : i32
    %add3A_1984 = arith.addi %mul3A_2, %add3A_1983 : i32
    %run_scoped3A_1985 = arith.constant 0 : i32
    "tpu.region"() ({
      %run_scoped3A_2079 = tpu.sem_alloc : memref<!tpu.dma_semaphore, #tpu.memory_space<semaphore_mem>>
      %dma_start3A_2080 = arith.constant 0 : i32
      %dma_start3A_2081 = arith.constant 0 : i32
      %dma_start3A_2082 = tpu.memref_slice %arg5[%run_scoped3A_1985, %dma_start3A_2080, %dma_start3A_2081] : memref<2x2x128xi32, #tpu.memory_space<vmem>> -> memref<1x2x128xi32, #tpu.memory_space<vmem>>
      %dma_start3A_2083 = tpu.memref_squeeze %dma_start3A_2082 : memref<1x2x128xi32, #tpu.memory_space<vmem>> -> memref<2x128xi32, #tpu.memory_space<vmem>>
      %dma_start3A_2084 = arith.constant 0 : i32
      %dma_start3A_2085 = tpu.memref_slice %arg2[%add3A_1984, %dma_start3A_2084] : memref<1600x128xi32, #tpu.memory_space<hbm>> -> memref<2x128xi32, #tpu.memory_space<hbm>>
      %dma_start3A_2086 = arith.constant 0 : i32
      %dma_start3A_2087 = arith.constant 0 : i32
      %dma_start3A_2088 = tpu.memref_slice %arg5[%run_scoped3A_1985, %dma_start3A_2086, %dma_start3A_2087] : memref<2x2x128xi32, #tpu.memory_space<vmem>> -> memref<1x2x128xi32, #tpu.memory_space<vmem>>
      %dma_start3A_2089 = tpu.memref_squeeze %dma_start3A_2088 : memref<1x2x128xi32, #tpu.memory_space<vmem>> -> memref<2x128xi32, #tpu.memory_space<vmem>>
      %dma_start3A_2090 = arith.constant 0 : i32
      %dma_start3A_2091 = tpu.memref_slice %arg2[%add3A_1984, %dma_start3A_2090] : memref<1600x128xi32, #tpu.memory_space<hbm>> -> memref<2x128xi32, #tpu.memory_space<hbm>>
      tpu.enqueue_dma source(%dma_start3A_2091 : memref<2x128xi32, #tpu.memory_space<hbm>>) target(%dma_start3A_2089 : memref<2x128xi32, #tpu.memory_space<vmem>>) target_semaphore(%run_scoped3A_2079 : memref<!tpu.dma_semaphore, #tpu.memory_space<semaphore_mem>>)
      %dma_wait3A_2092 = arith.constant 0 : i32
      %dma_wait3A_2093 = arith.constant 0 : i32
      %dma_wait3A_2094 = tpu.memref_slice %arg5[%run_scoped3A_1985, %dma_wait3A_2092, %dma_wait3A_2093] : memref<2x2x128xi32, #tpu.memory_space<vmem>> -> memref<1x2x128xi32, #tpu.memory_space<vmem>>
      %dma_wait3A_2095 = tpu.memref_squeeze %dma_wait3A_2094 : memref<1x2x128xi32, #tpu.memory_space<vmem>> -> memref<2x128xi32, #tpu.memory_space<vmem>>
      %dma_wait3A_2096 = arith.constant 0 : i32
      %dma_wait3A_2097 = tpu.memref_slice %arg2[%add3A_1984, %dma_wait3A_2096] : memref<1600x128xi32, #tpu.memory_space<hbm>> -> memref<2x128xi32, #tpu.memory_space<hbm>>
      %dma_wait3A_2098 = arith.constant 0 : i32
      %dma_wait3A_2099 = arith.constant 0 : i32
      %dma_wait3A_2100 = tpu.memref_slice %arg5[%run_scoped3A_1985, %dma_wait3A_2098, %dma_wait3A_2099] : memref<2x2x128xi32, #tpu.memory_space<vmem>> -> memref<1x2x128xi32, #tpu.memory_space<vmem>>
      %dma_wait3A_2101 = tpu.memref_squeeze %dma_wait3A_2100 : memref<1x2x128xi32, #tpu.memory_space<vmem>> -> memref<2x128xi32, #tpu.memory_space<vmem>>
      %dma_wait3A_2102 = arith.constant 0 : i32
      %dma_wait3A_2103 = tpu.memref_slice %arg2[%add3A_1984, %dma_wait3A_2102] : memref<1600x128xi32, #tpu.memory_space<hbm>> -> memref<2x128xi32, #tpu.memory_space<hbm>>
      tpu.wait_dma2 semaphore(%run_scoped3A_2079 : memref<!tpu.dma_semaphore, #tpu.memory_space<semaphore_mem>>) src(%dma_wait3A_2103 : memref<2x128xi32, #tpu.memory_space<hbm>>) dst(%dma_wait3A_2101 : memref<2x128xi32, #tpu.memory_space<vmem>>)
      tpu.yield
    }) : () -> ()
    %dma_start3A_1986 = arith.constant 0 : i32
    %dma_start3A_1987 = arith.constant 0 : i32
    %dma_start3A_1988 = arith.constant 0 : i32
    %dma_start3A_1989 = arith.constant 0 : i32
    %dma_start3A_1990 = arith.constant 0 : i32
    %dma_start3A_1991 = tpu.memref_slice %arg6[%dma_start3A_1988, %dma_start3A_1989, %dma_start3A_1990] : memref<2x256x128xf32, #tpu.memory_space<vmem>> -> memref<1x128x128xf32, #tpu.memory_space<vmem>>
    %dma_start3A_1992 = tpu.memref_squeeze %dma_start3A_1991 : memref<1x128x128xf32, #tpu.memory_space<vmem>> -> memref<128x128xf32, #tpu.memory_space<vmem>>
    %dma_start3A_1993 = arith.constant 0 : i32
    %dma_start3A_1994 = tpu.memref_slice %arg5[%dma_start3A_1986, %dma_start3A_1987, %dma_start3A_1993] : memref<2x2x128xi32, #tpu.memory_space<vmem>> -> memref<1x1x128xi32, #tpu.memory_space<vmem>>
    %dma_start3A_1995 = tpu.memref_squeeze %dma_start3A_1994 : memref<1x1x128xi32, #tpu.memory_space<vmem>> -> memref<128xi32, #tpu.memory_space<vmem>>
    %dma_start3A_1996 = arith.constant 0 : i32
    %dma_start3A_1997 = arith.constant 0 : i32
    %dma_start3A_1998 = tpu.memref_slice %arg3[%dma_start3A_1996, %dma_start3A_1997] : memref<1000000x128xf32, #tpu.memory_space<hbm>> -> memref<1000000x128xf32, #tpu.memory_space<hbm>>
    tpu.enqueue_indirect_dma source(%dma_start3A_1998 : memref<1000000x128xf32, #tpu.memory_space<hbm>>) target(%dma_start3A_1992 : memref<128x128xf32, #tpu.memory_space<vmem>>) offsets(%dma_start3A_1995 : memref<128xi32, #tpu.memory_space<vmem>>) semaphore(%arg7 : memref<!tpu.dma_semaphore, #tpu.memory_space<semaphore_mem>>)
    %dma_start3A_1999 = arith.constant 0 : i32
    %dma_start3A_2000 = arith.constant 1 : i32
    %dma_start3A_2001 = arith.constant 0 : i32
    %dma_start3A_2002 = arith.constant 128 : i32
    %dma_start3A_2003 = arith.constant 0 : i32
    %dma_start3A_2004 = tpu.memref_slice %arg6[%dma_start3A_2001, %dma_start3A_2002, %dma_start3A_2003] : memref<2x256x128xf32, #tpu.memory_space<vmem>> -> memref<1x128x128xf32, #tpu.memory_space<vmem>>
    %dma_start3A_2005 = tpu.memref_squeeze %dma_start3A_2004 : memref<1x128x128xf32, #tpu.memory_space<vmem>> -> memref<128x128xf32, #tpu.memory_space<vmem>>
    %dma_start3A_2006 = arith.constant 0 : i32
    %dma_start3A_2007 = tpu.memref_slice %arg5[%dma_start3A_1999, %dma_start3A_2000, %dma_start3A_2006] : memref<2x2x128xi32, #tpu.memory_space<vmem>> -> memref<1x1x128xi32, #tpu.memory_space<vmem>>
    %dma_start3A_2008 = tpu.memref_squeeze %dma_start3A_2007 : memref<1x1x128xi32, #tpu.memory_space<vmem>> -> memref<128xi32, #tpu.memory_space<vmem>>
    %dma_start3A_2009 = arith.constant 0 : i32
    %dma_start3A_2010 = arith.constant 0 : i32
    %dma_start3A_2011 = tpu.memref_slice %arg3[%dma_start3A_2009, %dma_start3A_2010] : memref<1000000x128xf32, #tpu.memory_space<hbm>> -> memref<1000000x128xf32, #tpu.memory_space<hbm>>
    tpu.enqueue_indirect_dma source(%dma_start3A_2011 : memref<1000000x128xf32, #tpu.memory_space<hbm>>) target(%dma_start3A_2005 : memref<128x128xf32, #tpu.memory_space<vmem>>) offsets(%dma_start3A_2008 : memref<128xi32, #tpu.memory_space<vmem>>) semaphore(%arg7 : memref<!tpu.dma_semaphore, #tpu.memory_space<semaphore_mem>>)
    %dma_wait3A_2012 = arith.constant 0 : i32
    %dma_wait3A_2013 = arith.constant 0 : i32
    %dma_wait3A_2014 = arith.constant 0 : i32
    %dma_wait3A_2015 = arith.constant 0 : i32
    %dma_wait3A_2016 = arith.constant 0 : i32
    %dma_wait3A_2017 = tpu.memref_slice %arg6[%dma_wait3A_2014, %dma_wait3A_2015, %dma_wait3A_2016] : memref<2x256x128xf32, #tpu.memory_space<vmem>> -> memref<1x128x128xf32, #tpu.memory_space<vmem>>
    %dma_wait3A_2018 = tpu.memref_squeeze %dma_wait3A_2017 : memref<1x128x128xf32, #tpu.memory_space<vmem>> -> memref<128x128xf32, #tpu.memory_space<vmem>>
    %dma_wait3A_2019 = arith.constant 0 : i32
    %dma_wait3A_2020 = tpu.memref_slice %arg5[%dma_wait3A_2012, %dma_wait3A_2013, %dma_wait3A_2019] : memref<2x2x128xi32, #tpu.memory_space<vmem>> -> memref<1x1x128xi32, #tpu.memory_space<vmem>>
    %dma_wait3A_2021 = tpu.memref_squeeze %dma_wait3A_2020 : memref<1x1x128xi32, #tpu.memory_space<vmem>> -> memref<128xi32, #tpu.memory_space<vmem>>
    %dma_wait3A_2022 = arith.constant 0 : i32
    %dma_wait3A_2023 = arith.constant 0 : i32
    %dma_wait3A_2024 = tpu.memref_slice %arg3[%dma_wait3A_2022, %dma_wait3A_2023] : memref<1000000x128xf32, #tpu.memory_space<hbm>> -> memref<1000000x128xf32, #tpu.memory_space<hbm>>
    tpu.wait_indirect_dma semaphore(%arg7 : memref<!tpu.dma_semaphore, #tpu.memory_space<semaphore_mem>>) src(%dma_wait3A_2024 : memref<1000000x128xf32, #tpu.memory_space<hbm>>) dst(%dma_wait3A_2018 : memref<128x128xf32, #tpu.memory_space<vmem>>)
    %dma_wait3A_2025 = arith.constant 0 : i32
    %dma_wait3A_2026 = arith.constant 1 : i32
    %dma_wait3A_2027 = arith.constant 0 : i32
    %dma_wait3A_2028 = arith.constant 128 : i32
    %dma_wait3A_2029 = arith.constant 0 : i32
    %dma_wait3A_2030 = tpu.memref_slice %arg6[%dma_wait3A_2027, %dma_wait3A_2028, %dma_wait3A_2029] : memref<2x256x128xf32, #tpu.memory_space<vmem>> -> memref<1x128x128xf32, #tpu.memory_space<vmem>>
    %dma_wait3A_2031 = tpu.memref_squeeze %dma_wait3A_2030 : memref<1x128x128xf32, #tpu.memory_space<vmem>> -> memref<128x128xf32, #tpu.memory_space<vmem>>
    %dma_wait3A_2032 = arith.constant 0 : i32
    %dma_wait3A_2033 = tpu.memref_slice %arg5[%dma_wait3A_2025, %dma_wait3A_2026, %dma_wait3A_2032] : memref<2x2x128xi32, #tpu.memory_space<vmem>> -> memref<1x1x128xi32, #tpu.memory_space<vmem>>
    %dma_wait3A_2034 = tpu.memref_squeeze %dma_wait3A_2033 : memref<1x1x128xi32, #tpu.memory_space<vmem>> -> memref<128xi32, #tpu.memory_space<vmem>>
    %dma_wait3A_2035 = arith.constant 0 : i32
    %dma_wait3A_2036 = arith.constant 0 : i32
    %dma_wait3A_2037 = tpu.memref_slice %arg3[%dma_wait3A_2035, %dma_wait3A_2036] : memref<1000000x128xf32, #tpu.memory_space<hbm>> -> memref<1000000x128xf32, #tpu.memory_space<hbm>>
    tpu.wait_indirect_dma semaphore(%arg7 : memref<!tpu.dma_semaphore, #tpu.memory_space<semaphore_mem>>) src(%dma_wait3A_2037 : memref<1000000x128xf32, #tpu.memory_space<hbm>>) dst(%dma_wait3A_2031 : memref<128x128xf32, #tpu.memory_space<vmem>>)
    %add3A_2038 = arith.constant 6144 : i32
    %add3A_2039 = arith.addi %mul3A_6, %add3A_2038 : i32
    %dma_start3A_2040 = arith.constant 0 : i32
    %dma_start3A_2041 = arith.constant 0 : i32
    %dma_start3A_2042 = arith.constant 0 : i32
    %dma_start3A_2043 = tpu.memref_slice %arg6[%dma_start3A_2040, %dma_start3A_2041, %dma_start3A_2042] : memref<2x256x128xf32, #tpu.memory_space<vmem>> -> memref<1x256x128xf32, #tpu.memory_space<vmem>>
    %dma_start3A_2044 = tpu.memref_squeeze %dma_start3A_2043 : memref<1x256x128xf32, #tpu.memory_space<vmem>> -> memref<256x128xf32, #tpu.memory_space<vmem>>
    %dma_start3A_2045 = arith.constant 0 : i32
    %dma_start3A_2046 = tpu.memref_slice %arg4[%add3A_2039, %dma_start3A_2045] : memref<204800x128xf32, #tpu.memory_space<hbm>> -> memref<256x128xf32, #tpu.memory_space<hbm>>
    %dma_start3A_2047 = arith.constant 0 : i32
    %dma_start3A_2048 = tpu.memref_slice %arg4[%add3A_2039, %dma_start3A_2047] : memref<204800x128xf32, #tpu.memory_space<hbm>> -> memref<256x128xf32, #tpu.memory_space<hbm>>
    %dma_start3A_2049 = arith.constant 0 : i32
    %dma_start3A_2050 = arith.constant 0 : i32
    %dma_start3A_2051 = tpu.memref_slice %arg6[%dma_start3A_2040, %dma_start3A_2049, %dma_start3A_2050] : memref<2x256x128xf32, #tpu.memory_space<vmem>> -> memref<1x256x128xf32, #tpu.memory_space<vmem>>
    %dma_start3A_2052 = tpu.memref_squeeze %dma_start3A_2051 : memref<1x256x128xf32, #tpu.memory_space<vmem>> -> memref<256x128xf32, #tpu.memory_space<vmem>>
    tpu.enqueue_dma source(%dma_start3A_2052 : memref<256x128xf32, #tpu.memory_space<vmem>>) target(%dma_start3A_2048 : memref<256x128xf32, #tpu.memory_space<hbm>>) target_semaphore(%arg8 : memref<!tpu.dma_semaphore, #tpu.memory_space<semaphore_mem>>)
    %dma_wait3A_2053 = arith.constant 0 : i32
    %dma_wait3A_2054 = arith.constant 0 : i32
    %dma_wait3A_2055 = arith.constant 0 : i32
    %dma_wait3A_2056 = tpu.memref_slice %arg6[%dma_wait3A_2053, %dma_wait3A_2054, %dma_wait3A_2055] : memref<2x256x128xf32, #tpu.memory_space<vmem>> -> memref<1x256x128xf32, #tpu.memory_space<vmem>>
    %dma_wait3A_2057 = tpu.memref_squeeze %dma_wait3A_2056 : memref<1x256x128xf32, #tpu.memory_space<vmem>> -> memref<256x128xf32, #tpu.memory_space<vmem>>
    %dma_wait3A_2058 = arith.constant 0 : i32
    %dma_wait3A_2059 = tpu.memref_slice %arg4[%add3A_2039, %dma_wait3A_2058] : memref<204800x128xf32, #tpu.memory_space<hbm>> -> memref<256x128xf32, #tpu.memory_space<hbm>>
    %dma_wait3A_2060 = arith.constant 0 : i32
    %dma_wait3A_2061 = tpu.memref_slice %arg4[%add3A_2039, %dma_wait3A_2060] : memref<204800x128xf32, #tpu.memory_space<hbm>> -> memref<256x128xf32, #tpu.memory_space<hbm>>
    %dma_wait3A_2062 = arith.constant 0 : i32
    %dma_wait3A_2063 = arith.constant 0 : i32
    %dma_wait3A_2064 = tpu.memref_slice %arg6[%dma_wait3A_2053, %dma_wait3A_2062, %dma_wait3A_2063] : memref<2x256x128xf32, #tpu.memory_space<vmem>> -> memref<1x256x128xf32, #tpu.memory_space<vmem>>
    %dma_wait3A_2065 = tpu.memref_squeeze %dma_wait3A_2064 : memref<1x256x128xf32, #tpu.memory_space<vmem>> -> memref<256x128xf32, #tpu.memory_space<vmem>>
    tpu.wait_dma2 semaphore(%arg8 : memref<!tpu.dma_semaphore, #tpu.memory_space<semaphore_mem>>) src(%dma_wait3A_2065 : memref<256x128xf32, #tpu.memory_space<vmem>>) dst(%dma_wait3A_2061 : memref<256x128xf32, #tpu.memory_space<hbm>>)
    %dma_wait3A_2066 = arith.constant 1 : i32
    %dma_wait3A_2067 = arith.constant 0 : i32
    %dma_wait3A_2068 = arith.constant 0 : i32
    %dma_wait3A_2069 = tpu.memref_slice %arg6[%dma_wait3A_2066, %dma_wait3A_2067, %dma_wait3A_2068] : memref<2x256x128xf32, #tpu.memory_space<vmem>> -> memref<1x256x128xf32, #tpu.memory_space<vmem>>
    %dma_wait3A_2070 = tpu.memref_squeeze %dma_wait3A_2069 : memref<1x256x128xf32, #tpu.memory_space<vmem>> -> memref<256x128xf32, #tpu.memory_space<vmem>>
    %dma_wait3A_2071 = arith.constant 0 : i32
    %dma_wait3A_2072 = tpu.memref_slice %arg4[%add3A_1956, %dma_wait3A_2071] : memref<204800x128xf32, #tpu.memory_space<hbm>> -> memref<256x128xf32, #tpu.memory_space<hbm>>
    %dma_wait3A_2073 = arith.constant 0 : i32
    %dma_wait3A_2074 = tpu.memref_slice %arg4[%add3A_1956, %dma_wait3A_2073] : memref<204800x128xf32, #tpu.memory_space<hbm>> -> memref<256x128xf32, #tpu.memory_space<hbm>>
    %dma_wait3A_2075 = arith.constant 0 : i32
    %dma_wait3A_2076 = arith.constant 0 : i32
    %dma_wait3A_2077 = tpu.memref_slice %arg6[%dma_wait3A_2066, %dma_wait3A_2075, %dma_wait3A_2076] : memref<2x256x128xf32, #tpu.memory_space<vmem>> -> memref<1x256x128xf32, #tpu.memory_space<vmem>>
    %dma_wait3A_2078 = tpu.memref_squeeze %dma_wait3A_2077 : memref<1x256x128xf32, #tpu.memory_space<vmem>> -> memref<256x128xf32, #tpu.memory_space<vmem>>
    tpu.wait_dma2 semaphore(%arg9 : memref<!tpu.dma_semaphore, #tpu.memory_space<semaphore_mem>>) src(%dma_wait3A_2078 : memref<256x128xf32, #tpu.memory_space<vmem>>) dst(%dma_wait3A_2074 : memref<256x128xf32, #tpu.memory_space<hbm>>)
    return
  }
}

module attributes {stable_mosaic.version = 14 : i64} {
  func.func @_tc_add(%arg0: i32, %arg1: memref<3200x128xf32, #tpu.memory_space<vmem>>, %arg2: memref<50x128xf32, #tpu.memory_space<vmem>>, %arg3: memref<64x50x64xf32, #tpu.memory_space<vmem>>) attributes {dimension_semantics = [#tpu.dimension_semantics<arbitrary>], iteration_bounds = array<i64: 64>, scalar_prefetch = 0 : i64, scratch_operands = 0 : i64, tpu.core_type = #tpu.core_type<tc>, window_params = [{transform_indices = @transform_0, window_bounds = array<i64: 3200, 128>}, {pipeline_mode = #tpu.pipeline_mode<synchronous>, transform_indices = @transform_1, window_bounds = array<i64: 50, 128>}, {transform_indices = @transform_2, window_bounds = array<i64: 64, 50, 64>}]} {
    %get3A = arith.constant 0 : index
    %get3A_0 = arith.constant 0 : index
    %get3A_1 = vector.load %arg1[%get3A, %get3A_0] : memref<3200x128xf32, #tpu.memory_space<vmem>>, vector<50x64xf32>
    %get3A_2 = arith.constant 0 : index
    %get3A_3 = arith.constant 0 : index
    %get3A_4 = vector.load %arg2[%get3A_2, %get3A_3] : memref<50x128xf32, #tpu.memory_space<vmem>>, vector<50x64xf32>
    %add3A = arith.addf %get3A_1, %get3A_4 : vector<50x64xf32>
    %swap3A = arith.constant 0 : index
    %swap3A_5 = arith.constant 0 : index
    %swap3A_6 = arith.constant 0 : index
    %swap3A_7 = vector.load %arg3[%swap3A, %swap3A_5, %swap3A_6] : memref<64x50x64xf32, #tpu.memory_space<vmem>>, vector<1x50x64xf32>
    %swap3A_8 = vector.shape_cast %swap3A_7 : vector<1x50x64xf32> to vector<50x64xf32>
    %swap3A_9 = vector.shape_cast %add3A : vector<50x64xf32> to vector<1x50x64xf32>
    tpu.vector_store %arg3[%swap3A, %swap3A_5, %swap3A_6], %swap3A_9 {strides = array<i32>} : memref<64x50x64xf32, #tpu.memory_space<vmem>>, vector<1x50x64xf32>,
    %get3A_10 = arith.constant 50 : index
    %get3A_11 = arith.constant 0 : index
    %get3A_12 = vector.load %arg1[%get3A_10, %get3A_11] : memref<3200x128xf32, #tpu.memory_space<vmem>>, vector<50x64xf32>
    %get3A_13 = arith.constant 0 : index
    %get3A_14 = arith.constant 0 : index
    %get3A_15 = vector.load %arg2[%get3A_13, %get3A_14] : memref<50x128xf32, #tpu.memory_space<vmem>>, vector<50x64xf32>
    %add3A_16 = arith.addf %get3A_12, %get3A_15 : vector<50x64xf32>
    %swap3A_17 = arith.constant 1 : index
    %swap3A_18 = arith.constant 0 : index
    %swap3A_19 = arith.constant 0 : index
    %swap3A_20 = vector.load %arg3[%swap3A_17, %swap3A_18, %swap3A_19] : memref<64x50x64xf32, #tpu.memory_space<vmem>>, vector<1x50x64xf32>
    %swap3A_21 = vector.shape_cast %swap3A_20 : vector<1x50x64xf32> to vector<50x64xf32>
    %swap3A_22 = vector.shape_cast %add3A_16 : vector<50x64xf32> to vector<1x50x64xf32>
    tpu.vector_store %arg3[%swap3A_17, %swap3A_18, %swap3A_19], %swap3A_22 {strides = array<i32>} : memref<64x50x64xf32, #tpu.memory_space<vmem>>, vector<1x50x64xf32>,
    %get3A_23 = arith.constant 100 : index
    %get3A_24 = arith.constant 0 : index
    %get3A_25 = vector.load %arg1[%get3A_23, %get3A_24] : memref<3200x128xf32, #tpu.memory_space<vmem>>, vector<50x64xf32>
    %get3A_26 = arith.constant 0 : index
    %get3A_27 = arith.constant 0 : index
    %get3A_28 = vector.load %arg2[%get3A_26, %get3A_27] : memref<50x128xf32, #tpu.memory_space<vmem>>, vector<50x64xf32>
    %add3A_29 = arith.addf %get3A_25, %get3A_28 : vector<50x64xf32>
    %swap3A_30 = arith.constant 2 : index
    %swap3A_31 = arith.constant 0 : index
    %swap3A_32 = arith.constant 0 : index
    %swap3A_33 = vector.load %arg3[%swap3A_30, %swap3A_31, %swap3A_32] : memref<64x50x64xf32, #tpu.memory_space<vmem>>, vector<1x50x64xf32>
    %swap3A_34 = vector.shape_cast %swap3A_33 : vector<1x50x64xf32> to vector<50x64xf32>
    %swap3A_35 = vector.shape_cast %add3A_29 : vector<50x64xf32> to vector<1x50x64xf32>
    tpu.vector_store %arg3[%swap3A_30, %swap3A_31, %swap3A_32], %swap3A_35 {strides = array<i32>} : memref<64x50x64xf32, #tpu.memory_space<vmem>>, vector<1x50x64xf32>,
    %get3A_36 = arith.constant 150 : index
    %get3A_37 = arith.constant 0 : index
    %get3A_38 = vector.load %arg1[%get3A_36, %get3A_37] : memref<3200x128xf32, #tpu.memory_space<vmem>>, vector<50x64xf32>
    %get3A_39 = arith.constant 0 : index
    %get3A_40 = arith.constant 0 : index
    %get3A_41 = vector.load %arg2[%get3A_39, %get3A_40] : memref<50x128xf32, #tpu.memory_space<vmem>>, vector<50x64xf32>
    %add3A_42 = arith.addf %get3A_38, %get3A_41 : vector<50x64xf32>
    %swap3A_43 = arith.constant 3 : index
    %swap3A_44 = arith.constant 0 : index
    %swap3A_45 = arith.constant 0 : index
    %swap3A_46 = vector.load %arg3[%swap3A_43, %swap3A_44, %swap3A_45] : memref<64x50x64xf32, #tpu.memory_space<vmem>>, vector<1x50x64xf32>
    %swap3A_47 = vector.shape_cast %swap3A_46 : vector<1x50x64xf32> to vector<50x64xf32>
    %swap3A_48 = vector.shape_cast %add3A_42 : vector<50x64xf32> to vector<1x50x64xf32>
    tpu.vector_store %arg3[%swap3A_43, %swap3A_44, %swap3A_45], %swap3A_48 {strides = array<i32>} : memref<64x50x64xf32, #tpu.memory_space<vmem>>, vector<1x50x64xf32>,
    %get3A_49 = arith.constant 200 : index
    %get3A_50 = arith.constant 0 : index
    %get3A_51 = vector.load %arg1[%get3A_49, %get3A_50] : memref<3200x128xf32, #tpu.memory_space<vmem>>, vector<50x64xf32>
    %get3A_52 = arith.constant 0 : index
    %get3A_53 = arith.constant 0 : index
    %get3A_54 = vector.load %arg2[%get3A_52, %get3A_53] : memref<50x128xf32, #tpu.memory_space<vmem>>, vector<50x64xf32>
    %add3A_55 = arith.addf %get3A_51, %get3A_54 : vector<50x64xf32>
    %swap3A_56 = arith.constant 4 : index
    %swap3A_57 = arith.constant 0 : index
    %swap3A_58 = arith.constant 0 : index
    %swap3A_59 = vector.load %arg3[%swap3A_56, %swap3A_57, %swap3A_58] : memref<64x50x64xf32, #tpu.memory_space<vmem>>, vector<1x50x64xf32>
    %swap3A_60 = vector.shape_cast %swap3A_59 : vector<1x50x64xf32> to vector<50x64xf32>
    %swap3A_61 = vector.shape_cast %add3A_55 : vector<50x64xf32> to vector<1x50x64xf32>
    tpu.vector_store %arg3[%swap3A_56, %swap3A_57, %swap3A_58], %swap3A_61 {strides = array<i32>} : memref<64x50x64xf32, #tpu.memory_space<vmem>>, vector<1x50x64xf32>,
    %get3A_62 = arith.constant 250 : index
    %get3A_63 = arith.constant 0 : index
    %get3A_64 = vector.load %arg1[%get3A_62, %get3A_63] : memref<3200x128xf32, #tpu.memory_space<vmem>>, vector<50x64xf32>
    %get3A_65 = arith.constant 0 : index
    %get3A_66 = arith.constant 0 : index
    %get3A_67 = vector.load %arg2[%get3A_65, %get3A_66] : memref<50x128xf32, #tpu.memory_space<vmem>>, vector<50x64xf32>
    %add3A_68 = arith.addf %get3A_64, %get3A_67 : vector<50x64xf32>
    %swap3A_69 = arith.constant 5 : index
    %swap3A_70 = arith.constant 0 : index
    %swap3A_71 = arith.constant 0 : index
    %swap3A_72 = vector.load %arg3[%swap3A_69, %swap3A_70, %swap3A_71] : memref<64x50x64xf32, #tpu.memory_space<vmem>>, vector<1x50x64xf32>
    %swap3A_73 = vector.shape_cast %swap3A_72 : vector<1x50x64xf32> to vector<50x64xf32>
    %swap3A_74 = vector.shape_cast %add3A_68 : vector<50x64xf32> to vector<1x50x64xf32>
    tpu.vector_store %arg3[%swap3A_69, %swap3A_70, %swap3A_71], %swap3A_74 {strides = array<i32>} : memref<64x50x64xf32, #tpu.memory_space<vmem>>, vector<1x50x64xf32>,
    %get3A_75 = arith.constant 300 : index
    %get3A_76 = arith.constant 0 : index
    %get3A_77 = vector.load %arg1[%get3A_75, %get3A_76] : memref<3200x128xf32, #tpu.memory_space<vmem>>, vector<50x64xf32>
    %get3A_78 = arith.constant 0 : index
    %get3A_79 = arith.constant 0 : index
    %get3A_80 = vector.load %arg2[%get3A_78, %get3A_79] : memref<50x128xf32, #tpu.memory_space<vmem>>, vector<50x64xf32>
    %add3A_81 = arith.addf %get3A_77, %get3A_80 : vector<50x64xf32>
    %swap3A_82 = arith.constant 6 : index
    %swap3A_83 = arith.constant 0 : index
    %swap3A_84 = arith.constant 0 : index
    %swap3A_85 = vector.load %arg3[%swap3A_82, %swap3A_83, %swap3A_84] : memref<64x50x64xf32, #tpu.memory_space<vmem>>, vector<1x50x64xf32>
    %swap3A_86 = vector.shape_cast %swap3A_85 : vector<1x50x64xf32> to vector<50x64xf32>
    %swap3A_87 = vector.shape_cast %add3A_81 : vector<50x64xf32> to vector<1x50x64xf32>
    tpu.vector_store %arg3[%swap3A_82, %swap3A_83, %swap3A_84], %swap3A_87 {strides = array<i32>} : memref<64x50x64xf32, #tpu.memory_space<vmem>>, vector<1x50x64xf32>,
    %get3A_88 = arith.constant 350 : index
    %get3A_89 = arith.constant 0 : index
    %get3A_90 = vector.load %arg1[%get3A_88, %get3A_89] : memref<3200x128xf32, #tpu.memory_space<vmem>>, vector<50x64xf32>
    %get3A_91 = arith.constant 0 : index
    %get3A_92 = arith.constant 0 : index
    %get3A_93 = vector.load %arg2[%get3A_91, %get3A_92] : memref<50x128xf32, #tpu.memory_space<vmem>>, vector<50x64xf32>
    %add3A_94 = arith.addf %get3A_90, %get3A_93 : vector<50x64xf32>
    %swap3A_95 = arith.constant 7 : index
    %swap3A_96 = arith.constant 0 : index
    %swap3A_97 = arith.constant 0 : index
    %swap3A_98 = vector.load %arg3[%swap3A_95, %swap3A_96, %swap3A_97] : memref<64x50x64xf32, #tpu.memory_space<vmem>>, vector<1x50x64xf32>
    %swap3A_99 = vector.shape_cast %swap3A_98 : vector<1x50x64xf32> to vector<50x64xf32>
    %swap3A_100 = vector.shape_cast %add3A_94 : vector<50x64xf32> to vector<1x50x64xf32>
    tpu.vector_store %arg3[%swap3A_95, %swap3A_96, %swap3A_97], %swap3A_100 {strides = array<i32>} : memref<64x50x64xf32, #tpu.memory_space<vmem>>, vector<1x50x64xf32>,
    %get3A_101 = arith.constant 400 : index
    %get3A_102 = arith.constant 0 : index
    %get3A_103 = vector.load %arg1[%get3A_101, %get3A_102] : memref<3200x128xf32, #tpu.memory_space<vmem>>, vector<50x64xf32>
    %get3A_104 = arith.constant 0 : index
    %get3A_105 = arith.constant 0 : index
    %get3A_106 = vector.load %arg2[%get3A_104, %get3A_105] : memref<50x128xf32, #tpu.memory_space<vmem>>, vector<50x64xf32>
    %add3A_107 = arith.addf %get3A_103, %get3A_106 : vector<50x64xf32>
    %swap3A_108 = arith.constant 8 : index
    %swap3A_109 = arith.constant 0 : index
    %swap3A_110 = arith.constant 0 : index
    %swap3A_111 = vector.load %arg3[%swap3A_108, %swap3A_109, %swap3A_110] : memref<64x50x64xf32, #tpu.memory_space<vmem>>, vector<1x50x64xf32>
    %swap3A_112 = vector.shape_cast %swap3A_111 : vector<1x50x64xf32> to vector<50x64xf32>
    %swap3A_113 = vector.shape_cast %add3A_107 : vector<50x64xf32> to vector<1x50x64xf32>
    tpu.vector_store %arg3[%swap3A_108, %swap3A_109, %swap3A_110], %swap3A_113 {strides = array<i32>} : memref<64x50x64xf32, #tpu.memory_space<vmem>>, vector<1x50x64xf32>,
    %get3A_114 = arith.constant 450 : index
    %get3A_115 = arith.constant 0 : index
    %get3A_116 = vector.load %arg1[%get3A_114, %get3A_115] : memref<3200x128xf32, #tpu.memory_space<vmem>>, vector<50x64xf32>
    %get3A_117 = arith.constant 0 : index
    %get3A_118 = arith.constant 0 : index
    %get3A_119 = vector.load %arg2[%get3A_117, %get3A_118] : memref<50x128xf32, #tpu.memory_space<vmem>>, vector<50x64xf32>
    %add3A_120 = arith.addf %get3A_116, %get3A_119 : vector<50x64xf32>
    %swap3A_121 = arith.constant 9 : index
    %swap3A_122 = arith.constant 0 : index
    %swap3A_123 = arith.constant 0 : index
    %swap3A_124 = vector.load %arg3[%swap3A_121, %swap3A_122, %swap3A_123] : memref<64x50x64xf32, #tpu.memory_space<vmem>>, vector<1x50x64xf32>
    %swap3A_125 = vector.shape_cast %swap3A_124 : vector<1x50x64xf32> to vector<50x64xf32>
    %swap3A_126 = vector.shape_cast %add3A_120 : vector<50x64xf32> to vector<1x50x64xf32>
    tpu.vector_store %arg3[%swap3A_121, %swap3A_122, %swap3A_123], %swap3A_126 {strides = array<i32>} : memref<64x50x64xf32, #tpu.memory_space<vmem>>, vector<1x50x64xf32>,
    %get3A_127 = arith.constant 500 : index
    %get3A_128 = arith.constant 0 : index
    %get3A_129 = vector.load %arg1[%get3A_127, %get3A_128] : memref<3200x128xf32, #tpu.memory_space<vmem>>, vector<50x64xf32>
    %get3A_130 = arith.constant 0 : index
    %get3A_131 = arith.constant 0 : index
    %get3A_132 = vector.load %arg2[%get3A_130, %get3A_131] : memref<50x128xf32, #tpu.memory_space<vmem>>, vector<50x64xf32>
    %add3A_133 = arith.addf %get3A_129, %get3A_132 : vector<50x64xf32>
    %swap3A_134 = arith.constant 10 : index
    %swap3A_135 = arith.constant 0 : index
    %swap3A_136 = arith.constant 0 : index
    %swap3A_137 = vector.load %arg3[%swap3A_134, %swap3A_135, %swap3A_136] : memref<64x50x64xf32, #tpu.memory_space<vmem>>, vector<1x50x64xf32>
    %swap3A_138 = vector.shape_cast %swap3A_137 : vector<1x50x64xf32> to vector<50x64xf32>
    %swap3A_139 = vector.shape_cast %add3A_133 : vector<50x64xf32> to vector<1x50x64xf32>
    tpu.vector_store %arg3[%swap3A_134, %swap3A_135, %swap3A_136], %swap3A_139 {strides = array<i32>} : memref<64x50x64xf32, #tpu.memory_space<vmem>>, vector<1x50x64xf32>,
    %get3A_140 = arith.constant 550 : index
    %get3A_141 = arith.constant 0 : index
    %get3A_142 = vector.load %arg1[%get3A_140, %get3A_141] : memref<3200x128xf32, #tpu.memory_space<vmem>>, vector<50x64xf32>
    %get3A_143 = arith.constant 0 : index
    %get3A_144 = arith.constant 0 : index
    %get3A_145 = vector.load %arg2[%get3A_143, %get3A_144] : memref<50x128xf32, #tpu.memory_space<vmem>>, vector<50x64xf32>
    %add3A_146 = arith.addf %get3A_142, %get3A_145 : vector<50x64xf32>
    %swap3A_147 = arith.constant 11 : index
    %swap3A_148 = arith.constant 0 : index
    %swap3A_149 = arith.constant 0 : index
    %swap3A_150 = vector.load %arg3[%swap3A_147, %swap3A_148, %swap3A_149] : memref<64x50x64xf32, #tpu.memory_space<vmem>>, vector<1x50x64xf32>
    %swap3A_151 = vector.shape_cast %swap3A_150 : vector<1x50x64xf32> to vector<50x64xf32>
    %swap3A_152 = vector.shape_cast %add3A_146 : vector<50x64xf32> to vector<1x50x64xf32>
    tpu.vector_store %arg3[%swap3A_147, %swap3A_148, %swap3A_149], %swap3A_152 {strides = array<i32>} : memref<64x50x64xf32, #tpu.memory_space<vmem>>, vector<1x50x64xf32>,
    %get3A_153 = arith.constant 600 : index
    %get3A_154 = arith.constant 0 : index
    %get3A_155 = vector.load %arg1[%get3A_153, %get3A_154] : memref<3200x128xf32, #tpu.memory_space<vmem>>, vector<50x64xf32>
    %get3A_156 = arith.constant 0 : index
    %get3A_157 = arith.constant 0 : index
    %get3A_158 = vector.load %arg2[%get3A_156, %get3A_157] : memref<50x128xf32, #tpu.memory_space<vmem>>, vector<50x64xf32>
    %add3A_159 = arith.addf %get3A_155, %get3A_158 : vector<50x64xf32>
    %swap3A_160 = arith.constant 12 : index
    %swap3A_161 = arith.constant 0 : index
    %swap3A_162 = arith.constant 0 : index
    %swap3A_163 = vector.load %arg3[%swap3A_160, %swap3A_161, %swap3A_162] : memref<64x50x64xf32, #tpu.memory_space<vmem>>, vector<1x50x64xf32>
    %swap3A_164 = vector.shape_cast %swap3A_163 : vector<1x50x64xf32> to vector<50x64xf32>
    %swap3A_165 = vector.shape_cast %add3A_159 : vector<50x64xf32> to vector<1x50x64xf32>
    tpu.vector_store %arg3[%swap3A_160, %swap3A_161, %swap3A_162], %swap3A_165 {strides = array<i32>} : memref<64x50x64xf32, #tpu.memory_space<vmem>>, vector<1x50x64xf32>,
    %get3A_166 = arith.constant 650 : index
    %get3A_167 = arith.constant 0 : index
    %get3A_168 = vector.load %arg1[%get3A_166, %get3A_167] : memref<3200x128xf32, #tpu.memory_space<vmem>>, vector<50x64xf32>
    %get3A_169 = arith.constant 0 : index
    %get3A_170 = arith.constant 0 : index
    %get3A_171 = vector.load %arg2[%get3A_169, %get3A_170] : memref<50x128xf32, #tpu.memory_space<vmem>>, vector<50x64xf32>
    %add3A_172 = arith.addf %get3A_168, %get3A_171 : vector<50x64xf32>
    %swap3A_173 = arith.constant 13 : index
    %swap3A_174 = arith.constant 0 : index
    %swap3A_175 = arith.constant 0 : index
    %swap3A_176 = vector.load %arg3[%swap3A_173, %swap3A_174, %swap3A_175] : memref<64x50x64xf32, #tpu.memory_space<vmem>>, vector<1x50x64xf32>
    %swap3A_177 = vector.shape_cast %swap3A_176 : vector<1x50x64xf32> to vector<50x64xf32>
    %swap3A_178 = vector.shape_cast %add3A_172 : vector<50x64xf32> to vector<1x50x64xf32>
    tpu.vector_store %arg3[%swap3A_173, %swap3A_174, %swap3A_175], %swap3A_178 {strides = array<i32>} : memref<64x50x64xf32, #tpu.memory_space<vmem>>, vector<1x50x64xf32>,
    %get3A_179 = arith.constant 700 : index
    %get3A_180 = arith.constant 0 : index
    %get3A_181 = vector.load %arg1[%get3A_179, %get3A_180] : memref<3200x128xf32, #tpu.memory_space<vmem>>, vector<50x64xf32>
    %get3A_182 = arith.constant 0 : index
    %get3A_183 = arith.constant 0 : index
    %get3A_184 = vector.load %arg2[%get3A_182, %get3A_183] : memref<50x128xf32, #tpu.memory_space<vmem>>, vector<50x64xf32>
    %add3A_185 = arith.addf %get3A_181, %get3A_184 : vector<50x64xf32>
    %swap3A_186 = arith.constant 14 : index
    %swap3A_187 = arith.constant 0 : index
    %swap3A_188 = arith.constant 0 : index
    %swap3A_189 = vector.load %arg3[%swap3A_186, %swap3A_187, %swap3A_188] : memref<64x50x64xf32, #tpu.memory_space<vmem>>, vector<1x50x64xf32>
    %swap3A_190 = vector.shape_cast %swap3A_189 : vector<1x50x64xf32> to vector<50x64xf32>
    %swap3A_191 = vector.shape_cast %add3A_185 : vector<50x64xf32> to vector<1x50x64xf32>
    tpu.vector_store %arg3[%swap3A_186, %swap3A_187, %swap3A_188], %swap3A_191 {strides = array<i32>} : memref<64x50x64xf32, #tpu.memory_space<vmem>>, vector<1x50x64xf32>,
    %get3A_192 = arith.constant 750 : index
    %get3A_193 = arith.constant 0 : index
    %get3A_194 = vector.load %arg1[%get3A_192, %get3A_193] : memref<3200x128xf32, #tpu.memory_space<vmem>>, vector<50x64xf32>
    %get3A_195 = arith.constant 0 : index
    %get3A_196 = arith.constant 0 : index
    %get3A_197 = vector.load %arg2[%get3A_195, %get3A_196] : memref<50x128xf32, #tpu.memory_space<vmem>>, vector<50x64xf32>
    %add3A_198 = arith.addf %get3A_194, %get3A_197 : vector<50x64xf32>
    %swap3A_199 = arith.constant 15 : index
    %swap3A_200 = arith.constant 0 : index
    %swap3A_201 = arith.constant 0 : index
    %swap3A_202 = vector.load %arg3[%swap3A_199, %swap3A_200, %swap3A_201] : memref<64x50x64xf32, #tpu.memory_space<vmem>>, vector<1x50x64xf32>
    %swap3A_203 = vector.shape_cast %swap3A_202 : vector<1x50x64xf32> to vector<50x64xf32>
    %swap3A_204 = vector.shape_cast %add3A_198 : vector<50x64xf32> to vector<1x50x64xf32>
    tpu.vector_store %arg3[%swap3A_199, %swap3A_200, %swap3A_201], %swap3A_204 {strides = array<i32>} : memref<64x50x64xf32, #tpu.memory_space<vmem>>, vector<1x50x64xf32>,
    %get3A_205 = arith.constant 800 : index
    %get3A_206 = arith.constant 0 : index
    %get3A_207 = vector.load %arg1[%get3A_205, %get3A_206] : memref<3200x128xf32, #tpu.memory_space<vmem>>, vector<50x64xf32>
    %get3A_208 = arith.constant 0 : index
    %get3A_209 = arith.constant 0 : index
    %get3A_210 = vector.load %arg2[%get3A_208, %get3A_209] : memref<50x128xf32, #tpu.memory_space<vmem>>, vector<50x64xf32>
    %add3A_211 = arith.addf %get3A_207, %get3A_210 : vector<50x64xf32>
    %swap3A_212 = arith.constant 16 : index
    %swap3A_213 = arith.constant 0 : index
    %swap3A_214 = arith.constant 0 : index
    %swap3A_215 = vector.load %arg3[%swap3A_212, %swap3A_213, %swap3A_214] : memref<64x50x64xf32, #tpu.memory_space<vmem>>, vector<1x50x64xf32>
    %swap3A_216 = vector.shape_cast %swap3A_215 : vector<1x50x64xf32> to vector<50x64xf32>
    %swap3A_217 = vector.shape_cast %add3A_211 : vector<50x64xf32> to vector<1x50x64xf32>
    tpu.vector_store %arg3[%swap3A_212, %swap3A_213, %swap3A_214], %swap3A_217 {strides = array<i32>} : memref<64x50x64xf32, #tpu.memory_space<vmem>>, vector<1x50x64xf32>,
    %get3A_218 = arith.constant 850 : index
    %get3A_219 = arith.constant 0 : index
    %get3A_220 = vector.load %arg1[%get3A_218, %get3A_219] : memref<3200x128xf32, #tpu.memory_space<vmem>>, vector<50x64xf32>
    %get3A_221 = arith.constant 0 : index
    %get3A_222 = arith.constant 0 : index
    %get3A_223 = vector.load %arg2[%get3A_221, %get3A_222] : memref<50x128xf32, #tpu.memory_space<vmem>>, vector<50x64xf32>
    %add3A_224 = arith.addf %get3A_220, %get3A_223 : vector<50x64xf32>
    %swap3A_225 = arith.constant 17 : index
    %swap3A_226 = arith.constant 0 : index
    %swap3A_227 = arith.constant 0 : index
    %swap3A_228 = vector.load %arg3[%swap3A_225, %swap3A_226, %swap3A_227] : memref<64x50x64xf32, #tpu.memory_space<vmem>>, vector<1x50x64xf32>
    %swap3A_229 = vector.shape_cast %swap3A_228 : vector<1x50x64xf32> to vector<50x64xf32>
    %swap3A_230 = vector.shape_cast %add3A_224 : vector<50x64xf32> to vector<1x50x64xf32>
    tpu.vector_store %arg3[%swap3A_225, %swap3A_226, %swap3A_227], %swap3A_230 {strides = array<i32>} : memref<64x50x64xf32, #tpu.memory_space<vmem>>, vector<1x50x64xf32>,
    %get3A_231 = arith.constant 900 : index
    %get3A_232 = arith.constant 0 : index
    %get3A_233 = vector.load %arg1[%get3A_231, %get3A_232] : memref<3200x128xf32, #tpu.memory_space<vmem>>, vector<50x64xf32>
    %get3A_234 = arith.constant 0 : index
    %get3A_235 = arith.constant 0 : index
    %get3A_236 = vector.load %arg2[%get3A_234, %get3A_235] : memref<50x128xf32, #tpu.memory_space<vmem>>, vector<50x64xf32>
    %add3A_237 = arith.addf %get3A_233, %get3A_236 : vector<50x64xf32>
    %swap3A_238 = arith.constant 18 : index
    %swap3A_239 = arith.constant 0 : index
    %swap3A_240 = arith.constant 0 : index
    %swap3A_241 = vector.load %arg3[%swap3A_238, %swap3A_239, %swap3A_240] : memref<64x50x64xf32, #tpu.memory_space<vmem>>, vector<1x50x64xf32>
    %swap3A_242 = vector.shape_cast %swap3A_241 : vector<1x50x64xf32> to vector<50x64xf32>
    %swap3A_243 = vector.shape_cast %add3A_237 : vector<50x64xf32> to vector<1x50x64xf32>
    tpu.vector_store %arg3[%swap3A_238, %swap3A_239, %swap3A_240], %swap3A_243 {strides = array<i32>} : memref<64x50x64xf32, #tpu.memory_space<vmem>>, vector<1x50x64xf32>,
    %get3A_244 = arith.constant 950 : index
    %get3A_245 = arith.constant 0 : index
    %get3A_246 = vector.load %arg1[%get3A_244, %get3A_245] : memref<3200x128xf32, #tpu.memory_space<vmem>>, vector<50x64xf32>
    %get3A_247 = arith.constant 0 : index
    %get3A_248 = arith.constant 0 : index
    %get3A_249 = vector.load %arg2[%get3A_247, %get3A_248] : memref<50x128xf32, #tpu.memory_space<vmem>>, vector<50x64xf32>
    %add3A_250 = arith.addf %get3A_246, %get3A_249 : vector<50x64xf32>
    %swap3A_251 = arith.constant 19 : index
    %swap3A_252 = arith.constant 0 : index
    %swap3A_253 = arith.constant 0 : index
    %swap3A_254 = vector.load %arg3[%swap3A_251, %swap3A_252, %swap3A_253] : memref<64x50x64xf32, #tpu.memory_space<vmem>>, vector<1x50x64xf32>
    %swap3A_255 = vector.shape_cast %swap3A_254 : vector<1x50x64xf32> to vector<50x64xf32>
    %swap3A_256 = vector.shape_cast %add3A_250 : vector<50x64xf32> to vector<1x50x64xf32>
    tpu.vector_store %arg3[%swap3A_251, %swap3A_252, %swap3A_253], %swap3A_256 {strides = array<i32>} : memref<64x50x64xf32, #tpu.memory_space<vmem>>, vector<1x50x64xf32>,
    %get3A_257 = arith.constant 1000 : index
    %get3A_258 = arith.constant 0 : index
    %get3A_259 = vector.load %arg1[%get3A_257, %get3A_258] : memref<3200x128xf32, #tpu.memory_space<vmem>>, vector<50x64xf32>
    %get3A_260 = arith.constant 0 : index
    %get3A_261 = arith.constant 0 : index
    %get3A_262 = vector.load %arg2[%get3A_260, %get3A_261] : memref<50x128xf32, #tpu.memory_space<vmem>>, vector<50x64xf32>
    %add3A_263 = arith.addf %get3A_259, %get3A_262 : vector<50x64xf32>
    %swap3A_264 = arith.constant 20 : index
    %swap3A_265 = arith.constant 0 : index
    %swap3A_266 = arith.constant 0 : index
    %swap3A_267 = vector.load %arg3[%swap3A_264, %swap3A_265, %swap3A_266] : memref<64x50x64xf32, #tpu.memory_space<vmem>>, vector<1x50x64xf32>
    %swap3A_268 = vector.shape_cast %swap3A_267 : vector<1x50x64xf32> to vector<50x64xf32>
    %swap3A_269 = vector.shape_cast %add3A_263 : vector<50x64xf32> to vector<1x50x64xf32>
    tpu.vector_store %arg3[%swap3A_264, %swap3A_265, %swap3A_266], %swap3A_269 {strides = array<i32>} : memref<64x50x64xf32, #tpu.memory_space<vmem>>, vector<1x50x64xf32>,
    %get3A_270 = arith.constant 1050 : index
    %get3A_271 = arith.constant 0 : index
    %get3A_272 = vector.load %arg1[%get3A_270, %get3A_271] : memref<3200x128xf32, #tpu.memory_space<vmem>>, vector<50x64xf32>
    %get3A_273 = arith.constant 0 : index
    %get3A_274 = arith.constant 0 : index
    %get3A_275 = vector.load %arg2[%get3A_273, %get3A_274] : memref<50x128xf32, #tpu.memory_space<vmem>>, vector<50x64xf32>
    %add3A_276 = arith.addf %get3A_272, %get3A_275 : vector<50x64xf32>
    %swap3A_277 = arith.constant 21 : index
    %swap3A_278 = arith.constant 0 : index
    %swap3A_279 = arith.constant 0 : index
    %swap3A_280 = vector.load %arg3[%swap3A_277, %swap3A_278, %swap3A_279] : memref<64x50x64xf32, #tpu.memory_space<vmem>>, vector<1x50x64xf32>
    %swap3A_281 = vector.shape_cast %swap3A_280 : vector<1x50x64xf32> to vector<50x64xf32>
    %swap3A_282 = vector.shape_cast %add3A_276 : vector<50x64xf32> to vector<1x50x64xf32>
    tpu.vector_store %arg3[%swap3A_277, %swap3A_278, %swap3A_279], %swap3A_282 {strides = array<i32>} : memref<64x50x64xf32, #tpu.memory_space<vmem>>, vector<1x50x64xf32>,
    %get3A_283 = arith.constant 1100 : index
    %get3A_284 = arith.constant 0 : index
    %get3A_285 = vector.load %arg1[%get3A_283, %get3A_284] : memref<3200x128xf32, #tpu.memory_space<vmem>>, vector<50x64xf32>
    %get3A_286 = arith.constant 0 : index
    %get3A_287 = arith.constant 0 : index
    %get3A_288 = vector.load %arg2[%get3A_286, %get3A_287] : memref<50x128xf32, #tpu.memory_space<vmem>>, vector<50x64xf32>
    %add3A_289 = arith.addf %get3A_285, %get3A_288 : vector<50x64xf32>
    %swap3A_290 = arith.constant 22 : index
    %swap3A_291 = arith.constant 0 : index
    %swap3A_292 = arith.constant 0 : index
    %swap3A_293 = vector.load %arg3[%swap3A_290, %swap3A_291, %swap3A_292] : memref<64x50x64xf32, #tpu.memory_space<vmem>>, vector<1x50x64xf32>
    %swap3A_294 = vector.shape_cast %swap3A_293 : vector<1x50x64xf32> to vector<50x64xf32>
    %swap3A_295 = vector.shape_cast %add3A_289 : vector<50x64xf32> to vector<1x50x64xf32>
    tpu.vector_store %arg3[%swap3A_290, %swap3A_291, %swap3A_292], %swap3A_295 {strides = array<i32>} : memref<64x50x64xf32, #tpu.memory_space<vmem>>, vector<1x50x64xf32>,
    %get3A_296 = arith.constant 1150 : index
    %get3A_297 = arith.constant 0 : index
    %get3A_298 = vector.load %arg1[%get3A_296, %get3A_297] : memref<3200x128xf32, #tpu.memory_space<vmem>>, vector<50x64xf32>
    %get3A_299 = arith.constant 0 : index
    %get3A_300 = arith.constant 0 : index
    %get3A_301 = vector.load %arg2[%get3A_299, %get3A_300] : memref<50x128xf32, #tpu.memory_space<vmem>>, vector<50x64xf32>
    %add3A_302 = arith.addf %get3A_298, %get3A_301 : vector<50x64xf32>
    %swap3A_303 = arith.constant 23 : index
    %swap3A_304 = arith.constant 0 : index
    %swap3A_305 = arith.constant 0 : index
    %swap3A_306 = vector.load %arg3[%swap3A_303, %swap3A_304, %swap3A_305] : memref<64x50x64xf32, #tpu.memory_space<vmem>>, vector<1x50x64xf32>
    %swap3A_307 = vector.shape_cast %swap3A_306 : vector<1x50x64xf32> to vector<50x64xf32>
    %swap3A_308 = vector.shape_cast %add3A_302 : vector<50x64xf32> to vector<1x50x64xf32>
    tpu.vector_store %arg3[%swap3A_303, %swap3A_304, %swap3A_305], %swap3A_308 {strides = array<i32>} : memref<64x50x64xf32, #tpu.memory_space<vmem>>, vector<1x50x64xf32>,
    %get3A_309 = arith.constant 1200 : index
    %get3A_310 = arith.constant 0 : index
    %get3A_311 = vector.load %arg1[%get3A_309, %get3A_310] : memref<3200x128xf32, #tpu.memory_space<vmem>>, vector<50x64xf32>
    %get3A_312 = arith.constant 0 : index
    %get3A_313 = arith.constant 0 : index
    %get3A_314 = vector.load %arg2[%get3A_312, %get3A_313] : memref<50x128xf32, #tpu.memory_space<vmem>>, vector<50x64xf32>
    %add3A_315 = arith.addf %get3A_311, %get3A_314 : vector<50x64xf32>
    %swap3A_316 = arith.constant 24 : index
    %swap3A_317 = arith.constant 0 : index
    %swap3A_318 = arith.constant 0 : index
    %swap3A_319 = vector.load %arg3[%swap3A_316, %swap3A_317, %swap3A_318] : memref<64x50x64xf32, #tpu.memory_space<vmem>>, vector<1x50x64xf32>
    %swap3A_320 = vector.shape_cast %swap3A_319 : vector<1x50x64xf32> to vector<50x64xf32>
    %swap3A_321 = vector.shape_cast %add3A_315 : vector<50x64xf32> to vector<1x50x64xf32>
    tpu.vector_store %arg3[%swap3A_316, %swap3A_317, %swap3A_318], %swap3A_321 {strides = array<i32>} : memref<64x50x64xf32, #tpu.memory_space<vmem>>, vector<1x50x64xf32>,
    %get3A_322 = arith.constant 1250 : index
    %get3A_323 = arith.constant 0 : index
    %get3A_324 = vector.load %arg1[%get3A_322, %get3A_323] : memref<3200x128xf32, #tpu.memory_space<vmem>>, vector<50x64xf32>
    %get3A_325 = arith.constant 0 : index
    %get3A_326 = arith.constant 0 : index
    %get3A_327 = vector.load %arg2[%get3A_325, %get3A_326] : memref<50x128xf32, #tpu.memory_space<vmem>>, vector<50x64xf32>
    %add3A_328 = arith.addf %get3A_324, %get3A_327 : vector<50x64xf32>
    %swap3A_329 = arith.constant 25 : index
    %swap3A_330 = arith.constant 0 : index
    %swap3A_331 = arith.constant 0 : index
    %swap3A_332 = vector.load %arg3[%swap3A_329, %swap3A_330, %swap3A_331] : memref<64x50x64xf32, #tpu.memory_space<vmem>>, vector<1x50x64xf32>
    %swap3A_333 = vector.shape_cast %swap3A_332 : vector<1x50x64xf32> to vector<50x64xf32>
    %swap3A_334 = vector.shape_cast %add3A_328 : vector<50x64xf32> to vector<1x50x64xf32>
    tpu.vector_store %arg3[%swap3A_329, %swap3A_330, %swap3A_331], %swap3A_334 {strides = array<i32>} : memref<64x50x64xf32, #tpu.memory_space<vmem>>, vector<1x50x64xf32>,
    %get3A_335 = arith.constant 1300 : index
    %get3A_336 = arith.constant 0 : index
    %get3A_337 = vector.load %arg1[%get3A_335, %get3A_336] : memref<3200x128xf32, #tpu.memory_space<vmem>>, vector<50x64xf32>
    %get3A_338 = arith.constant 0 : index
    %get3A_339 = arith.constant 0 : index
    %get3A_340 = vector.load %arg2[%get3A_338, %get3A_339] : memref<50x128xf32, #tpu.memory_space<vmem>>, vector<50x64xf32>
    %add3A_341 = arith.addf %get3A_337, %get3A_340 : vector<50x64xf32>
    %swap3A_342 = arith.constant 26 : index
    %swap3A_343 = arith.constant 0 : index
    %swap3A_344 = arith.constant 0 : index
    %swap3A_345 = vector.load %arg3[%swap3A_342, %swap3A_343, %swap3A_344] : memref<64x50x64xf32, #tpu.memory_space<vmem>>, vector<1x50x64xf32>
    %swap3A_346 = vector.shape_cast %swap3A_345 : vector<1x50x64xf32> to vector<50x64xf32>
    %swap3A_347 = vector.shape_cast %add3A_341 : vector<50x64xf32> to vector<1x50x64xf32>
    tpu.vector_store %arg3[%swap3A_342, %swap3A_343, %swap3A_344], %swap3A_347 {strides = array<i32>} : memref<64x50x64xf32, #tpu.memory_space<vmem>>, vector<1x50x64xf32>,
    %get3A_348 = arith.constant 1350 : index
    %get3A_349 = arith.constant 0 : index
    %get3A_350 = vector.load %arg1[%get3A_348, %get3A_349] : memref<3200x128xf32, #tpu.memory_space<vmem>>, vector<50x64xf32>
    %get3A_351 = arith.constant 0 : index
    %get3A_352 = arith.constant 0 : index
    %get3A_353 = vector.load %arg2[%get3A_351, %get3A_352] : memref<50x128xf32, #tpu.memory_space<vmem>>, vector<50x64xf32>
    %add3A_354 = arith.addf %get3A_350, %get3A_353 : vector<50x64xf32>
    %swap3A_355 = arith.constant 27 : index
    %swap3A_356 = arith.constant 0 : index
    %swap3A_357 = arith.constant 0 : index
    %swap3A_358 = vector.load %arg3[%swap3A_355, %swap3A_356, %swap3A_357] : memref<64x50x64xf32, #tpu.memory_space<vmem>>, vector<1x50x64xf32>
    %swap3A_359 = vector.shape_cast %swap3A_358 : vector<1x50x64xf32> to vector<50x64xf32>
    %swap3A_360 = vector.shape_cast %add3A_354 : vector<50x64xf32> to vector<1x50x64xf32>
    tpu.vector_store %arg3[%swap3A_355, %swap3A_356, %swap3A_357], %swap3A_360 {strides = array<i32>} : memref<64x50x64xf32, #tpu.memory_space<vmem>>, vector<1x50x64xf32>,
    %get3A_361 = arith.constant 1400 : index
    %get3A_362 = arith.constant 0 : index
    %get3A_363 = vector.load %arg1[%get3A_361, %get3A_362] : memref<3200x128xf32, #tpu.memory_space<vmem>>, vector<50x64xf32>
    %get3A_364 = arith.constant 0 : index
    %get3A_365 = arith.constant 0 : index
    %get3A_366 = vector.load %arg2[%get3A_364, %get3A_365] : memref<50x128xf32, #tpu.memory_space<vmem>>, vector<50x64xf32>
    %add3A_367 = arith.addf %get3A_363, %get3A_366 : vector<50x64xf32>
    %swap3A_368 = arith.constant 28 : index
    %swap3A_369 = arith.constant 0 : index
    %swap3A_370 = arith.constant 0 : index
    %swap3A_371 = vector.load %arg3[%swap3A_368, %swap3A_369, %swap3A_370] : memref<64x50x64xf32, #tpu.memory_space<vmem>>, vector<1x50x64xf32>
    %swap3A_372 = vector.shape_cast %swap3A_371 : vector<1x50x64xf32> to vector<50x64xf32>
    %swap3A_373 = vector.shape_cast %add3A_367 : vector<50x64xf32> to vector<1x50x64xf32>
    tpu.vector_store %arg3[%swap3A_368, %swap3A_369, %swap3A_370], %swap3A_373 {strides = array<i32>} : memref<64x50x64xf32, #tpu.memory_space<vmem>>, vector<1x50x64xf32>,
    %get3A_374 = arith.constant 1450 : index
    %get3A_375 = arith.constant 0 : index
    %get3A_376 = vector.load %arg1[%get3A_374, %get3A_375] : memref<3200x128xf32, #tpu.memory_space<vmem>>, vector<50x64xf32>
    %get3A_377 = arith.constant 0 : index
    %get3A_378 = arith.constant 0 : index
    %get3A_379 = vector.load %arg2[%get3A_377, %get3A_378] : memref<50x128xf32, #tpu.memory_space<vmem>>, vector<50x64xf32>
    %add3A_380 = arith.addf %get3A_376, %get3A_379 : vector<50x64xf32>
    %swap3A_381 = arith.constant 29 : index
    %swap3A_382 = arith.constant 0 : index
    %swap3A_383 = arith.constant 0 : index
    %swap3A_384 = vector.load %arg3[%swap3A_381, %swap3A_382, %swap3A_383] : memref<64x50x64xf32, #tpu.memory_space<vmem>>, vector<1x50x64xf32>
    %swap3A_385 = vector.shape_cast %swap3A_384 : vector<1x50x64xf32> to vector<50x64xf32>
    %swap3A_386 = vector.shape_cast %add3A_380 : vector<50x64xf32> to vector<1x50x64xf32>
    tpu.vector_store %arg3[%swap3A_381, %swap3A_382, %swap3A_383], %swap3A_386 {strides = array<i32>} : memref<64x50x64xf32, #tpu.memory_space<vmem>>, vector<1x50x64xf32>,
    %get3A_387 = arith.constant 1500 : index
    %get3A_388 = arith.constant 0 : index
    %get3A_389 = vector.load %arg1[%get3A_387, %get3A_388] : memref<3200x128xf32, #tpu.memory_space<vmem>>, vector<50x64xf32>
    %get3A_390 = arith.constant 0 : index
    %get3A_391 = arith.constant 0 : index
    %get3A_392 = vector.load %arg2[%get3A_390, %get3A_391] : memref<50x128xf32, #tpu.memory_space<vmem>>, vector<50x64xf32>
    %add3A_393 = arith.addf %get3A_389, %get3A_392 : vector<50x64xf32>
    %swap3A_394 = arith.constant 30 : index
    %swap3A_395 = arith.constant 0 : index
    %swap3A_396 = arith.constant 0 : index
    %swap3A_397 = vector.load %arg3[%swap3A_394, %swap3A_395, %swap3A_396] : memref<64x50x64xf32, #tpu.memory_space<vmem>>, vector<1x50x64xf32>
    %swap3A_398 = vector.shape_cast %swap3A_397 : vector<1x50x64xf32> to vector<50x64xf32>
    %swap3A_399 = vector.shape_cast %add3A_393 : vector<50x64xf32> to vector<1x50x64xf32>
    tpu.vector_store %arg3[%swap3A_394, %swap3A_395, %swap3A_396], %swap3A_399 {strides = array<i32>} : memref<64x50x64xf32, #tpu.memory_space<vmem>>, vector<1x50x64xf32>,
    %get3A_400 = arith.constant 1550 : index
    %get3A_401 = arith.constant 0 : index
    %get3A_402 = vector.load %arg1[%get3A_400, %get3A_401] : memref<3200x128xf32, #tpu.memory_space<vmem>>, vector<50x64xf32>
    %get3A_403 = arith.constant 0 : index
    %get3A_404 = arith.constant 0 : index
    %get3A_405 = vector.load %arg2[%get3A_403, %get3A_404] : memref<50x128xf32, #tpu.memory_space<vmem>>, vector<50x64xf32>
    %add3A_406 = arith.addf %get3A_402, %get3A_405 : vector<50x64xf32>
    %swap3A_407 = arith.constant 31 : index
    %swap3A_408 = arith.constant 0 : index
    %swap3A_409 = arith.constant 0 : index
    %swap3A_410 = vector.load %arg3[%swap3A_407, %swap3A_408, %swap3A_409] : memref<64x50x64xf32, #tpu.memory_space<vmem>>, vector<1x50x64xf32>
    %swap3A_411 = vector.shape_cast %swap3A_410 : vector<1x50x64xf32> to vector<50x64xf32>
    %swap3A_412 = vector.shape_cast %add3A_406 : vector<50x64xf32> to vector<1x50x64xf32>
    tpu.vector_store %arg3[%swap3A_407, %swap3A_408, %swap3A_409], %swap3A_412 {strides = array<i32>} : memref<64x50x64xf32, #tpu.memory_space<vmem>>, vector<1x50x64xf32>,
    %get3A_413 = arith.constant 1600 : index
    %get3A_414 = arith.constant 0 : index
    %get3A_415 = vector.load %arg1[%get3A_413, %get3A_414] : memref<3200x128xf32, #tpu.memory_space<vmem>>, vector<50x64xf32>
    %get3A_416 = arith.constant 0 : index
    %get3A_417 = arith.constant 0 : index
    %get3A_418 = vector.load %arg2[%get3A_416, %get3A_417] : memref<50x128xf32, #tpu.memory_space<vmem>>, vector<50x64xf32>
    %add3A_419 = arith.addf %get3A_415, %get3A_418 : vector<50x64xf32>
    %swap3A_420 = arith.constant 32 : index
    %swap3A_421 = arith.constant 0 : index
    %swap3A_422 = arith.constant 0 : index
    %swap3A_423 = vector.load %arg3[%swap3A_420, %swap3A_421, %swap3A_422] : memref<64x50x64xf32, #tpu.memory_space<vmem>>, vector<1x50x64xf32>
    %swap3A_424 = vector.shape_cast %swap3A_423 : vector<1x50x64xf32> to vector<50x64xf32>
    %swap3A_425 = vector.shape_cast %add3A_419 : vector<50x64xf32> to vector<1x50x64xf32>
    tpu.vector_store %arg3[%swap3A_420, %swap3A_421, %swap3A_422], %swap3A_425 {strides = array<i32>} : memref<64x50x64xf32, #tpu.memory_space<vmem>>, vector<1x50x64xf32>,
    %get3A_426 = arith.constant 1650 : index
    %get3A_427 = arith.constant 0 : index
    %get3A_428 = vector.load %arg1[%get3A_426, %get3A_427] : memref<3200x128xf32, #tpu.memory_space<vmem>>, vector<50x64xf32>
    %get3A_429 = arith.constant 0 : index
    %get3A_430 = arith.constant 0 : index
    %get3A_431 = vector.load %arg2[%get3A_429, %get3A_430] : memref<50x128xf32, #tpu.memory_space<vmem>>, vector<50x64xf32>
    %add3A_432 = arith.addf %get3A_428, %get3A_431 : vector<50x64xf32>
    %swap3A_433 = arith.constant 33 : index
    %swap3A_434 = arith.constant 0 : index
    %swap3A_435 = arith.constant 0 : index
    %swap3A_436 = vector.load %arg3[%swap3A_433, %swap3A_434, %swap3A_435] : memref<64x50x64xf32, #tpu.memory_space<vmem>>, vector<1x50x64xf32>
    %swap3A_437 = vector.shape_cast %swap3A_436 : vector<1x50x64xf32> to vector<50x64xf32>
    %swap3A_438 = vector.shape_cast %add3A_432 : vector<50x64xf32> to vector<1x50x64xf32>
    tpu.vector_store %arg3[%swap3A_433, %swap3A_434, %swap3A_435], %swap3A_438 {strides = array<i32>} : memref<64x50x64xf32, #tpu.memory_space<vmem>>, vector<1x50x64xf32>,
    %get3A_439 = arith.constant 1700 : index
    %get3A_440 = arith.constant 0 : index
    %get3A_441 = vector.load %arg1[%get3A_439, %get3A_440] : memref<3200x128xf32, #tpu.memory_space<vmem>>, vector<50x64xf32>
    %get3A_442 = arith.constant 0 : index
    %get3A_443 = arith.constant 0 : index
    %get3A_444 = vector.load %arg2[%get3A_442, %get3A_443] : memref<50x128xf32, #tpu.memory_space<vmem>>, vector<50x64xf32>
    %add3A_445 = arith.addf %get3A_441, %get3A_444 : vector<50x64xf32>
    %swap3A_446 = arith.constant 34 : index
    %swap3A_447 = arith.constant 0 : index
    %swap3A_448 = arith.constant 0 : index
    %swap3A_449 = vector.load %arg3[%swap3A_446, %swap3A_447, %swap3A_448] : memref<64x50x64xf32, #tpu.memory_space<vmem>>, vector<1x50x64xf32>
    %swap3A_450 = vector.shape_cast %swap3A_449 : vector<1x50x64xf32> to vector<50x64xf32>
    %swap3A_451 = vector.shape_cast %add3A_445 : vector<50x64xf32> to vector<1x50x64xf32>
    tpu.vector_store %arg3[%swap3A_446, %swap3A_447, %swap3A_448], %swap3A_451 {strides = array<i32>} : memref<64x50x64xf32, #tpu.memory_space<vmem>>, vector<1x50x64xf32>,
    %get3A_452 = arith.constant 1750 : index
    %get3A_453 = arith.constant 0 : index
    %get3A_454 = vector.load %arg1[%get3A_452, %get3A_453] : memref<3200x128xf32, #tpu.memory_space<vmem>>, vector<50x64xf32>
    %get3A_455 = arith.constant 0 : index
    %get3A_456 = arith.constant 0 : index
    %get3A_457 = vector.load %arg2[%get3A_455, %get3A_456] : memref<50x128xf32, #tpu.memory_space<vmem>>, vector<50x64xf32>
    %add3A_458 = arith.addf %get3A_454, %get3A_457 : vector<50x64xf32>
    %swap3A_459 = arith.constant 35 : index
    %swap3A_460 = arith.constant 0 : index
    %swap3A_461 = arith.constant 0 : index
    %swap3A_462 = vector.load %arg3[%swap3A_459, %swap3A_460, %swap3A_461] : memref<64x50x64xf32, #tpu.memory_space<vmem>>, vector<1x50x64xf32>
    %swap3A_463 = vector.shape_cast %swap3A_462 : vector<1x50x64xf32> to vector<50x64xf32>
    %swap3A_464 = vector.shape_cast %add3A_458 : vector<50x64xf32> to vector<1x50x64xf32>
    tpu.vector_store %arg3[%swap3A_459, %swap3A_460, %swap3A_461], %swap3A_464 {strides = array<i32>} : memref<64x50x64xf32, #tpu.memory_space<vmem>>, vector<1x50x64xf32>,
    %get3A_465 = arith.constant 1800 : index
    %get3A_466 = arith.constant 0 : index
    %get3A_467 = vector.load %arg1[%get3A_465, %get3A_466] : memref<3200x128xf32, #tpu.memory_space<vmem>>, vector<50x64xf32>
    %get3A_468 = arith.constant 0 : index
    %get3A_469 = arith.constant 0 : index
    %get3A_470 = vector.load %arg2[%get3A_468, %get3A_469] : memref<50x128xf32, #tpu.memory_space<vmem>>, vector<50x64xf32>
    %add3A_471 = arith.addf %get3A_467, %get3A_470 : vector<50x64xf32>
    %swap3A_472 = arith.constant 36 : index
    %swap3A_473 = arith.constant 0 : index
    %swap3A_474 = arith.constant 0 : index
    %swap3A_475 = vector.load %arg3[%swap3A_472, %swap3A_473, %swap3A_474] : memref<64x50x64xf32, #tpu.memory_space<vmem>>, vector<1x50x64xf32>
    %swap3A_476 = vector.shape_cast %swap3A_475 : vector<1x50x64xf32> to vector<50x64xf32>
    %swap3A_477 = vector.shape_cast %add3A_471 : vector<50x64xf32> to vector<1x50x64xf32>
    tpu.vector_store %arg3[%swap3A_472, %swap3A_473, %swap3A_474], %swap3A_477 {strides = array<i32>} : memref<64x50x64xf32, #tpu.memory_space<vmem>>, vector<1x50x64xf32>,
    %get3A_478 = arith.constant 1850 : index
    %get3A_479 = arith.constant 0 : index
    %get3A_480 = vector.load %arg1[%get3A_478, %get3A_479] : memref<3200x128xf32, #tpu.memory_space<vmem>>, vector<50x64xf32>
    %get3A_481 = arith.constant 0 : index
    %get3A_482 = arith.constant 0 : index
    %get3A_483 = vector.load %arg2[%get3A_481, %get3A_482] : memref<50x128xf32, #tpu.memory_space<vmem>>, vector<50x64xf32>
    %add3A_484 = arith.addf %get3A_480, %get3A_483 : vector<50x64xf32>
    %swap3A_485 = arith.constant 37 : index
    %swap3A_486 = arith.constant 0 : index
    %swap3A_487 = arith.constant 0 : index
    %swap3A_488 = vector.load %arg3[%swap3A_485, %swap3A_486, %swap3A_487] : memref<64x50x64xf32, #tpu.memory_space<vmem>>, vector<1x50x64xf32>
    %swap3A_489 = vector.shape_cast %swap3A_488 : vector<1x50x64xf32> to vector<50x64xf32>
    %swap3A_490 = vector.shape_cast %add3A_484 : vector<50x64xf32> to vector<1x50x64xf32>
    tpu.vector_store %arg3[%swap3A_485, %swap3A_486, %swap3A_487], %swap3A_490 {strides = array<i32>} : memref<64x50x64xf32, #tpu.memory_space<vmem>>, vector<1x50x64xf32>,
    %get3A_491 = arith.constant 1900 : index
    %get3A_492 = arith.constant 0 : index
    %get3A_493 = vector.load %arg1[%get3A_491, %get3A_492] : memref<3200x128xf32, #tpu.memory_space<vmem>>, vector<50x64xf32>
    %get3A_494 = arith.constant 0 : index
    %get3A_495 = arith.constant 0 : index
    %get3A_496 = vector.load %arg2[%get3A_494, %get3A_495] : memref<50x128xf32, #tpu.memory_space<vmem>>, vector<50x64xf32>
    %add3A_497 = arith.addf %get3A_493, %get3A_496 : vector<50x64xf32>
    %swap3A_498 = arith.constant 38 : index
    %swap3A_499 = arith.constant 0 : index
    %swap3A_500 = arith.constant 0 : index
    %swap3A_501 = vector.load %arg3[%swap3A_498, %swap3A_499, %swap3A_500] : memref<64x50x64xf32, #tpu.memory_space<vmem>>, vector<1x50x64xf32>
    %swap3A_502 = vector.shape_cast %swap3A_501 : vector<1x50x64xf32> to vector<50x64xf32>
    %swap3A_503 = vector.shape_cast %add3A_497 : vector<50x64xf32> to vector<1x50x64xf32>
    tpu.vector_store %arg3[%swap3A_498, %swap3A_499, %swap3A_500], %swap3A_503 {strides = array<i32>} : memref<64x50x64xf32, #tpu.memory_space<vmem>>, vector<1x50x64xf32>,
    %get3A_504 = arith.constant 1950 : index
    %get3A_505 = arith.constant 0 : index
    %get3A_506 = vector.load %arg1[%get3A_504, %get3A_505] : memref<3200x128xf32, #tpu.memory_space<vmem>>, vector<50x64xf32>
    %get3A_507 = arith.constant 0 : index
    %get3A_508 = arith.constant 0 : index
    %get3A_509 = vector.load %arg2[%get3A_507, %get3A_508] : memref<50x128xf32, #tpu.memory_space<vmem>>, vector<50x64xf32>
    %add3A_510 = arith.addf %get3A_506, %get3A_509 : vector<50x64xf32>
    %swap3A_511 = arith.constant 39 : index
    %swap3A_512 = arith.constant 0 : index
    %swap3A_513 = arith.constant 0 : index
    %swap3A_514 = vector.load %arg3[%swap3A_511, %swap3A_512, %swap3A_513] : memref<64x50x64xf32, #tpu.memory_space<vmem>>, vector<1x50x64xf32>
    %swap3A_515 = vector.shape_cast %swap3A_514 : vector<1x50x64xf32> to vector<50x64xf32>
    %swap3A_516 = vector.shape_cast %add3A_510 : vector<50x64xf32> to vector<1x50x64xf32>
    tpu.vector_store %arg3[%swap3A_511, %swap3A_512, %swap3A_513], %swap3A_516 {strides = array<i32>} : memref<64x50x64xf32, #tpu.memory_space<vmem>>, vector<1x50x64xf32>,
    %get3A_517 = arith.constant 2000 : index
    %get3A_518 = arith.constant 0 : index
    %get3A_519 = vector.load %arg1[%get3A_517, %get3A_518] : memref<3200x128xf32, #tpu.memory_space<vmem>>, vector<50x64xf32>
    %get3A_520 = arith.constant 0 : index
    %get3A_521 = arith.constant 0 : index
    %get3A_522 = vector.load %arg2[%get3A_520, %get3A_521] : memref<50x128xf32, #tpu.memory_space<vmem>>, vector<50x64xf32>
    %add3A_523 = arith.addf %get3A_519, %get3A_522 : vector<50x64xf32>
    %swap3A_524 = arith.constant 40 : index
    %swap3A_525 = arith.constant 0 : index
    %swap3A_526 = arith.constant 0 : index
    %swap3A_527 = vector.load %arg3[%swap3A_524, %swap3A_525, %swap3A_526] : memref<64x50x64xf32, #tpu.memory_space<vmem>>, vector<1x50x64xf32>
    %swap3A_528 = vector.shape_cast %swap3A_527 : vector<1x50x64xf32> to vector<50x64xf32>
    %swap3A_529 = vector.shape_cast %add3A_523 : vector<50x64xf32> to vector<1x50x64xf32>
    tpu.vector_store %arg3[%swap3A_524, %swap3A_525, %swap3A_526], %swap3A_529 {strides = array<i32>} : memref<64x50x64xf32, #tpu.memory_space<vmem>>, vector<1x50x64xf32>,
    %get3A_530 = arith.constant 2050 : index
    %get3A_531 = arith.constant 0 : index
    %get3A_532 = vector.load %arg1[%get3A_530, %get3A_531] : memref<3200x128xf32, #tpu.memory_space<vmem>>, vector<50x64xf32>
    %get3A_533 = arith.constant 0 : index
    %get3A_534 = arith.constant 0 : index
    %get3A_535 = vector.load %arg2[%get3A_533, %get3A_534] : memref<50x128xf32, #tpu.memory_space<vmem>>, vector<50x64xf32>
    %add3A_536 = arith.addf %get3A_532, %get3A_535 : vector<50x64xf32>
    %swap3A_537 = arith.constant 41 : index
    %swap3A_538 = arith.constant 0 : index
    %swap3A_539 = arith.constant 0 : index
    %swap3A_540 = vector.load %arg3[%swap3A_537, %swap3A_538, %swap3A_539] : memref<64x50x64xf32, #tpu.memory_space<vmem>>, vector<1x50x64xf32>
    %swap3A_541 = vector.shape_cast %swap3A_540 : vector<1x50x64xf32> to vector<50x64xf32>
    %swap3A_542 = vector.shape_cast %add3A_536 : vector<50x64xf32> to vector<1x50x64xf32>
    tpu.vector_store %arg3[%swap3A_537, %swap3A_538, %swap3A_539], %swap3A_542 {strides = array<i32>} : memref<64x50x64xf32, #tpu.memory_space<vmem>>, vector<1x50x64xf32>,
    %get3A_543 = arith.constant 2100 : index
    %get3A_544 = arith.constant 0 : index
    %get3A_545 = vector.load %arg1[%get3A_543, %get3A_544] : memref<3200x128xf32, #tpu.memory_space<vmem>>, vector<50x64xf32>
    %get3A_546 = arith.constant 0 : index
    %get3A_547 = arith.constant 0 : index
    %get3A_548 = vector.load %arg2[%get3A_546, %get3A_547] : memref<50x128xf32, #tpu.memory_space<vmem>>, vector<50x64xf32>
    %add3A_549 = arith.addf %get3A_545, %get3A_548 : vector<50x64xf32>
    %swap3A_550 = arith.constant 42 : index
    %swap3A_551 = arith.constant 0 : index
    %swap3A_552 = arith.constant 0 : index
    %swap3A_553 = vector.load %arg3[%swap3A_550, %swap3A_551, %swap3A_552] : memref<64x50x64xf32, #tpu.memory_space<vmem>>, vector<1x50x64xf32>
    %swap3A_554 = vector.shape_cast %swap3A_553 : vector<1x50x64xf32> to vector<50x64xf32>
    %swap3A_555 = vector.shape_cast %add3A_549 : vector<50x64xf32> to vector<1x50x64xf32>
    tpu.vector_store %arg3[%swap3A_550, %swap3A_551, %swap3A_552], %swap3A_555 {strides = array<i32>} : memref<64x50x64xf32, #tpu.memory_space<vmem>>, vector<1x50x64xf32>,
    %get3A_556 = arith.constant 2150 : index
    %get3A_557 = arith.constant 0 : index
    %get3A_558 = vector.load %arg1[%get3A_556, %get3A_557] : memref<3200x128xf32, #tpu.memory_space<vmem>>, vector<50x64xf32>
    %get3A_559 = arith.constant 0 : index
    %get3A_560 = arith.constant 0 : index
    %get3A_561 = vector.load %arg2[%get3A_559, %get3A_560] : memref<50x128xf32, #tpu.memory_space<vmem>>, vector<50x64xf32>
    %add3A_562 = arith.addf %get3A_558, %get3A_561 : vector<50x64xf32>
    %swap3A_563 = arith.constant 43 : index
    %swap3A_564 = arith.constant 0 : index
    %swap3A_565 = arith.constant 0 : index
    %swap3A_566 = vector.load %arg3[%swap3A_563, %swap3A_564, %swap3A_565] : memref<64x50x64xf32, #tpu.memory_space<vmem>>, vector<1x50x64xf32>
    %swap3A_567 = vector.shape_cast %swap3A_566 : vector<1x50x64xf32> to vector<50x64xf32>
    %swap3A_568 = vector.shape_cast %add3A_562 : vector<50x64xf32> to vector<1x50x64xf32>
    tpu.vector_store %arg3[%swap3A_563, %swap3A_564, %swap3A_565], %swap3A_568 {strides = array<i32>} : memref<64x50x64xf32, #tpu.memory_space<vmem>>, vector<1x50x64xf32>,
    %get3A_569 = arith.constant 2200 : index
    %get3A_570 = arith.constant 0 : index
    %get3A_571 = vector.load %arg1[%get3A_569, %get3A_570] : memref<3200x128xf32, #tpu.memory_space<vmem>>, vector<50x64xf32>
    %get3A_572 = arith.constant 0 : index
    %get3A_573 = arith.constant 0 : index
    %get3A_574 = vector.load %arg2[%get3A_572, %get3A_573] : memref<50x128xf32, #tpu.memory_space<vmem>>, vector<50x64xf32>
    %add3A_575 = arith.addf %get3A_571, %get3A_574 : vector<50x64xf32>
    %swap3A_576 = arith.constant 44 : index
    %swap3A_577 = arith.constant 0 : index
    %swap3A_578 = arith.constant 0 : index
    %swap3A_579 = vector.load %arg3[%swap3A_576, %swap3A_577, %swap3A_578] : memref<64x50x64xf32, #tpu.memory_space<vmem>>, vector<1x50x64xf32>
    %swap3A_580 = vector.shape_cast %swap3A_579 : vector<1x50x64xf32> to vector<50x64xf32>
    %swap3A_581 = vector.shape_cast %add3A_575 : vector<50x64xf32> to vector<1x50x64xf32>
    tpu.vector_store %arg3[%swap3A_576, %swap3A_577, %swap3A_578], %swap3A_581 {strides = array<i32>} : memref<64x50x64xf32, #tpu.memory_space<vmem>>, vector<1x50x64xf32>,
    %get3A_582 = arith.constant 2250 : index
    %get3A_583 = arith.constant 0 : index
    %get3A_584 = vector.load %arg1[%get3A_582, %get3A_583] : memref<3200x128xf32, #tpu.memory_space<vmem>>, vector<50x64xf32>
    %get3A_585 = arith.constant 0 : index
    %get3A_586 = arith.constant 0 : index
    %get3A_587 = vector.load %arg2[%get3A_585, %get3A_586] : memref<50x128xf32, #tpu.memory_space<vmem>>, vector<50x64xf32>
    %add3A_588 = arith.addf %get3A_584, %get3A_587 : vector<50x64xf32>
    %swap3A_589 = arith.constant 45 : index
    %swap3A_590 = arith.constant 0 : index
    %swap3A_591 = arith.constant 0 : index
    %swap3A_592 = vector.load %arg3[%swap3A_589, %swap3A_590, %swap3A_591] : memref<64x50x64xf32, #tpu.memory_space<vmem>>, vector<1x50x64xf32>
    %swap3A_593 = vector.shape_cast %swap3A_592 : vector<1x50x64xf32> to vector<50x64xf32>
    %swap3A_594 = vector.shape_cast %add3A_588 : vector<50x64xf32> to vector<1x50x64xf32>
    tpu.vector_store %arg3[%swap3A_589, %swap3A_590, %swap3A_591], %swap3A_594 {strides = array<i32>} : memref<64x50x64xf32, #tpu.memory_space<vmem>>, vector<1x50x64xf32>,
    %get3A_595 = arith.constant 2300 : index
    %get3A_596 = arith.constant 0 : index
    %get3A_597 = vector.load %arg1[%get3A_595, %get3A_596] : memref<3200x128xf32, #tpu.memory_space<vmem>>, vector<50x64xf32>
    %get3A_598 = arith.constant 0 : index
    %get3A_599 = arith.constant 0 : index
    %get3A_600 = vector.load %arg2[%get3A_598, %get3A_599] : memref<50x128xf32, #tpu.memory_space<vmem>>, vector<50x64xf32>
    %add3A_601 = arith.addf %get3A_597, %get3A_600 : vector<50x64xf32>
    %swap3A_602 = arith.constant 46 : index
    %swap3A_603 = arith.constant 0 : index
    %swap3A_604 = arith.constant 0 : index
    %swap3A_605 = vector.load %arg3[%swap3A_602, %swap3A_603, %swap3A_604] : memref<64x50x64xf32, #tpu.memory_space<vmem>>, vector<1x50x64xf32>
    %swap3A_606 = vector.shape_cast %swap3A_605 : vector<1x50x64xf32> to vector<50x64xf32>
    %swap3A_607 = vector.shape_cast %add3A_601 : vector<50x64xf32> to vector<1x50x64xf32>
    tpu.vector_store %arg3[%swap3A_602, %swap3A_603, %swap3A_604], %swap3A_607 {strides = array<i32>} : memref<64x50x64xf32, #tpu.memory_space<vmem>>, vector<1x50x64xf32>,
    %get3A_608 = arith.constant 2350 : index
    %get3A_609 = arith.constant 0 : index
    %get3A_610 = vector.load %arg1[%get3A_608, %get3A_609] : memref<3200x128xf32, #tpu.memory_space<vmem>>, vector<50x64xf32>
    %get3A_611 = arith.constant 0 : index
    %get3A_612 = arith.constant 0 : index
    %get3A_613 = vector.load %arg2[%get3A_611, %get3A_612] : memref<50x128xf32, #tpu.memory_space<vmem>>, vector<50x64xf32>
    %add3A_614 = arith.addf %get3A_610, %get3A_613 : vector<50x64xf32>
    %swap3A_615 = arith.constant 47 : index
    %swap3A_616 = arith.constant 0 : index
    %swap3A_617 = arith.constant 0 : index
    %swap3A_618 = vector.load %arg3[%swap3A_615, %swap3A_616, %swap3A_617] : memref<64x50x64xf32, #tpu.memory_space<vmem>>, vector<1x50x64xf32>
    %swap3A_619 = vector.shape_cast %swap3A_618 : vector<1x50x64xf32> to vector<50x64xf32>
    %swap3A_620 = vector.shape_cast %add3A_614 : vector<50x64xf32> to vector<1x50x64xf32>
    tpu.vector_store %arg3[%swap3A_615, %swap3A_616, %swap3A_617], %swap3A_620 {strides = array<i32>} : memref<64x50x64xf32, #tpu.memory_space<vmem>>, vector<1x50x64xf32>,
    %get3A_621 = arith.constant 2400 : index
    %get3A_622 = arith.constant 0 : index
    %get3A_623 = vector.load %arg1[%get3A_621, %get3A_622] : memref<3200x128xf32, #tpu.memory_space<vmem>>, vector<50x64xf32>
    %get3A_624 = arith.constant 0 : index
    %get3A_625 = arith.constant 0 : index
    %get3A_626 = vector.load %arg2[%get3A_624, %get3A_625] : memref<50x128xf32, #tpu.memory_space<vmem>>, vector<50x64xf32>
    %add3A_627 = arith.addf %get3A_623, %get3A_626 : vector<50x64xf32>
    %swap3A_628 = arith.constant 48 : index
    %swap3A_629 = arith.constant 0 : index
    %swap3A_630 = arith.constant 0 : index
    %swap3A_631 = vector.load %arg3[%swap3A_628, %swap3A_629, %swap3A_630] : memref<64x50x64xf32, #tpu.memory_space<vmem>>, vector<1x50x64xf32>
    %swap3A_632 = vector.shape_cast %swap3A_631 : vector<1x50x64xf32> to vector<50x64xf32>
    %swap3A_633 = vector.shape_cast %add3A_627 : vector<50x64xf32> to vector<1x50x64xf32>
    tpu.vector_store %arg3[%swap3A_628, %swap3A_629, %swap3A_630], %swap3A_633 {strides = array<i32>} : memref<64x50x64xf32, #tpu.memory_space<vmem>>, vector<1x50x64xf32>,
    %get3A_634 = arith.constant 2450 : index
    %get3A_635 = arith.constant 0 : index
    %get3A_636 = vector.load %arg1[%get3A_634, %get3A_635] : memref<3200x128xf32, #tpu.memory_space<vmem>>, vector<50x64xf32>
    %get3A_637 = arith.constant 0 : index
    %get3A_638 = arith.constant 0 : index
    %get3A_639 = vector.load %arg2[%get3A_637, %get3A_638] : memref<50x128xf32, #tpu.memory_space<vmem>>, vector<50x64xf32>
    %add3A_640 = arith.addf %get3A_636, %get3A_639 : vector<50x64xf32>
    %swap3A_641 = arith.constant 49 : index
    %swap3A_642 = arith.constant 0 : index
    %swap3A_643 = arith.constant 0 : index
    %swap3A_644 = vector.load %arg3[%swap3A_641, %swap3A_642, %swap3A_643] : memref<64x50x64xf32, #tpu.memory_space<vmem>>, vector<1x50x64xf32>
    %swap3A_645 = vector.shape_cast %swap3A_644 : vector<1x50x64xf32> to vector<50x64xf32>
    %swap3A_646 = vector.shape_cast %add3A_640 : vector<50x64xf32> to vector<1x50x64xf32>
    tpu.vector_store %arg3[%swap3A_641, %swap3A_642, %swap3A_643], %swap3A_646 {strides = array<i32>} : memref<64x50x64xf32, #tpu.memory_space<vmem>>, vector<1x50x64xf32>,
    %get3A_647 = arith.constant 2500 : index
    %get3A_648 = arith.constant 0 : index
    %get3A_649 = vector.load %arg1[%get3A_647, %get3A_648] : memref<3200x128xf32, #tpu.memory_space<vmem>>, vector<50x64xf32>
    %get3A_650 = arith.constant 0 : index
    %get3A_651 = arith.constant 0 : index
    %get3A_652 = vector.load %arg2[%get3A_650, %get3A_651] : memref<50x128xf32, #tpu.memory_space<vmem>>, vector<50x64xf32>
    %add3A_653 = arith.addf %get3A_649, %get3A_652 : vector<50x64xf32>
    %swap3A_654 = arith.constant 50 : index
    %swap3A_655 = arith.constant 0 : index
    %swap3A_656 = arith.constant 0 : index
    %swap3A_657 = vector.load %arg3[%swap3A_654, %swap3A_655, %swap3A_656] : memref<64x50x64xf32, #tpu.memory_space<vmem>>, vector<1x50x64xf32>
    %swap3A_658 = vector.shape_cast %swap3A_657 : vector<1x50x64xf32> to vector<50x64xf32>
    %swap3A_659 = vector.shape_cast %add3A_653 : vector<50x64xf32> to vector<1x50x64xf32>
    tpu.vector_store %arg3[%swap3A_654, %swap3A_655, %swap3A_656], %swap3A_659 {strides = array<i32>} : memref<64x50x64xf32, #tpu.memory_space<vmem>>, vector<1x50x64xf32>,
    %get3A_660 = arith.constant 2550 : index
    %get3A_661 = arith.constant 0 : index
    %get3A_662 = vector.load %arg1[%get3A_660, %get3A_661] : memref<3200x128xf32, #tpu.memory_space<vmem>>, vector<50x64xf32>
    %get3A_663 = arith.constant 0 : index
    %get3A_664 = arith.constant 0 : index
    %get3A_665 = vector.load %arg2[%get3A_663, %get3A_664] : memref<50x128xf32, #tpu.memory_space<vmem>>, vector<50x64xf32>
    %add3A_666 = arith.addf %get3A_662, %get3A_665 : vector<50x64xf32>
    %swap3A_667 = arith.constant 51 : index
    %swap3A_668 = arith.constant 0 : index
    %swap3A_669 = arith.constant 0 : index
    %swap3A_670 = vector.load %arg3[%swap3A_667, %swap3A_668, %swap3A_669] : memref<64x50x64xf32, #tpu.memory_space<vmem>>, vector<1x50x64xf32>
    %swap3A_671 = vector.shape_cast %swap3A_670 : vector<1x50x64xf32> to vector<50x64xf32>
    %swap3A_672 = vector.shape_cast %add3A_666 : vector<50x64xf32> to vector<1x50x64xf32>
    tpu.vector_store %arg3[%swap3A_667, %swap3A_668, %swap3A_669], %swap3A_672 {strides = array<i32>} : memref<64x50x64xf32, #tpu.memory_space<vmem>>, vector<1x50x64xf32>,
    %get3A_673 = arith.constant 2600 : index
    %get3A_674 = arith.constant 0 : index
    %get3A_675 = vector.load %arg1[%get3A_673, %get3A_674] : memref<3200x128xf32, #tpu.memory_space<vmem>>, vector<50x64xf32>
    %get3A_676 = arith.constant 0 : index
    %get3A_677 = arith.constant 0 : index
    %get3A_678 = vector.load %arg2[%get3A_676, %get3A_677] : memref<50x128xf32, #tpu.memory_space<vmem>>, vector<50x64xf32>
    %add3A_679 = arith.addf %get3A_675, %get3A_678 : vector<50x64xf32>
    %swap3A_680 = arith.constant 52 : index
    %swap3A_681 = arith.constant 0 : index
    %swap3A_682 = arith.constant 0 : index
    %swap3A_683 = vector.load %arg3[%swap3A_680, %swap3A_681, %swap3A_682] : memref<64x50x64xf32, #tpu.memory_space<vmem>>, vector<1x50x64xf32>
    %swap3A_684 = vector.shape_cast %swap3A_683 : vector<1x50x64xf32> to vector<50x64xf32>
    %swap3A_685 = vector.shape_cast %add3A_679 : vector<50x64xf32> to vector<1x50x64xf32>
    tpu.vector_store %arg3[%swap3A_680, %swap3A_681, %swap3A_682], %swap3A_685 {strides = array<i32>} : memref<64x50x64xf32, #tpu.memory_space<vmem>>, vector<1x50x64xf32>,
    %get3A_686 = arith.constant 2650 : index
    %get3A_687 = arith.constant 0 : index
    %get3A_688 = vector.load %arg1[%get3A_686, %get3A_687] : memref<3200x128xf32, #tpu.memory_space<vmem>>, vector<50x64xf32>
    %get3A_689 = arith.constant 0 : index
    %get3A_690 = arith.constant 0 : index
    %get3A_691 = vector.load %arg2[%get3A_689, %get3A_690] : memref<50x128xf32, #tpu.memory_space<vmem>>, vector<50x64xf32>
    %add3A_692 = arith.addf %get3A_688, %get3A_691 : vector<50x64xf32>
    %swap3A_693 = arith.constant 53 : index
    %swap3A_694 = arith.constant 0 : index
    %swap3A_695 = arith.constant 0 : index
    %swap3A_696 = vector.load %arg3[%swap3A_693, %swap3A_694, %swap3A_695] : memref<64x50x64xf32, #tpu.memory_space<vmem>>, vector<1x50x64xf32>
    %swap3A_697 = vector.shape_cast %swap3A_696 : vector<1x50x64xf32> to vector<50x64xf32>
    %swap3A_698 = vector.shape_cast %add3A_692 : vector<50x64xf32> to vector<1x50x64xf32>
    tpu.vector_store %arg3[%swap3A_693, %swap3A_694, %swap3A_695], %swap3A_698 {strides = array<i32>} : memref<64x50x64xf32, #tpu.memory_space<vmem>>, vector<1x50x64xf32>,
    %get3A_699 = arith.constant 2700 : index
    %get3A_700 = arith.constant 0 : index
    %get3A_701 = vector.load %arg1[%get3A_699, %get3A_700] : memref<3200x128xf32, #tpu.memory_space<vmem>>, vector<50x64xf32>
    %get3A_702 = arith.constant 0 : index
    %get3A_703 = arith.constant 0 : index
    %get3A_704 = vector.load %arg2[%get3A_702, %get3A_703] : memref<50x128xf32, #tpu.memory_space<vmem>>, vector<50x64xf32>
    %add3A_705 = arith.addf %get3A_701, %get3A_704 : vector<50x64xf32>
    %swap3A_706 = arith.constant 54 : index
    %swap3A_707 = arith.constant 0 : index
    %swap3A_708 = arith.constant 0 : index
    %swap3A_709 = vector.load %arg3[%swap3A_706, %swap3A_707, %swap3A_708] : memref<64x50x64xf32, #tpu.memory_space<vmem>>, vector<1x50x64xf32>
    %swap3A_710 = vector.shape_cast %swap3A_709 : vector<1x50x64xf32> to vector<50x64xf32>
    %swap3A_711 = vector.shape_cast %add3A_705 : vector<50x64xf32> to vector<1x50x64xf32>
    tpu.vector_store %arg3[%swap3A_706, %swap3A_707, %swap3A_708], %swap3A_711 {strides = array<i32>} : memref<64x50x64xf32, #tpu.memory_space<vmem>>, vector<1x50x64xf32>,
    %get3A_712 = arith.constant 2750 : index
    %get3A_713 = arith.constant 0 : index
    %get3A_714 = vector.load %arg1[%get3A_712, %get3A_713] : memref<3200x128xf32, #tpu.memory_space<vmem>>, vector<50x64xf32>
    %get3A_715 = arith.constant 0 : index
    %get3A_716 = arith.constant 0 : index
    %get3A_717 = vector.load %arg2[%get3A_715, %get3A_716] : memref<50x128xf32, #tpu.memory_space<vmem>>, vector<50x64xf32>
    %add3A_718 = arith.addf %get3A_714, %get3A_717 : vector<50x64xf32>
    %swap3A_719 = arith.constant 55 : index
    %swap3A_720 = arith.constant 0 : index
    %swap3A_721 = arith.constant 0 : index
    %swap3A_722 = vector.load %arg3[%swap3A_719, %swap3A_720, %swap3A_721] : memref<64x50x64xf32, #tpu.memory_space<vmem>>, vector<1x50x64xf32>
    %swap3A_723 = vector.shape_cast %swap3A_722 : vector<1x50x64xf32> to vector<50x64xf32>
    %swap3A_724 = vector.shape_cast %add3A_718 : vector<50x64xf32> to vector<1x50x64xf32>
    tpu.vector_store %arg3[%swap3A_719, %swap3A_720, %swap3A_721], %swap3A_724 {strides = array<i32>} : memref<64x50x64xf32, #tpu.memory_space<vmem>>, vector<1x50x64xf32>,
    %get3A_725 = arith.constant 2800 : index
    %get3A_726 = arith.constant 0 : index
    %get3A_727 = vector.load %arg1[%get3A_725, %get3A_726] : memref<3200x128xf32, #tpu.memory_space<vmem>>, vector<50x64xf32>
    %get3A_728 = arith.constant 0 : index
    %get3A_729 = arith.constant 0 : index
    %get3A_730 = vector.load %arg2[%get3A_728, %get3A_729] : memref<50x128xf32, #tpu.memory_space<vmem>>, vector<50x64xf32>
    %add3A_731 = arith.addf %get3A_727, %get3A_730 : vector<50x64xf32>
    %swap3A_732 = arith.constant 56 : index
    %swap3A_733 = arith.constant 0 : index
    %swap3A_734 = arith.constant 0 : index
    %swap3A_735 = vector.load %arg3[%swap3A_732, %swap3A_733, %swap3A_734] : memref<64x50x64xf32, #tpu.memory_space<vmem>>, vector<1x50x64xf32>
    %swap3A_736 = vector.shape_cast %swap3A_735 : vector<1x50x64xf32> to vector<50x64xf32>
    %swap3A_737 = vector.shape_cast %add3A_731 : vector<50x64xf32> to vector<1x50x64xf32>
    tpu.vector_store %arg3[%swap3A_732, %swap3A_733, %swap3A_734], %swap3A_737 {strides = array<i32>} : memref<64x50x64xf32, #tpu.memory_space<vmem>>, vector<1x50x64xf32>,
    %get3A_738 = arith.constant 2850 : index
    %get3A_739 = arith.constant 0 : index
    %get3A_740 = vector.load %arg1[%get3A_738, %get3A_739] : memref<3200x128xf32, #tpu.memory_space<vmem>>, vector<50x64xf32>
    %get3A_741 = arith.constant 0 : index
    %get3A_742 = arith.constant 0 : index
    %get3A_743 = vector.load %arg2[%get3A_741, %get3A_742] : memref<50x128xf32, #tpu.memory_space<vmem>>, vector<50x64xf32>
    %add3A_744 = arith.addf %get3A_740, %get3A_743 : vector<50x64xf32>
    %swap3A_745 = arith.constant 57 : index
    %swap3A_746 = arith.constant 0 : index
    %swap3A_747 = arith.constant 0 : index
    %swap3A_748 = vector.load %arg3[%swap3A_745, %swap3A_746, %swap3A_747] : memref<64x50x64xf32, #tpu.memory_space<vmem>>, vector<1x50x64xf32>
    %swap3A_749 = vector.shape_cast %swap3A_748 : vector<1x50x64xf32> to vector<50x64xf32>
    %swap3A_750 = vector.shape_cast %add3A_744 : vector<50x64xf32> to vector<1x50x64xf32>
    tpu.vector_store %arg3[%swap3A_745, %swap3A_746, %swap3A_747], %swap3A_750 {strides = array<i32>} : memref<64x50x64xf32, #tpu.memory_space<vmem>>, vector<1x50x64xf32>,
    %get3A_751 = arith.constant 2900 : index
    %get3A_752 = arith.constant 0 : index
    %get3A_753 = vector.load %arg1[%get3A_751, %get3A_752] : memref<3200x128xf32, #tpu.memory_space<vmem>>, vector<50x64xf32>
    %get3A_754 = arith.constant 0 : index
    %get3A_755 = arith.constant 0 : index
    %get3A_756 = vector.load %arg2[%get3A_754, %get3A_755] : memref<50x128xf32, #tpu.memory_space<vmem>>, vector<50x64xf32>
    %add3A_757 = arith.addf %get3A_753, %get3A_756 : vector<50x64xf32>
    %swap3A_758 = arith.constant 58 : index
    %swap3A_759 = arith.constant 0 : index
    %swap3A_760 = arith.constant 0 : index
    %swap3A_761 = vector.load %arg3[%swap3A_758, %swap3A_759, %swap3A_760] : memref<64x50x64xf32, #tpu.memory_space<vmem>>, vector<1x50x64xf32>
    %swap3A_762 = vector.shape_cast %swap3A_761 : vector<1x50x64xf32> to vector<50x64xf32>
    %swap3A_763 = vector.shape_cast %add3A_757 : vector<50x64xf32> to vector<1x50x64xf32>
    tpu.vector_store %arg3[%swap3A_758, %swap3A_759, %swap3A_760], %swap3A_763 {strides = array<i32>} : memref<64x50x64xf32, #tpu.memory_space<vmem>>, vector<1x50x64xf32>,
    %get3A_764 = arith.constant 2950 : index
    %get3A_765 = arith.constant 0 : index
    %get3A_766 = vector.load %arg1[%get3A_764, %get3A_765] : memref<3200x128xf32, #tpu.memory_space<vmem>>, vector<50x64xf32>
    %get3A_767 = arith.constant 0 : index
    %get3A_768 = arith.constant 0 : index
    %get3A_769 = vector.load %arg2[%get3A_767, %get3A_768] : memref<50x128xf32, #tpu.memory_space<vmem>>, vector<50x64xf32>
    %add3A_770 = arith.addf %get3A_766, %get3A_769 : vector<50x64xf32>
    %swap3A_771 = arith.constant 59 : index
    %swap3A_772 = arith.constant 0 : index
    %swap3A_773 = arith.constant 0 : index
    %swap3A_774 = vector.load %arg3[%swap3A_771, %swap3A_772, %swap3A_773] : memref<64x50x64xf32, #tpu.memory_space<vmem>>, vector<1x50x64xf32>
    %swap3A_775 = vector.shape_cast %swap3A_774 : vector<1x50x64xf32> to vector<50x64xf32>
    %swap3A_776 = vector.shape_cast %add3A_770 : vector<50x64xf32> to vector<1x50x64xf32>
    tpu.vector_store %arg3[%swap3A_771, %swap3A_772, %swap3A_773], %swap3A_776 {strides = array<i32>} : memref<64x50x64xf32, #tpu.memory_space<vmem>>, vector<1x50x64xf32>,
    %get3A_777 = arith.constant 3000 : index
    %get3A_778 = arith.constant 0 : index
    %get3A_779 = vector.load %arg1[%get3A_777, %get3A_778] : memref<3200x128xf32, #tpu.memory_space<vmem>>, vector<50x64xf32>
    %get3A_780 = arith.constant 0 : index
    %get3A_781 = arith.constant 0 : index
    %get3A_782 = vector.load %arg2[%get3A_780, %get3A_781] : memref<50x128xf32, #tpu.memory_space<vmem>>, vector<50x64xf32>
    %add3A_783 = arith.addf %get3A_779, %get3A_782 : vector<50x64xf32>
    %swap3A_784 = arith.constant 60 : index
    %swap3A_785 = arith.constant 0 : index
    %swap3A_786 = arith.constant 0 : index
    %swap3A_787 = vector.load %arg3[%swap3A_784, %swap3A_785, %swap3A_786] : memref<64x50x64xf32, #tpu.memory_space<vmem>>, vector<1x50x64xf32>
    %swap3A_788 = vector.shape_cast %swap3A_787 : vector<1x50x64xf32> to vector<50x64xf32>
    %swap3A_789 = vector.shape_cast %add3A_783 : vector<50x64xf32> to vector<1x50x64xf32>
    tpu.vector_store %arg3[%swap3A_784, %swap3A_785, %swap3A_786], %swap3A_789 {strides = array<i32>} : memref<64x50x64xf32, #tpu.memory_space<vmem>>, vector<1x50x64xf32>,
    %get3A_790 = arith.constant 3050 : index
    %get3A_791 = arith.constant 0 : index
    %get3A_792 = vector.load %arg1[%get3A_790, %get3A_791] : memref<3200x128xf32, #tpu.memory_space<vmem>>, vector<50x64xf32>
    %get3A_793 = arith.constant 0 : index
    %get3A_794 = arith.constant 0 : index
    %get3A_795 = vector.load %arg2[%get3A_793, %get3A_794] : memref<50x128xf32, #tpu.memory_space<vmem>>, vector<50x64xf32>
    %add3A_796 = arith.addf %get3A_792, %get3A_795 : vector<50x64xf32>
    %swap3A_797 = arith.constant 61 : index
    %swap3A_798 = arith.constant 0 : index
    %swap3A_799 = arith.constant 0 : index
    %swap3A_800 = vector.load %arg3[%swap3A_797, %swap3A_798, %swap3A_799] : memref<64x50x64xf32, #tpu.memory_space<vmem>>, vector<1x50x64xf32>
    %swap3A_801 = vector.shape_cast %swap3A_800 : vector<1x50x64xf32> to vector<50x64xf32>
    %swap3A_802 = vector.shape_cast %add3A_796 : vector<50x64xf32> to vector<1x50x64xf32>
    tpu.vector_store %arg3[%swap3A_797, %swap3A_798, %swap3A_799], %swap3A_802 {strides = array<i32>} : memref<64x50x64xf32, #tpu.memory_space<vmem>>, vector<1x50x64xf32>,
    %get3A_803 = arith.constant 3100 : index
    %get3A_804 = arith.constant 0 : index
    %get3A_805 = vector.load %arg1[%get3A_803, %get3A_804] : memref<3200x128xf32, #tpu.memory_space<vmem>>, vector<50x64xf32>
    %get3A_806 = arith.constant 0 : index
    %get3A_807 = arith.constant 0 : index
    %get3A_808 = vector.load %arg2[%get3A_806, %get3A_807] : memref<50x128xf32, #tpu.memory_space<vmem>>, vector<50x64xf32>
    %add3A_809 = arith.addf %get3A_805, %get3A_808 : vector<50x64xf32>
    %swap3A_810 = arith.constant 62 : index
    %swap3A_811 = arith.constant 0 : index
    %swap3A_812 = arith.constant 0 : index
    %swap3A_813 = vector.load %arg3[%swap3A_810, %swap3A_811, %swap3A_812] : memref<64x50x64xf32, #tpu.memory_space<vmem>>, vector<1x50x64xf32>
    %swap3A_814 = vector.shape_cast %swap3A_813 : vector<1x50x64xf32> to vector<50x64xf32>
    %swap3A_815 = vector.shape_cast %add3A_809 : vector<50x64xf32> to vector<1x50x64xf32>
    tpu.vector_store %arg3[%swap3A_810, %swap3A_811, %swap3A_812], %swap3A_815 {strides = array<i32>} : memref<64x50x64xf32, #tpu.memory_space<vmem>>, vector<1x50x64xf32>,
    %get3A_816 = arith.constant 3150 : index
    %get3A_817 = arith.constant 0 : index
    %get3A_818 = vector.load %arg1[%get3A_816, %get3A_817] : memref<3200x128xf32, #tpu.memory_space<vmem>>, vector<50x64xf32>
    %get3A_819 = arith.constant 0 : index
    %get3A_820 = arith.constant 0 : index
    %get3A_821 = vector.load %arg2[%get3A_819, %get3A_820] : memref<50x128xf32, #tpu.memory_space<vmem>>, vector<50x64xf32>
    %add3A_822 = arith.addf %get3A_818, %get3A_821 : vector<50x64xf32>
    %swap3A_823 = arith.constant 63 : index
    %swap3A_824 = arith.constant 0 : index
    %swap3A_825 = arith.constant 0 : index
    %swap3A_826 = vector.load %arg3[%swap3A_823, %swap3A_824, %swap3A_825] : memref<64x50x64xf32, #tpu.memory_space<vmem>>, vector<1x50x64xf32>
    %swap3A_827 = vector.shape_cast %swap3A_826 : vector<1x50x64xf32> to vector<50x64xf32>
    %swap3A_828 = vector.shape_cast %add3A_822 : vector<50x64xf32> to vector<1x50x64xf32>
    tpu.vector_store %arg3[%swap3A_823, %swap3A_824, %swap3A_825], %swap3A_828 {strides = array<i32>} : memref<64x50x64xf32, #tpu.memory_space<vmem>>, vector<1x50x64xf32>,
    return
  }
  func.func @transform_0(%arg0: i32) -> (i32, i32) {
    %c0_i32 = arith.constant 0 : i32
    %c0_i32_0 = arith.constant 0 : i32
    return %arg0, %c0_i32 : i32, i32
  }
  func.func @transform_1(%arg0: i32) -> (i32, i32) {
    %c0_i32 = arith.constant 0 : i32
    %c0_i32_0 = arith.constant 0 : i32
    %c0_i32_1 = arith.constant 0 : i32
    return %c0_i32, %c0_i32_0 : i32, i32
  }
  func.func @transform_2(%arg0: i32) -> (i32, i32, i32) {
    %c0_i32 = arith.constant 0 : i32
    %c0_i32_0 = arith.constant 0 : i32
    %c0_i32_1 = arith.constant 0 : i32
    return %arg0, %c0_i32, %c0_i32_0 : i32, i32, i32
  }
}

</mosaic_0001>

<sc_bundles>
// kernel: kernel.4.cloned.1.call-start
scs
__scs_entry_jumppad:
0x0: {  	(pc) =	sbr.rel $0x88, $3  }
0x1: {  	(tag) =	ssettag $0x0;
	lr =	simm.s32 $0x1  }
0x2: {  	[smem:$0x3F9E] =	sst lr;
	_ =	strace $0xD0000000  }
0x3: {  	_ = 	snop  }
0x4: {  	_ = 	snop  }
0x5: {  	_ = 	snop  }
0x6: {  	_ = 	snop  }
0x7: {  	_ = 	snop  }
__scs_overlays_trampoline_lowered:
0x8: {  	[smem:$0x3FAD] =	sst s0  }
0x9: {  	[smem:$0x3FAE] =	sst s1  }
0xa: {  	[smem:$0x3FAF] =	sst s2  }
0xb: {  	[smem:$0x3FB0] =	sst s3  }
0xc: {  	[smem:$0x3FB1] =	sst s4  }
0xd: {  	[smem:$0x3FB2] =	sst s5  }
0xe: {  	[smem:$0x3FB3] =	sst s6  }
0xf: {  	[smem:$0x3FB4] =	sst s7  }
0x10: {  	[smem:$0x3FB5] =	sst s8  }
0x11: {  	[smem:$0x3FB6] =	sst s9;
	s0 =	simm.s32 @!p0 $0x0  }
0x12: {  	s1 =	sld [smem:$0x3F9C];
	s0 =	simm.s32 @p0 $0x1  }
0x13: {  	[smem:$0x3FB7] =	sst s0;
	s0 =	simm.s32 @!p1 $0x0  }
0x14: {  	s2 =	sld [smem:$0x3F9B];
	s0 =	simm.s32 @p1 $0x1  }
0x15: {  	[smem:$0x3FB8] =	sst s0;
	s0 =	simm.s32 @!p2 $0x0  }
0x16: {  	s3 =	sld [smem:$0x3FDB];
	s0 =	simm.s32 @p2 $0x1  }
0x17: {  	s4 =	simm.s32 $0x1BF5;
	[smem:$0x3FBA] =	sst s0  }
0x18: {  	s0 =	sld [smem:$0x3F9D];
	_ =	swait.ge [sflag:s4], $0x0  }
0x19: {  	s7 =	sld [smem:$0x3F9E]  }
0x1a: {  	s8 =	sadd.s32 $0xFFFFE003, lr  }
0x1b: {  	s9 =	sadd.s32 $0xFFFFFEF7, lr;
	s5 =	simm.s32 $0xFFFFFFFF;
	p2 =	slt.u32 s8, $0xFFFFF086  }
0x1c: {  	p1 =	slt.u32 s9, $0xF7A;
	s5 =	simm.s32 @!p2 $0x0  }
0x1d: {  	s5 =	simm.s32 @p1 $0x1;
	p0 =	seq.s32 s7, s2  }
0x1e: {  	s7 =	smul.u32 @!p0 $0xF7A, s2;
	p2 =	seq.s32 @!p0 s5, $0x0  }
0x1f: {  	s9 =	smul.u32 $0xF7A, s1;
	s8 =	simm.s32 @!p0 $0x1BF5;
	p2 =	por !p2, p0  }
0x20: {  	[sflag:s8] =	ssyncset.s32 @!p0 $0xFFFFF086;
	s6 =	sadd.s32 @!p0 s3, s7;
	s7 =	simm.s32 @!p0 $0x108  }
0x21: {  	s3 =	sadd.s32 s3, s9;
	s6 =	sadd.s32 @!p0 $0x88, s6;
	s7 =	simm.s32 @p2 $0x1082  }
0x22: {  	[simem:s7], [sflag:s8] =	dma.local @!p0 [hbm:s6], $0xF7A  }
0x23: {  	s9 =	sor.u32 $0xD0000000, s2;
	s6 =	simm.s32 $0x108;
	_ =	swait.ge @!p0 [sflag:s8], $0x0  }
0x24: {  	s3 =	sadd.s32 $0x88, s3;
	s6 =	simm.s32 @!p1 $0x1082;
	[sflag:s4] =	ssyncset.s32 $0xFFFFF086  }
0x25: {  	[simem:s6], [sflag:s4] =	dma.local [hbm:s3], $0xF7A  }
0x26: {  	[smem:$0x3F9E] =	sst s1;
	(tag) =	ssettag s2;
	_ =	strace s9  }
0x27: {  	s1 =	sld [smem:$0x3FAE]  }
0x28: {  	s2 =	sld [smem:$0x3FAF]  }
0x29: {  	s4 =	sld [smem:$0x3FB1]  }
0x2a: {  	p0 =	seq.s32 s5, $0x0;
	s5 =	sld [smem:$0x3FB2]  }
0x2b: {  	s6 =	sld [smem:$0x3FB3]  }
0x2c: {  	s7 =	sld [smem:$0x3FB4]  }
0x2d: {  	s3 =	simm.s32 $0x108;
	s8 =	sld [smem:$0x3FB5]  }
0x2e: {  	s3 =	simm.s32 @!p0 $0x1082;
	s9 =	sld [smem:$0x3FB6]  }
0x2f: {  	lr =	sadd.s32 s0, s3;
	s0 =	sld [smem:$0x3FAD]  }
0x30: {  	s3 =	sld [smem:$0x3FB0]  }
0x31: {  	[smem:$0x3FB9] =	sst s10  }
0x32: {  	s10 =	sld [smem:$0x3FB7];
	_ =	sdelay $0x3  }
0x33: {  	p0 =	seq.s32 s10, $0x1;
	s10 =	sld [smem:$0x3FB9];
	_ =	sdelay $0x3  }
0x34: {  	[smem:$0x3FB9] =	sst s10  }
0x35: {  	s10 =	sld [smem:$0x3FB8];
	_ =	sdelay $0x3  }
0x36: {  	p1 =	seq.s32 s10, $0x1;
	s10 =	sld [smem:$0x3FB9];
	_ =	sdelay $0x3  }
0x37: {  	[smem:$0x3FB9] =	sst s10  }
0x38: {  	s10 =	sld [smem:$0x3FBA]  }
0x39: {  	_ = 	snop;
	(pc) =	sbr.ind lr, $3  }
0x3a: {  	_ = 	snop  }
0x3b: {  	_ = 	snop  }
0x3c: {  	p2 =	seq.s32 s10, $0x1;
	s10 =	sld [smem:$0x3FB9]  }
0x3d: {  	_ =	shalt  }
0x3e: {  	_ =	shalt  }
0x3f: {  	_ =	shalt  }
0x40: {  	_ =	shalt  }
0x41: {  	_ =	shalt  }
0x42: {  	_ =	shalt  }
0x43: {  	_ =	shalt  }
0x44: {  	_ =	shalt  }
0x45: {  	_ =	shalt  }
0x46: {  	_ =	shalt  }
0x47: {  	_ =	shalt  }
0x48: {  	_ =	shalt  }
0x49: {  	_ =	shalt  }
0x4a: {  	_ =	shalt  }
0x4b: {  	_ =	shalt  }
0x4c: {  	_ =	shalt  }
0x4d: {  	_ =	shalt  }
0x4e: {  	_ =	shalt  }
0x4f: {  	_ =	shalt  }
0x50: {  	_ =	shalt  }
0x51: {  	_ =	shalt  }
0x52: {  	_ =	shalt  }
0x53: {  	_ =	shalt  }
0x54: {  	_ =	shalt  }
0x55: {  	_ =	shalt  }
0x56: {  	_ =	shalt  }
0x57: {  	_ =	shalt  }
0x58: {  	_ =	shalt  }
0x59: {  	_ =	shalt  }
0x5a: {  	_ =	shalt  }
0x5b: {  	_ =	shalt  }
0x5c: {  	_ =	shalt  }
0x5d: {  	_ =	shalt  }
0x5e: {  	_ =	shalt  }
0x5f: {  	_ =	shalt  }
0x60: {  	_ =	shalt  }
0x61: {  	_ =	shalt  }
0x62: {  	_ =	shalt  }
0x63: {  	_ =	shalt  }
0x64: {  	_ =	shalt  }
0x65: {  	_ =	shalt  }
0x66: {  	_ =	shalt  }
0x67: {  	_ =	shalt  }
0x68: {  	_ =	shalt  }
0x69: {  	_ =	shalt  }
0x6a: {  	_ =	shalt  }
0x6b: {  	_ =	shalt  }
0x6c: {  	_ =	shalt  }
0x6d: {  	_ =	shalt  }
0x6e: {  	_ =	shalt  }
0x6f: {  	_ =	shalt  }
0x70: {  	_ =	shalt  }
0x71: {  	_ =	shalt  }
0x72: {  	_ =	shalt  }
0x73: {  	_ =	shalt  }
0x74: {  	_ =	shalt  }
0x75: {  	_ =	shalt  }
0x76: {  	_ =	shalt  }
0x77: {  	_ =	shalt  }
0x78: {  	_ =	shalt  }
0x79: {  	_ =	shalt  }
0x7a: {  	_ =	shalt  }
0x7b: {  	_ =	shalt  }
0x7c: {  	_ =	shalt  }
0x7d: {  	_ =	shalt  }
0x7e: {  	_ =	shalt  }
0x7f: {  	_ =	shalt  }
0x80: {  	_ =	shalt  }
0x81: {  	_ =	shalt  }
0x82: {  	_ =	shalt  }
0x83: {  	_ =	shalt  }
0x84: {  	_ =	shalt  }
0x85: {  	_ =	shalt  }
0x86: {  	_ =	shalt  }
0x87: {  	_ =	shalt  }
.Lfunc_end0:
.L_simem_size_0:
called_computation_lowered:
.L_overlay_start_0:
0x88: {  	s2 =	sld [smem:$0x3FD9]  }
0x89: {  	s3 =	sld [smem:$0x3FFE];
	_ =	sdelay $0x1  }
0x8a: {  	s1 =	srdreg.scid  }
0x8b: {  	s0 =	sand.u32 $0x1, s1  }
0x8c: {  	s17 =	sshll.u32 s0, $0xA;
	s2 =	sadd.s32 s3, s2  }
0x8d: {  	s2 =	sadd.s32 s2, s17  }
0x8e: {  	[smem:$0x3FC5] =	sst s2  }
0x8f: {  	_ = 	snop  }
0x90: {  	s2 =	sld [smem:$0x3FD0];
	(tm) =	ssettm $0x1  }
0x91: {  	s18 =	sld [smem:$0x3FFB];
	_ =	sdelay $0x3  }
0x92: {  	_ =	strace s18  }
0x93: {  	s3 =	sld [smem:$0x3FFC];
	_ =	sdelay $0x3  }
0x94: {  	_ =	strace s3  }
0x95: {  	s3 =	sld [smem:$0x3FFD];
	_ =	sdelay $0x3  }
0x96: {  	_ =	strace s3  }
0x97: {  	_ =	strace $0x8FFFFFFF  }
0x98: {  	s19 =	sld [smem:$0x3FDB];
	_ =	sdelay $0x1  }
0x99: {  	s4 =	simm.s32 $_scs_section_size  }
0x9a: {  	s5 =	simm.s32 $_size__tile_overlayer_lowered;
	s6 =	simm.s32 $_tile_overlayer_lowered  }
0x9b: {  	s22 =	simm.s32 $0x1BFF;
	s21 =	sshll.u32 s6, $0x1;
	s3 =	sadd.s32 s4, s19  }
0x9c: {  	s7 =	simm.s32 $0x0;
	s20 =	sshll.u32 s5, $0x1;
	s5 =	sadd.s32 s21, s3  }
0x9d: {  	[timem:s7], [sflag:s22] =	dma.local [hbm:s5], s20  }
0x9e: {  	_ =	swait.ge [sflag:s22], s20  }
0x9f: {  	s4 =	ssub.s32 $0x0, s20;
	[sflag:s22] =	ssyncset.done $0x0  }
0xa0: {  	[sflag:s22] =	ssyncadd.s32 s4;
	_ =	sdelay $0x1  }
0xa1: {  	s23 =	simm.s32 $0x1B8B  }
0xa2: {  	_ =	swait.ge [sflag:s23], $0x1  }
0xa3: {  	[sflag:s23] =	ssyncset.done $0x0  }
0xa4: {  	s25 =	simm.s32 $0x1B8E;
	s24 =	sld [smem:$0x3FFE];
	[sflag:s23] =	ssyncadd.s32 $0xFFFFFFFF  }
0xa5: {  	s26 =	simm.s32 $execute0_lowered;
	[smem:$0x3FD2] =	sst s25  }
0xa6: {  	s5 =	sshll.u32 s26, $0x1;
	_ =	strace $0x80000046;
	[dreg:$0x1] =	wrdreg $0xFFFFFFFF  }
0xa7: {  	s28 =	simm.s32 $_size_execute0_lowered;
	s3 =	sadd.s32 s3, s5;
	[dreg:$0x0] =	wrdreg $0x0  }
0xa8: {  	s5 =	sshll.u32 s28, $0x1;
	[dreg:$0x2] =	wrdreg s3  }
0xa9: {  	[dreg:$0x3] =	wrdreg s5  }
0xaa: {  	[dreg:$0x4] =	wrdreg $0xC0  }
0xab: {  	_ =	task [dreg:s7], $0x5FFFF  }
0xac: {  	[dreg:$0x1] =	wrdreg $0xFFFFFFFF  }
0xad: {  	[dreg:$0x0] =	wrdreg $0x60  }
0xae: {  	[dreg:$0x2] =	wrdreg s2  }
0xaf: {  	[dreg:$0x3] =	wrdreg s24  }
0xb0: {  	[dreg:$0x4] =	wrdreg $0x9  }
0xb1: {  	_ =	task.clear_ibuf [dreg:s7], $0x5FFFF;
	_ =	strace $0x90000046  }
0xb2: {  	s29 =	simm.s32 $0x9;
	_ =	strace $0x80000048  }
0xb3: {  	_ =	swait.ge [sflag:s29], $0x1  }
0xb4: {  	[sflag:s29] =	ssyncadd.s32 $0xFFFFFFFF  }
0xb5: {  	_ =	strace $0x90000048  }
0xb6: {  	_ =	sfence  }
0xb7: {  	s30 =	sld [smem:$0x0];
	_ =	sdelay $0x2  }
0xb8: {  	s31 =	sshll.u32 s1, $0xD;
	s1 =	sshrl.u32 s1, $0x2  }
0xb9: {  	s3 =	sand.u32 $0x4000, s31;
	s1 =	sadd.s32 s1, s30  }
0xba: {  	s0 =	sor.u32 s3, s0;
	s1 =	sshll.u32 s1, $0x11  }
0xbb: {  	s0 =	sor.u32 s1, s0  }
0xbc: {  	s0 =	sadd.s32 $0x8F2B, s0  }
0xbd: {  	[sflag:s0] =	ssyncadd.remote.s32 $0x1  }
0xbe: {  	_ =	sfence.sel $0xFFFF  }
0xbf: {  	[dreg:$0x0] =	wrdreg $0xFFFFFFFF;
	(pc) =	sbr.abs _section_cstart, $3  }
0xc0: {  	[dreg:$0x1] =	wrdreg $0xFFFFFFFF  }
0xc1: {  	_ =	task.clear_ibuf [dreg:s7], $0x2FFFF;
	_ =	strace $0x9FFFFFFF  }
0xc2: {  	(tm) =	ssettm $0x7FFFFFFF  }
0xc3: {  	_ =	shalt  }
tec
execute0_lowered:
.L_overlay_start_1:
0x0: {  	(tag) =	ssettag $0x1  }
0x1: {  	s0 =	srdreg.scid;
	s1 =	stileid.u32  }
0x2: {  	s5 =	sand.u32 $0x1, s0;
	s24 =	sshll.u32 s1, $0x1  }
0x3: {  	s0 =	sor.u32 s5, s24  }
0x4: {  	s25 =	rddreg [dreg:$0x0];
	s4 =	smul.u32 $0x320, s0  }
0x5: {  	s3 =	rddreg [dreg:$0x1];
	s2 =	simm.s32 $0x0;
	s6 =	smul.u32 $0x19000, s0  }
0x6: {  	[smem:$0x7FF] =	sst s2;
	s7 =	smul.u32 $0x1900, s0  }
0x7: {  	s8 =	sadd.s32 $0x800, s3;
	_ =	strace $0x80000047;
	s0 =	smul.u32 $0xC8000, s0  }
0x8: {  	s4 =	sadd.s32 s25, s4;
	s26 =	sshrl.u32 s7, $0x3;
	s6 =	sadd.s32 s8, s6  }
0x9: {  	s0 =	sshrl.u32 s0, $0x3;
	[dreg:$0x3] =	wrdreg s4;
	s1 =	sadd.s32 s25, s26  }
0xa: {  	[dreg:$0x4] =	wrdreg s6;
	s4 =	sadd.s32 s8, s0;
	s7 =	sadd.s32 $0x20, s1  }
0xb: {  	s0 =	sadd.s32 $0x1000, s4;
	[dreg:$0x5] =	wrdreg s7  }
0xc: {  	s9 =	sadd.s32 $0x40, s1;
	[dreg:$0x6] =	wrdreg s0  }
0xd: {  	s10 =	sadd.s32 $0x2000, s4;
	[dreg:$0x7] =	wrdreg s9  }
0xe: {  	s11 =	sadd.s32 $0x60, s1;
	[dreg:$0x8] =	wrdreg s10  }
0xf: {  	s12 =	sadd.s32 $0x3000, s4;
	[dreg:$0x9] =	wrdreg s11  }
0x10: {  	s13 =	sadd.s32 $0x80, s1;
	[dreg:$0xa] =	wrdreg s12  }
0x11: {  	s14 =	sadd.s32 $0x4000, s4;
	[dreg:$0xb] =	wrdreg s13  }
0x12: {  	s15 =	sadd.s32 $0xA0, s1;
	[dreg:$0xc] =	wrdreg s14  }
0x13: {  	s16 =	sadd.s32 $0x5000, s4;
	[dreg:$0xd] =	wrdreg s15  }
0x14: {  	s17 =	sadd.s32 $0xC0, s1;
	[dreg:$0xe] =	wrdreg s16  }
0x15: {  	s18 =	sadd.s32 $0x6000, s4;
	[dreg:$0xf] =	wrdreg s17  }
0x16: {  	s19 =	sadd.s32 $0xE0, s1;
	[dreg:$0x10] =	wrdreg s18  }
0x17: {  	s20 =	sadd.s32 $0x7000, s4;
	[dreg:$0x11] =	wrdreg s19  }
0x18: {  	s21 =	sadd.s32 $0x100, s1;
	[dreg:$0x12] =	wrdreg s20  }
0x19: {  	p0 =	por $0x0, $0x0;
	s22 =	sadd.s32 $0x8000, s4;
	[dreg:$0x13] =	wrdreg s21  }
0x1a: {  	s3 =	sadd.s32 $0xF42C00, s3;
	s23 =	sadd.s32 $0x120, s1;
	[dreg:$0x14] =	wrdreg s22  }
0x1b: {  	s5 =	ssub.s32 $0x2, s5;
	s24 =	sadd.s32 $0x9000, s4;
	[dreg:$0x15] =	wrdreg s23  }
0x1c: {  	s25 =	sadd.s32 $0x140, s1;
	s26 =	sadd.s32 $0xA000, s4;
	[dreg:$0x16] =	wrdreg s24  }
0x1d: {  	s6 =	sadd.s32 $0x160, s1;
	s8 =	sadd.s32 $0x180, s1;
	[dreg:$0x17] =	wrdreg s25  }
0x1e: {  	s31 =	sadd.s32 $0x220, s1;
	s30 =	sadd.s32 $0x11000, s4;
	[dreg:$0x18] =	wrdreg s26  }
0x1f: {  	s29 =	sadd.s32 $0x240, s1;
	s28 =	sadd.s32 $0x12000, s4;
	[dreg:$0x19] =	wrdreg s6  }
0x20: {  	s7 =	sadd.s32 $0xB000, s4;
	[dreg:$0x1b] =	wrdreg s8;
	s9 =	sadd.s32 $0xC000, s4  }
0x21: {  	s10 =	sadd.s32 $0x1A0, s1;
	s11 =	sadd.s32 $0xD000, s4;
	s0 =	rddreg [dreg:$0x3]  }
0x22: {  	s12 =	sadd.s32 $0x1C0, s1;
	s13 =	sadd.s32 $0xE000, s4;
	[dreg:$0x1a] =	wrdreg s7  }
0x23: {  	s14 =	sadd.s32 $0x1E0, s1;
	s15 =	sadd.s32 $0xF000, s4;
	[dreg:$0x1c] =	wrdreg s9  }
0x24: {  	s16 =	sshrl.u32 s5, $0x1;
	s17 =	sadd.s32 $0x200, s1;
	[dreg:$0x1d] =	wrdreg s10  }
0x25: {  	s18 =	sadd.s32 $0x10000, s4;
	s26 =	sadd.s32 $0x260, s1;
	[dreg:$0x1e] =	wrdreg s11  }
0x26: {  	s25 =	sadd.s32 $0x13000, s4;
	s24 =	sadd.s32 $0x280, s1;
	[dreg:$0x1f] =	wrdreg s12  }
0x27: {  	s23 =	sadd.s32 $0x14000, s4;
	s22 =	sadd.s32 $0x2A0, s1;
	[smem:$0x7F9] =	sst s13  }
0x28: {  	s21 =	sadd.s32 $0x15000, s4;
	s20 =	sadd.s32 $0x2C0, s1;
	[smem:$0x7FA] =	sst s14  }
0x29: {  	s8 =	simm.s32 $0x80;
	[smem:$0x7FB] =	sst s15;
	s5 =	ssub.s32 s5, s16  }
0x2a: {  	s6 =	simm.s32 $0x1;
	[smem:$0x7FC] =	sst s17;
	s19 =	smax.u32 s5, $0x1  }
0x2b: {  	[smem:$0x7FD] =	sst s18;
	s16 =	sadd.s32 $0x16000, s4;
	p1 =	sne.s32 s19, $0x1  }
.Ltmp0:
0x2c: {  	s14 =	sadd.s32 $0x2E0, s1;
	s13 =	sadd.s32 $0x17000, s4;
	(pc) =	sbr.rel @!p1 .LBB2_3-.Ltmp0, $4  }
0x2d: {  	s9 =	sadd.s32 $0x300, s1;
	s4 =	sadd.s32 $0x18000, s4;
	s10 =	simm.s32 $0x4  }
0x2e: {  	s12 =	simm.s32 $0x4200;
	s17 =	simm.s32 $0x100;
	s15 =	simm.s32 $0x8200  }
0x2f: {  	s18 =	simm.s32 $0x180;
	s11 =	simm.s32 $0x2;
	s7 =	simm.s32 $0x3  }
0x30: {  	s5 =	simm.s32 $0x200;
	s1 =	sadd.s32 $0xFFFFFFFF, s19;
	s19 =	simm.s32 $0xC200  }
0x31: {  	[tilespmem:s2], [sflag:$0x4] =	stream.linear.gather [hbm4b:s0+s2], $0x100, $0x38;
	[tilespmem:$0x10200] =	vst v63  }
0x32: {  	_ =	swait.ge [sflag:s10], $0x100  }
0x33: {  	[sflag:s10] =	ssyncset.done $0x0  }
0x34: {  	[sflag:s10] =	ssyncadd.s32 $0xFFFFFF00  }
0x35: {  	[tilespmem:s5], [sflag:$0x1] =	stream.indirect.gather [hbm4b:s3+s8], $0x80, s2, s8, $0xb8;
	[tilespmem:$0x10200] =	vst v63  }
0x36: {  	_ = 	snop  }
0x37: {  	[tilespmem:s12], [sflag:$0x1] =	stream.indirect.gather [hbm4b:s3+s8], $0x80, s8, s8, $0xb8;
	[tilespmem:$0x10200] =	vst v63  }
0x38: {  	_ =	swait.ge [sflag:s6], $0x4000  }
0x39: {  	[sflag:s6] =	ssyncset.done $0x0  }
0x3a: {  	[sflag:s6] =	ssyncadd.s32 $0xFFFFC000  }
0x3b: {  	_ =	swait.ge [sflag:s6], $0x4000  }
0x3c: {  	s0 =	rddreg [dreg:$0x4];
	[sflag:s6] =	ssyncset.done $0x0  }
0x3d: {  	[smem:$0x7F8] =	sst s1;
	[sflag:s6] =	ssyncadd.s32 $0xFFFFC000  }
0x3e: {  	[hbm4b:s0+s2] =	stream.linear.scatter [tilespmem:s5], [sflag:$0x2], $0x8000, $0x38;
	[tilespmem:$0x10200] =	vst v63  }
0x3f: {  	s1 =	rddreg [dreg:$0x5]  }
0x40: {  	[tilespmem:s17], [sflag:$0x4] =	stream.linear.gather [hbm4b:s1+s2], $0x100, $0x38;
	[tilespmem:$0x10200] =	vst v63  }
0x41: {  	_ =	swait.ge [sflag:s10], $0x100  }
0x42: {  	[sflag:s10] =	ssyncset.done $0x0  }
0x43: {  	[sflag:s10] =	ssyncadd.s32 $0xFFFFFF00  }
0x44: {  	[tilespmem:s15], [sflag:$0x1] =	stream.indirect.gather [hbm4b:s3+s8], $0x80, s17, s8, $0xb8;
	[tilespmem:$0x10200] =	vst v63  }
0x45: {  	_ = 	snop  }
0x46: {  	[tilespmem:s19], [sflag:$0x1] =	stream.indirect.gather [hbm4b:s3+s8], $0x80, s18, s8, $0xb8;
	[tilespmem:$0x10200] =	vst v63  }
0x47: {  	_ =	swait.ge [sflag:s6], $0x4000  }
0x48: {  	[sflag:s6] =	ssyncset.done $0x0  }
0x49: {  	[sflag:s6] =	ssyncadd.s32 $0xFFFFC000  }
0x4a: {  	_ =	swait.ge [sflag:s6], $0x4000  }
0x4b: {  	[sflag:s6] =	ssyncset.done $0x0  }
0x4c: {  	s1 =	rddreg [dreg:$0x6];
	[sflag:s6] =	ssyncadd.s32 $0xFFFFC000  }
0x4d: {  	[hbm4b:s1+s2] =	stream.linear.scatter [tilespmem:s15], [sflag:$0x3], $0x8000, $0x38;
	[tilespmem:$0x10200] =	vst v63  }
0x4e: {  	_ =	swait.ge [sflag:s11], $0x8000  }
0x4f: {  	[sflag:s11] =	ssyncset.done $0x0  }
0x50: {  	s1 =	rddreg [dreg:$0x7];
	[sflag:s11] =	ssyncadd.s32 $0xFFFF8000  }
0x51: {  	[tilespmem:s2], [sflag:$0x4] =	stream.linear.gather [hbm4b:s1+s2], $0x100, $0x38;
	[tilespmem:$0x10200] =	vst v63  }
0x52: {  	_ =	swait.ge [sflag:s10], $0x100  }
0x53: {  	[sflag:s10] =	ssyncset.done $0x0  }
0x54: {  	[sflag:s10] =	ssyncadd.s32 $0xFFFFFF00  }
0x55: {  	[tilespmem:s5], [sflag:$0x1] =	stream.indirect.gather [hbm4b:s3+s8], $0x80, s2, s8, $0xb8;
	[tilespmem:$0x10200] =	vst v63  }
0x56: {  	_ = 	snop  }
0x57: {  	[tilespmem:s12], [sflag:$0x1] =	stream.indirect.gather [hbm4b:s3+s8], $0x80, s8, s8, $0xb8;
	[tilespmem:$0x10200] =	vst v63  }
0x58: {  	_ =	swait.ge [sflag:s6], $0x4000  }
0x59: {  	[sflag:s6] =	ssyncset.done $0x0  }
0x5a: {  	[sflag:s6] =	ssyncadd.s32 $0xFFFFC000  }
0x5b: {  	_ =	swait.ge [sflag:s6], $0x4000  }
0x5c: {  	[sflag:s6] =	ssyncset.done $0x0  }
0x5d: {  	s1 =	rddreg [dreg:$0x8];
	[sflag:s6] =	ssyncadd.s32 $0xFFFFC000  }
0x5e: {  	[hbm4b:s1+s2] =	stream.linear.scatter [tilespmem:s5], [sflag:$0x2], $0x8000, $0x38;
	[tilespmem:$0x10200] =	vst v63  }
0x5f: {  	_ =	swait.ge [sflag:s7], $0x8000  }
0x60: {  	[sflag:s7] =	ssyncset.done $0x0  }
0x61: {  	s1 =	rddreg [dreg:$0x9];
	[sflag:s7] =	ssyncadd.s32 $0xFFFF8000  }
0x62: {  	[tilespmem:s17], [sflag:$0x4] =	stream.linear.gather [hbm4b:s1+s2], $0x100, $0x38;
	[tilespmem:$0x10200] =	vst v63  }
0x63: {  	_ =	swait.ge [sflag:s10], $0x100  }
0x64: {  	[sflag:s10] =	ssyncset.done $0x0  }
0x65: {  	[sflag:s10] =	ssyncadd.s32 $0xFFFFFF00  }
0x66: {  	[tilespmem:s15], [sflag:$0x1] =	stream.indirect.gather [hbm4b:s3+s8], $0x80, s17, s8, $0xb8;
	[tilespmem:$0x10200] =	vst v63  }
0x67: {  	_ = 	snop  }
0x68: {  	[tilespmem:s19], [sflag:$0x1] =	stream.indirect.gather [hbm4b:s3+s8], $0x80, s18, s8, $0xb8;
	[tilespmem:$0x10200] =	vst v63  }
0x69: {  	_ =	swait.ge [sflag:s6], $0x4000  }
0x6a: {  	[sflag:s6] =	ssyncset.done $0x0  }
0x6b: {  	[sflag:s6] =	ssyncadd.s32 $0xFFFFC000  }
0x6c: {  	_ =	swait.ge [sflag:s6], $0x4000  }
0x6d: {  	[sflag:s6] =	ssyncset.done $0x0  }
0x6e: {  	s1 =	rddreg [dreg:$0xa];
	[sflag:s6] =	ssyncadd.s32 $0xFFFFC000  }
0x6f: {  	[hbm4b:s1+s2] =	stream.linear.scatter [tilespmem:s15], [sflag:$0x3], $0x8000, $0x38;
	[tilespmem:$0x10200] =	vst v63  }
0x70: {  	_ =	swait.ge [sflag:s11], $0x8000  }
0x71: {  	[sflag:s11] =	ssyncset.done $0x0  }
0x72: {  	s1 =	rddreg [dreg:$0xb];
	[sflag:s11] =	ssyncadd.s32 $0xFFFF8000  }
0x73: {  	[tilespmem:s2], [sflag:$0x4] =	stream.linear.gather [hbm4b:s1+s2], $0x100, $0x38;
	[tilespmem:$0x10200] =	vst v63  }
0x74: {  	_ =	swait.ge [sflag:s10], $0x100  }
0x75: {  	[sflag:s10] =	ssyncset.done $0x0  }
0x76: {  	[sflag:s10] =	ssyncadd.s32 $0xFFFFFF00  }
0x77: {  	[tilespmem:s5], [sflag:$0x1] =	stream.indirect.gather [hbm4b:s3+s8], $0x80, s2, s8, $0xb8;
	[tilespmem:$0x10200] =	vst v63  }
0x78: {  	_ = 	snop  }
0x79: {  	[tilespmem:s12], [sflag:$0x1] =	stream.indirect.gather [hbm4b:s3+s8], $0x80, s8, s8, $0xb8;
	[tilespmem:$0x10200] =	vst v63  }
0x7a: {  	_ =	swait.ge [sflag:s6], $0x4000  }
0x7b: {  	[sflag:s6] =	ssyncset.done $0x0  }
0x7c: {  	[sflag:s6] =	ssyncadd.s32 $0xFFFFC000  }
0x7d: {  	_ =	swait.ge [sflag:s6], $0x4000  }
0x7e: {  	[sflag:s6] =	ssyncset.done $0x0  }
0x7f: {  	s1 =	rddreg [dreg:$0xc];
	[sflag:s6] =	ssyncadd.s32 $0xFFFFC000  }
0x80: {  	[hbm4b:s1+s2] =	stream.linear.scatter [tilespmem:s5], [sflag:$0x2], $0x8000, $0x38;
	[tilespmem:$0x10200] =	vst v63  }
0x81: {  	_ =	swait.ge [sflag:s7], $0x8000  }
0x82: {  	[sflag:s7] =	ssyncset.done $0x0  }
0x83: {  	s1 =	rddreg [dreg:$0xd];
	[sflag:s7] =	ssyncadd.s32 $0xFFFF8000  }
0x84: {  	[tilespmem:s17], [sflag:$0x4] =	stream.linear.gather [hbm4b:s1+s2], $0x100, $0x38;
	[tilespmem:$0x10200] =	vst v63  }
0x85: {  	_ =	swait.ge [sflag:s10], $0x100  }
0x86: {  	[sflag:s10] =	ssyncset.done $0x0  }
0x87: {  	[sflag:s10] =	ssyncadd.s32 $0xFFFFFF00  }
0x88: {  	[tilespmem:s15], [sflag:$0x1] =	stream.indirect.gather [hbm4b:s3+s8], $0x80, s17, s8, $0xb8;
	[tilespmem:$0x10200] =	vst v63  }
0x89: {  	_ = 	snop  }
0x8a: {  	[tilespmem:s19], [sflag:$0x1] =	stream.indirect.gather [hbm4b:s3+s8], $0x80, s18, s8, $0xb8;
	[tilespmem:$0x10200] =	vst v63  }
0x8b: {  	_ =	swait.ge [sflag:s6], $0x4000  }
0x8c: {  	[sflag:s6] =	ssyncset.done $0x0  }
0x8d: {  	[sflag:s6] =	ssyncadd.s32 $0xFFFFC000  }
0x8e: {  	_ =	swait.ge [sflag:s6], $0x4000  }
0x8f: {  	[sflag:s6] =	ssyncset.done $0x0  }
0x90: {  	s1 =	rddreg [dreg:$0xe];
	[sflag:s6] =	ssyncadd.s32 $0xFFFFC000  }
0x91: {  	[hbm4b:s1+s2] =	stream.linear.scatter [tilespmem:s15], [sflag:$0x3], $0x8000, $0x38;
	[tilespmem:$0x10200] =	vst v63  }
0x92: {  	_ =	swait.ge [sflag:s11], $0x8000  }
0x93: {  	[sflag:s11] =	ssyncset.done $0x0  }
0x94: {  	s1 =	rddreg [dreg:$0xf];
	[sflag:s11] =	ssyncadd.s32 $0xFFFF8000  }
0x95: {  	[tilespmem:s2], [sflag:$0x4] =	stream.linear.gather [hbm4b:s1+s2], $0x100, $0x38;
	[tilespmem:$0x10200] =	vst v63  }
0x96: {  	_ =	swait.ge [sflag:s10], $0x100  }
0x97: {  	[sflag:s10] =	ssyncset.done $0x0  }
0x98: {  	[sflag:s10] =	ssyncadd.s32 $0xFFFFFF00  }
0x99: {  	[tilespmem:s5], [sflag:$0x1] =	stream.indirect.gather [hbm4b:s3+s8], $0x80, s2, s8, $0xb8;
	[tilespmem:$0x10200] =	vst v63  }
0x9a: {  	_ = 	snop  }
0x9b: {  	[tilespmem:s12], [sflag:$0x1] =	stream.indirect.gather [hbm4b:s3+s8], $0x80, s8, s8, $0xb8;
	[tilespmem:$0x10200] =	vst v63  }
0x9c: {  	_ =	swait.ge [sflag:s6], $0x4000  }
0x9d: {  	[sflag:s6] =	ssyncset.done $0x0  }
0x9e: {  	[sflag:s6] =	ssyncadd.s32 $0xFFFFC000  }
0x9f: {  	_ =	swait.ge [sflag:s6], $0x4000  }
0xa0: {  	[sflag:s6] =	ssyncset.done $0x0  }
0xa1: {  	s1 =	rddreg [dreg:$0x10];
	[sflag:s6] =	ssyncadd.s32 $0xFFFFC000  }
0xa2: {  	[hbm4b:s1+s2] =	stream.linear.scatter [tilespmem:s5], [sflag:$0x2], $0x8000, $0x38;
	[tilespmem:$0x10200] =	vst v63  }
0xa3: {  	_ =	swait.ge [sflag:s7], $0x8000  }
0xa4: {  	[sflag:s7] =	ssyncset.done $0x0  }
0xa5: {  	s1 =	rddreg [dreg:$0x11];
	[sflag:s7] =	ssyncadd.s32 $0xFFFF8000  }
0xa6: {  	[tilespmem:s17], [sflag:$0x4] =	stream.linear.gather [hbm4b:s1+s2], $0x100, $0x38;
	[tilespmem:$0x10200] =	vst v63  }
0xa7: {  	_ =	swait.ge [sflag:s10], $0x100  }
0xa8: {  	[sflag:s10] =	ssyncset.done $0x0  }
0xa9: {  	[sflag:s10] =	ssyncadd.s32 $0xFFFFFF00  }
0xaa: {  	[tilespmem:s15], [sflag:$0x1] =	stream.indirect.gather [hbm4b:s3+s8], $0x80, s17, s8, $0xb8;
	[tilespmem:$0x10200] =	vst v63  }
0xab: {  	_ = 	snop  }
0xac: {  	[tilespmem:s19], [sflag:$0x1] =	stream.indirect.gather [hbm4b:s3+s8], $0x80, s18, s8, $0xb8;
	[tilespmem:$0x10200] =	vst v63  }
0xad: {  	_ =	swait.ge [sflag:s6], $0x4000  }
0xae: {  	[sflag:s6] =	ssyncset.done $0x0  }
0xaf: {  	[sflag:s6] =	ssyncadd.s32 $0xFFFFC000  }
0xb0: {  	_ =	swait.ge [sflag:s6], $0x4000  }
0xb1: {  	[sflag:s6] =	ssyncset.done $0x0  }
0xb2: {  	s1 =	rddreg [dreg:$0x12];
	[sflag:s6] =	ssyncadd.s32 $0xFFFFC000  }
0xb3: {  	[hbm4b:s1+s2] =	stream.linear.scatter [tilespmem:s15], [sflag:$0x3], $0x8000, $0x38;
	[tilespmem:$0x10200] =	vst v63  }
0xb4: {  	_ =	swait.ge [sflag:s11], $0x8000  }
0xb5: {  	[sflag:s11] =	ssyncset.done $0x0  }
0xb6: {  	s1 =	rddreg [dreg:$0x13];
	[sflag:s11] =	ssyncadd.s32 $0xFFFF8000  }
0xb7: {  	[tilespmem:s2], [sflag:$0x4] =	stream.linear.gather [hbm4b:s1+s2], $0x100, $0x38;
	[tilespmem:$0x10200] =	vst v63  }
0xb8: {  	_ =	swait.ge [sflag:s10], $0x100  }
0xb9: {  	[sflag:s10] =	ssyncset.done $0x0  }
0xba: {  	[sflag:s10] =	ssyncadd.s32 $0xFFFFFF00  }
0xbb: {  	[tilespmem:s5], [sflag:$0x1] =	stream.indirect.gather [hbm4b:s3+s8], $0x80, s2, s8, $0xb8;
	[tilespmem:$0x10200] =	vst v63  }
0xbc: {  	_ = 	snop  }
0xbd: {  	[tilespmem:s12], [sflag:$0x1] =	stream.indirect.gather [hbm4b:s3+s8], $0x80, s8, s8, $0xb8;
	[tilespmem:$0x10200] =	vst v63  }
0xbe: {  	_ =	swait.ge [sflag:s6], $0x4000  }
0xbf: {  	[sflag:s6] =	ssyncset.done $0x0  }
0xc0: {  	[sflag:s6] =	ssyncadd.s32 $0xFFFFC000  }
0xc1: {  	_ =	swait.ge [sflag:s6], $0x4000  }
0xc2: {  	[sflag:s6] =	ssyncset.done $0x0  }
0xc3: {  	s1 =	rddreg [dreg:$0x14];
	[sflag:s6] =	ssyncadd.s32 $0xFFFFC000  }
0xc4: {  	[hbm4b:s1+s2] =	stream.linear.scatter [tilespmem:s5], [sflag:$0x2], $0x8000, $0x38;
	[tilespmem:$0x10200] =	vst v63  }
0xc5: {  	_ =	swait.ge [sflag:s7], $0x8000  }
0xc6: {  	[sflag:s7] =	ssyncset.done $0x0  }
0xc7: {  	s1 =	rddreg [dreg:$0x15];
	[sflag:s7] =	ssyncadd.s32 $0xFFFF8000  }
0xc8: {  	[tilespmem:s17], [sflag:$0x4] =	stream.linear.gather [hbm4b:s1+s2], $0x100, $0x38;
	[tilespmem:$0x10200] =	vst v63  }
0xc9: {  	_ =	swait.ge [sflag:s10], $0x100  }
0xca: {  	[sflag:s10] =	ssyncset.done $0x0  }
0xcb: {  	[sflag:s10] =	ssyncadd.s32 $0xFFFFFF00  }
0xcc: {  	[tilespmem:s15], [sflag:$0x1] =	stream.indirect.gather [hbm4b:s3+s8], $0x80, s17, s8, $0xb8;
	[tilespmem:$0x10200] =	vst v63  }
0xcd: {  	_ = 	snop  }
0xce: {  	[tilespmem:s19], [sflag:$0x1] =	stream.indirect.gather [hbm4b:s3+s8], $0x80, s18, s8, $0xb8;
	[tilespmem:$0x10200] =	vst v63  }
0xcf: {  	_ =	swait.ge [sflag:s6], $0x4000  }
0xd0: {  	[sflag:s6] =	ssyncset.done $0x0  }
0xd1: {  	[sflag:s6] =	ssyncadd.s32 $0xFFFFC000  }
0xd2: {  	_ =	swait.ge [sflag:s6], $0x4000  }
0xd3: {  	[sflag:s6] =	ssyncset.done $0x0  }
0xd4: {  	s1 =	rddreg [dreg:$0x16];
	[sflag:s6] =	ssyncadd.s32 $0xFFFFC000  }
0xd5: {  	[hbm4b:s1+s2] =	stream.linear.scatter [tilespmem:s15], [sflag:$0x3], $0x8000, $0x38;
	[tilespmem:$0x10200] =	vst v63  }
0xd6: {  	_ =	swait.ge [sflag:s11], $0x8000  }
0xd7: {  	[sflag:s11] =	ssyncset.done $0x0  }
0xd8: {  	s1 =	rddreg [dreg:$0x17];
	[sflag:s11] =	ssyncadd.s32 $0xFFFF8000  }
0xd9: {  	[tilespmem:s2], [sflag:$0x4] =	stream.linear.gather [hbm4b:s1+s2], $0x100, $0x38;
	[tilespmem:$0x10200] =	vst v63  }
0xda: {  	_ =	swait.ge [sflag:s10], $0x100  }
0xdb: {  	[sflag:s10] =	ssyncset.done $0x0  }
0xdc: {  	[sflag:s10] =	ssyncadd.s32 $0xFFFFFF00  }
0xdd: {  	[tilespmem:s5], [sflag:$0x1] =	stream.indirect.gather [hbm4b:s3+s8], $0x80, s2, s8, $0xb8;
	[tilespmem:$0x10200] =	vst v63  }
0xde: {  	_ = 	snop  }
0xdf: {  	[tilespmem:s12], [sflag:$0x1] =	stream.indirect.gather [hbm4b:s3+s8], $0x80, s8, s8, $0xb8;
	[tilespmem:$0x10200] =	vst v63  }
0xe0: {  	_ =	swait.ge [sflag:s6], $0x4000  }
0xe1: {  	[sflag:s6] =	ssyncset.done $0x0  }
0xe2: {  	[sflag:s6] =	ssyncadd.s32 $0xFFFFC000  }
0xe3: {  	_ =	swait.ge [sflag:s6], $0x4000  }
0xe4: {  	[sflag:s6] =	ssyncset.done $0x0  }
0xe5: {  	s1 =	rddreg [dreg:$0x18];
	[sflag:s6] =	ssyncadd.s32 $0xFFFFC000  }
0xe6: {  	[hbm4b:s1+s2] =	stream.linear.scatter [tilespmem:s5], [sflag:$0x2], $0x8000, $0x38;
	[tilespmem:$0x10200] =	vst v63  }
0xe7: {  	_ =	swait.ge [sflag:s7], $0x8000  }
0xe8: {  	[sflag:s7] =	ssyncset.done $0x0  }
0xe9: {  	s1 =	rddreg [dreg:$0x19];
	[sflag:s7] =	ssyncadd.s32 $0xFFFF8000  }
0xea: {  	[tilespmem:s17], [sflag:$0x4] =	stream.linear.gather [hbm4b:s1+s2], $0x100, $0x38;
	[tilespmem:$0x10200] =	vst v63  }
0xeb: {  	_ =	swait.ge [sflag:s10], $0x100  }
0xec: {  	[sflag:s10] =	ssyncset.done $0x0  }
0xed: {  	[sflag:s10] =	ssyncadd.s32 $0xFFFFFF00  }
0xee: {  	[tilespmem:s15], [sflag:$0x1] =	stream.indirect.gather [hbm4b:s3+s8], $0x80, s17, s8, $0xb8;
	[tilespmem:$0x10200] =	vst v63  }
0xef: {  	_ = 	snop  }
0xf0: {  	[tilespmem:s19], [sflag:$0x1] =	stream.indirect.gather [hbm4b:s3+s8], $0x80, s18, s8, $0xb8;
	[tilespmem:$0x10200] =	vst v63  }
0xf1: {  	_ =	swait.ge [sflag:s6], $0x4000  }
0xf2: {  	[sflag:s6] =	ssyncset.done $0x0  }
0xf3: {  	[sflag:s6] =	ssyncadd.s32 $0xFFFFC000  }
0xf4: {  	_ =	swait.ge [sflag:s6], $0x4000  }
0xf5: {  	[sflag:s6] =	ssyncset.done $0x0  }
0xf6: {  	s1 =	rddreg [dreg:$0x1a];
	[sflag:s6] =	ssyncadd.s32 $0xFFFFC000  }
0xf7: {  	[hbm4b:s1+s2] =	stream.linear.scatter [tilespmem:s15], [sflag:$0x3], $0x8000, $0x38;
	[tilespmem:$0x10200] =	vst v63  }
0xf8: {  	_ =	swait.ge [sflag:s11], $0x8000  }
0xf9: {  	[sflag:s11] =	ssyncset.done $0x0  }
0xfa: {  	s1 =	rddreg [dreg:$0x1b];
	[sflag:s11] =	ssyncadd.s32 $0xFFFF8000  }
0xfb: {  	[tilespmem:s2], [sflag:$0x4] =	stream.linear.gather [hbm4b:s1+s2], $0x100, $0x38;
	[tilespmem:$0x10200] =	vst v63  }
0xfc: {  	_ =	swait.ge [sflag:s10], $0x100  }
0xfd: {  	[sflag:s10] =	ssyncset.done $0x0  }
0xfe: {  	[sflag:s10] =	ssyncadd.s32 $0xFFFFFF00  }
0xff: {  	[tilespmem:s5], [sflag:$0x1] =	stream.indirect.gather [hbm4b:s3+s8], $0x80, s2, s8, $0xb8;
	[tilespmem:$0x10200] =	vst v63  }
0x100: {  	_ = 	snop  }
0x101: {  	[tilespmem:s12], [sflag:$0x1] =	stream.indirect.gather [hbm4b:s3+s8], $0x80, s8, s8, $0xb8;
	[tilespmem:$0x10200] =	vst v63  }
0x102: {  	_ =	swait.ge [sflag:s6], $0x4000  }
0x103: {  	[sflag:s6] =	ssyncset.done $0x0  }
0x104: {  	[sflag:s6] =	ssyncadd.s32 $0xFFFFC000  }
0x105: {  	_ =	swait.ge [sflag:s6], $0x4000  }
0x106: {  	[sflag:s6] =	ssyncset.done $0x0  }
0x107: {  	s1 =	rddreg [dreg:$0x1c];
	[sflag:s6] =	ssyncadd.s32 $0xFFFFC000  }
0x108: {  	[hbm4b:s1+s2] =	stream.linear.scatter [tilespmem:s5], [sflag:$0x2], $0x8000, $0x38;
	[tilespmem:$0x10200] =	vst v63  }
0x109: {  	_ =	swait.ge [sflag:s7], $0x8000  }
0x10a: {  	[sflag:s7] =	ssyncset.done $0x0  }
0x10b: {  	s1 =	rddreg [dreg:$0x1d];
	[sflag:s7] =	ssyncadd.s32 $0xFFFF8000  }
0x10c: {  	[tilespmem:s17], [sflag:$0x4] =	stream.linear.gather [hbm4b:s1+s2], $0x100, $0x38;
	[tilespmem:$0x10200] =	vst v63  }
0x10d: {  	_ =	swait.ge [sflag:s10], $0x100  }
0x10e: {  	[sflag:s10] =	ssyncset.done $0x0  }
0x10f: {  	[sflag:s10] =	ssyncadd.s32 $0xFFFFFF00  }
0x110: {  	[tilespmem:s15], [sflag:$0x1] =	stream.indirect.gather [hbm4b:s3+s8], $0x80, s17, s8, $0xb8;
	[tilespmem:$0x10200] =	vst v63  }
0x111: {  	_ = 	snop  }
0x112: {  	[tilespmem:s19], [sflag:$0x1] =	stream.indirect.gather [hbm4b:s3+s8], $0x80, s18, s8, $0xb8;
	[tilespmem:$0x10200] =	vst v63  }
0x113: {  	_ =	swait.ge [sflag:s6], $0x4000  }
0x114: {  	[sflag:s6] =	ssyncset.done $0x0  }
0x115: {  	[sflag:s6] =	ssyncadd.s32 $0xFFFFC000  }
0x116: {  	_ =	swait.ge [sflag:s6], $0x4000  }
0x117: {  	[sflag:s6] =	ssyncset.done $0x0  }
0x118: {  	s1 =	rddreg [dreg:$0x1e];
	[sflag:s6] =	ssyncadd.s32 $0xFFFFC000  }
0x119: {  	[hbm4b:s1+s2] =	stream.linear.scatter [tilespmem:s15], [sflag:$0x3], $0x8000, $0x38;
	[tilespmem:$0x10200] =	vst v63  }
0x11a: {  	_ =	swait.ge [sflag:s11], $0x8000  }
0x11b: {  	[sflag:s11] =	ssyncset.done $0x0  }
0x11c: {  	s1 =	rddreg [dreg:$0x1f];
	[sflag:s11] =	ssyncadd.s32 $0xFFFF8000  }
0x11d: {  	[tilespmem:s2], [sflag:$0x4] =	stream.linear.gather [hbm4b:s1+s2], $0x100, $0x38;
	[tilespmem:$0x10200] =	vst v63  }
0x11e: {  	_ =	swait.ge [sflag:s10], $0x100  }
0x11f: {  	[sflag:s10] =	ssyncset.done $0x0  }
0x120: {  	[sflag:s10] =	ssyncadd.s32 $0xFFFFFF00  }
0x121: {  	[tilespmem:s5], [sflag:$0x1] =	stream.indirect.gather [hbm4b:s3+s8], $0x80, s2, s8, $0xb8;
	[tilespmem:$0x10200] =	vst v63  }
0x122: {  	_ = 	snop  }
0x123: {  	[tilespmem:s12], [sflag:$0x1] =	stream.indirect.gather [hbm4b:s3+s8], $0x80, s8, s8, $0xb8;
	[tilespmem:$0x10200] =	vst v63  }
0x124: {  	_ =	swait.ge [sflag:s6], $0x4000  }
0x125: {  	[sflag:s6] =	ssyncset.done $0x0  }
0x126: {  	[sflag:s6] =	ssyncadd.s32 $0xFFFFC000  }
0x127: {  	_ =	swait.ge [sflag:s6], $0x4000  }
0x128: {  	s1 =	sld [smem:$0x7F9]  }
0x129: {  	[sflag:s6] =	ssyncset.done $0x0  }
0x12a: {  	[sflag:s6] =	ssyncadd.s32 $0xFFFFC000  }
0x12b: {  	[hbm4b:s1+s2] =	stream.linear.scatter [tilespmem:s5], [sflag:$0x2], $0x8000, $0x38;
	[tilespmem:$0x10200] =	vst v63  }
0x12c: {  	_ =	swait.ge [sflag:s7], $0x8000  }
0x12d: {  	s1 =	sld [smem:$0x7FA]  }
0x12e: {  	[sflag:s7] =	ssyncset.done $0x0  }
0x12f: {  	[sflag:s7] =	ssyncadd.s32 $0xFFFF8000  }
0x130: {  	[tilespmem:s17], [sflag:$0x4] =	stream.linear.gather [hbm4b:s1+s2], $0x100, $0x38;
	[tilespmem:$0x10200] =	vst v63  }
0x131: {  	_ =	swait.ge [sflag:s10], $0x100  }
0x132: {  	[sflag:s10] =	ssyncset.done $0x0  }
0x133: {  	[sflag:s10] =	ssyncadd.s32 $0xFFFFFF00  }
0x134: {  	[tilespmem:s15], [sflag:$0x1] =	stream.indirect.gather [hbm4b:s3+s8], $0x80, s17, s8, $0xb8;
	[tilespmem:$0x10200] =	vst v63  }
0x135: {  	_ = 	snop  }
0x136: {  	[tilespmem:s19], [sflag:$0x1] =	stream.indirect.gather [hbm4b:s3+s8], $0x80, s18, s8, $0xb8;
	[tilespmem:$0x10200] =	vst v63  }
0x137: {  	_ =	swait.ge [sflag:s6], $0x4000  }
0x138: {  	[sflag:s6] =	ssyncset.done $0x0  }
0x139: {  	[sflag:s6] =	ssyncadd.s32 $0xFFFFC000  }
0x13a: {  	_ =	swait.ge [sflag:s6], $0x4000  }
0x13b: {  	s1 =	sld [smem:$0x7FB]  }
0x13c: {  	[sflag:s6] =	ssyncset.done $0x0  }
0x13d: {  	[sflag:s6] =	ssyncadd.s32 $0xFFFFC000  }
0x13e: {  	[hbm4b:s1+s2] =	stream.linear.scatter [tilespmem:s15], [sflag:$0x3], $0x8000, $0x38;
	[tilespmem:$0x10200] =	vst v63  }
0x13f: {  	_ =	swait.ge [sflag:s11], $0x8000  }
0x140: {  	s1 =	sld [smem:$0x7FC]  }
0x141: {  	[sflag:s11] =	ssyncset.done $0x0  }
0x142: {  	[sflag:s11] =	ssyncadd.s32 $0xFFFF8000  }
0x143: {  	[tilespmem:s2], [sflag:$0x4] =	stream.linear.gather [hbm4b:s1+s2], $0x100, $0x38;
	[tilespmem:$0x10200] =	vst v63  }
0x144: {  	_ =	swait.ge [sflag:s10], $0x100  }
0x145: {  	[sflag:s10] =	ssyncset.done $0x0  }
0x146: {  	[sflag:s10] =	ssyncadd.s32 $0xFFFFFF00  }
0x147: {  	[tilespmem:s5], [sflag:$0x1] =	stream.indirect.gather [hbm4b:s3+s8], $0x80, s2, s8, $0xb8;
	[tilespmem:$0x10200] =	vst v63  }
0x148: {  	_ = 	snop  }
0x149: {  	[tilespmem:s12], [sflag:$0x1] =	stream.indirect.gather [hbm4b:s3+s8], $0x80, s8, s8, $0xb8;
	[tilespmem:$0x10200] =	vst v63  }
0x14a: {  	_ =	swait.ge [sflag:s6], $0x4000  }
0x14b: {  	[sflag:s6] =	ssyncset.done $0x0  }
0x14c: {  	[sflag:s6] =	ssyncadd.s32 $0xFFFFC000  }
0x14d: {  	_ =	swait.ge [sflag:s6], $0x4000  }
0x14e: {  	s1 =	sld [smem:$0x7FD]  }
0x14f: {  	[sflag:s6] =	ssyncset.done $0x0  }
0x150: {  	[sflag:s6] =	ssyncadd.s32 $0xFFFFC000  }
0x151: {  	[hbm4b:s1+s2] =	stream.linear.scatter [tilespmem:s5], [sflag:$0x2], $0x8000, $0x38;
	[tilespmem:$0x10200] =	vst v63  }
0x152: {  	_ =	swait.ge [sflag:s7], $0x8000  }
0x153: {  	[sflag:s7] =	ssyncset.done $0x0  }
0x154: {  	[sflag:s7] =	ssyncadd.s32 $0xFFFF8000  }
0x155: {  	[tilespmem:s17], [sflag:$0x4] =	stream.linear.gather [hbm4b:s31+s2], $0x100, $0x38;
	[tilespmem:$0x10200] =	vst v63  }
0x156: {  	_ =	swait.ge [sflag:s10], $0x100  }
0x157: {  	[sflag:s10] =	ssyncset.done $0x0  }
0x158: {  	[sflag:s10] =	ssyncadd.s32 $0xFFFFFF00  }
0x159: {  	[tilespmem:s15], [sflag:$0x1] =	stream.indirect.gather [hbm4b:s3+s8], $0x80, s17, s8, $0xb8;
	[tilespmem:$0x10200] =	vst v63  }
0x15a: {  	_ = 	snop  }
0x15b: {  	[tilespmem:s19], [sflag:$0x1] =	stream.indirect.gather [hbm4b:s3+s8], $0x80, s18, s8, $0xb8;
	[tilespmem:$0x10200] =	vst v63  }
0x15c: {  	_ =	swait.ge [sflag:s6], $0x4000  }
0x15d: {  	[sflag:s6] =	ssyncset.done $0x0  }
0x15e: {  	[sflag:s6] =	ssyncadd.s32 $0xFFFFC000  }
0x15f: {  	_ =	swait.ge [sflag:s6], $0x4000  }
0x160: {  	[sflag:s6] =	ssyncset.done $0x0  }
0x161: {  	[sflag:s6] =	ssyncadd.s32 $0xFFFFC000  }
0x162: {  	[hbm4b:s30+s2] =	stream.linear.scatter [tilespmem:s15], [sflag:$0x3], $0x8000, $0x38;
	[tilespmem:$0x10200] =	vst v63  }
0x163: {  	_ =	swait.ge [sflag:s11], $0x8000  }
0x164: {  	[sflag:s11] =	ssyncset.done $0x0  }
0x165: {  	[sflag:s11] =	ssyncadd.s32 $0xFFFF8000  }
0x166: {  	[tilespmem:s2], [sflag:$0x4] =	stream.linear.gather [hbm4b:s29+s2], $0x100, $0x38;
	[tilespmem:$0x10200] =	vst v63  }
0x167: {  	_ =	swait.ge [sflag:s10], $0x100  }
0x168: {  	[sflag:s10] =	ssyncset.done $0x0  }
0x169: {  	[sflag:s10] =	ssyncadd.s32 $0xFFFFFF00  }
0x16a: {  	[tilespmem:s5], [sflag:$0x1] =	stream.indirect.gather [hbm4b:s3+s8], $0x80, s2, s8, $0xb8;
	[tilespmem:$0x10200] =	vst v63  }
0x16b: {  	_ = 	snop  }
0x16c: {  	[tilespmem:s12], [sflag:$0x1] =	stream.indirect.gather [hbm4b:s3+s8], $0x80, s8, s8, $0xb8;
	[tilespmem:$0x10200] =	vst v63  }
0x16d: {  	_ =	swait.ge [sflag:s6], $0x4000  }
0x16e: {  	[sflag:s6] =	ssyncset.done $0x0  }
0x16f: {  	[sflag:s6] =	ssyncadd.s32 $0xFFFFC000  }
0x170: {  	_ =	swait.ge [sflag:s6], $0x4000  }
0x171: {  	[sflag:s6] =	ssyncset.done $0x0  }
0x172: {  	[sflag:s6] =	ssyncadd.s32 $0xFFFFC000  }
0x173: {  	[hbm4b:s28+s2] =	stream.linear.scatter [tilespmem:s5], [sflag:$0x2], $0x8000, $0x38;
	[tilespmem:$0x10200] =	vst v63  }
0x174: {  	_ =	swait.ge [sflag:s7], $0x8000  }
0x175: {  	[sflag:s7] =	ssyncset.done $0x0  }
0x176: {  	[sflag:s7] =	ssyncadd.s32 $0xFFFF8000  }
0x177: {  	[tilespmem:s17], [sflag:$0x4] =	stream.linear.gather [hbm4b:s26+s2], $0x100, $0x38;
	[tilespmem:$0x10200] =	vst v63  }
0x178: {  	_ =	swait.ge [sflag:s10], $0x100  }
0x179: {  	[sflag:s10] =	ssyncset.done $0x0  }
0x17a: {  	[sflag:s10] =	ssyncadd.s32 $0xFFFFFF00  }
0x17b: {  	[tilespmem:s15], [sflag:$0x1] =	stream.indirect.gather [hbm4b:s3+s8], $0x80, s17, s8, $0xb8;
	[tilespmem:$0x10200] =	vst v63  }
0x17c: {  	_ = 	snop  }
0x17d: {  	[tilespmem:s19], [sflag:$0x1] =	stream.indirect.gather [hbm4b:s3+s8], $0x80, s18, s8, $0xb8;
	[tilespmem:$0x10200] =	vst v63  }
0x17e: {  	_ =	swait.ge [sflag:s6], $0x4000  }
0x17f: {  	[sflag:s6] =	ssyncset.done $0x0  }
0x180: {  	[sflag:s6] =	ssyncadd.s32 $0xFFFFC000  }
0x181: {  	_ =	swait.ge [sflag:s6], $0x4000  }
0x182: {  	[sflag:s6] =	ssyncset.done $0x0  }
0x183: {  	[sflag:s6] =	ssyncadd.s32 $0xFFFFC000  }
0x184: {  	[hbm4b:s25+s2] =	stream.linear.scatter [tilespmem:s15], [sflag:$0x3], $0x8000, $0x38;
	[tilespmem:$0x10200] =	vst v63  }
0x185: {  	_ =	swait.ge [sflag:s11], $0x8000  }
0x186: {  	[sflag:s11] =	ssyncset.done $0x0  }
0x187: {  	[sflag:s11] =	ssyncadd.s32 $0xFFFF8000  }
0x188: {  	[tilespmem:s2], [sflag:$0x4] =	stream.linear.gather [hbm4b:s24+s2], $0x100, $0x38;
	[tilespmem:$0x10200] =	vst v63  }
0x189: {  	_ =	swait.ge [sflag:s10], $0x100  }
0x18a: {  	[sflag:s10] =	ssyncset.done $0x0  }
0x18b: {  	[sflag:s10] =	ssyncadd.s32 $0xFFFFFF00  }
0x18c: {  	[tilespmem:s5], [sflag:$0x1] =	stream.indirect.gather [hbm4b:s3+s8], $0x80, s2, s8, $0xb8;
	[tilespmem:$0x10200] =	vst v63  }
0x18d: {  	_ = 	snop  }
0x18e: {  	[tilespmem:s12], [sflag:$0x1] =	stream.indirect.gather [hbm4b:s3+s8], $0x80, s8, s8, $0xb8;
	[tilespmem:$0x10200] =	vst v63  }
0x18f: {  	_ =	swait.ge [sflag:s6], $0x4000  }
0x190: {  	[sflag:s6] =	ssyncset.done $0x0  }
0x191: {  	[sflag:s6] =	ssyncadd.s32 $0xFFFFC000  }
0x192: {  	_ =	swait.ge [sflag:s6], $0x4000  }
0x193: {  	[sflag:s6] =	ssyncset.done $0x0  }
0x194: {  	[sflag:s6] =	ssyncadd.s32 $0xFFFFC000  }
0x195: {  	[hbm4b:s23+s2] =	stream.linear.scatter [tilespmem:s5], [sflag:$0x2], $0x8000, $0x38;
	[tilespmem:$0x10200] =	vst v63  }
0x196: {  	_ =	swait.ge [sflag:s7], $0x8000  }
0x197: {  	[sflag:s7] =	ssyncset.done $0x0  }
0x198: {  	[sflag:s7] =	ssyncadd.s32 $0xFFFF8000  }
0x199: {  	[tilespmem:s17], [sflag:$0x4] =	stream.linear.gather [hbm4b:s22+s2], $0x100, $0x38;
	[tilespmem:$0x10200] =	vst v63  }
0x19a: {  	_ =	swait.ge [sflag:s10], $0x100  }
0x19b: {  	[sflag:s10] =	ssyncset.done $0x0  }
0x19c: {  	[sflag:s10] =	ssyncadd.s32 $0xFFFFFF00  }
0x19d: {  	[tilespmem:s15], [sflag:$0x1] =	stream.indirect.gather [hbm4b:s3+s8], $0x80, s17, s8, $0xb8;
	[tilespmem:$0x10200] =	vst v63  }
0x19e: {  	_ = 	snop  }
0x19f: {  	[tilespmem:s19], [sflag:$0x1] =	stream.indirect.gather [hbm4b:s3+s8], $0x80, s18, s8, $0xb8;
	[tilespmem:$0x10200] =	vst v63  }
0x1a0: {  	_ =	swait.ge [sflag:s6], $0x4000  }
0x1a1: {  	[sflag:s6] =	ssyncset.done $0x0  }
0x1a2: {  	[sflag:s6] =	ssyncadd.s32 $0xFFFFC000  }
0x1a3: {  	_ =	swait.ge [sflag:s6], $0x4000  }
0x1a4: {  	[sflag:s6] =	ssyncset.done $0x0  }
0x1a5: {  	[sflag:s6] =	ssyncadd.s32 $0xFFFFC000  }
0x1a6: {  	[hbm4b:s21+s2] =	stream.linear.scatter [tilespmem:s15], [sflag:$0x3], $0x8000, $0x38;
	[tilespmem:$0x10200] =	vst v63  }
0x1a7: {  	_ =	swait.ge [sflag:s11], $0x8000  }
0x1a8: {  	[sflag:s11] =	ssyncset.done $0x0  }
0x1a9: {  	[sflag:s11] =	ssyncadd.s32 $0xFFFF8000  }
0x1aa: {  	[tilespmem:s2], [sflag:$0x4] =	stream.linear.gather [hbm4b:s20+s2], $0x100, $0x38;
	[tilespmem:$0x10200] =	vst v63  }
0x1ab: {  	_ =	swait.ge [sflag:s10], $0x100  }
0x1ac: {  	[sflag:s10] =	ssyncset.done $0x0  }
0x1ad: {  	[sflag:s10] =	ssyncadd.s32 $0xFFFFFF00  }
0x1ae: {  	[tilespmem:s5], [sflag:$0x1] =	stream.indirect.gather [hbm4b:s3+s8], $0x80, s2, s8, $0xb8;
	[tilespmem:$0x10200] =	vst v63  }
0x1af: {  	_ = 	snop  }
0x1b0: {  	[tilespmem:s12], [sflag:$0x1] =	stream.indirect.gather [hbm4b:s3+s8], $0x80, s8, s8, $0xb8;
	[tilespmem:$0x10200] =	vst v63  }
0x1b1: {  	_ =	swait.ge [sflag:s6], $0x4000  }
0x1b2: {  	[sflag:s6] =	ssyncset.done $0x0  }
0x1b3: {  	[sflag:s6] =	ssyncadd.s32 $0xFFFFC000  }
0x1b4: {  	_ =	swait.ge [sflag:s6], $0x4000  }
0x1b5: {  	[sflag:s6] =	ssyncset.done $0x0  }
0x1b6: {  	[sflag:s6] =	ssyncadd.s32 $0xFFFFC000  }
0x1b7: {  	[hbm4b:s16+s2] =	stream.linear.scatter [tilespmem:s5], [sflag:$0x2], $0x8000, $0x38;
	[tilespmem:$0x10200] =	vst v63  }
0x1b8: {  	_ =	swait.ge [sflag:s7], $0x8000  }
0x1b9: {  	[sflag:s7] =	ssyncset.done $0x0  }
0x1ba: {  	[sflag:s7] =	ssyncadd.s32 $0xFFFF8000  }
0x1bb: {  	[tilespmem:s17], [sflag:$0x4] =	stream.linear.gather [hbm4b:s14+s2], $0x100, $0x38;
	[tilespmem:$0x10200] =	vst v63  }
0x1bc: {  	_ =	swait.ge [sflag:s10], $0x100  }
0x1bd: {  	[sflag:s10] =	ssyncset.done $0x0  }
0x1be: {  	[sflag:s10] =	ssyncadd.s32 $0xFFFFFF00  }
0x1bf: {  	[tilespmem:s15], [sflag:$0x1] =	stream.indirect.gather [hbm4b:s3+s8], $0x80, s17, s8, $0xb8;
	[tilespmem:$0x10200] =	vst v63  }
0x1c0: {  	_ = 	snop  }
0x1c1: {  	[tilespmem:s19], [sflag:$0x1] =	stream.indirect.gather [hbm4b:s3+s8], $0x80, s18, s8, $0xb8;
	[tilespmem:$0x10200] =	vst v63  }
0x1c2: {  	_ =	swait.ge [sflag:s6], $0x4000  }
0x1c3: {  	[sflag:s6] =	ssyncset.done $0x0  }
0x1c4: {  	[sflag:s6] =	ssyncadd.s32 $0xFFFFC000  }
0x1c5: {  	_ =	swait.ge [sflag:s6], $0x4000  }
0x1c6: {  	[sflag:s6] =	ssyncset.done $0x0  }
0x1c7: {  	[sflag:s6] =	ssyncadd.s32 $0xFFFFC000  }
0x1c8: {  	[hbm4b:s13+s2] =	stream.linear.scatter [tilespmem:s15], [sflag:$0x3], $0x8000, $0x38;
	[tilespmem:$0x10200] =	vst v63  }
0x1c9: {  	_ =	swait.ge [sflag:s11], $0x8000  }
0x1ca: {  	[sflag:s11] =	ssyncset.done $0x0  }
0x1cb: {  	[sflag:s11] =	ssyncadd.s32 $0xFFFF8000  }
0x1cc: {  	[tilespmem:s2], [sflag:$0x4] =	stream.linear.gather [hbm4b:s9+s2], $0x100, $0x38;
	[tilespmem:$0x10200] =	vst v63  }
0x1cd: {  	_ =	swait.ge [sflag:s10], $0x100  }
0x1ce: {  	[sflag:s10] =	ssyncset.done $0x0  }
0x1cf: {  	[sflag:s10] =	ssyncadd.s32 $0xFFFFFF00  }
0x1d0: {  	[tilespmem:s5], [sflag:$0x1] =	stream.indirect.gather [hbm4b:s3+s8], $0x80, s2, s8, $0xb8;
	[tilespmem:$0x10200] =	vst v63  }
0x1d1: {  	_ = 	snop  }
0x1d2: {  	[tilespmem:s12], [sflag:$0x1] =	stream.indirect.gather [hbm4b:s3+s8], $0x80, s8, s8, $0xb8;
	[tilespmem:$0x10200] =	vst v63  }
0x1d3: {  	_ =	swait.ge [sflag:s6], $0x4000  }
0x1d4: {  	[sflag:s6] =	ssyncset.done $0x0  }
0x1d5: {  	[sflag:s6] =	ssyncadd.s32 $0xFFFFC000  }
0x1d6: {  	_ =	swait.ge [sflag:s6], $0x4000  }
0x1d7: {  	[sflag:s6] =	ssyncset.done $0x0  }
0x1d8: {  	[sflag:s6] =	ssyncadd.s32 $0xFFFFC000  }
0x1d9: {  	[hbm4b:s4+s2] =	stream.linear.scatter [tilespmem:s5], [sflag:$0x2], $0x8000, $0x38;
	[tilespmem:$0x10200] =	vst v63  }
0x1da: {  	_ =	swait.ge [sflag:s11], $0x8000  }
0x1db: {  	s1 =	sld [smem:$0x7F8];
	_ =	sdelay $0x2  }
0x1dc: {  	p1 =	sne.s32 s1, $0x1  }
.Ltmp1:
0x1dd: {  	_ = 	snop;
	(pc) =	sbr.rel @!p1 .LBB2_3-.Ltmp1, $4  }
0x1de: {  	[sflag:s11] =	ssyncset.done $0x0  }
0x1df: {  	[sflag:s11] =	ssyncadd.s32 $0xFFFF8000  }
0x1e0: {  	p0 =	por $0x1, $0x1;
	_ =	swait.ge [sflag:s7], $0x8000  }
0x1e1: {  	s1 =	sadd.s32 $0xFFFFFFFF, s1;
	s0 =	rddreg [dreg:$0x3];
	[sflag:s7] =	ssyncset.done $0x0  }
.LBB2_2:
0x1e2: {  	[sflag:s7] =	ssyncadd.s32 $0xFFFF8000  }
0x1e3: {  	[tilespmem:s2], [sflag:$0x4] =	stream.linear.gather [hbm4b:s0+s2], $0x100, $0x38;
	[tilespmem:$0x10200] =	vst v63  }
0x1e4: {  	_ =	swait.ge [sflag:s10], $0x100  }
0x1e5: {  	[sflag:s10] =	ssyncset.done $0x0  }
0x1e6: {  	[sflag:s10] =	ssyncadd.s32 $0xFFFFFF00  }
0x1e7: {  	[tilespmem:s5], [sflag:$0x1] =	stream.indirect.gather [hbm4b:s3+s8], $0x80, s2, s8, $0xb8;
	[tilespmem:$0x10200] =	vst v63  }
0x1e8: {  	s18 =	smov.u32 s31;
	s31 =	smov.u32 s30;
	s30 =	smov.u32 s29  }
0x1e9: {  	[tilespmem:s12], [sflag:$0x1] =	stream.indirect.gather [hbm4b:s3+s8], $0x80, s8, s8, $0xb8;
	[tilespmem:$0x10200] =	vst v63  }
0x1ea: {  	s29 =	smov.u32 s28;
	s28 =	smov.u32 s26;
	_ =	swait.ge [sflag:s6], $0x4000  }
0x1eb: {  	s26 =	smov.u32 s25;
	s25 =	smov.u32 s24;
	[sflag:s6] =	ssyncset.done $0x0  }
0x1ec: {  	s24 =	smov.u32 s23;
	s23 =	smov.u32 s22;
	[sflag:s6] =	ssyncadd.s32 $0xFFFFC000  }
0x1ed: {  	s22 =	smov.u32 s21;
	s21 =	smov.u32 s20;
	_ =	swait.ge [sflag:s6], $0x4000  }
0x1ee: {  	s20 =	smov.u32 s16;
	s16 =	smov.u32 s14;
	[sflag:s6] =	ssyncset.done $0x0  }
0x1ef: {  	s14 =	smov.u32 s13;
	s0 =	rddreg [dreg:$0x4];
	[sflag:s6] =	ssyncadd.s32 $0xFFFFC000  }
0x1f0: {  	[hbm4b:s0+s2] =	stream.linear.scatter [tilespmem:s5], [sflag:$0x2], $0x8000, $0x38;
	[tilespmem:$0x10200] =	vst v63  }
0x1f1: {  	s13 =	smov.u32 s9;
	s9 =	smov.u32 s4;
	s4 =	rddreg [dreg:$0x5]  }
0x1f2: {  	[tilespmem:s17], [sflag:$0x4] =	stream.linear.gather [hbm4b:s4+s2], $0x100, $0x38;
	[tilespmem:$0x10200] =	vst v63  }
0x1f3: {  	s4 =	smov.u32 s9;
	s9 =	smov.u32 s13  }
0x1f4: {  	s13 =	smov.u32 s14;
	s14 =	smov.u32 s16;
	s16 =	smov.u32 s20  }
0x1f5: {  	s20 =	smov.u32 s21;
	s21 =	smov.u32 s22;
	s22 =	smov.u32 s23  }
0x1f6: {  	s23 =	smov.u32 s24;
	s24 =	smov.u32 s25;
	_ =	swait.ge [sflag:s10], $0x100  }
0x1f7: {  	s25 =	smov.u32 s26;
	s26 =	smov.u32 s28;
	[sflag:s10] =	ssyncset.done $0x0  }
0x1f8: {  	s28 =	smov.u32 s29;
	s29 =	smov.u32 s30;
	[sflag:s10] =	ssyncadd.s32 $0xFFFFFF00  }
0x1f9: {  	[tilespmem:s15], [sflag:$0x1] =	stream.indirect.gather [hbm4b:s3+s8], $0x80, s17, s8, $0xb8;
	[tilespmem:$0x10200] =	vst v63  }
0x1fa: {  	s30 =	smov.u32 s31;
	s31 =	smov.u32 s18;
	s18 =	simm.s32 $0x180  }
0x1fb: {  	[tilespmem:s19], [sflag:$0x1] =	stream.indirect.gather [hbm4b:s3+s8], $0x80, s18, s8, $0xb8;
	[tilespmem:$0x10200] =	vst v63  }
0x1fc: {  	_ =	swait.ge [sflag:s6], $0x4000  }
0x1fd: {  	[sflag:s6] =	ssyncset.done $0x0  }
0x1fe: {  	[sflag:s6] =	ssyncadd.s32 $0xFFFFC000  }
0x1ff: {  	_ =	swait.ge [sflag:s6], $0x4000  }
0x200: {  	[sflag:s6] =	ssyncset.done $0x0  }
0x201: {  	s0 =	rddreg [dreg:$0x6];
	[sflag:s6] =	ssyncadd.s32 $0xFFFFC000  }
0x202: {  	[hbm4b:s0+s2] =	stream.linear.scatter [tilespmem:s15], [sflag:$0x3], $0x8000, $0x38;
	[tilespmem:$0x10200] =	vst v63  }
0x203: {  	_ =	swait.ge [sflag:s11], $0x8000  }
0x204: {  	[sflag:s11] =	ssyncset.done $0x0  }
0x205: {  	s0 =	rddreg [dreg:$0x7];
	[sflag:s11] =	ssyncadd.s32 $0xFFFF8000  }
0x206: {  	[tilespmem:s2], [sflag:$0x4] =	stream.linear.gather [hbm4b:s0+s2], $0x100, $0x38;
	[tilespmem:$0x10200] =	vst v63  }
0x207: {  	_ =	swait.ge [sflag:s10], $0x100  }
0x208: {  	[sflag:s10] =	ssyncset.done $0x0  }
0x209: {  	[sflag:s10] =	ssyncadd.s32 $0xFFFFFF00  }
0x20a: {  	[tilespmem:s5], [sflag:$0x1] =	stream.indirect.gather [hbm4b:s3+s8], $0x80, s2, s8, $0xb8;
	[tilespmem:$0x10200] =	vst v63  }
0x20b: {  	_ = 	snop  }
0x20c: {  	[tilespmem:s12], [sflag:$0x1] =	stream.indirect.gather [hbm4b:s3+s8], $0x80, s8, s8, $0xb8;
	[tilespmem:$0x10200] =	vst v63  }
0x20d: {  	_ =	swait.ge [sflag:s6], $0x4000  }
0x20e: {  	[sflag:s6] =	ssyncset.done $0x0  }
0x20f: {  	[sflag:s6] =	ssyncadd.s32 $0xFFFFC000  }
0x210: {  	_ =	swait.ge [sflag:s6], $0x4000  }
0x211: {  	[sflag:s6] =	ssyncset.done $0x0  }
0x212: {  	s0 =	rddreg [dreg:$0x8];
	[sflag:s6] =	ssyncadd.s32 $0xFFFFC000  }
0x213: {  	[hbm4b:s0+s2] =	stream.linear.scatter [tilespmem:s5], [sflag:$0x2], $0x8000, $0x38;
	[tilespmem:$0x10200] =	vst v63  }
0x214: {  	_ =	swait.ge [sflag:s7], $0x8000  }
0x215: {  	[sflag:s7] =	ssyncset.done $0x0  }
0x216: {  	s0 =	rddreg [dreg:$0x9];
	[sflag:s7] =	ssyncadd.s32 $0xFFFF8000  }
0x217: {  	[tilespmem:s17], [sflag:$0x4] =	stream.linear.gather [hbm4b:s0+s2], $0x100, $0x38;
	[tilespmem:$0x10200] =	vst v63  }
0x218: {  	_ =	swait.ge [sflag:s10], $0x100  }
0x219: {  	[sflag:s10] =	ssyncset.done $0x0  }
0x21a: {  	[sflag:s10] =	ssyncadd.s32 $0xFFFFFF00  }
0x21b: {  	[tilespmem:s15], [sflag:$0x1] =	stream.indirect.gather [hbm4b:s3+s8], $0x80, s17, s8, $0xb8;
	[tilespmem:$0x10200] =	vst v63  }
0x21c: {  	_ = 	snop  }
0x21d: {  	[tilespmem:s19], [sflag:$0x1] =	stream.indirect.gather [hbm4b:s3+s8], $0x80, s18, s8, $0xb8;
	[tilespmem:$0x10200] =	vst v63  }
0x21e: {  	_ =	swait.ge [sflag:s6], $0x4000  }
0x21f: {  	[sflag:s6] =	ssyncset.done $0x0  }
0x220: {  	[sflag:s6] =	ssyncadd.s32 $0xFFFFC000  }
0x221: {  	_ =	swait.ge [sflag:s6], $0x4000  }
0x222: {  	[sflag:s6] =	ssyncset.done $0x0  }
0x223: {  	s0 =	rddreg [dreg:$0xa];
	[sflag:s6] =	ssyncadd.s32 $0xFFFFC000  }
0x224: {  	[hbm4b:s0+s2] =	stream.linear.scatter [tilespmem:s15], [sflag:$0x3], $0x8000, $0x38;
	[tilespmem:$0x10200] =	vst v63  }
0x225: {  	_ =	swait.ge [sflag:s11], $0x8000  }
0x226: {  	[sflag:s11] =	ssyncset.done $0x0  }
0x227: {  	s0 =	rddreg [dreg:$0xb];
	[sflag:s11] =	ssyncadd.s32 $0xFFFF8000  }
0x228: {  	[tilespmem:s2], [sflag:$0x4] =	stream.linear.gather [hbm4b:s0+s2], $0x100, $0x38;
	[tilespmem:$0x10200] =	vst v63  }
0x229: {  	_ =	swait.ge [sflag:s10], $0x100  }
0x22a: {  	[sflag:s10] =	ssyncset.done $0x0  }
0x22b: {  	[sflag:s10] =	ssyncadd.s32 $0xFFFFFF00  }
0x22c: {  	[tilespmem:s5], [sflag:$0x1] =	stream.indirect.gather [hbm4b:s3+s8], $0x80, s2, s8, $0xb8;
	[tilespmem:$0x10200] =	vst v63  }
0x22d: {  	_ = 	snop  }
0x22e: {  	[tilespmem:s12], [sflag:$0x1] =	stream.indirect.gather [hbm4b:s3+s8], $0x80, s8, s8, $0xb8;
	[tilespmem:$0x10200] =	vst v63  }
0x22f: {  	_ =	swait.ge [sflag:s6], $0x4000  }
0x230: {  	[sflag:s6] =	ssyncset.done $0x0  }
0x231: {  	[sflag:s6] =	ssyncadd.s32 $0xFFFFC000  }
0x232: {  	_ =	swait.ge [sflag:s6], $0x4000  }
0x233: {  	[sflag:s6] =	ssyncset.done $0x0  }
0x234: {  	s0 =	rddreg [dreg:$0xc];
	[sflag:s6] =	ssyncadd.s32 $0xFFFFC000  }
0x235: {  	[hbm4b:s0+s2] =	stream.linear.scatter [tilespmem:s5], [sflag:$0x2], $0x8000, $0x38;
	[tilespmem:$0x10200] =	vst v63  }
0x236: {  	_ =	swait.ge [sflag:s7], $0x8000  }
0x237: {  	[sflag:s7] =	ssyncset.done $0x0  }
0x238: {  	s0 =	rddreg [dreg:$0xd];
	[sflag:s7] =	ssyncadd.s32 $0xFFFF8000  }
0x239: {  	[tilespmem:s17], [sflag:$0x4] =	stream.linear.gather [hbm4b:s0+s2], $0x100, $0x38;
	[tilespmem:$0x10200] =	vst v63  }
0x23a: {  	_ =	swait.ge [sflag:s10], $0x100  }
0x23b: {  	[sflag:s10] =	ssyncset.done $0x0  }
0x23c: {  	[sflag:s10] =	ssyncadd.s32 $0xFFFFFF00  }
0x23d: {  	[tilespmem:s15], [sflag:$0x1] =	stream.indirect.gather [hbm4b:s3+s8], $0x80, s17, s8, $0xb8;
	[tilespmem:$0x10200] =	vst v63  }
0x23e: {  	_ = 	snop  }
0x23f: {  	[tilespmem:s19], [sflag:$0x1] =	stream.indirect.gather [hbm4b:s3+s8], $0x80, s18, s8, $0xb8;
	[tilespmem:$0x10200] =	vst v63  }
0x240: {  	_ =	swait.ge [sflag:s6], $0x4000  }
0x241: {  	[sflag:s6] =	ssyncset.done $0x0  }
0x242: {  	[sflag:s6] =	ssyncadd.s32 $0xFFFFC000  }
0x243: {  	_ =	swait.ge [sflag:s6], $0x4000  }
0x244: {  	[sflag:s6] =	ssyncset.done $0x0  }
0x245: {  	s0 =	rddreg [dreg:$0xe];
	[sflag:s6] =	ssyncadd.s32 $0xFFFFC000  }
0x246: {  	[hbm4b:s0+s2] =	stream.linear.scatter [tilespmem:s15], [sflag:$0x3], $0x8000, $0x38;
	[tilespmem:$0x10200] =	vst v63  }
0x247: {  	_ =	swait.ge [sflag:s11], $0x8000  }
0x248: {  	[sflag:s11] =	ssyncset.done $0x0  }
0x249: {  	s0 =	rddreg [dreg:$0xf];
	[sflag:s11] =	ssyncadd.s32 $0xFFFF8000  }
0x24a: {  	[tilespmem:s2], [sflag:$0x4] =	stream.linear.gather [hbm4b:s0+s2], $0x100, $0x38;
	[tilespmem:$0x10200] =	vst v63  }
0x24b: {  	_ =	swait.ge [sflag:s10], $0x100  }
0x24c: {  	[sflag:s10] =	ssyncset.done $0x0  }
0x24d: {  	[sflag:s10] =	ssyncadd.s32 $0xFFFFFF00  }
0x24e: {  	[tilespmem:s5], [sflag:$0x1] =	stream.indirect.gather [hbm4b:s3+s8], $0x80, s2, s8, $0xb8;
	[tilespmem:$0x10200] =	vst v63  }
0x24f: {  	_ = 	snop  }
0x250: {  	[tilespmem:s12], [sflag:$0x1] =	stream.indirect.gather [hbm4b:s3+s8], $0x80, s8, s8, $0xb8;
	[tilespmem:$0x10200] =	vst v63  }
0x251: {  	_ =	swait.ge [sflag:s6], $0x4000  }
0x252: {  	[sflag:s6] =	ssyncset.done $0x0  }
0x253: {  	[sflag:s6] =	ssyncadd.s32 $0xFFFFC000  }
0x254: {  	_ =	swait.ge [sflag:s6], $0x4000  }
0x255: {  	[sflag:s6] =	ssyncset.done $0x0  }
0x256: {  	s0 =	rddreg [dreg:$0x10];
	[sflag:s6] =	ssyncadd.s32 $0xFFFFC000  }
0x257: {  	[hbm4b:s0+s2] =	stream.linear.scatter [tilespmem:s5], [sflag:$0x2], $0x8000, $0x38;
	[tilespmem:$0x10200] =	vst v63  }
0x258: {  	_ =	swait.ge [sflag:s7], $0x8000  }
0x259: {  	[sflag:s7] =	ssyncset.done $0x0  }
0x25a: {  	s0 =	rddreg [dreg:$0x11];
	[sflag:s7] =	ssyncadd.s32 $0xFFFF8000  }
0x25b: {  	[tilespmem:s17], [sflag:$0x4] =	stream.linear.gather [hbm4b:s0+s2], $0x100, $0x38;
	[tilespmem:$0x10200] =	vst v63  }
0x25c: {  	_ =	swait.ge [sflag:s10], $0x100  }
0x25d: {  	[sflag:s10] =	ssyncset.done $0x0  }
0x25e: {  	[sflag:s10] =	ssyncadd.s32 $0xFFFFFF00  }
0x25f: {  	[tilespmem:s15], [sflag:$0x1] =	stream.indirect.gather [hbm4b:s3+s8], $0x80, s17, s8, $0xb8;
	[tilespmem:$0x10200] =	vst v63  }
0x260: {  	_ = 	snop  }
0x261: {  	[tilespmem:s19], [sflag:$0x1] =	stream.indirect.gather [hbm4b:s3+s8], $0x80, s18, s8, $0xb8;
	[tilespmem:$0x10200] =	vst v63  }
0x262: {  	_ =	swait.ge [sflag:s6], $0x4000  }
0x263: {  	[sflag:s6] =	ssyncset.done $0x0  }
0x264: {  	[sflag:s6] =	ssyncadd.s32 $0xFFFFC000  }
0x265: {  	_ =	swait.ge [sflag:s6], $0x4000  }
0x266: {  	[sflag:s6] =	ssyncset.done $0x0  }
0x267: {  	s0 =	rddreg [dreg:$0x12];
	[sflag:s6] =	ssyncadd.s32 $0xFFFFC000  }
0x268: {  	[hbm4b:s0+s2] =	stream.linear.scatter [tilespmem:s15], [sflag:$0x3], $0x8000, $0x38;
	[tilespmem:$0x10200] =	vst v63  }
0x269: {  	_ =	swait.ge [sflag:s11], $0x8000  }
0x26a: {  	[sflag:s11] =	ssyncset.done $0x0  }
0x26b: {  	s0 =	rddreg [dreg:$0x13];
	[sflag:s11] =	ssyncadd.s32 $0xFFFF8000  }
0x26c: {  	[tilespmem:s2], [sflag:$0x4] =	stream.linear.gather [hbm4b:s0+s2], $0x100, $0x38;
	[tilespmem:$0x10200] =	vst v63  }
0x26d: {  	_ =	swait.ge [sflag:s10], $0x100  }
0x26e: {  	[sflag:s10] =	ssyncset.done $0x0  }
0x26f: {  	[sflag:s10] =	ssyncadd.s32 $0xFFFFFF00  }
0x270: {  	[tilespmem:s5], [sflag:$0x1] =	stream.indirect.gather [hbm4b:s3+s8], $0x80, s2, s8, $0xb8;
	[tilespmem:$0x10200] =	vst v63  }
0x271: {  	_ = 	snop  }
0x272: {  	[tilespmem:s12], [sflag:$0x1] =	stream.indirect.gather [hbm4b:s3+s8], $0x80, s8, s8, $0xb8;
	[tilespmem:$0x10200] =	vst v63  }
0x273: {  	_ =	swait.ge [sflag:s6], $0x4000  }
0x274: {  	[sflag:s6] =	ssyncset.done $0x0  }
0x275: {  	[sflag:s6] =	ssyncadd.s32 $0xFFFFC000  }
0x276: {  	_ =	swait.ge [sflag:s6], $0x4000  }
0x277: {  	[sflag:s6] =	ssyncset.done $0x0  }
0x278: {  	s0 =	rddreg [dreg:$0x14];
	[sflag:s6] =	ssyncadd.s32 $0xFFFFC000  }
0x279: {  	[hbm4b:s0+s2] =	stream.linear.scatter [tilespmem:s5], [sflag:$0x2], $0x8000, $0x38;
	[tilespmem:$0x10200] =	vst v63  }
0x27a: {  	_ =	swait.ge [sflag:s7], $0x8000  }
0x27b: {  	[sflag:s7] =	ssyncset.done $0x0  }
0x27c: {  	s0 =	rddreg [dreg:$0x15];
	[sflag:s7] =	ssyncadd.s32 $0xFFFF8000  }
0x27d: {  	[tilespmem:s17], [sflag:$0x4] =	stream.linear.gather [hbm4b:s0+s2], $0x100, $0x38;
	[tilespmem:$0x10200] =	vst v63  }
0x27e: {  	_ =	swait.ge [sflag:s10], $0x100  }
0x27f: {  	[sflag:s10] =	ssyncset.done $0x0  }
0x280: {  	[sflag:s10] =	ssyncadd.s32 $0xFFFFFF00  }
0x281: {  	[tilespmem:s15], [sflag:$0x1] =	stream.indirect.gather [hbm4b:s3+s8], $0x80, s17, s8, $0xb8;
	[tilespmem:$0x10200] =	vst v63  }
0x282: {  	_ = 	snop  }
0x283: {  	[tilespmem:s19], [sflag:$0x1] =	stream.indirect.gather [hbm4b:s3+s8], $0x80, s18, s8, $0xb8;
	[tilespmem:$0x10200] =	vst v63  }
0x284: {  	_ =	swait.ge [sflag:s6], $0x4000  }
0x285: {  	[sflag:s6] =	ssyncset.done $0x0  }
0x286: {  	[sflag:s6] =	ssyncadd.s32 $0xFFFFC000  }
0x287: {  	_ =	swait.ge [sflag:s6], $0x4000  }
0x288: {  	[sflag:s6] =	ssyncset.done $0x0  }
0x289: {  	s0 =	rddreg [dreg:$0x16];
	[sflag:s6] =	ssyncadd.s32 $0xFFFFC000  }
0x28a: {  	[hbm4b:s0+s2] =	stream.linear.scatter [tilespmem:s15], [sflag:$0x3], $0x8000, $0x38;
	[tilespmem:$0x10200] =	vst v63  }
0x28b: {  	_ =	swait.ge [sflag:s11], $0x8000  }
0x28c: {  	[sflag:s11] =	ssyncset.done $0x0  }
0x28d: {  	s0 =	rddreg [dreg:$0x17];
	[sflag:s11] =	ssyncadd.s32 $0xFFFF8000  }
0x28e: {  	[tilespmem:s2], [sflag:$0x4] =	stream.linear.gather [hbm4b:s0+s2], $0x100, $0x38;
	[tilespmem:$0x10200] =	vst v63  }
0x28f: {  	_ =	swait.ge [sflag:s10], $0x100  }
0x290: {  	[sflag:s10] =	ssyncset.done $0x0  }
0x291: {  	[sflag:s10] =	ssyncadd.s32 $0xFFFFFF00  }
0x292: {  	[tilespmem:s5], [sflag:$0x1] =	stream.indirect.gather [hbm4b:s3+s8], $0x80, s2, s8, $0xb8;
	[tilespmem:$0x10200] =	vst v63  }
0x293: {  	_ = 	snop  }
0x294: {  	[tilespmem:s12], [sflag:$0x1] =	stream.indirect.gather [hbm4b:s3+s8], $0x80, s8, s8, $0xb8;
	[tilespmem:$0x10200] =	vst v63  }
0x295: {  	_ =	swait.ge [sflag:s6], $0x4000  }
0x296: {  	[sflag:s6] =	ssyncset.done $0x0  }
0x297: {  	[sflag:s6] =	ssyncadd.s32 $0xFFFFC000  }
0x298: {  	_ =	swait.ge [sflag:s6], $0x4000  }
0x299: {  	[sflag:s6] =	ssyncset.done $0x0  }
0x29a: {  	s0 =	rddreg [dreg:$0x18];
	[sflag:s6] =	ssyncadd.s32 $0xFFFFC000  }
0x29b: {  	[hbm4b:s0+s2] =	stream.linear.scatter [tilespmem:s5], [sflag:$0x2], $0x8000, $0x38;
	[tilespmem:$0x10200] =	vst v63  }
0x29c: {  	_ =	swait.ge [sflag:s7], $0x8000  }
0x29d: {  	[sflag:s7] =	ssyncset.done $0x0  }
0x29e: {  	s0 =	rddreg [dreg:$0x19];
	[sflag:s7] =	ssyncadd.s32 $0xFFFF8000  }
0x29f: {  	[tilespmem:s17], [sflag:$0x4] =	stream.linear.gather [hbm4b:s0+s2], $0x100, $0x38;
	[tilespmem:$0x10200] =	vst v63  }
0x2a0: {  	_ =	swait.ge [sflag:s10], $0x100  }
0x2a1: {  	[sflag:s10] =	ssyncset.done $0x0  }
0x2a2: {  	[sflag:s10] =	ssyncadd.s32 $0xFFFFFF00  }
0x2a3: {  	[tilespmem:s15], [sflag:$0x1] =	stream.indirect.gather [hbm4b:s3+s8], $0x80, s17, s8, $0xb8;
	[tilespmem:$0x10200] =	vst v63  }
0x2a4: {  	_ = 	snop  }
0x2a5: {  	[tilespmem:s19], [sflag:$0x1] =	stream.indirect.gather [hbm4b:s3+s8], $0x80, s18, s8, $0xb8;
	[tilespmem:$0x10200] =	vst v63  }
0x2a6: {  	_ =	swait.ge [sflag:s6], $0x4000  }
0x2a7: {  	[sflag:s6] =	ssyncset.done $0x0  }
0x2a8: {  	[sflag:s6] =	ssyncadd.s32 $0xFFFFC000  }
0x2a9: {  	_ =	swait.ge [sflag:s6], $0x4000  }
0x2aa: {  	[sflag:s6] =	ssyncset.done $0x0  }
0x2ab: {  	s0 =	rddreg [dreg:$0x1a];
	[sflag:s6] =	ssyncadd.s32 $0xFFFFC000  }
0x2ac: {  	[hbm4b:s0+s2] =	stream.linear.scatter [tilespmem:s15], [sflag:$0x3], $0x8000, $0x38;
	[tilespmem:$0x10200] =	vst v63  }
0x2ad: {  	_ =	swait.ge [sflag:s11], $0x8000  }
0x2ae: {  	[sflag:s11] =	ssyncset.done $0x0  }
0x2af: {  	s0 =	rddreg [dreg:$0x1b];
	[sflag:s11] =	ssyncadd.s32 $0xFFFF8000  }
0x2b0: {  	[tilespmem:s2], [sflag:$0x4] =	stream.linear.gather [hbm4b:s0+s2], $0x100, $0x38;
	[tilespmem:$0x10200] =	vst v63  }
0x2b1: {  	_ =	swait.ge [sflag:s10], $0x100  }
0x2b2: {  	[sflag:s10] =	ssyncset.done $0x0  }
0x2b3: {  	[sflag:s10] =	ssyncadd.s32 $0xFFFFFF00  }
0x2b4: {  	[tilespmem:s5], [sflag:$0x1] =	stream.indirect.gather [hbm4b:s3+s8], $0x80, s2, s8, $0xb8;
	[tilespmem:$0x10200] =	vst v63  }
0x2b5: {  	_ = 	snop  }
0x2b6: {  	[tilespmem:s12], [sflag:$0x1] =	stream.indirect.gather [hbm4b:s3+s8], $0x80, s8, s8, $0xb8;
	[tilespmem:$0x10200] =	vst v63  }
0x2b7: {  	_ =	swait.ge [sflag:s6], $0x4000  }
0x2b8: {  	[sflag:s6] =	ssyncset.done $0x0  }
0x2b9: {  	[sflag:s6] =	ssyncadd.s32 $0xFFFFC000  }
0x2ba: {  	_ =	swait.ge [sflag:s6], $0x4000  }
0x2bb: {  	[sflag:s6] =	ssyncset.done $0x0  }
0x2bc: {  	s0 =	rddreg [dreg:$0x1c];
	[sflag:s6] =	ssyncadd.s32 $0xFFFFC000  }
0x2bd: {  	[hbm4b:s0+s2] =	stream.linear.scatter [tilespmem:s5], [sflag:$0x2], $0x8000, $0x38;
	[tilespmem:$0x10200] =	vst v63  }
0x2be: {  	_ =	swait.ge [sflag:s7], $0x8000  }
0x2bf: {  	[sflag:s7] =	ssyncset.done $0x0  }
0x2c0: {  	s0 =	rddreg [dreg:$0x1d];
	[sflag:s7] =	ssyncadd.s32 $0xFFFF8000  }
0x2c1: {  	[tilespmem:s17], [sflag:$0x4] =	stream.linear.gather [hbm4b:s0+s2], $0x100, $0x38;
	[tilespmem:$0x10200] =	vst v63  }
0x2c2: {  	_ =	swait.ge [sflag:s10], $0x100  }
0x2c3: {  	[sflag:s10] =	ssyncset.done $0x0  }
0x2c4: {  	[sflag:s10] =	ssyncadd.s32 $0xFFFFFF00  }
0x2c5: {  	[tilespmem:s15], [sflag:$0x1] =	stream.indirect.gather [hbm4b:s3+s8], $0x80, s17, s8, $0xb8;
	[tilespmem:$0x10200] =	vst v63  }
0x2c6: {  	_ = 	snop  }
0x2c7: {  	[tilespmem:s19], [sflag:$0x1] =	stream.indirect.gather [hbm4b:s3+s8], $0x80, s18, s8, $0xb8;
	[tilespmem:$0x10200] =	vst v63  }
0x2c8: {  	_ =	swait.ge [sflag:s6], $0x4000  }
0x2c9: {  	[sflag:s6] =	ssyncset.done $0x0  }
0x2ca: {  	[sflag:s6] =	ssyncadd.s32 $0xFFFFC000  }
0x2cb: {  	_ =	swait.ge [sflag:s6], $0x4000  }
0x2cc: {  	[sflag:s6] =	ssyncset.done $0x0  }
0x2cd: {  	s0 =	rddreg [dreg:$0x1e];
	[sflag:s6] =	ssyncadd.s32 $0xFFFFC000  }
0x2ce: {  	[hbm4b:s0+s2] =	stream.linear.scatter [tilespmem:s15], [sflag:$0x3], $0x8000, $0x38;
	[tilespmem:$0x10200] =	vst v63  }
0x2cf: {  	_ =	swait.ge [sflag:s11], $0x8000  }
0x2d0: {  	[sflag:s11] =	ssyncset.done $0x0  }
0x2d1: {  	s0 =	rddreg [dreg:$0x1f];
	[sflag:s11] =	ssyncadd.s32 $0xFFFF8000  }
0x2d2: {  	[tilespmem:s2], [sflag:$0x4] =	stream.linear.gather [hbm4b:s0+s2], $0x100, $0x38;
	[tilespmem:$0x10200] =	vst v63  }
0x2d3: {  	_ =	swait.ge [sflag:s10], $0x100  }
0x2d4: {  	[sflag:s10] =	ssyncset.done $0x0  }
0x2d5: {  	[sflag:s10] =	ssyncadd.s32 $0xFFFFFF00  }
0x2d6: {  	[tilespmem:s5], [sflag:$0x1] =	stream.indirect.gather [hbm4b:s3+s8], $0x80, s2, s8, $0xb8;
	[tilespmem:$0x10200] =	vst v63  }
0x2d7: {  	_ = 	snop  }
0x2d8: {  	[tilespmem:s12], [sflag:$0x1] =	stream.indirect.gather [hbm4b:s3+s8], $0x80, s8, s8, $0xb8;
	[tilespmem:$0x10200] =	vst v63  }
0x2d9: {  	_ =	swait.ge [sflag:s6], $0x4000  }
0x2da: {  	[sflag:s6] =	ssyncset.done $0x0  }
0x2db: {  	[sflag:s6] =	ssyncadd.s32 $0xFFFFC000  }
0x2dc: {  	_ =	swait.ge [sflag:s6], $0x4000  }
0x2dd: {  	s0 =	sld [smem:$0x7F9]  }
0x2de: {  	[sflag:s6] =	ssyncset.done $0x0  }
0x2df: {  	[sflag:s6] =	ssyncadd.s32 $0xFFFFC000  }
0x2e0: {  	[hbm4b:s0+s2] =	stream.linear.scatter [tilespmem:s5], [sflag:$0x2], $0x8000, $0x38;
	[tilespmem:$0x10200] =	vst v63  }
0x2e1: {  	_ =	swait.ge [sflag:s7], $0x8000  }
0x2e2: {  	s0 =	sld [smem:$0x7FA]  }
0x2e3: {  	[sflag:s7] =	ssyncset.done $0x0  }
0x2e4: {  	[sflag:s7] =	ssyncadd.s32 $0xFFFF8000  }
0x2e5: {  	[tilespmem:s17], [sflag:$0x4] =	stream.linear.gather [hbm4b:s0+s2], $0x100, $0x38;
	[tilespmem:$0x10200] =	vst v63  }
0x2e6: {  	_ =	swait.ge [sflag:s10], $0x100  }
0x2e7: {  	[sflag:s10] =	ssyncset.done $0x0  }
0x2e8: {  	[sflag:s10] =	ssyncadd.s32 $0xFFFFFF00  }
0x2e9: {  	[tilespmem:s15], [sflag:$0x1] =	stream.indirect.gather [hbm4b:s3+s8], $0x80, s17, s8, $0xb8;
	[tilespmem:$0x10200] =	vst v63  }
0x2ea: {  	_ = 	snop  }
0x2eb: {  	[tilespmem:s19], [sflag:$0x1] =	stream.indirect.gather [hbm4b:s3+s8], $0x80, s18, s8, $0xb8;
	[tilespmem:$0x10200] =	vst v63  }
0x2ec: {  	_ =	swait.ge [sflag:s6], $0x4000  }
0x2ed: {  	[sflag:s6] =	ssyncset.done $0x0  }
0x2ee: {  	[sflag:s6] =	ssyncadd.s32 $0xFFFFC000  }
0x2ef: {  	_ =	swait.ge [sflag:s6], $0x4000  }
0x2f0: {  	s0 =	sld [smem:$0x7FB]  }
0x2f1: {  	[sflag:s6] =	ssyncset.done $0x0  }
0x2f2: {  	[sflag:s6] =	ssyncadd.s32 $0xFFFFC000  }
0x2f3: {  	[hbm4b:s0+s2] =	stream.linear.scatter [tilespmem:s15], [sflag:$0x3], $0x8000, $0x38;
	[tilespmem:$0x10200] =	vst v63  }
0x2f4: {  	_ =	swait.ge [sflag:s11], $0x8000  }
0x2f5: {  	s0 =	sld [smem:$0x7FC]  }
0x2f6: {  	[sflag:s11] =	ssyncset.done $0x0  }
0x2f7: {  	[sflag:s11] =	ssyncadd.s32 $0xFFFF8000  }
0x2f8: {  	[tilespmem:s2], [sflag:$0x4] =	stream.linear.gather [hbm4b:s0+s2], $0x100, $0x38;
	[tilespmem:$0x10200] =	vst v63  }
0x2f9: {  	_ =	swait.ge [sflag:s10], $0x100  }
0x2fa: {  	[sflag:s10] =	ssyncset.done $0x0  }
0x2fb: {  	[sflag:s10] =	ssyncadd.s32 $0xFFFFFF00  }
0x2fc: {  	[tilespmem:s5], [sflag:$0x1] =	stream.indirect.gather [hbm4b:s3+s8], $0x80, s2, s8, $0xb8;
	[tilespmem:$0x10200] =	vst v63  }
0x2fd: {  	_ = 	snop  }
0x2fe: {  	[tilespmem:s12], [sflag:$0x1] =	stream.indirect.gather [hbm4b:s3+s8], $0x80, s8, s8, $0xb8;
	[tilespmem:$0x10200] =	vst v63  }
0x2ff: {  	_ =	swait.ge [sflag:s6], $0x4000  }
0x300: {  	[sflag:s6] =	ssyncset.done $0x0  }
0x301: {  	[sflag:s6] =	ssyncadd.s32 $0xFFFFC000  }
0x302: {  	_ =	swait.ge [sflag:s6], $0x4000  }
0x303: {  	s0 =	sld [smem:$0x7FD]  }
0x304: {  	[sflag:s6] =	ssyncset.done $0x0  }
0x305: {  	[sflag:s6] =	ssyncadd.s32 $0xFFFFC000  }
0x306: {  	[hbm4b:s0+s2] =	stream.linear.scatter [tilespmem:s5], [sflag:$0x2], $0x8000, $0x38;
	[tilespmem:$0x10200] =	vst v63  }
0x307: {  	_ =	swait.ge [sflag:s7], $0x8000  }
0x308: {  	[sflag:s7] =	ssyncset.done $0x0  }
0x309: {  	[sflag:s7] =	ssyncadd.s32 $0xFFFF8000  }
0x30a: {  	[tilespmem:s17], [sflag:$0x4] =	stream.linear.gather [hbm4b:s31+s2], $0x100, $0x38;
	[tilespmem:$0x10200] =	vst v63  }
0x30b: {  	_ =	swait.ge [sflag:s10], $0x100  }
0x30c: {  	[sflag:s10] =	ssyncset.done $0x0  }
0x30d: {  	[sflag:s10] =	ssyncadd.s32 $0xFFFFFF00  }
0x30e: {  	[tilespmem:s15], [sflag:$0x1] =	stream.indirect.gather [hbm4b:s3+s8], $0x80, s17, s8, $0xb8;
	[tilespmem:$0x10200] =	vst v63  }
0x30f: {  	_ = 	snop  }
0x310: {  	[tilespmem:s19], [sflag:$0x1] =	stream.indirect.gather [hbm4b:s3+s8], $0x80, s18, s8, $0xb8;
	[tilespmem:$0x10200] =	vst v63  }
0x311: {  	_ =	swait.ge [sflag:s6], $0x4000  }
0x312: {  	[sflag:s6] =	ssyncset.done $0x0  }
0x313: {  	[sflag:s6] =	ssyncadd.s32 $0xFFFFC000  }
0x314: {  	_ =	swait.ge [sflag:s6], $0x4000  }
0x315: {  	[sflag:s6] =	ssyncset.done $0x0  }
0x316: {  	[sflag:s6] =	ssyncadd.s32 $0xFFFFC000  }
0x317: {  	[hbm4b:s30+s2] =	stream.linear.scatter [tilespmem:s15], [sflag:$0x3], $0x8000, $0x38;
	[tilespmem:$0x10200] =	vst v63  }
0x318: {  	_ =	swait.ge [sflag:s11], $0x8000  }
0x319: {  	[sflag:s11] =	ssyncset.done $0x0  }
0x31a: {  	[sflag:s11] =	ssyncadd.s32 $0xFFFF8000  }
0x31b: {  	[tilespmem:s2], [sflag:$0x4] =	stream.linear.gather [hbm4b:s29+s2], $0x100, $0x38;
	[tilespmem:$0x10200] =	vst v63  }
0x31c: {  	_ =	swait.ge [sflag:s10], $0x100  }
0x31d: {  	[sflag:s10] =	ssyncset.done $0x0  }
0x31e: {  	[sflag:s10] =	ssyncadd.s32 $0xFFFFFF00  }
0x31f: {  	[tilespmem:s5], [sflag:$0x1] =	stream.indirect.gather [hbm4b:s3+s8], $0x80, s2, s8, $0xb8;
	[tilespmem:$0x10200] =	vst v63  }
0x320: {  	_ = 	snop  }
0x321: {  	[tilespmem:s12], [sflag:$0x1] =	stream.indirect.gather [hbm4b:s3+s8], $0x80, s8, s8, $0xb8;
	[tilespmem:$0x10200] =	vst v63  }
0x322: {  	_ =	swait.ge [sflag:s6], $0x4000  }
0x323: {  	[sflag:s6] =	ssyncset.done $0x0  }
0x324: {  	[sflag:s6] =	ssyncadd.s32 $0xFFFFC000  }
0x325: {  	_ =	swait.ge [sflag:s6], $0x4000  }
0x326: {  	[sflag:s6] =	ssyncset.done $0x0  }
0x327: {  	[sflag:s6] =	ssyncadd.s32 $0xFFFFC000  }
0x328: {  	[hbm4b:s28+s2] =	stream.linear.scatter [tilespmem:s5], [sflag:$0x2], $0x8000, $0x38;
	[tilespmem:$0x10200] =	vst v63  }
0x329: {  	_ =	swait.ge [sflag:s7], $0x8000  }
0x32a: {  	[sflag:s7] =	ssyncset.done $0x0  }
0x32b: {  	[sflag:s7] =	ssyncadd.s32 $0xFFFF8000  }
0x32c: {  	[tilespmem:s17], [sflag:$0x4] =	stream.linear.gather [hbm4b:s26+s2], $0x100, $0x38;
	[tilespmem:$0x10200] =	vst v63  }
0x32d: {  	_ =	swait.ge [sflag:s10], $0x100  }
0x32e: {  	[sflag:s10] =	ssyncset.done $0x0  }
0x32f: {  	[sflag:s10] =	ssyncadd.s32 $0xFFFFFF00  }
0x330: {  	[tilespmem:s15], [sflag:$0x1] =	stream.indirect.gather [hbm4b:s3+s8], $0x80, s17, s8, $0xb8;
	[tilespmem:$0x10200] =	vst v63  }
0x331: {  	_ = 	snop  }
0x332: {  	[tilespmem:s19], [sflag:$0x1] =	stream.indirect.gather [hbm4b:s3+s8], $0x80, s18, s8, $0xb8;
	[tilespmem:$0x10200] =	vst v63  }
0x333: {  	_ =	swait.ge [sflag:s6], $0x4000  }
0x334: {  	[sflag:s6] =	ssyncset.done $0x0  }
0x335: {  	[sflag:s6] =	ssyncadd.s32 $0xFFFFC000  }
0x336: {  	_ =	swait.ge [sflag:s6], $0x4000  }
0x337: {  	[sflag:s6] =	ssyncset.done $0x0  }
0x338: {  	[sflag:s6] =	ssyncadd.s32 $0xFFFFC000  }
0x339: {  	[hbm4b:s25+s2] =	stream.linear.scatter [tilespmem:s15], [sflag:$0x3], $0x8000, $0x38;
	[tilespmem:$0x10200] =	vst v63  }
0x33a: {  	_ =	swait.ge [sflag:s11], $0x8000  }
0x33b: {  	[sflag:s11] =	ssyncset.done $0x0  }
0x33c: {  	[sflag:s11] =	ssyncadd.s32 $0xFFFF8000  }
0x33d: {  	[tilespmem:s2], [sflag:$0x4] =	stream.linear.gather [hbm4b:s24+s2], $0x100, $0x38;
	[tilespmem:$0x10200] =	vst v63  }
0x33e: {  	_ =	swait.ge [sflag:s10], $0x100  }
0x33f: {  	[sflag:s10] =	ssyncset.done $0x0  }
0x340: {  	[sflag:s10] =	ssyncadd.s32 $0xFFFFFF00  }
0x341: {  	[tilespmem:s5], [sflag:$0x1] =	stream.indirect.gather [hbm4b:s3+s8], $0x80, s2, s8, $0xb8;
	[tilespmem:$0x10200] =	vst v63  }
0x342: {  	_ = 	snop  }
0x343: {  	[tilespmem:s12], [sflag:$0x1] =	stream.indirect.gather [hbm4b:s3+s8], $0x80, s8, s8, $0xb8;
	[tilespmem:$0x10200] =	vst v63  }
0x344: {  	_ =	swait.ge [sflag:s6], $0x4000  }
0x345: {  	[sflag:s6] =	ssyncset.done $0x0  }
0x346: {  	[sflag:s6] =	ssyncadd.s32 $0xFFFFC000  }
0x347: {  	_ =	swait.ge [sflag:s6], $0x4000  }
0x348: {  	[sflag:s6] =	ssyncset.done $0x0  }
0x349: {  	[sflag:s6] =	ssyncadd.s32 $0xFFFFC000  }
0x34a: {  	[hbm4b:s23+s2] =	stream.linear.scatter [tilespmem:s5], [sflag:$0x2], $0x8000, $0x38;
	[tilespmem:$0x10200] =	vst v63  }
0x34b: {  	_ =	swait.ge [sflag:s7], $0x8000  }
0x34c: {  	[sflag:s7] =	ssyncset.done $0x0  }
0x34d: {  	[sflag:s7] =	ssyncadd.s32 $0xFFFF8000  }
0x34e: {  	[tilespmem:s17], [sflag:$0x4] =	stream.linear.gather [hbm4b:s22+s2], $0x100, $0x38;
	[tilespmem:$0x10200] =	vst v63  }
0x34f: {  	_ =	swait.ge [sflag:s10], $0x100  }
0x350: {  	[sflag:s10] =	ssyncset.done $0x0  }
0x351: {  	[sflag:s10] =	ssyncadd.s32 $0xFFFFFF00  }
0x352: {  	[tilespmem:s15], [sflag:$0x1] =	stream.indirect.gather [hbm4b:s3+s8], $0x80, s17, s8, $0xb8;
	[tilespmem:$0x10200] =	vst v63  }
0x353: {  	_ = 	snop  }
0x354: {  	[tilespmem:s19], [sflag:$0x1] =	stream.indirect.gather [hbm4b:s3+s8], $0x80, s18, s8, $0xb8;
	[tilespmem:$0x10200] =	vst v63  }
0x355: {  	_ =	swait.ge [sflag:s6], $0x4000  }
0x356: {  	[sflag:s6] =	ssyncset.done $0x0  }
0x357: {  	[sflag:s6] =	ssyncadd.s32 $0xFFFFC000  }
0x358: {  	_ =	swait.ge [sflag:s6], $0x4000  }
0x359: {  	[sflag:s6] =	ssyncset.done $0x0  }
0x35a: {  	[sflag:s6] =	ssyncadd.s32 $0xFFFFC000  }
0x35b: {  	[hbm4b:s21+s2] =	stream.linear.scatter [tilespmem:s15], [sflag:$0x3], $0x8000, $0x38;
	[tilespmem:$0x10200] =	vst v63  }
0x35c: {  	_ =	swait.ge [sflag:s11], $0x8000  }
0x35d: {  	[sflag:s11] =	ssyncset.done $0x0  }
0x35e: {  	[sflag:s11] =	ssyncadd.s32 $0xFFFF8000  }
0x35f: {  	[tilespmem:s2], [sflag:$0x4] =	stream.linear.gather [hbm4b:s20+s2], $0x100, $0x38;
	[tilespmem:$0x10200] =	vst v63  }
0x360: {  	_ =	swait.ge [sflag:s10], $0x100  }
0x361: {  	[sflag:s10] =	ssyncset.done $0x0  }
0x362: {  	[sflag:s10] =	ssyncadd.s32 $0xFFFFFF00  }
0x363: {  	[tilespmem:s5], [sflag:$0x1] =	stream.indirect.gather [hbm4b:s3+s8], $0x80, s2, s8, $0xb8;
	[tilespmem:$0x10200] =	vst v63  }
0x364: {  	_ = 	snop  }
0x365: {  	[tilespmem:s12], [sflag:$0x1] =	stream.indirect.gather [hbm4b:s3+s8], $0x80, s8, s8, $0xb8;
	[tilespmem:$0x10200] =	vst v63  }
0x366: {  	_ =	swait.ge [sflag:s6], $0x4000  }
0x367: {  	[sflag:s6] =	ssyncset.done $0x0  }
0x368: {  	[sflag:s6] =	ssyncadd.s32 $0xFFFFC000  }
0x369: {  	_ =	swait.ge [sflag:s6], $0x4000  }
0x36a: {  	[sflag:s6] =	ssyncset.done $0x0  }
0x36b: {  	[sflag:s6] =	ssyncadd.s32 $0xFFFFC000  }
0x36c: {  	[hbm4b:s16+s2] =	stream.linear.scatter [tilespmem:s5], [sflag:$0x2], $0x8000, $0x38;
	[tilespmem:$0x10200] =	vst v63  }
0x36d: {  	_ =	swait.ge [sflag:s7], $0x8000  }
0x36e: {  	[sflag:s7] =	ssyncset.done $0x0  }
0x36f: {  	[sflag:s7] =	ssyncadd.s32 $0xFFFF8000  }
0x370: {  	[tilespmem:s17], [sflag:$0x4] =	stream.linear.gather [hbm4b:s14+s2], $0x100, $0x38;
	[tilespmem:$0x10200] =	vst v63  }
0x371: {  	_ =	swait.ge [sflag:s10], $0x100  }
0x372: {  	[sflag:s10] =	ssyncset.done $0x0  }
0x373: {  	[sflag:s10] =	ssyncadd.s32 $0xFFFFFF00  }
0x374: {  	[tilespmem:s15], [sflag:$0x1] =	stream.indirect.gather [hbm4b:s3+s8], $0x80, s17, s8, $0xb8;
	[tilespmem:$0x10200] =	vst v63  }
0x375: {  	_ = 	snop  }
0x376: {  	[tilespmem:s19], [sflag:$0x1] =	stream.indirect.gather [hbm4b:s3+s8], $0x80, s18, s8, $0xb8;
	[tilespmem:$0x10200] =	vst v63  }
0x377: {  	_ =	swait.ge [sflag:s6], $0x4000  }
0x378: {  	[sflag:s6] =	ssyncset.done $0x0  }
0x379: {  	[sflag:s6] =	ssyncadd.s32 $0xFFFFC000  }
0x37a: {  	_ =	swait.ge [sflag:s6], $0x4000  }
0x37b: {  	[sflag:s6] =	ssyncset.done $0x0  }
0x37c: {  	[sflag:s6] =	ssyncadd.s32 $0xFFFFC000  }
0x37d: {  	[hbm4b:s13+s2] =	stream.linear.scatter [tilespmem:s15], [sflag:$0x3], $0x8000, $0x38;
	[tilespmem:$0x10200] =	vst v63  }
0x37e: {  	_ =	swait.ge [sflag:s11], $0x8000  }
0x37f: {  	[sflag:s11] =	ssyncset.done $0x0  }
0x380: {  	[sflag:s11] =	ssyncadd.s32 $0xFFFF8000  }
0x381: {  	[tilespmem:s2], [sflag:$0x4] =	stream.linear.gather [hbm4b:s9+s2], $0x100, $0x38;
	[tilespmem:$0x10200] =	vst v63  }
0x382: {  	_ =	swait.ge [sflag:s10], $0x100  }
0x383: {  	[sflag:s10] =	ssyncset.done $0x0  }
0x384: {  	[sflag:s10] =	ssyncadd.s32 $0xFFFFFF00  }
0x385: {  	[tilespmem:s5], [sflag:$0x1] =	stream.indirect.gather [hbm4b:s3+s8], $0x80, s2, s8, $0xb8;
	[tilespmem:$0x10200] =	vst v63  }
0x386: {  	_ = 	snop  }
0x387: {  	[tilespmem:s12], [sflag:$0x1] =	stream.indirect.gather [hbm4b:s3+s8], $0x80, s8, s8, $0xb8;
	[tilespmem:$0x10200] =	vst v63  }
0x388: {  	_ =	swait.ge [sflag:s6], $0x4000  }
0x389: {  	[sflag:s6] =	ssyncset.done $0x0  }
0x38a: {  	[sflag:s6] =	ssyncadd.s32 $0xFFFFC000  }
0x38b: {  	_ =	swait.ge [sflag:s6], $0x4000  }
0x38c: {  	[sflag:s6] =	ssyncset.done $0x0  }
0x38d: {  	p1 =	sne.s32 s1, $0x1;
	[sflag:s6] =	ssyncadd.s32 $0xFFFFC000  }
0x38e: {  	[hbm4b:s4+s2] =	stream.linear.scatter [tilespmem:s5], [sflag:$0x2], $0x8000, $0x38;
	[tilespmem:$0x10200] =	vst v63  }
.Ltmp2:
0x38f: {  	_ =	swait.ge [sflag:s11], $0x8000;
	(pc) =	sbr.rel @p1 .LBB2_2-.Ltmp2, $4  }
0x390: {  	[sflag:s11] =	ssyncset.done $0x0  }
0x391: {  	[sflag:s11] =	ssyncadd.s32 $0xFFFF8000  }
0x392: {  	_ =	swait.ge [sflag:s7], $0x8000  }
0x393: {  	s1 =	sadd.s32 $0xFFFFFFFF, s1;
	s0 =	rddreg [dreg:$0x3];
	[sflag:s7] =	ssyncset.done $0x0  }
.LBB2_3:
0x394: {  	[sflag:s7] =	ssyncadd.s32 @p0 $0xFFFF8000  }
0x395: {  	[tilespmem:s2], [sflag:$0x4] =	stream.linear.gather [hbm4b:s0+s2], $0x100, $0x38;
	[tilespmem:$0x10200] =	vst v63  }
0x396: {  	_ =	swait.ge [sflag:s10], $0x100  }
0x397: {  	[sflag:s10] =	ssyncset.done $0x0  }
0x398: {  	[sflag:s10] =	ssyncadd.s32 $0xFFFFFF00  }
0x399: {  	[tilespmem:s5], [sflag:$0x1] =	stream.indirect.gather [hbm4b:s3+s8], $0x80, s2, s8, $0xb8;
	[tilespmem:$0x10200] =	vst v63  }
0x39a: {  	_ = 	snop  }
0x39b: {  	[tilespmem:s12], [sflag:$0x1] =	stream.indirect.gather [hbm4b:s3+s8], $0x80, s8, s8, $0xb8;
	[tilespmem:$0x10200] =	vst v63  }
0x39c: {  	_ =	swait.ge [sflag:s6], $0x4000  }
0x39d: {  	[sflag:s6] =	ssyncset.done $0x0  }
0x39e: {  	[sflag:s6] =	ssyncadd.s32 $0xFFFFC000  }
0x39f: {  	_ =	swait.ge [sflag:s6], $0x4000  }
0x3a0: {  	[sflag:s6] =	ssyncset.done $0x0  }
0x3a1: {  	s0 =	rddreg [dreg:$0x4];
	[sflag:s6] =	ssyncadd.s32 $0xFFFFC000  }
0x3a2: {  	[hbm4b:s0+s2] =	stream.linear.scatter [tilespmem:s5], [sflag:$0x2], $0x8000, $0x38;
	[tilespmem:$0x10200] =	vst v63  }
0x3a3: {  	s1 =	rddreg [dreg:$0x5]  }
0x3a4: {  	[tilespmem:s17], [sflag:$0x4] =	stream.linear.gather [hbm4b:s1+s2], $0x100, $0x38;
	[tilespmem:$0x10200] =	vst v63  }
0x3a5: {  	_ =	swait.ge [sflag:s10], $0x100  }
0x3a6: {  	[sflag:s10] =	ssyncset.done $0x0  }
0x3a7: {  	[sflag:s10] =	ssyncadd.s32 $0xFFFFFF00  }
0x3a8: {  	[tilespmem:s15], [sflag:$0x1] =	stream.indirect.gather [hbm4b:s3+s8], $0x80, s17, s8, $0xb8;
	[tilespmem:$0x10200] =	vst v63  }
0x3a9: {  	_ = 	snop  }
0x3aa: {  	[tilespmem:s19], [sflag:$0x1] =	stream.indirect.gather [hbm4b:s3+s8], $0x80, s18, s8, $0xb8;
	[tilespmem:$0x10200] =	vst v63  }
0x3ab: {  	_ =	swait.ge [sflag:s6], $0x4000  }
0x3ac: {  	[sflag:s6] =	ssyncset.done $0x0  }
0x3ad: {  	[sflag:s6] =	ssyncadd.s32 $0xFFFFC000  }
0x3ae: {  	_ =	swait.ge [sflag:s6], $0x4000  }
0x3af: {  	[sflag:s6] =	ssyncset.done $0x0  }
0x3b0: {  	s1 =	rddreg [dreg:$0x6];
	[sflag:s6] =	ssyncadd.s32 $0xFFFFC000  }
0x3b1: {  	[hbm4b:s1+s2] =	stream.linear.scatter [tilespmem:s15], [sflag:$0x3], $0x8000, $0x38;
	[tilespmem:$0x10200] =	vst v63  }
0x3b2: {  	_ =	swait.ge [sflag:s11], $0x8000  }
0x3b3: {  	[sflag:s11] =	ssyncset.done $0x0  }
0x3b4: {  	s1 =	rddreg [dreg:$0x7];
	[sflag:s11] =	ssyncadd.s32 $0xFFFF8000  }
0x3b5: {  	[tilespmem:s2], [sflag:$0x4] =	stream.linear.gather [hbm4b:s1+s2], $0x100, $0x38;
	[tilespmem:$0x10200] =	vst v63  }
0x3b6: {  	_ =	swait.ge [sflag:s10], $0x100  }
0x3b7: {  	[sflag:s10] =	ssyncset.done $0x0  }
0x3b8: {  	[sflag:s10] =	ssyncadd.s32 $0xFFFFFF00  }
0x3b9: {  	[tilespmem:s5], [sflag:$0x1] =	stream.indirect.gather [hbm4b:s3+s8], $0x80, s2, s8, $0xb8;
	[tilespmem:$0x10200] =	vst v63  }
0x3ba: {  	_ = 	snop  }
0x3bb: {  	[tilespmem:s12], [sflag:$0x1] =	stream.indirect.gather [hbm4b:s3+s8], $0x80, s8, s8, $0xb8;
	[tilespmem:$0x10200] =	vst v63  }
0x3bc: {  	_ =	swait.ge [sflag:s6], $0x4000  }
0x3bd: {  	[sflag:s6] =	ssyncset.done $0x0  }
0x3be: {  	[sflag:s6] =	ssyncadd.s32 $0xFFFFC000  }
0x3bf: {  	_ =	swait.ge [sflag:s6], $0x4000  }
0x3c0: {  	[sflag:s6] =	ssyncset.done $0x0  }
0x3c1: {  	s1 =	rddreg [dreg:$0x8];
	[sflag:s6] =	ssyncadd.s32 $0xFFFFC000  }
0x3c2: {  	[hbm4b:s1+s2] =	stream.linear.scatter [tilespmem:s5], [sflag:$0x2], $0x8000, $0x38;
	[tilespmem:$0x10200] =	vst v63  }
0x3c3: {  	_ =	swait.ge [sflag:s7], $0x8000  }
0x3c4: {  	[sflag:s7] =	ssyncset.done $0x0  }
0x3c5: {  	s1 =	rddreg [dreg:$0x9];
	[sflag:s7] =	ssyncadd.s32 $0xFFFF8000  }
0x3c6: {  	[tilespmem:s17], [sflag:$0x4] =	stream.linear.gather [hbm4b:s1+s2], $0x100, $0x38;
	[tilespmem:$0x10200] =	vst v63  }
0x3c7: {  	_ =	swait.ge [sflag:s10], $0x100  }
0x3c8: {  	[sflag:s10] =	ssyncset.done $0x0  }
0x3c9: {  	[sflag:s10] =	ssyncadd.s32 $0xFFFFFF00  }
0x3ca: {  	[tilespmem:s15], [sflag:$0x1] =	stream.indirect.gather [hbm4b:s3+s8], $0x80, s17, s8, $0xb8;
	[tilespmem:$0x10200] =	vst v63  }
0x3cb: {  	_ = 	snop  }
0x3cc: {  	[tilespmem:s19], [sflag:$0x1] =	stream.indirect.gather [hbm4b:s3+s8], $0x80, s18, s8, $0xb8;
	[tilespmem:$0x10200] =	vst v63  }
0x3cd: {  	_ =	swait.ge [sflag:s6], $0x4000  }
0x3ce: {  	[sflag:s6] =	ssyncset.done $0x0  }
0x3cf: {  	[sflag:s6] =	ssyncadd.s32 $0xFFFFC000  }
0x3d0: {  	_ =	swait.ge [sflag:s6], $0x4000  }
0x3d1: {  	[sflag:s6] =	ssyncset.done $0x0  }
0x3d2: {  	s1 =	rddreg [dreg:$0xa];
	[sflag:s6] =	ssyncadd.s32 $0xFFFFC000  }
0x3d3: {  	[hbm4b:s1+s2] =	stream.linear.scatter [tilespmem:s15], [sflag:$0x3], $0x8000, $0x38;
	[tilespmem:$0x10200] =	vst v63  }
0x3d4: {  	_ =	swait.ge [sflag:s11], $0x8000  }
0x3d5: {  	[sflag:s11] =	ssyncset.done $0x0  }
0x3d6: {  	s1 =	rddreg [dreg:$0xb];
	[sflag:s11] =	ssyncadd.s32 $0xFFFF8000  }
0x3d7: {  	[tilespmem:s2], [sflag:$0x4] =	stream.linear.gather [hbm4b:s1+s2], $0x100, $0x38;
	[tilespmem:$0x10200] =	vst v63  }
0x3d8: {  	_ =	swait.ge [sflag:s10], $0x100  }
0x3d9: {  	[sflag:s10] =	ssyncset.done $0x0  }
0x3da: {  	[sflag:s10] =	ssyncadd.s32 $0xFFFFFF00  }
0x3db: {  	[tilespmem:s5], [sflag:$0x1] =	stream.indirect.gather [hbm4b:s3+s8], $0x80, s2, s8, $0xb8;
	[tilespmem:$0x10200] =	vst v63  }
0x3dc: {  	_ = 	snop  }
0x3dd: {  	[tilespmem:s12], [sflag:$0x1] =	stream.indirect.gather [hbm4b:s3+s8], $0x80, s8, s8, $0xb8;
	[tilespmem:$0x10200] =	vst v63  }
0x3de: {  	_ =	swait.ge [sflag:s6], $0x4000  }
0x3df: {  	[sflag:s6] =	ssyncset.done $0x0  }
0x3e0: {  	[sflag:s6] =	ssyncadd.s32 $0xFFFFC000  }
0x3e1: {  	_ =	swait.ge [sflag:s6], $0x4000  }
0x3e2: {  	[sflag:s6] =	ssyncset.done $0x0  }
0x3e3: {  	s1 =	rddreg [dreg:$0xc];
	[sflag:s6] =	ssyncadd.s32 $0xFFFFC000  }
0x3e4: {  	[hbm4b:s1+s2] =	stream.linear.scatter [tilespmem:s5], [sflag:$0x2], $0x8000, $0x38;
	[tilespmem:$0x10200] =	vst v63  }
0x3e5: {  	_ =	swait.ge [sflag:s7], $0x8000  }
0x3e6: {  	[sflag:s7] =	ssyncset.done $0x0  }
0x3e7: {  	s1 =	rddreg [dreg:$0xd];
	[sflag:s7] =	ssyncadd.s32 $0xFFFF8000  }
0x3e8: {  	[tilespmem:s17], [sflag:$0x4] =	stream.linear.gather [hbm4b:s1+s2], $0x100, $0x38;
	[tilespmem:$0x10200] =	vst v63  }
0x3e9: {  	_ =	swait.ge [sflag:s10], $0x100  }
0x3ea: {  	[sflag:s10] =	ssyncset.done $0x0  }
0x3eb: {  	[sflag:s10] =	ssyncadd.s32 $0xFFFFFF00  }
0x3ec: {  	[tilespmem:s15], [sflag:$0x1] =	stream.indirect.gather [hbm4b:s3+s8], $0x80, s17, s8, $0xb8;
	[tilespmem:$0x10200] =	vst v63  }
0x3ed: {  	_ = 	snop  }
0x3ee: {  	[tilespmem:s19], [sflag:$0x1] =	stream.indirect.gather [hbm4b:s3+s8], $0x80, s18, s8, $0xb8;
	[tilespmem:$0x10200] =	vst v63  }
0x3ef: {  	_ =	swait.ge [sflag:s6], $0x4000  }
0x3f0: {  	[sflag:s6] =	ssyncset.done $0x0  }
0x3f1: {  	[sflag:s6] =	ssyncadd.s32 $0xFFFFC000  }
0x3f2: {  	_ =	swait.ge [sflag:s6], $0x4000  }
0x3f3: {  	[sflag:s6] =	ssyncset.done $0x0  }
0x3f4: {  	s1 =	rddreg [dreg:$0xe];
	[sflag:s6] =	ssyncadd.s32 $0xFFFFC000  }
0x3f5: {  	[hbm4b:s1+s2] =	stream.linear.scatter [tilespmem:s15], [sflag:$0x3], $0x8000, $0x38;
	[tilespmem:$0x10200] =	vst v63  }
0x3f6: {  	_ =	swait.ge [sflag:s11], $0x8000  }
0x3f7: {  	[sflag:s11] =	ssyncset.done $0x0  }
0x3f8: {  	s1 =	rddreg [dreg:$0xf];
	[sflag:s11] =	ssyncadd.s32 $0xFFFF8000  }
0x3f9: {  	[tilespmem:s2], [sflag:$0x4] =	stream.linear.gather [hbm4b:s1+s2], $0x100, $0x38;
	[tilespmem:$0x10200] =	vst v63  }
0x3fa: {  	_ =	swait.ge [sflag:s10], $0x100  }
0x3fb: {  	[sflag:s10] =	ssyncset.done $0x0  }
0x3fc: {  	[sflag:s10] =	ssyncadd.s32 $0xFFFFFF00  }
0x3fd: {  	[tilespmem:s5], [sflag:$0x1] =	stream.indirect.gather [hbm4b:s3+s8], $0x80, s2, s8, $0xb8;
	[tilespmem:$0x10200] =	vst v63  }
0x3fe: {  	_ = 	snop  }
0x3ff: {  	[tilespmem:s12], [sflag:$0x1] =	stream.indirect.gather [hbm4b:s3+s8], $0x80, s8, s8, $0xb8;
	[tilespmem:$0x10200] =	vst v63  }
0x400: {  	_ =	swait.ge [sflag:s6], $0x4000  }
0x401: {  	[sflag:s6] =	ssyncset.done $0x0  }
0x402: {  	[sflag:s6] =	ssyncadd.s32 $0xFFFFC000  }
0x403: {  	_ =	swait.ge [sflag:s6], $0x4000  }
0x404: {  	[sflag:s6] =	ssyncset.done $0x0  }
0x405: {  	s1 =	rddreg [dreg:$0x10];
	[sflag:s6] =	ssyncadd.s32 $0xFFFFC000  }
0x406: {  	[hbm4b:s1+s2] =	stream.linear.scatter [tilespmem:s5], [sflag:$0x2], $0x8000, $0x38;
	[tilespmem:$0x10200] =	vst v63  }
0x407: {  	_ =	swait.ge [sflag:s7], $0x8000  }
0x408: {  	[sflag:s7] =	ssyncset.done $0x0  }
0x409: {  	s1 =	rddreg [dreg:$0x11];
	[sflag:s7] =	ssyncadd.s32 $0xFFFF8000  }
0x40a: {  	[tilespmem:s17], [sflag:$0x4] =	stream.linear.gather [hbm4b:s1+s2], $0x100, $0x38;
	[tilespmem:$0x10200] =	vst v63  }
0x40b: {  	_ =	swait.ge [sflag:s10], $0x100  }
0x40c: {  	[sflag:s10] =	ssyncset.done $0x0  }
0x40d: {  	[sflag:s10] =	ssyncadd.s32 $0xFFFFFF00  }
0x40e: {  	[tilespmem:s15], [sflag:$0x1] =	stream.indirect.gather [hbm4b:s3+s8], $0x80, s17, s8, $0xb8;
	[tilespmem:$0x10200] =	vst v63  }
0x40f: {  	_ = 	snop  }
0x410: {  	[tilespmem:s19], [sflag:$0x1] =	stream.indirect.gather [hbm4b:s3+s8], $0x80, s18, s8, $0xb8;
	[tilespmem:$0x10200] =	vst v63  }
0x411: {  	_ =	swait.ge [sflag:s6], $0x4000  }
0x412: {  	[sflag:s6] =	ssyncset.done $0x0  }
0x413: {  	[sflag:s6] =	ssyncadd.s32 $0xFFFFC000  }
0x414: {  	_ =	swait.ge [sflag:s6], $0x4000  }
0x415: {  	[sflag:s6] =	ssyncset.done $0x0  }
0x416: {  	s1 =	rddreg [dreg:$0x12];
	[sflag:s6] =	ssyncadd.s32 $0xFFFFC000  }
0x417: {  	[hbm4b:s1+s2] =	stream.linear.scatter [tilespmem:s15], [sflag:$0x3], $0x8000, $0x38;
	[tilespmem:$0x10200] =	vst v63  }
0x418: {  	_ =	swait.ge [sflag:s11], $0x8000  }
0x419: {  	[sflag:s11] =	ssyncset.done $0x0  }
0x41a: {  	s1 =	rddreg [dreg:$0x13];
	[sflag:s11] =	ssyncadd.s32 $0xFFFF8000  }
0x41b: {  	[tilespmem:s2], [sflag:$0x4] =	stream.linear.gather [hbm4b:s1+s2], $0x100, $0x38;
	[tilespmem:$0x10200] =	vst v63  }
0x41c: {  	_ =	swait.ge [sflag:s10], $0x100  }
0x41d: {  	[sflag:s10] =	ssyncset.done $0x0  }
0x41e: {  	[sflag:s10] =	ssyncadd.s32 $0xFFFFFF00  }
0x41f: {  	[tilespmem:s5], [sflag:$0x1] =	stream.indirect.gather [hbm4b:s3+s8], $0x80, s2, s8, $0xb8;
	[tilespmem:$0x10200] =	vst v63  }
0x420: {  	_ = 	snop  }
0x421: {  	[tilespmem:s12], [sflag:$0x1] =	stream.indirect.gather [hbm4b:s3+s8], $0x80, s8, s8, $0xb8;
	[tilespmem:$0x10200] =	vst v63  }
0x422: {  	_ =	swait.ge [sflag:s6], $0x4000  }
0x423: {  	[sflag:s6] =	ssyncset.done $0x0  }
0x424: {  	[sflag:s6] =	ssyncadd.s32 $0xFFFFC000  }
0x425: {  	_ =	swait.ge [sflag:s6], $0x4000  }
0x426: {  	[sflag:s6] =	ssyncset.done $0x0  }
0x427: {  	s1 =	rddreg [dreg:$0x14];
	[sflag:s6] =	ssyncadd.s32 $0xFFFFC000  }
0x428: {  	[hbm4b:s1+s2] =	stream.linear.scatter [tilespmem:s5], [sflag:$0x2], $0x8000, $0x38;
	[tilespmem:$0x10200] =	vst v63  }
0x429: {  	_ =	swait.ge [sflag:s7], $0x8000  }
0x42a: {  	[sflag:s7] =	ssyncset.done $0x0  }
0x42b: {  	s1 =	rddreg [dreg:$0x15];
	[sflag:s7] =	ssyncadd.s32 $0xFFFF8000  }
0x42c: {  	[tilespmem:s17], [sflag:$0x4] =	stream.linear.gather [hbm4b:s1+s2], $0x100, $0x38;
	[tilespmem:$0x10200] =	vst v63  }
0x42d: {  	_ =	swait.ge [sflag:s10], $0x100  }
0x42e: {  	[sflag:s10] =	ssyncset.done $0x0  }
0x42f: {  	[sflag:s10] =	ssyncadd.s32 $0xFFFFFF00  }
0x430: {  	[tilespmem:s15], [sflag:$0x1] =	stream.indirect.gather [hbm4b:s3+s8], $0x80, s17, s8, $0xb8;
	[tilespmem:$0x10200] =	vst v63  }
0x431: {  	_ = 	snop  }
0x432: {  	[tilespmem:s19], [sflag:$0x1] =	stream.indirect.gather [hbm4b:s3+s8], $0x80, s18, s8, $0xb8;
	[tilespmem:$0x10200] =	vst v63  }
0x433: {  	_ =	swait.ge [sflag:s6], $0x4000  }
0x434: {  	[sflag:s6] =	ssyncset.done $0x0  }
0x435: {  	[sflag:s6] =	ssyncadd.s32 $0xFFFFC000  }
0x436: {  	_ =	swait.ge [sflag:s6], $0x4000  }
0x437: {  	[sflag:s6] =	ssyncset.done $0x0  }
0x438: {  	s1 =	rddreg [dreg:$0x16];
	[sflag:s6] =	ssyncadd.s32 $0xFFFFC000  }
0x439: {  	[hbm4b:s1+s2] =	stream.linear.scatter [tilespmem:s15], [sflag:$0x3], $0x8000, $0x38;
	[tilespmem:$0x10200] =	vst v63  }
0x43a: {  	_ =	swait.ge [sflag:s11], $0x8000  }
0x43b: {  	[sflag:s11] =	ssyncset.done $0x0  }
0x43c: {  	s1 =	rddreg [dreg:$0x17];
	[sflag:s11] =	ssyncadd.s32 $0xFFFF8000  }
0x43d: {  	[tilespmem:s2], [sflag:$0x4] =	stream.linear.gather [hbm4b:s1+s2], $0x100, $0x38;
	[tilespmem:$0x10200] =	vst v63  }
0x43e: {  	_ =	swait.ge [sflag:s10], $0x100  }
0x43f: {  	[sflag:s10] =	ssyncset.done $0x0  }
0x440: {  	[sflag:s10] =	ssyncadd.s32 $0xFFFFFF00  }
0x441: {  	[tilespmem:s5], [sflag:$0x1] =	stream.indirect.gather [hbm4b:s3+s8], $0x80, s2, s8, $0xb8;
	[tilespmem:$0x10200] =	vst v63  }
0x442: {  	_ = 	snop  }
0x443: {  	[tilespmem:s12], [sflag:$0x1] =	stream.indirect.gather [hbm4b:s3+s8], $0x80, s8, s8, $0xb8;
	[tilespmem:$0x10200] =	vst v63  }
0x444: {  	_ =	swait.ge [sflag:s6], $0x4000  }
0x445: {  	[sflag:s6] =	ssyncset.done $0x0  }
0x446: {  	[sflag:s6] =	ssyncadd.s32 $0xFFFFC000  }
0x447: {  	_ =	swait.ge [sflag:s6], $0x4000  }
0x448: {  	[sflag:s6] =	ssyncset.done $0x0  }
0x449: {  	s1 =	rddreg [dreg:$0x18];
	[sflag:s6] =	ssyncadd.s32 $0xFFFFC000  }
0x44a: {  	[hbm4b:s1+s2] =	stream.linear.scatter [tilespmem:s5], [sflag:$0x2], $0x8000, $0x38;
	[tilespmem:$0x10200] =	vst v63  }
0x44b: {  	_ =	swait.ge [sflag:s7], $0x8000  }
0x44c: {  	[sflag:s7] =	ssyncset.done $0x0  }
0x44d: {  	s1 =	rddreg [dreg:$0x19];
	[sflag:s7] =	ssyncadd.s32 $0xFFFF8000  }
0x44e: {  	[tilespmem:s17], [sflag:$0x4] =	stream.linear.gather [hbm4b:s1+s2], $0x100, $0x38;
	[tilespmem:$0x10200] =	vst v63  }
0x44f: {  	_ =	swait.ge [sflag:s10], $0x100  }
0x450: {  	[sflag:s10] =	ssyncset.done $0x0  }
0x451: {  	[sflag:s10] =	ssyncadd.s32 $0xFFFFFF00  }
0x452: {  	[tilespmem:s15], [sflag:$0x1] =	stream.indirect.gather [hbm4b:s3+s8], $0x80, s17, s8, $0xb8;
	[tilespmem:$0x10200] =	vst v63  }
0x453: {  	_ = 	snop  }
0x454: {  	[tilespmem:s19], [sflag:$0x1] =	stream.indirect.gather [hbm4b:s3+s8], $0x80, s18, s8, $0xb8;
	[tilespmem:$0x10200] =	vst v63  }
0x455: {  	_ =	swait.ge [sflag:s6], $0x4000  }
0x456: {  	[sflag:s6] =	ssyncset.done $0x0  }
0x457: {  	[sflag:s6] =	ssyncadd.s32 $0xFFFFC000  }
0x458: {  	_ =	swait.ge [sflag:s6], $0x4000  }
0x459: {  	[sflag:s6] =	ssyncset.done $0x0  }
0x45a: {  	s1 =	rddreg [dreg:$0x1a];
	[sflag:s6] =	ssyncadd.s32 $0xFFFFC000  }
0x45b: {  	[hbm4b:s1+s2] =	stream.linear.scatter [tilespmem:s15], [sflag:$0x3], $0x8000, $0x38;
	[tilespmem:$0x10200] =	vst v63  }
0x45c: {  	_ =	swait.ge [sflag:s11], $0x8000  }
0x45d: {  	[sflag:s11] =	ssyncset.done $0x0  }
0x45e: {  	s1 =	rddreg [dreg:$0x1b];
	[sflag:s11] =	ssyncadd.s32 $0xFFFF8000  }
0x45f: {  	[tilespmem:s2], [sflag:$0x4] =	stream.linear.gather [hbm4b:s1+s2], $0x100, $0x38;
	[tilespmem:$0x10200] =	vst v63  }
0x460: {  	_ =	swait.ge [sflag:s10], $0x100  }
0x461: {  	[sflag:s10] =	ssyncset.done $0x0  }
0x462: {  	[sflag:s10] =	ssyncadd.s32 $0xFFFFFF00  }
0x463: {  	[tilespmem:s5], [sflag:$0x1] =	stream.indirect.gather [hbm4b:s3+s8], $0x80, s2, s8, $0xb8;
	[tilespmem:$0x10200] =	vst v63  }
0x464: {  	_ = 	snop  }
0x465: {  	[tilespmem:s12], [sflag:$0x1] =	stream.indirect.gather [hbm4b:s3+s8], $0x80, s8, s8, $0xb8;
	[tilespmem:$0x10200] =	vst v63  }
0x466: {  	_ =	swait.ge [sflag:s6], $0x4000  }
0x467: {  	[sflag:s6] =	ssyncset.done $0x0  }
0x468: {  	[sflag:s6] =	ssyncadd.s32 $0xFFFFC000  }
0x469: {  	_ =	swait.ge [sflag:s6], $0x4000  }
0x46a: {  	[sflag:s6] =	ssyncset.done $0x0  }
0x46b: {  	s1 =	rddreg [dreg:$0x1c];
	[sflag:s6] =	ssyncadd.s32 $0xFFFFC000  }
0x46c: {  	[hbm4b:s1+s2] =	stream.linear.scatter [tilespmem:s5], [sflag:$0x2], $0x8000, $0x38;
	[tilespmem:$0x10200] =	vst v63  }
0x46d: {  	_ =	swait.ge [sflag:s7], $0x8000  }
0x46e: {  	[sflag:s7] =	ssyncset.done $0x0  }
0x46f: {  	s1 =	rddreg [dreg:$0x1d];
	[sflag:s7] =	ssyncadd.s32 $0xFFFF8000  }
0x470: {  	[tilespmem:s17], [sflag:$0x4] =	stream.linear.gather [hbm4b:s1+s2], $0x100, $0x38;
	[tilespmem:$0x10200] =	vst v63  }
0x471: {  	_ =	swait.ge [sflag:s10], $0x100  }
0x472: {  	[sflag:s10] =	ssyncset.done $0x0  }
0x473: {  	[sflag:s10] =	ssyncadd.s32 $0xFFFFFF00  }
0x474: {  	[tilespmem:s15], [sflag:$0x1] =	stream.indirect.gather [hbm4b:s3+s8], $0x80, s17, s8, $0xb8;
	[tilespmem:$0x10200] =	vst v63  }
0x475: {  	_ = 	snop  }
0x476: {  	[tilespmem:s19], [sflag:$0x1] =	stream.indirect.gather [hbm4b:s3+s8], $0x80, s18, s8, $0xb8;
	[tilespmem:$0x10200] =	vst v63  }
0x477: {  	_ =	swait.ge [sflag:s6], $0x4000  }
0x478: {  	[sflag:s6] =	ssyncset.done $0x0  }
0x479: {  	[sflag:s6] =	ssyncadd.s32 $0xFFFFC000  }
0x47a: {  	_ =	swait.ge [sflag:s6], $0x4000  }
0x47b: {  	[sflag:s6] =	ssyncset.done $0x0  }
0x47c: {  	s1 =	rddreg [dreg:$0x1e];
	[sflag:s6] =	ssyncadd.s32 $0xFFFFC000  }
0x47d: {  	[hbm4b:s1+s2] =	stream.linear.scatter [tilespmem:s15], [sflag:$0x3], $0x8000, $0x38;
	[tilespmem:$0x10200] =	vst v63  }
0x47e: {  	_ =	swait.ge [sflag:s11], $0x8000  }
0x47f: {  	[sflag:s11] =	ssyncset.done $0x0  }
0x480: {  	s1 =	rddreg [dreg:$0x1f];
	[sflag:s11] =	ssyncadd.s32 $0xFFFF8000  }
0x481: {  	[tilespmem:s2], [sflag:$0x4] =	stream.linear.gather [hbm4b:s1+s2], $0x100, $0x38;
	[tilespmem:$0x10200] =	vst v63  }
0x482: {  	_ =	swait.ge [sflag:s10], $0x100  }
0x483: {  	[sflag:s10] =	ssyncset.done $0x0  }
0x484: {  	[sflag:s10] =	ssyncadd.s32 $0xFFFFFF00  }
0x485: {  	[tilespmem:s5], [sflag:$0x1] =	stream.indirect.gather [hbm4b:s3+s8], $0x80, s2, s8, $0xb8;
	[tilespmem:$0x10200] =	vst v63  }
0x486: {  	_ = 	snop  }
0x487: {  	[tilespmem:s12], [sflag:$0x1] =	stream.indirect.gather [hbm4b:s3+s8], $0x80, s8, s8, $0xb8;
	[tilespmem:$0x10200] =	vst v63  }
0x488: {  	_ =	swait.ge [sflag:s6], $0x4000  }
0x489: {  	[sflag:s6] =	ssyncset.done $0x0  }
0x48a: {  	[sflag:s6] =	ssyncadd.s32 $0xFFFFC000  }
0x48b: {  	_ =	swait.ge [sflag:s6], $0x4000  }
0x48c: {  	s1 =	sld [smem:$0x7F9]  }
0x48d: {  	[sflag:s6] =	ssyncset.done $0x0  }
0x48e: {  	[sflag:s6] =	ssyncadd.s32 $0xFFFFC000  }
0x48f: {  	[hbm4b:s1+s2] =	stream.linear.scatter [tilespmem:s5], [sflag:$0x2], $0x8000, $0x38;
	[tilespmem:$0x10200] =	vst v63  }
0x490: {  	_ =	swait.ge [sflag:s7], $0x8000  }
0x491: {  	s1 =	sld [smem:$0x7FA]  }
0x492: {  	[sflag:s7] =	ssyncset.done $0x0  }
0x493: {  	[sflag:s7] =	ssyncadd.s32 $0xFFFF8000  }
0x494: {  	[tilespmem:s17], [sflag:$0x4] =	stream.linear.gather [hbm4b:s1+s2], $0x100, $0x38;
	[tilespmem:$0x10200] =	vst v63  }
0x495: {  	_ =	swait.ge [sflag:s10], $0x100  }
0x496: {  	[sflag:s10] =	ssyncset.done $0x0  }
0x497: {  	[sflag:s10] =	ssyncadd.s32 $0xFFFFFF00  }
0x498: {  	[tilespmem:s15], [sflag:$0x1] =	stream.indirect.gather [hbm4b:s3+s8], $0x80, s17, s8, $0xb8;
	[tilespmem:$0x10200] =	vst v63  }
0x499: {  	_ = 	snop  }
0x49a: {  	[tilespmem:s19], [sflag:$0x1] =	stream.indirect.gather [hbm4b:s3+s8], $0x80, s18, s8, $0xb8;
	[tilespmem:$0x10200] =	vst v63  }
0x49b: {  	_ =	swait.ge [sflag:s6], $0x4000  }
0x49c: {  	[sflag:s6] =	ssyncset.done $0x0  }
0x49d: {  	[sflag:s6] =	ssyncadd.s32 $0xFFFFC000  }
0x49e: {  	_ =	swait.ge [sflag:s6], $0x4000  }
0x49f: {  	s1 =	sld [smem:$0x7FB]  }
0x4a0: {  	[sflag:s6] =	ssyncset.done $0x0  }
0x4a1: {  	[sflag:s6] =	ssyncadd.s32 $0xFFFFC000  }
0x4a2: {  	[hbm4b:s1+s2] =	stream.linear.scatter [tilespmem:s15], [sflag:$0x3], $0x8000, $0x38;
	[tilespmem:$0x10200] =	vst v63  }
0x4a3: {  	_ =	swait.ge [sflag:s11], $0x8000  }
0x4a4: {  	s1 =	sld [smem:$0x7FC]  }
0x4a5: {  	[sflag:s11] =	ssyncset.done $0x0  }
0x4a6: {  	[sflag:s11] =	ssyncadd.s32 $0xFFFF8000  }
0x4a7: {  	[tilespmem:s2], [sflag:$0x4] =	stream.linear.gather [hbm4b:s1+s2], $0x100, $0x38;
	[tilespmem:$0x10200] =	vst v63  }
0x4a8: {  	_ =	swait.ge [sflag:s10], $0x100  }
0x4a9: {  	[sflag:s10] =	ssyncset.done $0x0  }
0x4aa: {  	[sflag:s10] =	ssyncadd.s32 $0xFFFFFF00  }
0x4ab: {  	[tilespmem:s5], [sflag:$0x1] =	stream.indirect.gather [hbm4b:s3+s8], $0x80, s2, s8, $0xb8;
	[tilespmem:$0x10200] =	vst v63  }
0x4ac: {  	_ = 	snop  }
0x4ad: {  	[tilespmem:s12], [sflag:$0x1] =	stream.indirect.gather [hbm4b:s3+s8], $0x80, s8, s8, $0xb8;
	[tilespmem:$0x10200] =	vst v63  }
0x4ae: {  	_ =	swait.ge [sflag:s6], $0x4000  }
0x4af: {  	[sflag:s6] =	ssyncset.done $0x0  }
0x4b0: {  	[sflag:s6] =	ssyncadd.s32 $0xFFFFC000  }
0x4b1: {  	_ =	swait.ge [sflag:s6], $0x4000  }
0x4b2: {  	s1 =	sld [smem:$0x7FD]  }
0x4b3: {  	[sflag:s6] =	ssyncset.done $0x0  }
0x4b4: {  	[sflag:s6] =	ssyncadd.s32 $0xFFFFC000  }
0x4b5: {  	[hbm4b:s1+s2] =	stream.linear.scatter [tilespmem:s5], [sflag:$0x2], $0x8000, $0x38;
	[tilespmem:$0x10200] =	vst v63  }
0x4b6: {  	_ =	swait.ge [sflag:s7], $0x8000  }
0x4b7: {  	[sflag:s7] =	ssyncset.done $0x0  }
0x4b8: {  	[sflag:s7] =	ssyncadd.s32 $0xFFFF8000  }
0x4b9: {  	[tilespmem:s17], [sflag:$0x4] =	stream.linear.gather [hbm4b:s31+s2], $0x100, $0x38;
	[tilespmem:$0x10200] =	vst v63  }
0x4ba: {  	_ =	swait.ge [sflag:s10], $0x100  }
0x4bb: {  	[sflag:s10] =	ssyncset.done $0x0  }
0x4bc: {  	[sflag:s10] =	ssyncadd.s32 $0xFFFFFF00  }
0x4bd: {  	[tilespmem:s15], [sflag:$0x1] =	stream.indirect.gather [hbm4b:s3+s8], $0x80, s17, s8, $0xb8;
	[tilespmem:$0x10200] =	vst v63  }
0x4be: {  	_ = 	snop  }
0x4bf: {  	[tilespmem:s19], [sflag:$0x1] =	stream.indirect.gather [hbm4b:s3+s8], $0x80, s18, s8, $0xb8;
	[tilespmem:$0x10200] =	vst v63  }
0x4c0: {  	_ =	swait.ge [sflag:s6], $0x4000  }
0x4c1: {  	[sflag:s6] =	ssyncset.done $0x0  }
0x4c2: {  	[sflag:s6] =	ssyncadd.s32 $0xFFFFC000  }
0x4c3: {  	_ =	swait.ge [sflag:s6], $0x4000  }
0x4c4: {  	[sflag:s6] =	ssyncset.done $0x0  }
0x4c5: {  	[sflag:s6] =	ssyncadd.s32 $0xFFFFC000  }
0x4c6: {  	[hbm4b:s30+s2] =	stream.linear.scatter [tilespmem:s15], [sflag:$0x3], $0x8000, $0x38;
	[tilespmem:$0x10200] =	vst v63  }
0x4c7: {  	_ =	swait.ge [sflag:s11], $0x8000  }
0x4c8: {  	[sflag:s11] =	ssyncset.done $0x0  }
0x4c9: {  	[sflag:s11] =	ssyncadd.s32 $0xFFFF8000  }
0x4ca: {  	[tilespmem:s2], [sflag:$0x4] =	stream.linear.gather [hbm4b:s29+s2], $0x100, $0x38;
	[tilespmem:$0x10200] =	vst v63  }
0x4cb: {  	_ =	swait.ge [sflag:s10], $0x100  }
0x4cc: {  	[sflag:s10] =	ssyncset.done $0x0  }
0x4cd: {  	[sflag:s10] =	ssyncadd.s32 $0xFFFFFF00  }
0x4ce: {  	[tilespmem:s5], [sflag:$0x1] =	stream.indirect.gather [hbm4b:s3+s8], $0x80, s2, s8, $0xb8;
	[tilespmem:$0x10200] =	vst v63  }
0x4cf: {  	_ = 	snop  }
0x4d0: {  	[tilespmem:s12], [sflag:$0x1] =	stream.indirect.gather [hbm4b:s3+s8], $0x80, s8, s8, $0xb8;
	[tilespmem:$0x10200] =	vst v63  }
0x4d1: {  	_ =	swait.ge [sflag:s6], $0x4000  }
0x4d2: {  	[sflag:s6] =	ssyncset.done $0x0  }
0x4d3: {  	[sflag:s6] =	ssyncadd.s32 $0xFFFFC000  }
0x4d4: {  	_ =	swait.ge [sflag:s6], $0x4000  }
0x4d5: {  	[sflag:s6] =	ssyncset.done $0x0  }
0x4d6: {  	[sflag:s6] =	ssyncadd.s32 $0xFFFFC000  }
0x4d7: {  	[hbm4b:s28+s2] =	stream.linear.scatter [tilespmem:s5], [sflag:$0x2], $0x8000, $0x38;
	[tilespmem:$0x10200] =	vst v63  }
0x4d8: {  	_ =	swait.ge [sflag:s7], $0x8000  }
0x4d9: {  	[sflag:s7] =	ssyncset.done $0x0  }
0x4da: {  	[sflag:s7] =	ssyncadd.s32 $0xFFFF8000  }
0x4db: {  	[tilespmem:s17], [sflag:$0x4] =	stream.linear.gather [hbm4b:s26+s2], $0x100, $0x38;
	[tilespmem:$0x10200] =	vst v63  }
0x4dc: {  	_ =	swait.ge [sflag:s10], $0x100  }
0x4dd: {  	[sflag:s10] =	ssyncset.done $0x0  }
0x4de: {  	[sflag:s10] =	ssyncadd.s32 $0xFFFFFF00  }
0x4df: {  	[tilespmem:s15], [sflag:$0x1] =	stream.indirect.gather [hbm4b:s3+s8], $0x80, s17, s8, $0xb8;
	[tilespmem:$0x10200] =	vst v63  }
0x4e0: {  	_ = 	snop  }
0x4e1: {  	[tilespmem:s19], [sflag:$0x1] =	stream.indirect.gather [hbm4b:s3+s8], $0x80, s18, s8, $0xb8;
	[tilespmem:$0x10200] =	vst v63  }
0x4e2: {  	_ =	swait.ge [sflag:s6], $0x4000  }
0x4e3: {  	[sflag:s6] =	ssyncset.done $0x0  }
0x4e4: {  	[sflag:s6] =	ssyncadd.s32 $0xFFFFC000  }
0x4e5: {  	_ =	swait.ge [sflag:s6], $0x4000  }
0x4e6: {  	[sflag:s6] =	ssyncset.done $0x0  }
0x4e7: {  	[sflag:s6] =	ssyncadd.s32 $0xFFFFC000  }
0x4e8: {  	[hbm4b:s25+s2] =	stream.linear.scatter [tilespmem:s15], [sflag:$0x3], $0x8000, $0x38;
	[tilespmem:$0x10200] =	vst v63  }
0x4e9: {  	_ =	swait.ge [sflag:s11], $0x8000  }
0x4ea: {  	[sflag:s11] =	ssyncset.done $0x0  }
0x4eb: {  	[sflag:s11] =	ssyncadd.s32 $0xFFFF8000  }
0x4ec: {  	[tilespmem:s2], [sflag:$0x4] =	stream.linear.gather [hbm4b:s24+s2], $0x100, $0x38;
	[tilespmem:$0x10200] =	vst v63  }
0x4ed: {  	_ =	swait.ge [sflag:s10], $0x100  }
0x4ee: {  	[sflag:s10] =	ssyncset.done $0x0  }
0x4ef: {  	[sflag:s10] =	ssyncadd.s32 $0xFFFFFF00  }
0x4f0: {  	[tilespmem:s5], [sflag:$0x1] =	stream.indirect.gather [hbm4b:s3+s8], $0x80, s2, s8, $0xb8;
	[tilespmem:$0x10200] =	vst v63  }
0x4f1: {  	_ = 	snop  }
0x4f2: {  	[tilespmem:s12], [sflag:$0x1] =	stream.indirect.gather [hbm4b:s3+s8], $0x80, s8, s8, $0xb8;
	[tilespmem:$0x10200] =	vst v63  }
0x4f3: {  	_ =	swait.ge [sflag:s6], $0x4000  }
0x4f4: {  	[sflag:s6] =	ssyncset.done $0x0  }
0x4f5: {  	[sflag:s6] =	ssyncadd.s32 $0xFFFFC000  }
0x4f6: {  	_ =	swait.ge [sflag:s6], $0x4000  }
0x4f7: {  	[sflag:s6] =	ssyncset.done $0x0  }
0x4f8: {  	[sflag:s6] =	ssyncadd.s32 $0xFFFFC000  }
0x4f9: {  	[hbm4b:s23+s2] =	stream.linear.scatter [tilespmem:s5], [sflag:$0x2], $0x8000, $0x38;
	[tilespmem:$0x10200] =	vst v63  }
0x4fa: {  	_ =	swait.ge [sflag:s7], $0x8000  }
0x4fb: {  	[sflag:s7] =	ssyncset.done $0x0  }
0x4fc: {  	[sflag:s7] =	ssyncadd.s32 $0xFFFF8000  }
0x4fd: {  	[tilespmem:s17], [sflag:$0x4] =	stream.linear.gather [hbm4b:s22+s2], $0x100, $0x38;
	[tilespmem:$0x10200] =	vst v63  }
0x4fe: {  	_ =	swait.ge [sflag:s10], $0x100  }
0x4ff: {  	[sflag:s10] =	ssyncset.done $0x0  }
0x500: {  	[sflag:s10] =	ssyncadd.s32 $0xFFFFFF00  }
0x501: {  	[tilespmem:s15], [sflag:$0x1] =	stream.indirect.gather [hbm4b:s3+s8], $0x80, s17, s8, $0xb8;
	[tilespmem:$0x10200] =	vst v63  }
0x502: {  	_ = 	snop  }
0x503: {  	[tilespmem:s19], [sflag:$0x1] =	stream.indirect.gather [hbm4b:s3+s8], $0x80, s18, s8, $0xb8;
	[tilespmem:$0x10200] =	vst v63  }
0x504: {  	_ =	swait.ge [sflag:s6], $0x4000  }
0x505: {  	[sflag:s6] =	ssyncset.done $0x0  }
0x506: {  	[sflag:s6] =	ssyncadd.s32 $0xFFFFC000  }
0x507: {  	_ =	swait.ge [sflag:s6], $0x4000  }
0x508: {  	[sflag:s6] =	ssyncset.done $0x0  }
0x509: {  	[sflag:s6] =	ssyncadd.s32 $0xFFFFC000  }
0x50a: {  	[hbm4b:s21+s2] =	stream.linear.scatter [tilespmem:s15], [sflag:$0x3], $0x8000, $0x38;
	[tilespmem:$0x10200] =	vst v63  }
0x50b: {  	_ =	swait.ge [sflag:s11], $0x8000  }
0x50c: {  	[sflag:s11] =	ssyncset.done $0x0  }
0x50d: {  	[sflag:s11] =	ssyncadd.s32 $0xFFFF8000  }
0x50e: {  	[tilespmem:s2], [sflag:$0x4] =	stream.linear.gather [hbm4b:s20+s2], $0x100, $0x38;
	[tilespmem:$0x10200] =	vst v63  }
0x50f: {  	_ =	swait.ge [sflag:s10], $0x100  }
0x510: {  	[sflag:s10] =	ssyncset.done $0x0  }
0x511: {  	[sflag:s10] =	ssyncadd.s32 $0xFFFFFF00  }
0x512: {  	[tilespmem:s5], [sflag:$0x1] =	stream.indirect.gather [hbm4b:s3+s8], $0x80, s2, s8, $0xb8;
	[tilespmem:$0x10200] =	vst v63  }
0x513: {  	_ = 	snop  }
0x514: {  	[tilespmem:s12], [sflag:$0x1] =	stream.indirect.gather [hbm4b:s3+s8], $0x80, s8, s8, $0xb8;
	[tilespmem:$0x10200] =	vst v63  }
0x515: {  	_ =	swait.ge [sflag:s6], $0x4000  }
0x516: {  	[sflag:s6] =	ssyncset.done $0x0  }
0x517: {  	[sflag:s6] =	ssyncadd.s32 $0xFFFFC000  }
0x518: {  	_ =	swait.ge [sflag:s6], $0x4000  }
0x519: {  	[sflag:s6] =	ssyncset.done $0x0  }
0x51a: {  	[sflag:s6] =	ssyncadd.s32 $0xFFFFC000  }
0x51b: {  	[hbm4b:s16+s2] =	stream.linear.scatter [tilespmem:s5], [sflag:$0x2], $0x8000, $0x38;
	[tilespmem:$0x10200] =	vst v63  }
0x51c: {  	_ =	swait.ge [sflag:s7], $0x8000  }
0x51d: {  	[sflag:s7] =	ssyncset.done $0x0  }
0x51e: {  	[sflag:s7] =	ssyncadd.s32 $0xFFFF8000  }
0x51f: {  	[tilespmem:s17], [sflag:$0x4] =	stream.linear.gather [hbm4b:s14+s2], $0x100, $0x38;
	[tilespmem:$0x10200] =	vst v63  }
0x520: {  	_ =	swait.ge [sflag:s10], $0x100  }
0x521: {  	[sflag:s10] =	ssyncset.done $0x0  }
0x522: {  	[sflag:s10] =	ssyncadd.s32 $0xFFFFFF00  }
0x523: {  	[tilespmem:s15], [sflag:$0x1] =	stream.indirect.gather [hbm4b:s3+s8], $0x80, s17, s8, $0xb8;
	[tilespmem:$0x10200] =	vst v63  }
0x524: {  	_ = 	snop  }
0x525: {  	[tilespmem:s19], [sflag:$0x1] =	stream.indirect.gather [hbm4b:s3+s8], $0x80, s18, s8, $0xb8;
	[tilespmem:$0x10200] =	vst v63  }
0x526: {  	_ =	swait.ge [sflag:s6], $0x4000  }
0x527: {  	[sflag:s6] =	ssyncset.done $0x0  }
0x528: {  	[sflag:s6] =	ssyncadd.s32 $0xFFFFC000  }
0x529: {  	_ =	swait.ge [sflag:s6], $0x4000  }
0x52a: {  	[sflag:s6] =	ssyncset.done $0x0  }
0x52b: {  	[sflag:s6] =	ssyncadd.s32 $0xFFFFC000  }
0x52c: {  	[hbm4b:s13+s2] =	stream.linear.scatter [tilespmem:s15], [sflag:$0x3], $0x8000, $0x38;
	[tilespmem:$0x10200] =	vst v63  }
0x52d: {  	_ =	swait.ge [sflag:s11], $0x8000  }
0x52e: {  	[sflag:s11] =	ssyncset.done $0x0  }
0x52f: {  	[sflag:s11] =	ssyncadd.s32 $0xFFFF8000  }
0x530: {  	[tilespmem:s2], [sflag:$0x4] =	stream.linear.gather [hbm4b:s9+s2], $0x100, $0x38;
	[tilespmem:$0x10200] =	vst v63  }
0x531: {  	_ =	swait.ge [sflag:s10], $0x100  }
0x532: {  	[sflag:s10] =	ssyncset.done $0x0  }
0x533: {  	[sflag:s10] =	ssyncadd.s32 $0xFFFFFF00  }
0x534: {  	[tilespmem:s5], [sflag:$0x1] =	stream.indirect.gather [hbm4b:s3+s8], $0x80, s2, s8, $0xb8;
	[tilespmem:$0x10200] =	vst v63  }
0x535: {  	_ = 	snop  }
0x536: {  	[tilespmem:s12], [sflag:$0x1] =	stream.indirect.gather [hbm4b:s3+s8], $0x80, s8, s8, $0xb8;
	[tilespmem:$0x10200] =	vst v63  }
0x537: {  	_ =	swait.ge [sflag:s6], $0x4000  }
0x538: {  	[sflag:s6] =	ssyncset.done $0x0  }
0x539: {  	[sflag:s6] =	ssyncadd.s32 $0xFFFFC000  }
0x53a: {  	_ =	swait.ge [sflag:s6], $0x4000  }
0x53b: {  	[sflag:s6] =	ssyncset.done $0x0  }
0x53c: {  	[sflag:s6] =	ssyncadd.s32 $0xFFFFC000  }
0x53d: {  	[hbm4b:s4+s2] =	stream.linear.scatter [tilespmem:s5], [sflag:$0x2], $0x8000, $0x38;
	[tilespmem:$0x10200] =	vst v63  }
0x53e: {  	_ =	swait.ge [sflag:s11], $0x8000  }
0x53f: {  	[sflag:s11] =	ssyncset.done $0x0  }
0x540: {  	[sflag:s11] =	ssyncadd.s32 $0xFFFF8000  }
0x541: {  	_ =	swait.ge [sflag:s7], $0x8000  }
0x542: {  	[sflag:s7] =	ssyncset.done $0x0  }
0x543: {  	[sflag:s7] =	ssyncadd.s32 $0xFFFF8000  }
0x544: {  	_ =	sfence.sel $0x180000  }
0x545: {  	[bflag:$0x0] =	sbarrier.arrive $0xFFFF  }
0x546: {  	_ =	strace $0x90000047  }
0x547: {  	s31 =	stileid.u32;
	[bflag:$0x2] =	sbarrier.arrive $0xFFFF  }
0x548: {  	p0 =	sne.s32 s31, $0x0;
	s0 =	rddreg [dreg:$0x2]  }
0x549: {  	s0 =	sadd.s32 @!p0 $0x100000, s0  }
0x54a: {  	[sflag:s0] =	ssyncadd.tile.s32 @!p0 $0x1;
	_ =	shalt  }
.Lfunc_end2:
_tile_overlayer_lowered:
.L_overlay_start_2:
0x54b: {  	(tag) =	ssettag $0x2  }
0x54c: {  	s0 =	rddreg [dreg:$0x0];
	s2 =	stileid.u32  }
0x54d: {  	s1 =	rddreg [dreg:$0x1];
	p0 =	sne.s32 s2, $0x0  }
0x54e: {  	s3 =	rddreg [dreg:$0x2];
	[bflag:$0x3] =	sbarrier.arrive $0xFFFF;
	s2 =	simm.s32 @!p0 $0x1C04  }
0x54f: {  	[timem:s3], [sflag:s2] =	dma.local @!p0 [hbm:s0], s1  }
0x550: {  	s0 =	simm.s32 @!p0 $0x4  }
0x551: {  	_ =	swait.ge @!p0 [sflag:s0], s1  }
0x552: {  	s1 =	ssub.s32 @!p0 $0x0, s1;
	[sflag:s0] =	ssyncset.done @!p0 $0x0  }
0x553: {  	[sflag:s0] =	ssyncadd.s32 @!p0 s1  }
0x554: {  	[bflag:$0x3] =	sbarrier.arrive $0xFFFF  }
0x555: {  	_ =	shalt  }

</sc_bundles>
